<compile_context>
chip_gen: v7x
topology: tpu7x:2x2x1
jax: 0.10.2.dev20260603
libtpu: 0.0.44.dev20260713+nightly
codegen_flags: <defaults>
</compile_context>

<pallas_src>
import functools
import math

import jax
import jax.numpy as jnp
from jax import lax
from jax.experimental import pallas as pl
from jax.experimental.pallas import tpu as pltpu
from jax.experimental.pallas import tpu_sc as plsc


def _sc_geometry():
    try:
        info = plsc.get_sparse_core_info()
        return info.num_cores, info.num_subcores
    except Exception:
        return 2, 16


def _make_repack(V, D, scale):
    BLK = 8192
    HALF = BLK // 2
    grid = -(-V // BLK)

    def _repack_body(x_ref, o_ref):
        x = x_ref[...]
        o_ref[:, :D] = x[:, :HALF].T * scale
        o_ref[:, D:] = x[:, HALF:].T * scale

    return pl.pallas_call(
        _repack_body,
        grid=(grid,),
        in_specs=[pl.BlockSpec((D, BLK), lambda i: (0, i))],
        out_specs=pl.BlockSpec((HALF, 2 * D), lambda i: (i, 0)),
        out_shape=jax.ShapeDtypeStruct((grid * HALF, 2 * D), jnp.float32),
        compiler_params=pltpu.CompilerParams(
            vmem_limit_bytes=120 * 1024 * 1024),
    )


@functools.lru_cache(maxsize=None)
def _build(BATCH, SEQ, V, D):
    NC, NS = _sc_geometry()
    NW = NC * NS
    assert BATCH % NW == 0
    rows_per_w = BATCH // NW
    NBUF = 8
    LAG = 4
    BLK = 8192
    assert rows_per_w % NBUF == 0
    assert D % 16 == 0

    mesh = plsc.VectorSubcoreMesh(core_axis_name="c", subcore_axis_name="s")

    @functools.partial(
        pl.kernel,
        out_type=jax.ShapeDtypeStruct((BATCH * SEQ, 2 * D), jnp.float32),
        mesh=mesh,
        scratch_types=[
            pltpu.VMEM((rows_per_w, SEQ), jnp.int32),
            [pltpu.VMEM((SEQ,), jnp.int32) for _ in range(NBUF)],
            [pltpu.VMEM((SEQ, D), jnp.float32) for _ in range(NBUF)],
            [pltpu.SemaphoreType.DMA for _ in range(NBUF)],
            [pltpu.SemaphoreType.DMA for _ in range(NBUF)],
        ],
        compiler_params=pltpu.CompilerParams(use_tc_tiling_on_sc=False),
    )
    def emb_kernel(tokens_hbm, table_hbm, out_hbm, idx_v, idx2, rows_g,
                   sem_g, sem_s):
        wid = lax.axis_index("s") * NC + lax.axis_index("c")
        row0 = wid * rows_per_w

        pltpu.sync_copy(tokens_hbm.at[pl.ds(row0, rows_per_w)], idx_v)

        def start_gather(r, b):
            starts = [16 * k for k in range(SEQ // 16)]
            if SEQ % 16:
                starts.append(SEQ - 16)
            for c in starts:
                sl = pl.ds(c, 16)
                x = idx_v[r, sl]
                off = x & (BLK - 1)
                base = x + off
                idx2[b][sl] = jnp.where(off >= BLK // 2, base - (BLK - 1),
                                        base)
            pltpu.async_copy(table_hbm.at[idx2[b]], rows_g[b], sem_g[b])

        def wait_gather(b):
            pltpu.make_async_copy(
                table_hbm.at[idx2[b]], rows_g[b], sem_g[b]).wait()

        def start_scatter(r, b):
            pltpu.async_copy(
                rows_g[b],
                out_hbm.at[pl.ds((row0 + r) * SEQ, SEQ), pl.ds(0, D)],
                sem_s[b])

        def wait_scatter(b):
            pltpu.make_async_copy(
                rows_g[b], out_hbm.at[pl.ds(0, SEQ), pl.ds(0, D)],
                sem_s[b]).wait()

        for r in range(LAG):
            start_gather(r, r % NBUF)

        def step_body(step, _):
            for j in range(NBUF):
                r = step * NBUF + j
                b = j
                wait_gather(b)
                start_scatter(r, b)
                b2 = (j + LAG) % NBUF

                @pl.when(r + LAG < rows_per_w)
                def _next(r=r, b2=b2):
                    @pl.when(r - LAG >= 0)
                    def _drain(b2=b2):
                        wait_scatter(b2)

                    start_gather(r + LAG, b2)
            return ()

        lax.fori_loop(0, rows_per_w // NBUF, step_body, ())

        for r in range(rows_per_w - NBUF, rows_per_w):
            wait_scatter(r % NBUF)

    return emb_kernel


def kernel(tokens, table):
    batch, seq = tokens.shape
    V, D = table.shape
    scale = math.sqrt(D)
    t8 = _make_repack(V, D, scale)(table.T)
    t8 = t8.reshape(2 * t8.shape[0], D)
    out = _build(batch, seq, V, D)(tokens.astype(jnp.int32), t8)
    return out.reshape(batch, seq, 2 * D)[:, :, :D]

# --- scband reference (transcript-rebuilt; emitter-appended) ---
"""Pipeline reference for scband-embedding-12120397709605 (READ-ONLY COPY).

The authoritative reference and input builder live on the scoring server;
editing this copy changes nothing except your own understanding.
"""

import jax, jax.numpy as jnp
import numpy as np
import math

VOCAB = 1000000
MODEL_DIM = 64
BATCH = 4096
SEQ_LEN = 200
SCALE = math.sqrt(MODEL_DIM)


def setup_inputs(seed: int = 0) -> dict:
    key = jax.random.key(seed)
    k_tok, k_tab = jax.random.split(key)
    tokens = jax.random.randint(k_tok, (BATCH, SEQ_LEN), 0, VOCAB, dtype=jnp.int64) if jax.config.jax_enable_x64 else jax.random.randint(k_tok, (BATCH, SEQ_LEN), 0, VOCAB, dtype=jnp.int32)
    table = jax.random.normal(k_tab, (VOCAB, MODEL_DIM), dtype=jnp.float32)
    return {"tokens": tokens, "table": table}


def reference(tokens, table):
    # nn.Embedding lookup: table[tokens] -> [batch, seq_len, model_dim], then scale by sqrt(model_dim)
    embedding = jnp.take(table, tokens, axis=0) * SCALE
    return embedding

if __name__ == "__main__":
    import jax
    _d = setup_inputs()
    print(jax.jit(kernel)(*tuple(_d.values())))

</pallas_src>

<mosaic_0001>
#map = affine_map<(d0, d1) -> (0, 0)>
module attributes {stable_mosaic.version = 14 : i64} {
  func.func @emb_kernel(%arg0: i32, %arg1: i32, %arg2: memref<4096x200xi32, #tpu.memory_space<hbm>>, %arg3: memref<1007616x64xf32, #tpu.memory_space<hbm>>, %arg4: memref<819200x128xf32, #tpu.memory_space<hbm>>, %arg5: memref<128x200xi32, #tpu.memory_space<vmem>>, %arg6: memref<200xi32, #tpu.memory_space<vmem>>, %arg7: memref<200xi32, #tpu.memory_space<vmem>>, %arg8: memref<200xi32, #tpu.memory_space<vmem>>, %arg9: memref<200xi32, #tpu.memory_space<vmem>>, %arg10: memref<200xi32, #tpu.memory_space<vmem>>, %arg11: memref<200xi32, #tpu.memory_space<vmem>>, %arg12: memref<200xi32, #tpu.memory_space<vmem>>, %arg13: memref<200xi32, #tpu.memory_space<vmem>>, %arg14: memref<200x64xf32, #tpu.memory_space<vmem>>, %arg15: memref<200x64xf32, #tpu.memory_space<vmem>>, %arg16: memref<200x64xf32, #tpu.memory_space<vmem>>, %arg17: memref<200x64xf32, #tpu.memory_space<vmem>>, %arg18: memref<200x64xf32, #tpu.memory_space<vmem>>, %arg19: memref<200x64xf32, #tpu.memory_space<vmem>>, %arg20: memref<200x64xf32, #tpu.memory_space<vmem>>, %arg21: memref<200x64xf32, #tpu.memory_space<vmem>>, %arg22: memref<!tpu.dma_semaphore, #tpu.memory_space<semaphore_mem>>, %arg23: memref<!tpu.dma_semaphore, #tpu.memory_space<semaphore_mem>>, %arg24: memref<!tpu.dma_semaphore, #tpu.memory_space<semaphore_mem>>, %arg25: memref<!tpu.dma_semaphore, #tpu.memory_space<semaphore_mem>>, %arg26: memref<!tpu.dma_semaphore, #tpu.memory_space<semaphore_mem>>, %arg27: memref<!tpu.dma_semaphore, #tpu.memory_space<semaphore_mem>>, %arg28: memref<!tpu.dma_semaphore, #tpu.memory_space<semaphore_mem>>, %arg29: memref<!tpu.dma_semaphore, #tpu.memory_space<semaphore_mem>>, %arg30: memref<!tpu.dma_semaphore, #tpu.memory_space<semaphore_mem>>, %arg31: memref<!tpu.dma_semaphore, #tpu.memory_space<semaphore_mem>>, %arg32: memref<!tpu.dma_semaphore, #tpu.memory_space<semaphore_mem>>, %arg33: memref<!tpu.dma_semaphore, #tpu.memory_space<semaphore_mem>>, %arg34: memref<!tpu.dma_semaphore, #tpu.memory_space<semaphore_mem>>, %arg35: memref<!tpu.dma_semaphore, #tpu.memory_space<semaphore_mem>>, %arg36: memref<!tpu.dma_semaphore, #tpu.memory_space<semaphore_mem>>, %arg37: memref<!tpu.dma_semaphore, #tpu.memory_space<semaphore_mem>>) attributes {dimension_semantics = [#tpu.dimension_semantics<core_parallel>, #tpu.dimension_semantics<subcore_parallel>], iteration_bounds = array<i64: 2, 16>, scalar_prefetch = 0 : i64, scratch_operands = 33 : i64, tpu.core_type = #tpu.core_type<sc_vector_subcore>, window_params = [{transform_indices = #map}, {transform_indices = #map}, {transform_indices = #map}]} {
    %mul3A = arith.constant 2 : i32
    %mul3A_0 = arith.muli %arg1, %mul3A : i32
    %add3A = arith.addi %mul3A_0, %arg0 : i32
    %mul3A_1 = arith.constant 128 : i32
    %mul3A_2 = arith.muli %add3A, %mul3A_1 : i32
    "tpu.region"() ({
      %run_scoped3A = tpu.sem_alloc : memref<!tpu.dma_semaphore, #tpu.memory_space<semaphore_mem>>
      %dma_start3A_1099 = arith.constant 0 : i32
      %dma_start3A_1100 = tpu.memref_slice %arg2[%mul3A_2, %dma_start3A_1099] : memref<4096x200xi32, #tpu.memory_space<hbm>> -> memref<128x200xi32, #tpu.memory_space<hbm>>
      %dma_start3A_1101 = arith.constant 0 : i32
      %dma_start3A_1102 = tpu.memref_slice %arg2[%mul3A_2, %dma_start3A_1101] : memref<4096x200xi32, #tpu.memory_space<hbm>> -> memref<128x200xi32, #tpu.memory_space<hbm>>
      tpu.enqueue_dma source(%dma_start3A_1102 : memref<128x200xi32, #tpu.memory_space<hbm>>) target(%arg5 : memref<128x200xi32, #tpu.memory_space<vmem>>) target_semaphore(%run_scoped3A : memref<!tpu.dma_semaphore, #tpu.memory_space<semaphore_mem>>)
      %dma_wait3A_1103 = arith.constant 0 : i32
      %dma_wait3A_1104 = tpu.memref_slice %arg2[%mul3A_2, %dma_wait3A_1103] : memref<4096x200xi32, #tpu.memory_space<hbm>> -> memref<128x200xi32, #tpu.memory_space<hbm>>
      %dma_wait3A_1105 = arith.constant 0 : i32
      %dma_wait3A_1106 = tpu.memref_slice %arg2[%mul3A_2, %dma_wait3A_1105] : memref<4096x200xi32, #tpu.memory_space<hbm>> -> memref<128x200xi32, #tpu.memory_space<hbm>>
      tpu.wait_dma2 semaphore(%run_scoped3A : memref<!tpu.dma_semaphore, #tpu.memory_space<semaphore_mem>>) src(%dma_wait3A_1106 : memref<128x200xi32, #tpu.memory_space<hbm>>) dst(%arg5 : memref<128x200xi32, #tpu.memory_space<vmem>>)
      tpu.yield
    }) : () -> ()
    %get3A = arith.constant 0 : i32
    %get3A_3 = arith.index_cast %get3A : i32 to index
    %get3A_4 = arith.constant 0 : index
    %get3A_5 = tpu.vector_load %arg5[%get3A_3, %get3A_4] {strides = array<i32>} : memref<128x200xi32, #tpu.memory_space<vmem>>, vector<1x16xi32>,
    %get3A_6 = vector.shape_cast %get3A_5 : vector<1x16xi32> to vector<16xi32>
    %and3A = arith.constant 8191 : i32
    %and3A_7 = vector.broadcast %and3A : i32 to vector<16xi32>
    %and3A_8 = arith.andi %get3A_6, %and3A_7 : vector<16xi32>
    %add3A_9 = arith.addi %get3A_6, %and3A_8 : vector<16xi32>
    %ge3A = arith.constant 4096 : i32
    %ge3A_10 = vector.broadcast %ge3A : i32 to vector<16xi32>
    %ge3A_11 = arith.cmpi sge, %and3A_8, %ge3A_10 : vector<16xi32>
    %sub3A = arith.constant 8191 : i32
    %sub3A_12 = vector.broadcast %sub3A : i32 to vector<16xi32>
    %sub3A_13 = arith.subi %add3A_9, %sub3A_12 : vector<16xi32>
    %select_n3A = arith.select %ge3A_11, %sub3A_13, %add3A_9 : vector<16xi1>, vector<16xi32>
    %swap3A = arith.constant 0 : index
    %swap3A_14 = tpu.vector_load %arg6[%swap3A] {strides = array<i32>} : memref<200xi32, #tpu.memory_space<vmem>>, vector<16xi32>,
    %swap3A_15 = vector.shape_cast %swap3A_14 : vector<16xi32> to vector<16xi32>
    %swap3A_16 = vector.shape_cast %select_n3A : vector<16xi32> to vector<16xi32>
    tpu.vector_store %arg6[%swap3A], %swap3A_16 {strides = array<i32>} : memref<200xi32, #tpu.memory_space<vmem>>, vector<16xi32>,
    %get3A_17 = arith.constant 0 : i32
    %get3A_18 = arith.index_cast %get3A_17 : i32 to index
    %get3A_19 = arith.constant 16 : index
    %get3A_20 = tpu.vector_load %arg5[%get3A_18, %get3A_19] {strides = array<i32>} : memref<128x200xi32, #tpu.memory_space<vmem>>, vector<1x16xi32>,
    %get3A_21 = vector.shape_cast %get3A_20 : vector<1x16xi32> to vector<16xi32>
    %and3A_22 = arith.constant 8191 : i32
    %and3A_23 = vector.broadcast %and3A_22 : i32 to vector<16xi32>
    %and3A_24 = arith.andi %get3A_21, %and3A_23 : vector<16xi32>
    %add3A_25 = arith.addi %get3A_21, %and3A_24 : vector<16xi32>
    %ge3A_26 = arith.constant 4096 : i32
    %ge3A_27 = vector.broadcast %ge3A_26 : i32 to vector<16xi32>
    %ge3A_28 = arith.cmpi sge, %and3A_24, %ge3A_27 : vector<16xi32>
    %sub3A_29 = arith.constant 8191 : i32
    %sub3A_30 = vector.broadcast %sub3A_29 : i32 to vector<16xi32>
    %sub3A_31 = arith.subi %add3A_25, %sub3A_30 : vector<16xi32>
    %select_n3A_32 = arith.select %ge3A_28, %sub3A_31, %add3A_25 : vector<16xi1>, vector<16xi32>
    %swap3A_33 = arith.constant 16 : index
    %swap3A_34 = tpu.vector_load %arg6[%swap3A_33] {strides = array<i32>} : memref<200xi32, #tpu.memory_space<vmem>>, vector<16xi32>,
    %swap3A_35 = vector.shape_cast %swap3A_34 : vector<16xi32> to vector<16xi32>
    %swap3A_36 = vector.shape_cast %select_n3A_32 : vector<16xi32> to vector<16xi32>
    tpu.vector_store %arg6[%swap3A_33], %swap3A_36 {strides = array<i32>} : memref<200xi32, #tpu.memory_space<vmem>>, vector<16xi32>,
    %get3A_37 = arith.constant 0 : i32
    %get3A_38 = arith.index_cast %get3A_37 : i32 to index
    %get3A_39 = arith.constant 32 : index
    %get3A_40 = tpu.vector_load %arg5[%get3A_38, %get3A_39] {strides = array<i32>} : memref<128x200xi32, #tpu.memory_space<vmem>>, vector<1x16xi32>,
    %get3A_41 = vector.shape_cast %get3A_40 : vector<1x16xi32> to vector<16xi32>
    %and3A_42 = arith.constant 8191 : i32
    %and3A_43 = vector.broadcast %and3A_42 : i32 to vector<16xi32>
    %and3A_44 = arith.andi %get3A_41, %and3A_43 : vector<16xi32>
    %add3A_45 = arith.addi %get3A_41, %and3A_44 : vector<16xi32>
    %ge3A_46 = arith.constant 4096 : i32
    %ge3A_47 = vector.broadcast %ge3A_46 : i32 to vector<16xi32>
    %ge3A_48 = arith.cmpi sge, %and3A_44, %ge3A_47 : vector<16xi32>
    %sub3A_49 = arith.constant 8191 : i32
    %sub3A_50 = vector.broadcast %sub3A_49 : i32 to vector<16xi32>
    %sub3A_51 = arith.subi %add3A_45, %sub3A_50 : vector<16xi32>
    %select_n3A_52 = arith.select %ge3A_48, %sub3A_51, %add3A_45 : vector<16xi1>, vector<16xi32>
    %swap3A_53 = arith.constant 32 : index
    %swap3A_54 = tpu.vector_load %arg6[%swap3A_53] {strides = array<i32>} : memref<200xi32, #tpu.memory_space<vmem>>, vector<16xi32>,
    %swap3A_55 = vector.shape_cast %swap3A_54 : vector<16xi32> to vector<16xi32>
    %swap3A_56 = vector.shape_cast %select_n3A_52 : vector<16xi32> to vector<16xi32>
    tpu.vector_store %arg6[%swap3A_53], %swap3A_56 {strides = array<i32>} : memref<200xi32, #tpu.memory_space<vmem>>, vector<16xi32>,
    %get3A_57 = arith.constant 0 : i32
    %get3A_58 = arith.index_cast %get3A_57 : i32 to index
    %get3A_59 = arith.constant 48 : index
    %get3A_60 = tpu.vector_load %arg5[%get3A_58, %get3A_59] {strides = array<i32>} : memref<128x200xi32, #tpu.memory_space<vmem>>, vector<1x16xi32>,
    %get3A_61 = vector.shape_cast %get3A_60 : vector<1x16xi32> to vector<16xi32>
    %and3A_62 = arith.constant 8191 : i32
    %and3A_63 = vector.broadcast %and3A_62 : i32 to vector<16xi32>
    %and3A_64 = arith.andi %get3A_61, %and3A_63 : vector<16xi32>
    %add3A_65 = arith.addi %get3A_61, %and3A_64 : vector<16xi32>
    %ge3A_66 = arith.constant 4096 : i32
    %ge3A_67 = vector.broadcast %ge3A_66 : i32 to vector<16xi32>
    %ge3A_68 = arith.cmpi sge, %and3A_64, %ge3A_67 : vector<16xi32>
    %sub3A_69 = arith.constant 8191 : i32
    %sub3A_70 = vector.broadcast %sub3A_69 : i32 to vector<16xi32>
    %sub3A_71 = arith.subi %add3A_65, %sub3A_70 : vector<16xi32>
    %select_n3A_72 = arith.select %ge3A_68, %sub3A_71, %add3A_65 : vector<16xi1>, vector<16xi32>
    %swap3A_73 = arith.constant 48 : index
    %swap3A_74 = tpu.vector_load %arg6[%swap3A_73] {strides = array<i32>} : memref<200xi32, #tpu.memory_space<vmem>>, vector<16xi32>,
    %swap3A_75 = vector.shape_cast %swap3A_74 : vector<16xi32> to vector<16xi32>
    %swap3A_76 = vector.shape_cast %select_n3A_72 : vector<16xi32> to vector<16xi32>
    tpu.vector_store %arg6[%swap3A_73], %swap3A_76 {strides = array<i32>} : memref<200xi32, #tpu.memory_space<vmem>>, vector<16xi32>,
    %get3A_77 = arith.constant 0 : i32
    %get3A_78 = arith.index_cast %get3A_77 : i32 to index
    %get3A_79 = arith.constant 64 : index
    %get3A_80 = tpu.vector_load %arg5[%get3A_78, %get3A_79] {strides = array<i32>} : memref<128x200xi32, #tpu.memory_space<vmem>>, vector<1x16xi32>,
    %get3A_81 = vector.shape_cast %get3A_80 : vector<1x16xi32> to vector<16xi32>
    %and3A_82 = arith.constant 8191 : i32
    %and3A_83 = vector.broadcast %and3A_82 : i32 to vector<16xi32>
    %and3A_84 = arith.andi %get3A_81, %and3A_83 : vector<16xi32>
    %add3A_85 = arith.addi %get3A_81, %and3A_84 : vector<16xi32>
    %ge3A_86 = arith.constant 4096 : i32
    %ge3A_87 = vector.broadcast %ge3A_86 : i32 to vector<16xi32>
    %ge3A_88 = arith.cmpi sge, %and3A_84, %ge3A_87 : vector<16xi32>
    %sub3A_89 = arith.constant 8191 : i32
    %sub3A_90 = vector.broadcast %sub3A_89 : i32 to vector<16xi32>
    %sub3A_91 = arith.subi %add3A_85, %sub3A_90 : vector<16xi32>
    %select_n3A_92 = arith.select %ge3A_88, %sub3A_91, %add3A_85 : vector<16xi1>, vector<16xi32>
    %swap3A_93 = arith.constant 64 : index
    %swap3A_94 = tpu.vector_load %arg6[%swap3A_93] {strides = array<i32>} : memref<200xi32, #tpu.memory_space<vmem>>, vector<16xi32>,
    %swap3A_95 = vector.shape_cast %swap3A_94 : vector<16xi32> to vector<16xi32>
    %swap3A_96 = vector.shape_cast %select_n3A_92 : vector<16xi32> to vector<16xi32>
    tpu.vector_store %arg6[%swap3A_93], %swap3A_96 {strides = array<i32>} : memref<200xi32, #tpu.memory_space<vmem>>, vector<16xi32>,
    %get3A_97 = arith.constant 0 : i32
    %get3A_98 = arith.index_cast %get3A_97 : i32 to index
    %get3A_99 = arith.constant 80 : index
    %get3A_100 = tpu.vector_load %arg5[%get3A_98, %get3A_99] {strides = array<i32>} : memref<128x200xi32, #tpu.memory_space<vmem>>, vector<1x16xi32>,
    %get3A_101 = vector.shape_cast %get3A_100 : vector<1x16xi32> to vector<16xi32>
    %and3A_102 = arith.constant 8191 : i32
    %and3A_103 = vector.broadcast %and3A_102 : i32 to vector<16xi32>
    %and3A_104 = arith.andi %get3A_101, %and3A_103 : vector<16xi32>
    %add3A_105 = arith.addi %get3A_101, %and3A_104 : vector<16xi32>
    %ge3A_106 = arith.constant 4096 : i32
    %ge3A_107 = vector.broadcast %ge3A_106 : i32 to vector<16xi32>
    %ge3A_108 = arith.cmpi sge, %and3A_104, %ge3A_107 : vector<16xi32>
    %sub3A_109 = arith.constant 8191 : i32
    %sub3A_110 = vector.broadcast %sub3A_109 : i32 to vector<16xi32>
    %sub3A_111 = arith.subi %add3A_105, %sub3A_110 : vector<16xi32>
    %select_n3A_112 = arith.select %ge3A_108, %sub3A_111, %add3A_105 : vector<16xi1>, vector<16xi32>
    %swap3A_113 = arith.constant 80 : index
    %swap3A_114 = tpu.vector_load %arg6[%swap3A_113] {strides = array<i32>} : memref<200xi32, #tpu.memory_space<vmem>>, vector<16xi32>,
    %swap3A_115 = vector.shape_cast %swap3A_114 : vector<16xi32> to vector<16xi32>
    %swap3A_116 = vector.shape_cast %select_n3A_112 : vector<16xi32> to vector<16xi32>
    tpu.vector_store %arg6[%swap3A_113], %swap3A_116 {strides = array<i32>} : memref<200xi32, #tpu.memory_space<vmem>>, vector<16xi32>,
    %get3A_117 = arith.constant 0 : i32
    %get3A_118 = arith.index_cast %get3A_117 : i32 to index
    %get3A_119 = arith.constant 96 : index
    %get3A_120 = tpu.vector_load %arg5[%get3A_118, %get3A_119] {strides = array<i32>} : memref<128x200xi32, #tpu.memory_space<vmem>>, vector<1x16xi32>,
    %get3A_121 = vector.shape_cast %get3A_120 : vector<1x16xi32> to vector<16xi32>
    %and3A_122 = arith.constant 8191 : i32
    %and3A_123 = vector.broadcast %and3A_122 : i32 to vector<16xi32>
    %and3A_124 = arith.andi %get3A_121, %and3A_123 : vector<16xi32>
    %add3A_125 = arith.addi %get3A_121, %and3A_124 : vector<16xi32>
    %ge3A_126 = arith.constant 4096 : i32
    %ge3A_127 = vector.broadcast %ge3A_126 : i32 to vector<16xi32>
    %ge3A_128 = arith.cmpi sge, %and3A_124, %ge3A_127 : vector<16xi32>
    %sub3A_129 = arith.constant 8191 : i32
    %sub3A_130 = vector.broadcast %sub3A_129 : i32 to vector<16xi32>
    %sub3A_131 = arith.subi %add3A_125, %sub3A_130 : vector<16xi32>
    %select_n3A_132 = arith.select %ge3A_128, %sub3A_131, %add3A_125 : vector<16xi1>, vector<16xi32>
    %swap3A_133 = arith.constant 96 : index
    %swap3A_134 = tpu.vector_load %arg6[%swap3A_133] {strides = array<i32>} : memref<200xi32, #tpu.memory_space<vmem>>, vector<16xi32>,
    %swap3A_135 = vector.shape_cast %swap3A_134 : vector<16xi32> to vector<16xi32>
    %swap3A_136 = vector.shape_cast %select_n3A_132 : vector<16xi32> to vector<16xi32>
    tpu.vector_store %arg6[%swap3A_133], %swap3A_136 {strides = array<i32>} : memref<200xi32, #tpu.memory_space<vmem>>, vector<16xi32>,
    %get3A_137 = arith.constant 0 : i32
    %get3A_138 = arith.index_cast %get3A_137 : i32 to index
    %get3A_139 = arith.constant 112 : index
    %get3A_140 = tpu.vector_load %arg5[%get3A_138, %get3A_139] {strides = array<i32>} : memref<128x200xi32, #tpu.memory_space<vmem>>, vector<1x16xi32>,
    %get3A_141 = vector.shape_cast %get3A_140 : vector<1x16xi32> to vector<16xi32>
    %and3A_142 = arith.constant 8191 : i32
    %and3A_143 = vector.broadcast %and3A_142 : i32 to vector<16xi32>
    %and3A_144 = arith.andi %get3A_141, %and3A_143 : vector<16xi32>
    %add3A_145 = arith.addi %get3A_141, %and3A_144 : vector<16xi32>
    %ge3A_146 = arith.constant 4096 : i32
    %ge3A_147 = vector.broadcast %ge3A_146 : i32 to vector<16xi32>
    %ge3A_148 = arith.cmpi sge, %and3A_144, %ge3A_147 : vector<16xi32>
    %sub3A_149 = arith.constant 8191 : i32
    %sub3A_150 = vector.broadcast %sub3A_149 : i32 to vector<16xi32>
    %sub3A_151 = arith.subi %add3A_145, %sub3A_150 : vector<16xi32>
    %select_n3A_152 = arith.select %ge3A_148, %sub3A_151, %add3A_145 : vector<16xi1>, vector<16xi32>
    %swap3A_153 = arith.constant 112 : index
    %swap3A_154 = tpu.vector_load %arg6[%swap3A_153] {strides = array<i32>} : memref<200xi32, #tpu.memory_space<vmem>>, vector<16xi32>,
    %swap3A_155 = vector.shape_cast %swap3A_154 : vector<16xi32> to vector<16xi32>
    %swap3A_156 = vector.shape_cast %select_n3A_152 : vector<16xi32> to vector<16xi32>
    tpu.vector_store %arg6[%swap3A_153], %swap3A_156 {strides = array<i32>} : memref<200xi32, #tpu.memory_space<vmem>>, vector<16xi32>,
    %get3A_157 = arith.constant 0 : i32
    %get3A_158 = arith.index_cast %get3A_157 : i32 to index
    %get3A_159 = arith.constant 128 : index
    %get3A_160 = tpu.vector_load %arg5[%get3A_158, %get3A_159] {strides = array<i32>} : memref<128x200xi32, #tpu.memory_space<vmem>>, vector<1x16xi32>,
    %get3A_161 = vector.shape_cast %get3A_160 : vector<1x16xi32> to vector<16xi32>
    %and3A_162 = arith.constant 8191 : i32
    %and3A_163 = vector.broadcast %and3A_162 : i32 to vector<16xi32>
    %and3A_164 = arith.andi %get3A_161, %and3A_163 : vector<16xi32>
    %add3A_165 = arith.addi %get3A_161, %and3A_164 : vector<16xi32>
    %ge3A_166 = arith.constant 4096 : i32
    %ge3A_167 = vector.broadcast %ge3A_166 : i32 to vector<16xi32>
    %ge3A_168 = arith.cmpi sge, %and3A_164, %ge3A_167 : vector<16xi32>
    %sub3A_169 = arith.constant 8191 : i32
    %sub3A_170 = vector.broadcast %sub3A_169 : i32 to vector<16xi32>
    %sub3A_171 = arith.subi %add3A_165, %sub3A_170 : vector<16xi32>
    %select_n3A_172 = arith.select %ge3A_168, %sub3A_171, %add3A_165 : vector<16xi1>, vector<16xi32>
    %swap3A_173 = arith.constant 128 : index
    %swap3A_174 = tpu.vector_load %arg6[%swap3A_173] {strides = array<i32>} : memref<200xi32, #tpu.memory_space<vmem>>, vector<16xi32>,
    %swap3A_175 = vector.shape_cast %swap3A_174 : vector<16xi32> to vector<16xi32>
    %swap3A_176 = vector.shape_cast %select_n3A_172 : vector<16xi32> to vector<16xi32>
    tpu.vector_store %arg6[%swap3A_173], %swap3A_176 {strides = array<i32>} : memref<200xi32, #tpu.memory_space<vmem>>, vector<16xi32>,
    %get3A_177 = arith.constant 0 : i32
    %get3A_178 = arith.index_cast %get3A_177 : i32 to index
    %get3A_179 = arith.constant 144 : index
    %get3A_180 = tpu.vector_load %arg5[%get3A_178, %get3A_179] {strides = array<i32>} : memref<128x200xi32, #tpu.memory_space<vmem>>, vector<1x16xi32>,
    %get3A_181 = vector.shape_cast %get3A_180 : vector<1x16xi32> to vector<16xi32>
    %and3A_182 = arith.constant 8191 : i32
    %and3A_183 = vector.broadcast %and3A_182 : i32 to vector<16xi32>
    %and3A_184 = arith.andi %get3A_181, %and3A_183 : vector<16xi32>
    %add3A_185 = arith.addi %get3A_181, %and3A_184 : vector<16xi32>
    %ge3A_186 = arith.constant 4096 : i32
    %ge3A_187 = vector.broadcast %ge3A_186 : i32 to vector<16xi32>
    %ge3A_188 = arith.cmpi sge, %and3A_184, %ge3A_187 : vector<16xi32>
    %sub3A_189 = arith.constant 8191 : i32
    %sub3A_190 = vector.broadcast %sub3A_189 : i32 to vector<16xi32>
    %sub3A_191 = arith.subi %add3A_185, %sub3A_190 : vector<16xi32>
    %select_n3A_192 = arith.select %ge3A_188, %sub3A_191, %add3A_185 : vector<16xi1>, vector<16xi32>
    %swap3A_193 = arith.constant 144 : index
    %swap3A_194 = tpu.vector_load %arg6[%swap3A_193] {strides = array<i32>} : memref<200xi32, #tpu.memory_space<vmem>>, vector<16xi32>,
    %swap3A_195 = vector.shape_cast %swap3A_194 : vector<16xi32> to vector<16xi32>
    %swap3A_196 = vector.shape_cast %select_n3A_192 : vector<16xi32> to vector<16xi32>
    tpu.vector_store %arg6[%swap3A_193], %swap3A_196 {strides = array<i32>} : memref<200xi32, #tpu.memory_space<vmem>>, vector<16xi32>,
    %get3A_197 = arith.constant 0 : i32
    %get3A_198 = arith.index_cast %get3A_197 : i32 to index
    %get3A_199 = arith.constant 160 : index
    %get3A_200 = tpu.vector_load %arg5[%get3A_198, %get3A_199] {strides = array<i32>} : memref<128x200xi32, #tpu.memory_space<vmem>>, vector<1x16xi32>,
    %get3A_201 = vector.shape_cast %get3A_200 : vector<1x16xi32> to vector<16xi32>
    %and3A_202 = arith.constant 8191 : i32
    %and3A_203 = vector.broadcast %and3A_202 : i32 to vector<16xi32>
    %and3A_204 = arith.andi %get3A_201, %and3A_203 : vector<16xi32>
    %add3A_205 = arith.addi %get3A_201, %and3A_204 : vector<16xi32>
    %ge3A_206 = arith.constant 4096 : i32
    %ge3A_207 = vector.broadcast %ge3A_206 : i32 to vector<16xi32>
    %ge3A_208 = arith.cmpi sge, %and3A_204, %ge3A_207 : vector<16xi32>
    %sub3A_209 = arith.constant 8191 : i32
    %sub3A_210 = vector.broadcast %sub3A_209 : i32 to vector<16xi32>
    %sub3A_211 = arith.subi %add3A_205, %sub3A_210 : vector<16xi32>
    %select_n3A_212 = arith.select %ge3A_208, %sub3A_211, %add3A_205 : vector<16xi1>, vector<16xi32>
    %swap3A_213 = arith.constant 160 : index
    %swap3A_214 = tpu.vector_load %arg6[%swap3A_213] {strides = array<i32>} : memref<200xi32, #tpu.memory_space<vmem>>, vector<16xi32>,
    %swap3A_215 = vector.shape_cast %swap3A_214 : vector<16xi32> to vector<16xi32>
    %swap3A_216 = vector.shape_cast %select_n3A_212 : vector<16xi32> to vector<16xi32>
    tpu.vector_store %arg6[%swap3A_213], %swap3A_216 {strides = array<i32>} : memref<200xi32, #tpu.memory_space<vmem>>, vector<16xi32>,
    %get3A_217 = arith.constant 0 : i32
    %get3A_218 = arith.index_cast %get3A_217 : i32 to index
    %get3A_219 = arith.constant 176 : index
    %get3A_220 = tpu.vector_load %arg5[%get3A_218, %get3A_219] {strides = array<i32>} : memref<128x200xi32, #tpu.memory_space<vmem>>, vector<1x16xi32>,
    %get3A_221 = vector.shape_cast %get3A_220 : vector<1x16xi32> to vector<16xi32>
    %and3A_222 = arith.constant 8191 : i32
    %and3A_223 = vector.broadcast %and3A_222 : i32 to vector<16xi32>
    %and3A_224 = arith.andi %get3A_221, %and3A_223 : vector<16xi32>
    %add3A_225 = arith.addi %get3A_221, %and3A_224 : vector<16xi32>
    %ge3A_226 = arith.constant 4096 : i32
    %ge3A_227 = vector.broadcast %ge3A_226 : i32 to vector<16xi32>
    %ge3A_228 = arith.cmpi sge, %and3A_224, %ge3A_227 : vector<16xi32>
    %sub3A_229 = arith.constant 8191 : i32
    %sub3A_230 = vector.broadcast %sub3A_229 : i32 to vector<16xi32>
    %sub3A_231 = arith.subi %add3A_225, %sub3A_230 : vector<16xi32>
    %select_n3A_232 = arith.select %ge3A_228, %sub3A_231, %add3A_225 : vector<16xi1>, vector<16xi32>
    %swap3A_233 = arith.constant 176 : index
    %swap3A_234 = tpu.vector_load %arg6[%swap3A_233] {strides = array<i32>} : memref<200xi32, #tpu.memory_space<vmem>>, vector<16xi32>,
    %swap3A_235 = vector.shape_cast %swap3A_234 : vector<16xi32> to vector<16xi32>
    %swap3A_236 = vector.shape_cast %select_n3A_232 : vector<16xi32> to vector<16xi32>
    tpu.vector_store %arg6[%swap3A_233], %swap3A_236 {strides = array<i32>} : memref<200xi32, #tpu.memory_space<vmem>>, vector<16xi32>,
    %get3A_237 = arith.constant 0 : i32
    %get3A_238 = arith.index_cast %get3A_237 : i32 to index
    %get3A_239 = arith.constant 184 : index
    %get3A_240 = tpu.vector_load %arg5[%get3A_238, %get3A_239] {strides = array<i32>} : memref<128x200xi32, #tpu.memory_space<vmem>>, vector<1x16xi32>,
    %get3A_241 = vector.shape_cast %get3A_240 : vector<1x16xi32> to vector<16xi32>
    %and3A_242 = arith.constant 8191 : i32
    %and3A_243 = vector.broadcast %and3A_242 : i32 to vector<16xi32>
    %and3A_244 = arith.andi %get3A_241, %and3A_243 : vector<16xi32>
    %add3A_245 = arith.addi %get3A_241, %and3A_244 : vector<16xi32>
    %ge3A_246 = arith.constant 4096 : i32
    %ge3A_247 = vector.broadcast %ge3A_246 : i32 to vector<16xi32>
    %ge3A_248 = arith.cmpi sge, %and3A_244, %ge3A_247 : vector<16xi32>
    %sub3A_249 = arith.constant 8191 : i32
    %sub3A_250 = vector.broadcast %sub3A_249 : i32 to vector<16xi32>
    %sub3A_251 = arith.subi %add3A_245, %sub3A_250 : vector<16xi32>
    %select_n3A_252 = arith.select %ge3A_248, %sub3A_251, %add3A_245 : vector<16xi1>, vector<16xi32>
    %swap3A_253 = arith.constant 184 : index
    %swap3A_254 = tpu.vector_load %arg6[%swap3A_253] {strides = array<i32>} : memref<200xi32, #tpu.memory_space<vmem>>, vector<16xi32>,
    %swap3A_255 = vector.shape_cast %swap3A_254 : vector<16xi32> to vector<16xi32>
    %swap3A_256 = vector.shape_cast %select_n3A_252 : vector<16xi32> to vector<16xi32>
    tpu.vector_store %arg6[%swap3A_253], %swap3A_256 {strides = array<i32>} : memref<200xi32, #tpu.memory_space<vmem>>, vector<16xi32>,
    %dma_start3A = arith.constant 0 : i32
    %dma_start3A_257 = arith.constant 0 : i32
    %dma_start3A_258 = tpu.memref_slice %arg3[%dma_start3A, %dma_start3A_257] : memref<1007616x64xf32, #tpu.memory_space<hbm>> -> memref<1007616x64xf32, #tpu.memory_space<hbm>>
    tpu.enqueue_indirect_dma source(%dma_start3A_258 : memref<1007616x64xf32, #tpu.memory_space<hbm>>) target(%arg14 : memref<200x64xf32, #tpu.memory_space<vmem>>) offsets(%arg6 : memref<200xi32, #tpu.memory_space<vmem>>) semaphore(%arg22 : memref<!tpu.dma_semaphore, #tpu.memory_space<semaphore_mem>>)
    %get3A_259 = arith.constant 1 : i32
    %get3A_260 = arith.index_cast %get3A_259 : i32 to index
    %get3A_261 = arith.constant 0 : index
    %get3A_262 = tpu.vector_load %arg5[%get3A_260, %get3A_261] {strides = array<i32>} : memref<128x200xi32, #tpu.memory_space<vmem>>, vector<1x16xi32>,
    %get3A_263 = vector.shape_cast %get3A_262 : vector<1x16xi32> to vector<16xi32>
    %and3A_264 = arith.constant 8191 : i32
    %and3A_265 = vector.broadcast %and3A_264 : i32 to vector<16xi32>
    %and3A_266 = arith.andi %get3A_263, %and3A_265 : vector<16xi32>
    %add3A_267 = arith.addi %get3A_263, %and3A_266 : vector<16xi32>
    %ge3A_268 = arith.constant 4096 : i32
    %ge3A_269 = vector.broadcast %ge3A_268 : i32 to vector<16xi32>
    %ge3A_270 = arith.cmpi sge, %and3A_266, %ge3A_269 : vector<16xi32>
    %sub3A_271 = arith.constant 8191 : i32
    %sub3A_272 = vector.broadcast %sub3A_271 : i32 to vector<16xi32>
    %sub3A_273 = arith.subi %add3A_267, %sub3A_272 : vector<16xi32>
    %select_n3A_274 = arith.select %ge3A_270, %sub3A_273, %add3A_267 : vector<16xi1>, vector<16xi32>
    %swap3A_275 = arith.constant 0 : index
    %swap3A_276 = tpu.vector_load %arg7[%swap3A_275] {strides = array<i32>} : memref<200xi32, #tpu.memory_space<vmem>>, vector<16xi32>,
    %swap3A_277 = vector.shape_cast %swap3A_276 : vector<16xi32> to vector<16xi32>
    %swap3A_278 = vector.shape_cast %select_n3A_274 : vector<16xi32> to vector<16xi32>
    tpu.vector_store %arg7[%swap3A_275], %swap3A_278 {strides = array<i32>} : memref<200xi32, #tpu.memory_space<vmem>>, vector<16xi32>,
    %get3A_279 = arith.constant 1 : i32
    %get3A_280 = arith.index_cast %get3A_279 : i32 to index
    %get3A_281 = arith.constant 16 : index
    %get3A_282 = tpu.vector_load %arg5[%get3A_280, %get3A_281] {strides = array<i32>} : memref<128x200xi32, #tpu.memory_space<vmem>>, vector<1x16xi32>,
    %get3A_283 = vector.shape_cast %get3A_282 : vector<1x16xi32> to vector<16xi32>
    %and3A_284 = arith.constant 8191 : i32
    %and3A_285 = vector.broadcast %and3A_284 : i32 to vector<16xi32>
    %and3A_286 = arith.andi %get3A_283, %and3A_285 : vector<16xi32>
    %add3A_287 = arith.addi %get3A_283, %and3A_286 : vector<16xi32>
    %ge3A_288 = arith.constant 4096 : i32
    %ge3A_289 = vector.broadcast %ge3A_288 : i32 to vector<16xi32>
    %ge3A_290 = arith.cmpi sge, %and3A_286, %ge3A_289 : vector<16xi32>
    %sub3A_291 = arith.constant 8191 : i32
    %sub3A_292 = vector.broadcast %sub3A_291 : i32 to vector<16xi32>
    %sub3A_293 = arith.subi %add3A_287, %sub3A_292 : vector<16xi32>
    %select_n3A_294 = arith.select %ge3A_290, %sub3A_293, %add3A_287 : vector<16xi1>, vector<16xi32>
    %swap3A_295 = arith.constant 16 : index
    %swap3A_296 = tpu.vector_load %arg7[%swap3A_295] {strides = array<i32>} : memref<200xi32, #tpu.memory_space<vmem>>, vector<16xi32>,
    %swap3A_297 = vector.shape_cast %swap3A_296 : vector<16xi32> to vector<16xi32>
    %swap3A_298 = vector.shape_cast %select_n3A_294 : vector<16xi32> to vector<16xi32>
    tpu.vector_store %arg7[%swap3A_295], %swap3A_298 {strides = array<i32>} : memref<200xi32, #tpu.memory_space<vmem>>, vector<16xi32>,
    %get3A_299 = arith.constant 1 : i32
    %get3A_300 = arith.index_cast %get3A_299 : i32 to index
    %get3A_301 = arith.constant 32 : index
    %get3A_302 = tpu.vector_load %arg5[%get3A_300, %get3A_301] {strides = array<i32>} : memref<128x200xi32, #tpu.memory_space<vmem>>, vector<1x16xi32>,
    %get3A_303 = vector.shape_cast %get3A_302 : vector<1x16xi32> to vector<16xi32>
    %and3A_304 = arith.constant 8191 : i32
    %and3A_305 = vector.broadcast %and3A_304 : i32 to vector<16xi32>
    %and3A_306 = arith.andi %get3A_303, %and3A_305 : vector<16xi32>
    %add3A_307 = arith.addi %get3A_303, %and3A_306 : vector<16xi32>
    %ge3A_308 = arith.constant 4096 : i32
    %ge3A_309 = vector.broadcast %ge3A_308 : i32 to vector<16xi32>
    %ge3A_310 = arith.cmpi sge, %and3A_306, %ge3A_309 : vector<16xi32>
    %sub3A_311 = arith.constant 8191 : i32
    %sub3A_312 = vector.broadcast %sub3A_311 : i32 to vector<16xi32>
    %sub3A_313 = arith.subi %add3A_307, %sub3A_312 : vector<16xi32>
    %select_n3A_314 = arith.select %ge3A_310, %sub3A_313, %add3A_307 : vector<16xi1>, vector<16xi32>
    %swap3A_315 = arith.constant 32 : index
    %swap3A_316 = tpu.vector_load %arg7[%swap3A_315] {strides = array<i32>} : memref<200xi32, #tpu.memory_space<vmem>>, vector<16xi32>,
    %swap3A_317 = vector.shape_cast %swap3A_316 : vector<16xi32> to vector<16xi32>
    %swap3A_318 = vector.shape_cast %select_n3A_314 : vector<16xi32> to vector<16xi32>
    tpu.vector_store %arg7[%swap3A_315], %swap3A_318 {strides = array<i32>} : memref<200xi32, #tpu.memory_space<vmem>>, vector<16xi32>,
    %get3A_319 = arith.constant 1 : i32
    %get3A_320 = arith.index_cast %get3A_319 : i32 to index
    %get3A_321 = arith.constant 48 : index
    %get3A_322 = tpu.vector_load %arg5[%get3A_320, %get3A_321] {strides = array<i32>} : memref<128x200xi32, #tpu.memory_space<vmem>>, vector<1x16xi32>,
    %get3A_323 = vector.shape_cast %get3A_322 : vector<1x16xi32> to vector<16xi32>
    %and3A_324 = arith.constant 8191 : i32
    %and3A_325 = vector.broadcast %and3A_324 : i32 to vector<16xi32>
    %and3A_326 = arith.andi %get3A_323, %and3A_325 : vector<16xi32>
    %add3A_327 = arith.addi %get3A_323, %and3A_326 : vector<16xi32>
    %ge3A_328 = arith.constant 4096 : i32
    %ge3A_329 = vector.broadcast %ge3A_328 : i32 to vector<16xi32>
    %ge3A_330 = arith.cmpi sge, %and3A_326, %ge3A_329 : vector<16xi32>
    %sub3A_331 = arith.constant 8191 : i32
    %sub3A_332 = vector.broadcast %sub3A_331 : i32 to vector<16xi32>
    %sub3A_333 = arith.subi %add3A_327, %sub3A_332 : vector<16xi32>
    %select_n3A_334 = arith.select %ge3A_330, %sub3A_333, %add3A_327 : vector<16xi1>, vector<16xi32>
    %swap3A_335 = arith.constant 48 : index
    %swap3A_336 = tpu.vector_load %arg7[%swap3A_335] {strides = array<i32>} : memref<200xi32, #tpu.memory_space<vmem>>, vector<16xi32>,
    %swap3A_337 = vector.shape_cast %swap3A_336 : vector<16xi32> to vector<16xi32>
    %swap3A_338 = vector.shape_cast %select_n3A_334 : vector<16xi32> to vector<16xi32>
    tpu.vector_store %arg7[%swap3A_335], %swap3A_338 {strides = array<i32>} : memref<200xi32, #tpu.memory_space<vmem>>, vector<16xi32>,
    %get3A_339 = arith.constant 1 : i32
    %get3A_340 = arith.index_cast %get3A_339 : i32 to index
    %get3A_341 = arith.constant 64 : index
    %get3A_342 = tpu.vector_load %arg5[%get3A_340, %get3A_341] {strides = array<i32>} : memref<128x200xi32, #tpu.memory_space<vmem>>, vector<1x16xi32>,
    %get3A_343 = vector.shape_cast %get3A_342 : vector<1x16xi32> to vector<16xi32>
    %and3A_344 = arith.constant 8191 : i32
    %and3A_345 = vector.broadcast %and3A_344 : i32 to vector<16xi32>
    %and3A_346 = arith.andi %get3A_343, %and3A_345 : vector<16xi32>
    %add3A_347 = arith.addi %get3A_343, %and3A_346 : vector<16xi32>
    %ge3A_348 = arith.constant 4096 : i32
    %ge3A_349 = vector.broadcast %ge3A_348 : i32 to vector<16xi32>
    %ge3A_350 = arith.cmpi sge, %and3A_346, %ge3A_349 : vector<16xi32>
    %sub3A_351 = arith.constant 8191 : i32
    %sub3A_352 = vector.broadcast %sub3A_351 : i32 to vector<16xi32>
    %sub3A_353 = arith.subi %add3A_347, %sub3A_352 : vector<16xi32>
    %select_n3A_354 = arith.select %ge3A_350, %sub3A_353, %add3A_347 : vector<16xi1>, vector<16xi32>
    %swap3A_355 = arith.constant 64 : index
    %swap3A_356 = tpu.vector_load %arg7[%swap3A_355] {strides = array<i32>} : memref<200xi32, #tpu.memory_space<vmem>>, vector<16xi32>,
    %swap3A_357 = vector.shape_cast %swap3A_356 : vector<16xi32> to vector<16xi32>
    %swap3A_358 = vector.shape_cast %select_n3A_354 : vector<16xi32> to vector<16xi32>
    tpu.vector_store %arg7[%swap3A_355], %swap3A_358 {strides = array<i32>} : memref<200xi32, #tpu.memory_space<vmem>>, vector<16xi32>,
    %get3A_359 = arith.constant 1 : i32
    %get3A_360 = arith.index_cast %get3A_359 : i32 to index
    %get3A_361 = arith.constant 80 : index
    %get3A_362 = tpu.vector_load %arg5[%get3A_360, %get3A_361] {strides = array<i32>} : memref<128x200xi32, #tpu.memory_space<vmem>>, vector<1x16xi32>,
    %get3A_363 = vector.shape_cast %get3A_362 : vector<1x16xi32> to vector<16xi32>
    %and3A_364 = arith.constant 8191 : i32
    %and3A_365 = vector.broadcast %and3A_364 : i32 to vector<16xi32>
    %and3A_366 = arith.andi %get3A_363, %and3A_365 : vector<16xi32>
    %add3A_367 = arith.addi %get3A_363, %and3A_366 : vector<16xi32>
    %ge3A_368 = arith.constant 4096 : i32
    %ge3A_369 = vector.broadcast %ge3A_368 : i32 to vector<16xi32>
    %ge3A_370 = arith.cmpi sge, %and3A_366, %ge3A_369 : vector<16xi32>
    %sub3A_371 = arith.constant 8191 : i32
    %sub3A_372 = vector.broadcast %sub3A_371 : i32 to vector<16xi32>
    %sub3A_373 = arith.subi %add3A_367, %sub3A_372 : vector<16xi32>
    %select_n3A_374 = arith.select %ge3A_370, %sub3A_373, %add3A_367 : vector<16xi1>, vector<16xi32>
    %swap3A_375 = arith.constant 80 : index
    %swap3A_376 = tpu.vector_load %arg7[%swap3A_375] {strides = array<i32>} : memref<200xi32, #tpu.memory_space<vmem>>, vector<16xi32>,
    %swap3A_377 = vector.shape_cast %swap3A_376 : vector<16xi32> to vector<16xi32>
    %swap3A_378 = vector.shape_cast %select_n3A_374 : vector<16xi32> to vector<16xi32>
    tpu.vector_store %arg7[%swap3A_375], %swap3A_378 {strides = array<i32>} : memref<200xi32, #tpu.memory_space<vmem>>, vector<16xi32>,
    %get3A_379 = arith.constant 1 : i32
    %get3A_380 = arith.index_cast %get3A_379 : i32 to index
    %get3A_381 = arith.constant 96 : index
    %get3A_382 = tpu.vector_load %arg5[%get3A_380, %get3A_381] {strides = array<i32>} : memref<128x200xi32, #tpu.memory_space<vmem>>, vector<1x16xi32>,
    %get3A_383 = vector.shape_cast %get3A_382 : vector<1x16xi32> to vector<16xi32>
    %and3A_384 = arith.constant 8191 : i32
    %and3A_385 = vector.broadcast %and3A_384 : i32 to vector<16xi32>
    %and3A_386 = arith.andi %get3A_383, %and3A_385 : vector<16xi32>
    %add3A_387 = arith.addi %get3A_383, %and3A_386 : vector<16xi32>
    %ge3A_388 = arith.constant 4096 : i32
    %ge3A_389 = vector.broadcast %ge3A_388 : i32 to vector<16xi32>
    %ge3A_390 = arith.cmpi sge, %and3A_386, %ge3A_389 : vector<16xi32>
    %sub3A_391 = arith.constant 8191 : i32
    %sub3A_392 = vector.broadcast %sub3A_391 : i32 to vector<16xi32>
    %sub3A_393 = arith.subi %add3A_387, %sub3A_392 : vector<16xi32>
    %select_n3A_394 = arith.select %ge3A_390, %sub3A_393, %add3A_387 : vector<16xi1>, vector<16xi32>
    %swap3A_395 = arith.constant 96 : index
    %swap3A_396 = tpu.vector_load %arg7[%swap3A_395] {strides = array<i32>} : memref<200xi32, #tpu.memory_space<vmem>>, vector<16xi32>,
    %swap3A_397 = vector.shape_cast %swap3A_396 : vector<16xi32> to vector<16xi32>
    %swap3A_398 = vector.shape_cast %select_n3A_394 : vector<16xi32> to vector<16xi32>
    tpu.vector_store %arg7[%swap3A_395], %swap3A_398 {strides = array<i32>} : memref<200xi32, #tpu.memory_space<vmem>>, vector<16xi32>,
    %get3A_399 = arith.constant 1 : i32
    %get3A_400 = arith.index_cast %get3A_399 : i32 to index
    %get3A_401 = arith.constant 112 : index
    %get3A_402 = tpu.vector_load %arg5[%get3A_400, %get3A_401] {strides = array<i32>} : memref<128x200xi32, #tpu.memory_space<vmem>>, vector<1x16xi32>,
    %get3A_403 = vector.shape_cast %get3A_402 : vector<1x16xi32> to vector<16xi32>
    %and3A_404 = arith.constant 8191 : i32
    %and3A_405 = vector.broadcast %and3A_404 : i32 to vector<16xi32>
    %and3A_406 = arith.andi %get3A_403, %and3A_405 : vector<16xi32>
    %add3A_407 = arith.addi %get3A_403, %and3A_406 : vector<16xi32>
    %ge3A_408 = arith.constant 4096 : i32
    %ge3A_409 = vector.broadcast %ge3A_408 : i32 to vector<16xi32>
    %ge3A_410 = arith.cmpi sge, %and3A_406, %ge3A_409 : vector<16xi32>
    %sub3A_411 = arith.constant 8191 : i32
    %sub3A_412 = vector.broadcast %sub3A_411 : i32 to vector<16xi32>
    %sub3A_413 = arith.subi %add3A_407, %sub3A_412 : vector<16xi32>
    %select_n3A_414 = arith.select %ge3A_410, %sub3A_413, %add3A_407 : vector<16xi1>, vector<16xi32>
    %swap3A_415 = arith.constant 112 : index
    %swap3A_416 = tpu.vector_load %arg7[%swap3A_415] {strides = array<i32>} : memref<200xi32, #tpu.memory_space<vmem>>, vector<16xi32>,
    %swap3A_417 = vector.shape_cast %swap3A_416 : vector<16xi32> to vector<16xi32>
    %swap3A_418 = vector.shape_cast %select_n3A_414 : vector<16xi32> to vector<16xi32>
    tpu.vector_store %arg7[%swap3A_415], %swap3A_418 {strides = array<i32>} : memref<200xi32, #tpu.memory_space<vmem>>, vector<16xi32>,
    %get3A_419 = arith.constant 1 : i32
    %get3A_420 = arith.index_cast %get3A_419 : i32 to index
    %get3A_421 = arith.constant 128 : index
    %get3A_422 = tpu.vector_load %arg5[%get3A_420, %get3A_421] {strides = array<i32>} : memref<128x200xi32, #tpu.memory_space<vmem>>, vector<1x16xi32>,
    %get3A_423 = vector.shape_cast %get3A_422 : vector<1x16xi32> to vector<16xi32>
    %and3A_424 = arith.constant 8191 : i32
    %and3A_425 = vector.broadcast %and3A_424 : i32 to vector<16xi32>
    %and3A_426 = arith.andi %get3A_423, %and3A_425 : vector<16xi32>
    %add3A_427 = arith.addi %get3A_423, %and3A_426 : vector<16xi32>
    %ge3A_428 = arith.constant 4096 : i32
    %ge3A_429 = vector.broadcast %ge3A_428 : i32 to vector<16xi32>
    %ge3A_430 = arith.cmpi sge, %and3A_426, %ge3A_429 : vector<16xi32>
    %sub3A_431 = arith.constant 8191 : i32
    %sub3A_432 = vector.broadcast %sub3A_431 : i32 to vector<16xi32>
    %sub3A_433 = arith.subi %add3A_427, %sub3A_432 : vector<16xi32>
    %select_n3A_434 = arith.select %ge3A_430, %sub3A_433, %add3A_427 : vector<16xi1>, vector<16xi32>
    %swap3A_435 = arith.constant 128 : index
    %swap3A_436 = tpu.vector_load %arg7[%swap3A_435] {strides = array<i32>} : memref<200xi32, #tpu.memory_space<vmem>>, vector<16xi32>,
    %swap3A_437 = vector.shape_cast %swap3A_436 : vector<16xi32> to vector<16xi32>
    %swap3A_438 = vector.shape_cast %select_n3A_434 : vector<16xi32> to vector<16xi32>
    tpu.vector_store %arg7[%swap3A_435], %swap3A_438 {strides = array<i32>} : memref<200xi32, #tpu.memory_space<vmem>>, vector<16xi32>,
    %get3A_439 = arith.constant 1 : i32
    %get3A_440 = arith.index_cast %get3A_439 : i32 to index
    %get3A_441 = arith.constant 144 : index
    %get3A_442 = tpu.vector_load %arg5[%get3A_440, %get3A_441] {strides = array<i32>} : memref<128x200xi32, #tpu.memory_space<vmem>>, vector<1x16xi32>,
    %get3A_443 = vector.shape_cast %get3A_442 : vector<1x16xi32> to vector<16xi32>
    %and3A_444 = arith.constant 8191 : i32
    %and3A_445 = vector.broadcast %and3A_444 : i32 to vector<16xi32>
    %and3A_446 = arith.andi %get3A_443, %and3A_445 : vector<16xi32>
    %add3A_447 = arith.addi %get3A_443, %and3A_446 : vector<16xi32>
    %ge3A_448 = arith.constant 4096 : i32
    %ge3A_449 = vector.broadcast %ge3A_448 : i32 to vector<16xi32>
    %ge3A_450 = arith.cmpi sge, %and3A_446, %ge3A_449 : vector<16xi32>
    %sub3A_451 = arith.constant 8191 : i32
    %sub3A_452 = vector.broadcast %sub3A_451 : i32 to vector<16xi32>
    %sub3A_453 = arith.subi %add3A_447, %sub3A_452 : vector<16xi32>
    %select_n3A_454 = arith.select %ge3A_450, %sub3A_453, %add3A_447 : vector<16xi1>, vector<16xi32>
    %swap3A_455 = arith.constant 144 : index
    %swap3A_456 = tpu.vector_load %arg7[%swap3A_455] {strides = array<i32>} : memref<200xi32, #tpu.memory_space<vmem>>, vector<16xi32>,
    %swap3A_457 = vector.shape_cast %swap3A_456 : vector<16xi32> to vector<16xi32>
    %swap3A_458 = vector.shape_cast %select_n3A_454 : vector<16xi32> to vector<16xi32>
    tpu.vector_store %arg7[%swap3A_455], %swap3A_458 {strides = array<i32>} : memref<200xi32, #tpu.memory_space<vmem>>, vector<16xi32>,
    %get3A_459 = arith.constant 1 : i32
    %get3A_460 = arith.index_cast %get3A_459 : i32 to index
    %get3A_461 = arith.constant 160 : index
    %get3A_462 = tpu.vector_load %arg5[%get3A_460, %get3A_461] {strides = array<i32>} : memref<128x200xi32, #tpu.memory_space<vmem>>, vector<1x16xi32>,
    %get3A_463 = vector.shape_cast %get3A_462 : vector<1x16xi32> to vector<16xi32>
    %and3A_464 = arith.constant 8191 : i32
    %and3A_465 = vector.broadcast %and3A_464 : i32 to vector<16xi32>
    %and3A_466 = arith.andi %get3A_463, %and3A_465 : vector<16xi32>
    %add3A_467 = arith.addi %get3A_463, %and3A_466 : vector<16xi32>
    %ge3A_468 = arith.constant 4096 : i32
    %ge3A_469 = vector.broadcast %ge3A_468 : i32 to vector<16xi32>
    %ge3A_470 = arith.cmpi sge, %and3A_466, %ge3A_469 : vector<16xi32>
    %sub3A_471 = arith.constant 8191 : i32
    %sub3A_472 = vector.broadcast %sub3A_471 : i32 to vector<16xi32>
    %sub3A_473 = arith.subi %add3A_467, %sub3A_472 : vector<16xi32>
    %select_n3A_474 = arith.select %ge3A_470, %sub3A_473, %add3A_467 : vector<16xi1>, vector<16xi32>
    %swap3A_475 = arith.constant 160 : index
    %swap3A_476 = tpu.vector_load %arg7[%swap3A_475] {strides = array<i32>} : memref<200xi32, #tpu.memory_space<vmem>>, vector<16xi32>,
    %swap3A_477 = vector.shape_cast %swap3A_476 : vector<16xi32> to vector<16xi32>
    %swap3A_478 = vector.shape_cast %select_n3A_474 : vector<16xi32> to vector<16xi32>
    tpu.vector_store %arg7[%swap3A_475], %swap3A_478 {strides = array<i32>} : memref<200xi32, #tpu.memory_space<vmem>>, vector<16xi32>,
    %get3A_479 = arith.constant 1 : i32
    %get3A_480 = arith.index_cast %get3A_479 : i32 to index
    %get3A_481 = arith.constant 176 : index
    %get3A_482 = tpu.vector_load %arg5[%get3A_480, %get3A_481] {strides = array<i32>} : memref<128x200xi32, #tpu.memory_space<vmem>>, vector<1x16xi32>,
    %get3A_483 = vector.shape_cast %get3A_482 : vector<1x16xi32> to vector<16xi32>
    %and3A_484 = arith.constant 8191 : i32
    %and3A_485 = vector.broadcast %and3A_484 : i32 to vector<16xi32>
    %and3A_486 = arith.andi %get3A_483, %and3A_485 : vector<16xi32>
    %add3A_487 = arith.addi %get3A_483, %and3A_486 : vector<16xi32>
    %ge3A_488 = arith.constant 4096 : i32
    %ge3A_489 = vector.broadcast %ge3A_488 : i32 to vector<16xi32>
    %ge3A_490 = arith.cmpi sge, %and3A_486, %ge3A_489 : vector<16xi32>
    %sub3A_491 = arith.constant 8191 : i32
    %sub3A_492 = vector.broadcast %sub3A_491 : i32 to vector<16xi32>
    %sub3A_493 = arith.subi %add3A_487, %sub3A_492 : vector<16xi32>
    %select_n3A_494 = arith.select %ge3A_490, %sub3A_493, %add3A_487 : vector<16xi1>, vector<16xi32>
    %swap3A_495 = arith.constant 176 : index
    %swap3A_496 = tpu.vector_load %arg7[%swap3A_495] {strides = array<i32>} : memref<200xi32, #tpu.memory_space<vmem>>, vector<16xi32>,
    %swap3A_497 = vector.shape_cast %swap3A_496 : vector<16xi32> to vector<16xi32>
    %swap3A_498 = vector.shape_cast %select_n3A_494 : vector<16xi32> to vector<16xi32>
    tpu.vector_store %arg7[%swap3A_495], %swap3A_498 {strides = array<i32>} : memref<200xi32, #tpu.memory_space<vmem>>, vector<16xi32>,
    %get3A_499 = arith.constant 1 : i32
    %get3A_500 = arith.index_cast %get3A_499 : i32 to index
    %get3A_501 = arith.constant 184 : index
    %get3A_502 = tpu.vector_load %arg5[%get3A_500, %get3A_501] {strides = array<i32>} : memref<128x200xi32, #tpu.memory_space<vmem>>, vector<1x16xi32>,
    %get3A_503 = vector.shape_cast %get3A_502 : vector<1x16xi32> to vector<16xi32>
    %and3A_504 = arith.constant 8191 : i32
    %and3A_505 = vector.broadcast %and3A_504 : i32 to vector<16xi32>
    %and3A_506 = arith.andi %get3A_503, %and3A_505 : vector<16xi32>
    %add3A_507 = arith.addi %get3A_503, %and3A_506 : vector<16xi32>
    %ge3A_508 = arith.constant 4096 : i32
    %ge3A_509 = vector.broadcast %ge3A_508 : i32 to vector<16xi32>
    %ge3A_510 = arith.cmpi sge, %and3A_506, %ge3A_509 : vector<16xi32>
    %sub3A_511 = arith.constant 8191 : i32
    %sub3A_512 = vector.broadcast %sub3A_511 : i32 to vector<16xi32>
    %sub3A_513 = arith.subi %add3A_507, %sub3A_512 : vector<16xi32>
    %select_n3A_514 = arith.select %ge3A_510, %sub3A_513, %add3A_507 : vector<16xi1>, vector<16xi32>
    %swap3A_515 = arith.constant 184 : index
    %swap3A_516 = tpu.vector_load %arg7[%swap3A_515] {strides = array<i32>} : memref<200xi32, #tpu.memory_space<vmem>>, vector<16xi32>,
    %swap3A_517 = vector.shape_cast %swap3A_516 : vector<16xi32> to vector<16xi32>
    %swap3A_518 = vector.shape_cast %select_n3A_514 : vector<16xi32> to vector<16xi32>
    tpu.vector_store %arg7[%swap3A_515], %swap3A_518 {strides = array<i32>} : memref<200xi32, #tpu.memory_space<vmem>>, vector<16xi32>,
    %dma_start3A_519 = arith.constant 0 : i32
    %dma_start3A_520 = arith.constant 0 : i32
    %dma_start3A_521 = tpu.memref_slice %arg3[%dma_start3A_519, %dma_start3A_520] : memref<1007616x64xf32, #tpu.memory_space<hbm>> -> memref<1007616x64xf32, #tpu.memory_space<hbm>>
    tpu.enqueue_indirect_dma source(%dma_start3A_521 : memref<1007616x64xf32, #tpu.memory_space<hbm>>) target(%arg15 : memref<200x64xf32, #tpu.memory_space<vmem>>) offsets(%arg7 : memref<200xi32, #tpu.memory_space<vmem>>) semaphore(%arg23 : memref<!tpu.dma_semaphore, #tpu.memory_space<semaphore_mem>>)
    %get3A_522 = arith.constant 2 : i32
    %get3A_523 = arith.index_cast %get3A_522 : i32 to index
    %get3A_524 = arith.constant 0 : index
    %get3A_525 = tpu.vector_load %arg5[%get3A_523, %get3A_524] {strides = array<i32>} : memref<128x200xi32, #tpu.memory_space<vmem>>, vector<1x16xi32>,
    %get3A_526 = vector.shape_cast %get3A_525 : vector<1x16xi32> to vector<16xi32>
    %and3A_527 = arith.constant 8191 : i32
    %and3A_528 = vector.broadcast %and3A_527 : i32 to vector<16xi32>
    %and3A_529 = arith.andi %get3A_526, %and3A_528 : vector<16xi32>
    %add3A_530 = arith.addi %get3A_526, %and3A_529 : vector<16xi32>
    %ge3A_531 = arith.constant 4096 : i32
    %ge3A_532 = vector.broadcast %ge3A_531 : i32 to vector<16xi32>
    %ge3A_533 = arith.cmpi sge, %and3A_529, %ge3A_532 : vector<16xi32>
    %sub3A_534 = arith.constant 8191 : i32
    %sub3A_535 = vector.broadcast %sub3A_534 : i32 to vector<16xi32>
    %sub3A_536 = arith.subi %add3A_530, %sub3A_535 : vector<16xi32>
    %select_n3A_537 = arith.select %ge3A_533, %sub3A_536, %add3A_530 : vector<16xi1>, vector<16xi32>
    %swap3A_538 = arith.constant 0 : index
    %swap3A_539 = tpu.vector_load %arg8[%swap3A_538] {strides = array<i32>} : memref<200xi32, #tpu.memory_space<vmem>>, vector<16xi32>,
    %swap3A_540 = vector.shape_cast %swap3A_539 : vector<16xi32> to vector<16xi32>
    %swap3A_541 = vector.shape_cast %select_n3A_537 : vector<16xi32> to vector<16xi32>
    tpu.vector_store %arg8[%swap3A_538], %swap3A_541 {strides = array<i32>} : memref<200xi32, #tpu.memory_space<vmem>>, vector<16xi32>,
    %get3A_542 = arith.constant 2 : i32
    %get3A_543 = arith.index_cast %get3A_542 : i32 to index
    %get3A_544 = arith.constant 16 : index
    %get3A_545 = tpu.vector_load %arg5[%get3A_543, %get3A_544] {strides = array<i32>} : memref<128x200xi32, #tpu.memory_space<vmem>>, vector<1x16xi32>,
    %get3A_546 = vector.shape_cast %get3A_545 : vector<1x16xi32> to vector<16xi32>
    %and3A_547 = arith.constant 8191 : i32
    %and3A_548 = vector.broadcast %and3A_547 : i32 to vector<16xi32>
    %and3A_549 = arith.andi %get3A_546, %and3A_548 : vector<16xi32>
    %add3A_550 = arith.addi %get3A_546, %and3A_549 : vector<16xi32>
    %ge3A_551 = arith.constant 4096 : i32
    %ge3A_552 = vector.broadcast %ge3A_551 : i32 to vector<16xi32>
    %ge3A_553 = arith.cmpi sge, %and3A_549, %ge3A_552 : vector<16xi32>
    %sub3A_554 = arith.constant 8191 : i32
    %sub3A_555 = vector.broadcast %sub3A_554 : i32 to vector<16xi32>
    %sub3A_556 = arith.subi %add3A_550, %sub3A_555 : vector<16xi32>
    %select_n3A_557 = arith.select %ge3A_553, %sub3A_556, %add3A_550 : vector<16xi1>, vector<16xi32>
    %swap3A_558 = arith.constant 16 : index
    %swap3A_559 = tpu.vector_load %arg8[%swap3A_558] {strides = array<i32>} : memref<200xi32, #tpu.memory_space<vmem>>, vector<16xi32>,
    %swap3A_560 = vector.shape_cast %swap3A_559 : vector<16xi32> to vector<16xi32>
    %swap3A_561 = vector.shape_cast %select_n3A_557 : vector<16xi32> to vector<16xi32>
    tpu.vector_store %arg8[%swap3A_558], %swap3A_561 {strides = array<i32>} : memref<200xi32, #tpu.memory_space<vmem>>, vector<16xi32>,
    %get3A_562 = arith.constant 2 : i32
    %get3A_563 = arith.index_cast %get3A_562 : i32 to index
    %get3A_564 = arith.constant 32 : index
    %get3A_565 = tpu.vector_load %arg5[%get3A_563, %get3A_564] {strides = array<i32>} : memref<128x200xi32, #tpu.memory_space<vmem>>, vector<1x16xi32>,
    %get3A_566 = vector.shape_cast %get3A_565 : vector<1x16xi32> to vector<16xi32>
    %and3A_567 = arith.constant 8191 : i32
    %and3A_568 = vector.broadcast %and3A_567 : i32 to vector<16xi32>
    %and3A_569 = arith.andi %get3A_566, %and3A_568 : vector<16xi32>
    %add3A_570 = arith.addi %get3A_566, %and3A_569 : vector<16xi32>
    %ge3A_571 = arith.constant 4096 : i32
    %ge3A_572 = vector.broadcast %ge3A_571 : i32 to vector<16xi32>
    %ge3A_573 = arith.cmpi sge, %and3A_569, %ge3A_572 : vector<16xi32>
    %sub3A_574 = arith.constant 8191 : i32
    %sub3A_575 = vector.broadcast %sub3A_574 : i32 to vector<16xi32>
    %sub3A_576 = arith.subi %add3A_570, %sub3A_575 : vector<16xi32>
    %select_n3A_577 = arith.select %ge3A_573, %sub3A_576, %add3A_570 : vector<16xi1>, vector<16xi32>
    %swap3A_578 = arith.constant 32 : index
    %swap3A_579 = tpu.vector_load %arg8[%swap3A_578] {strides = array<i32>} : memref<200xi32, #tpu.memory_space<vmem>>, vector<16xi32>,
    %swap3A_580 = vector.shape_cast %swap3A_579 : vector<16xi32> to vector<16xi32>
    %swap3A_581 = vector.shape_cast %select_n3A_577 : vector<16xi32> to vector<16xi32>
    tpu.vector_store %arg8[%swap3A_578], %swap3A_581 {strides = array<i32>} : memref<200xi32, #tpu.memory_space<vmem>>, vector<16xi32>,
    %get3A_582 = arith.constant 2 : i32
    %get3A_583 = arith.index_cast %get3A_582 : i32 to index
    %get3A_584 = arith.constant 48 : index
    %get3A_585 = tpu.vector_load %arg5[%get3A_583, %get3A_584] {strides = array<i32>} : memref<128x200xi32, #tpu.memory_space<vmem>>, vector<1x16xi32>,
    %get3A_586 = vector.shape_cast %get3A_585 : vector<1x16xi32> to vector<16xi32>
    %and3A_587 = arith.constant 8191 : i32
    %and3A_588 = vector.broadcast %and3A_587 : i32 to vector<16xi32>
    %and3A_589 = arith.andi %get3A_586, %and3A_588 : vector<16xi32>
    %add3A_590 = arith.addi %get3A_586, %and3A_589 : vector<16xi32>
    %ge3A_591 = arith.constant 4096 : i32
    %ge3A_592 = vector.broadcast %ge3A_591 : i32 to vector<16xi32>
    %ge3A_593 = arith.cmpi sge, %and3A_589, %ge3A_592 : vector<16xi32>
    %sub3A_594 = arith.constant 8191 : i32
    %sub3A_595 = vector.broadcast %sub3A_594 : i32 to vector<16xi32>
    %sub3A_596 = arith.subi %add3A_590, %sub3A_595 : vector<16xi32>
    %select_n3A_597 = arith.select %ge3A_593, %sub3A_596, %add3A_590 : vector<16xi1>, vector<16xi32>
    %swap3A_598 = arith.constant 48 : index
    %swap3A_599 = tpu.vector_load %arg8[%swap3A_598] {strides = array<i32>} : memref<200xi32, #tpu.memory_space<vmem>>, vector<16xi32>,
    %swap3A_600 = vector.shape_cast %swap3A_599 : vector<16xi32> to vector<16xi32>
    %swap3A_601 = vector.shape_cast %select_n3A_597 : vector<16xi32> to vector<16xi32>
    tpu.vector_store %arg8[%swap3A_598], %swap3A_601 {strides = array<i32>} : memref<200xi32, #tpu.memory_space<vmem>>, vector<16xi32>,
    %get3A_602 = arith.constant 2 : i32
    %get3A_603 = arith.index_cast %get3A_602 : i32 to index
    %get3A_604 = arith.constant 64 : index
    %get3A_605 = tpu.vector_load %arg5[%get3A_603, %get3A_604] {strides = array<i32>} : memref<128x200xi32, #tpu.memory_space<vmem>>, vector<1x16xi32>,
    %get3A_606 = vector.shape_cast %get3A_605 : vector<1x16xi32> to vector<16xi32>
    %and3A_607 = arith.constant 8191 : i32
    %and3A_608 = vector.broadcast %and3A_607 : i32 to vector<16xi32>
    %and3A_609 = arith.andi %get3A_606, %and3A_608 : vector<16xi32>
    %add3A_610 = arith.addi %get3A_606, %and3A_609 : vector<16xi32>
    %ge3A_611 = arith.constant 4096 : i32
    %ge3A_612 = vector.broadcast %ge3A_611 : i32 to vector<16xi32>
    %ge3A_613 = arith.cmpi sge, %and3A_609, %ge3A_612 : vector<16xi32>
    %sub3A_614 = arith.constant 8191 : i32
    %sub3A_615 = vector.broadcast %sub3A_614 : i32 to vector<16xi32>
    %sub3A_616 = arith.subi %add3A_610, %sub3A_615 : vector<16xi32>
    %select_n3A_617 = arith.select %ge3A_613, %sub3A_616, %add3A_610 : vector<16xi1>, vector<16xi32>
    %swap3A_618 = arith.constant 64 : index
    %swap3A_619 = tpu.vector_load %arg8[%swap3A_618] {strides = array<i32>} : memref<200xi32, #tpu.memory_space<vmem>>, vector<16xi32>,
    %swap3A_620 = vector.shape_cast %swap3A_619 : vector<16xi32> to vector<16xi32>
    %swap3A_621 = vector.shape_cast %select_n3A_617 : vector<16xi32> to vector<16xi32>
    tpu.vector_store %arg8[%swap3A_618], %swap3A_621 {strides = array<i32>} : memref<200xi32, #tpu.memory_space<vmem>>, vector<16xi32>,
    %get3A_622 = arith.constant 2 : i32
    %get3A_623 = arith.index_cast %get3A_622 : i32 to index
    %get3A_624 = arith.constant 80 : index
    %get3A_625 = tpu.vector_load %arg5[%get3A_623, %get3A_624] {strides = array<i32>} : memref<128x200xi32, #tpu.memory_space<vmem>>, vector<1x16xi32>,
    %get3A_626 = vector.shape_cast %get3A_625 : vector<1x16xi32> to vector<16xi32>
    %and3A_627 = arith.constant 8191 : i32
    %and3A_628 = vector.broadcast %and3A_627 : i32 to vector<16xi32>
    %and3A_629 = arith.andi %get3A_626, %and3A_628 : vector<16xi32>
    %add3A_630 = arith.addi %get3A_626, %and3A_629 : vector<16xi32>
    %ge3A_631 = arith.constant 4096 : i32
    %ge3A_632 = vector.broadcast %ge3A_631 : i32 to vector<16xi32>
    %ge3A_633 = arith.cmpi sge, %and3A_629, %ge3A_632 : vector<16xi32>
    %sub3A_634 = arith.constant 8191 : i32
    %sub3A_635 = vector.broadcast %sub3A_634 : i32 to vector<16xi32>
    %sub3A_636 = arith.subi %add3A_630, %sub3A_635 : vector<16xi32>
    %select_n3A_637 = arith.select %ge3A_633, %sub3A_636, %add3A_630 : vector<16xi1>, vector<16xi32>
    %swap3A_638 = arith.constant 80 : index
    %swap3A_639 = tpu.vector_load %arg8[%swap3A_638] {strides = array<i32>} : memref<200xi32, #tpu.memory_space<vmem>>, vector<16xi32>,
    %swap3A_640 = vector.shape_cast %swap3A_639 : vector<16xi32> to vector<16xi32>
    %swap3A_641 = vector.shape_cast %select_n3A_637 : vector<16xi32> to vector<16xi32>
    tpu.vector_store %arg8[%swap3A_638], %swap3A_641 {strides = array<i32>} : memref<200xi32, #tpu.memory_space<vmem>>, vector<16xi32>,
    %get3A_642 = arith.constant 2 : i32
    %get3A_643 = arith.index_cast %get3A_642 : i32 to index
    %get3A_644 = arith.constant 96 : index
    %get3A_645 = tpu.vector_load %arg5[%get3A_643, %get3A_644] {strides = array<i32>} : memref<128x200xi32, #tpu.memory_space<vmem>>, vector<1x16xi32>,
    %get3A_646 = vector.shape_cast %get3A_645 : vector<1x16xi32> to vector<16xi32>
    %and3A_647 = arith.constant 8191 : i32
    %and3A_648 = vector.broadcast %and3A_647 : i32 to vector<16xi32>
    %and3A_649 = arith.andi %get3A_646, %and3A_648 : vector<16xi32>
    %add3A_650 = arith.addi %get3A_646, %and3A_649 : vector<16xi32>
    %ge3A_651 = arith.constant 4096 : i32
    %ge3A_652 = vector.broadcast %ge3A_651 : i32 to vector<16xi32>
    %ge3A_653 = arith.cmpi sge, %and3A_649, %ge3A_652 : vector<16xi32>
    %sub3A_654 = arith.constant 8191 : i32
    %sub3A_655 = vector.broadcast %sub3A_654 : i32 to vector<16xi32>
    %sub3A_656 = arith.subi %add3A_650, %sub3A_655 : vector<16xi32>
    %select_n3A_657 = arith.select %ge3A_653, %sub3A_656, %add3A_650 : vector<16xi1>, vector<16xi32>
    %swap3A_658 = arith.constant 96 : index
    %swap3A_659 = tpu.vector_load %arg8[%swap3A_658] {strides = array<i32>} : memref<200xi32, #tpu.memory_space<vmem>>, vector<16xi32>,
    %swap3A_660 = vector.shape_cast %swap3A_659 : vector<16xi32> to vector<16xi32>
    %swap3A_661 = vector.shape_cast %select_n3A_657 : vector<16xi32> to vector<16xi32>
    tpu.vector_store %arg8[%swap3A_658], %swap3A_661 {strides = array<i32>} : memref<200xi32, #tpu.memory_space<vmem>>, vector<16xi32>,
    %get3A_662 = arith.constant 2 : i32
    %get3A_663 = arith.index_cast %get3A_662 : i32 to index
    %get3A_664 = arith.constant 112 : index
    %get3A_665 = tpu.vector_load %arg5[%get3A_663, %get3A_664] {strides = array<i32>} : memref<128x200xi32, #tpu.memory_space<vmem>>, vector<1x16xi32>,
    %get3A_666 = vector.shape_cast %get3A_665 : vector<1x16xi32> to vector<16xi32>
    %and3A_667 = arith.constant 8191 : i32
    %and3A_668 = vector.broadcast %and3A_667 : i32 to vector<16xi32>
    %and3A_669 = arith.andi %get3A_666, %and3A_668 : vector<16xi32>
    %add3A_670 = arith.addi %get3A_666, %and3A_669 : vector<16xi32>
    %ge3A_671 = arith.constant 4096 : i32
    %ge3A_672 = vector.broadcast %ge3A_671 : i32 to vector<16xi32>
    %ge3A_673 = arith.cmpi sge, %and3A_669, %ge3A_672 : vector<16xi32>
    %sub3A_674 = arith.constant 8191 : i32
    %sub3A_675 = vector.broadcast %sub3A_674 : i32 to vector<16xi32>
    %sub3A_676 = arith.subi %add3A_670, %sub3A_675 : vector<16xi32>
    %select_n3A_677 = arith.select %ge3A_673, %sub3A_676, %add3A_670 : vector<16xi1>, vector<16xi32>
    %swap3A_678 = arith.constant 112 : index
    %swap3A_679 = tpu.vector_load %arg8[%swap3A_678] {strides = array<i32>} : memref<200xi32, #tpu.memory_space<vmem>>, vector<16xi32>,
    %swap3A_680 = vector.shape_cast %swap3A_679 : vector<16xi32> to vector<16xi32>
    %swap3A_681 = vector.shape_cast %select_n3A_677 : vector<16xi32> to vector<16xi32>
    tpu.vector_store %arg8[%swap3A_678], %swap3A_681 {strides = array<i32>} : memref<200xi32, #tpu.memory_space<vmem>>, vector<16xi32>,
    %get3A_682 = arith.constant 2 : i32
    %get3A_683 = arith.index_cast %get3A_682 : i32 to index
    %get3A_684 = arith.constant 128 : index
    %get3A_685 = tpu.vector_load %arg5[%get3A_683, %get3A_684] {strides = array<i32>} : memref<128x200xi32, #tpu.memory_space<vmem>>, vector<1x16xi32>,
    %get3A_686 = vector.shape_cast %get3A_685 : vector<1x16xi32> to vector<16xi32>
    %and3A_687 = arith.constant 8191 : i32
    %and3A_688 = vector.broadcast %and3A_687 : i32 to vector<16xi32>
    %and3A_689 = arith.andi %get3A_686, %and3A_688 : vector<16xi32>
    %add3A_690 = arith.addi %get3A_686, %and3A_689 : vector<16xi32>
    %ge3A_691 = arith.constant 4096 : i32
    %ge3A_692 = vector.broadcast %ge3A_691 : i32 to vector<16xi32>
    %ge3A_693 = arith.cmpi sge, %and3A_689, %ge3A_692 : vector<16xi32>
    %sub3A_694 = arith.constant 8191 : i32
    %sub3A_695 = vector.broadcast %sub3A_694 : i32 to vector<16xi32>
    %sub3A_696 = arith.subi %add3A_690, %sub3A_695 : vector<16xi32>
    %select_n3A_697 = arith.select %ge3A_693, %sub3A_696, %add3A_690 : vector<16xi1>, vector<16xi32>
    %swap3A_698 = arith.constant 128 : index
    %swap3A_699 = tpu.vector_load %arg8[%swap3A_698] {strides = array<i32>} : memref<200xi32, #tpu.memory_space<vmem>>, vector<16xi32>,
    %swap3A_700 = vector.shape_cast %swap3A_699 : vector<16xi32> to vector<16xi32>
    %swap3A_701 = vector.shape_cast %select_n3A_697 : vector<16xi32> to vector<16xi32>
    tpu.vector_store %arg8[%swap3A_698], %swap3A_701 {strides = array<i32>} : memref<200xi32, #tpu.memory_space<vmem>>, vector<16xi32>,
    %get3A_702 = arith.constant 2 : i32
    %get3A_703 = arith.index_cast %get3A_702 : i32 to index
    %get3A_704 = arith.constant 144 : index
    %get3A_705 = tpu.vector_load %arg5[%get3A_703, %get3A_704] {strides = array<i32>} : memref<128x200xi32, #tpu.memory_space<vmem>>, vector<1x16xi32>,
    %get3A_706 = vector.shape_cast %get3A_705 : vector<1x16xi32> to vector<16xi32>
    %and3A_707 = arith.constant 8191 : i32
    %and3A_708 = vector.broadcast %and3A_707 : i32 to vector<16xi32>
    %and3A_709 = arith.andi %get3A_706, %and3A_708 : vector<16xi32>
    %add3A_710 = arith.addi %get3A_706, %and3A_709 : vector<16xi32>
    %ge3A_711 = arith.constant 4096 : i32
    %ge3A_712 = vector.broadcast %ge3A_711 : i32 to vector<16xi32>
    %ge3A_713 = arith.cmpi sge, %and3A_709, %ge3A_712 : vector<16xi32>
    %sub3A_714 = arith.constant 8191 : i32
    %sub3A_715 = vector.broadcast %sub3A_714 : i32 to vector<16xi32>
    %sub3A_716 = arith.subi %add3A_710, %sub3A_715 : vector<16xi32>
    %select_n3A_717 = arith.select %ge3A_713, %sub3A_716, %add3A_710 : vector<16xi1>, vector<16xi32>
    %swap3A_718 = arith.constant 144 : index
    %swap3A_719 = tpu.vector_load %arg8[%swap3A_718] {strides = array<i32>} : memref<200xi32, #tpu.memory_space<vmem>>, vector<16xi32>,
    %swap3A_720 = vector.shape_cast %swap3A_719 : vector<16xi32> to vector<16xi32>
    %swap3A_721 = vector.shape_cast %select_n3A_717 : vector<16xi32> to vector<16xi32>
    tpu.vector_store %arg8[%swap3A_718], %swap3A_721 {strides = array<i32>} : memref<200xi32, #tpu.memory_space<vmem>>, vector<16xi32>,
    %get3A_722 = arith.constant 2 : i32
    %get3A_723 = arith.index_cast %get3A_722 : i32 to index
    %get3A_724 = arith.constant 160 : index
    %get3A_725 = tpu.vector_load %arg5[%get3A_723, %get3A_724] {strides = array<i32>} : memref<128x200xi32, #tpu.memory_space<vmem>>, vector<1x16xi32>,
    %get3A_726 = vector.shape_cast %get3A_725 : vector<1x16xi32> to vector<16xi32>
    %and3A_727 = arith.constant 8191 : i32
    %and3A_728 = vector.broadcast %and3A_727 : i32 to vector<16xi32>
    %and3A_729 = arith.andi %get3A_726, %and3A_728 : vector<16xi32>
    %add3A_730 = arith.addi %get3A_726, %and3A_729 : vector<16xi32>
    %ge3A_731 = arith.constant 4096 : i32
    %ge3A_732 = vector.broadcast %ge3A_731 : i32 to vector<16xi32>
    %ge3A_733 = arith.cmpi sge, %and3A_729, %ge3A_732 : vector<16xi32>
    %sub3A_734 = arith.constant 8191 : i32
    %sub3A_735 = vector.broadcast %sub3A_734 : i32 to vector<16xi32>
    %sub3A_736 = arith.subi %add3A_730, %sub3A_735 : vector<16xi32>
    %select_n3A_737 = arith.select %ge3A_733, %sub3A_736, %add3A_730 : vector<16xi1>, vector<16xi32>
    %swap3A_738 = arith.constant 160 : index
    %swap3A_739 = tpu.vector_load %arg8[%swap3A_738] {strides = array<i32>} : memref<200xi32, #tpu.memory_space<vmem>>, vector<16xi32>,
    %swap3A_740 = vector.shape_cast %swap3A_739 : vector<16xi32> to vector<16xi32>
    %swap3A_741 = vector.shape_cast %select_n3A_737 : vector<16xi32> to vector<16xi32>
    tpu.vector_store %arg8[%swap3A_738], %swap3A_741 {strides = array<i32>} : memref<200xi32, #tpu.memory_space<vmem>>, vector<16xi32>,
    %get3A_742 = arith.constant 2 : i32
    %get3A_743 = arith.index_cast %get3A_742 : i32 to index
    %get3A_744 = arith.constant 176 : index
    %get3A_745 = tpu.vector_load %arg5[%get3A_743, %get3A_744] {strides = array<i32>} : memref<128x200xi32, #tpu.memory_space<vmem>>, vector<1x16xi32>,
    %get3A_746 = vector.shape_cast %get3A_745 : vector<1x16xi32> to vector<16xi32>
    %and3A_747 = arith.constant 8191 : i32
    %and3A_748 = vector.broadcast %and3A_747 : i32 to vector<16xi32>
    %and3A_749 = arith.andi %get3A_746, %and3A_748 : vector<16xi32>
    %add3A_750 = arith.addi %get3A_746, %and3A_749 : vector<16xi32>
    %ge3A_751 = arith.constant 4096 : i32
    %ge3A_752 = vector.broadcast %ge3A_751 : i32 to vector<16xi32>
    %ge3A_753 = arith.cmpi sge, %and3A_749, %ge3A_752 : vector<16xi32>
    %sub3A_754 = arith.constant 8191 : i32
    %sub3A_755 = vector.broadcast %sub3A_754 : i32 to vector<16xi32>
    %sub3A_756 = arith.subi %add3A_750, %sub3A_755 : vector<16xi32>
    %select_n3A_757 = arith.select %ge3A_753, %sub3A_756, %add3A_750 : vector<16xi1>, vector<16xi32>
    %swap3A_758 = arith.constant 176 : index
    %swap3A_759 = tpu.vector_load %arg8[%swap3A_758] {strides = array<i32>} : memref<200xi32, #tpu.memory_space<vmem>>, vector<16xi32>,
    %swap3A_760 = vector.shape_cast %swap3A_759 : vector<16xi32> to vector<16xi32>
    %swap3A_761 = vector.shape_cast %select_n3A_757 : vector<16xi32> to vector<16xi32>
    tpu.vector_store %arg8[%swap3A_758], %swap3A_761 {strides = array<i32>} : memref<200xi32, #tpu.memory_space<vmem>>, vector<16xi32>,
    %get3A_762 = arith.constant 2 : i32
    %get3A_763 = arith.index_cast %get3A_762 : i32 to index
    %get3A_764 = arith.constant 184 : index
    %get3A_765 = tpu.vector_load %arg5[%get3A_763, %get3A_764] {strides = array<i32>} : memref<128x200xi32, #tpu.memory_space<vmem>>, vector<1x16xi32>,
    %get3A_766 = vector.shape_cast %get3A_765 : vector<1x16xi32> to vector<16xi32>
    %and3A_767 = arith.constant 8191 : i32
    %and3A_768 = vector.broadcast %and3A_767 : i32 to vector<16xi32>
    %and3A_769 = arith.andi %get3A_766, %and3A_768 : vector<16xi32>
    %add3A_770 = arith.addi %get3A_766, %and3A_769 : vector<16xi32>
    %ge3A_771 = arith.constant 4096 : i32
    %ge3A_772 = vector.broadcast %ge3A_771 : i32 to vector<16xi32>
    %ge3A_773 = arith.cmpi sge, %and3A_769, %ge3A_772 : vector<16xi32>
    %sub3A_774 = arith.constant 8191 : i32
    %sub3A_775 = vector.broadcast %sub3A_774 : i32 to vector<16xi32>
    %sub3A_776 = arith.subi %add3A_770, %sub3A_775 : vector<16xi32>
    %select_n3A_777 = arith.select %ge3A_773, %sub3A_776, %add3A_770 : vector<16xi1>, vector<16xi32>
    %swap3A_778 = arith.constant 184 : index
    %swap3A_779 = tpu.vector_load %arg8[%swap3A_778] {strides = array<i32>} : memref<200xi32, #tpu.memory_space<vmem>>, vector<16xi32>,
    %swap3A_780 = vector.shape_cast %swap3A_779 : vector<16xi32> to vector<16xi32>
    %swap3A_781 = vector.shape_cast %select_n3A_777 : vector<16xi32> to vector<16xi32>
    tpu.vector_store %arg8[%swap3A_778], %swap3A_781 {strides = array<i32>} : memref<200xi32, #tpu.memory_space<vmem>>, vector<16xi32>,
    %dma_start3A_782 = arith.constant 0 : i32
    %dma_start3A_783 = arith.constant 0 : i32
    %dma_start3A_784 = tpu.memref_slice %arg3[%dma_start3A_782, %dma_start3A_783] : memref<1007616x64xf32, #tpu.memory_space<hbm>> -> memref<1007616x64xf32, #tpu.memory_space<hbm>>
    tpu.enqueue_indirect_dma source(%dma_start3A_784 : memref<1007616x64xf32, #tpu.memory_space<hbm>>) target(%arg16 : memref<200x64xf32, #tpu.memory_space<vmem>>) offsets(%arg8 : memref<200xi32, #tpu.memory_space<vmem>>) semaphore(%arg24 : memref<!tpu.dma_semaphore, #tpu.memory_space<semaphore_mem>>)
    %get3A_785 = arith.constant 3 : i32
    %get3A_786 = arith.index_cast %get3A_785 : i32 to index
    %get3A_787 = arith.constant 0 : index
    %get3A_788 = tpu.vector_load %arg5[%get3A_786, %get3A_787] {strides = array<i32>} : memref<128x200xi32, #tpu.memory_space<vmem>>, vector<1x16xi32>,
    %get3A_789 = vector.shape_cast %get3A_788 : vector<1x16xi32> to vector<16xi32>
    %and3A_790 = arith.constant 8191 : i32
    %and3A_791 = vector.broadcast %and3A_790 : i32 to vector<16xi32>
    %and3A_792 = arith.andi %get3A_789, %and3A_791 : vector<16xi32>
    %add3A_793 = arith.addi %get3A_789, %and3A_792 : vector<16xi32>
    %ge3A_794 = arith.constant 4096 : i32
    %ge3A_795 = vector.broadcast %ge3A_794 : i32 to vector<16xi32>
    %ge3A_796 = arith.cmpi sge, %and3A_792, %ge3A_795 : vector<16xi32>
    %sub3A_797 = arith.constant 8191 : i32
    %sub3A_798 = vector.broadcast %sub3A_797 : i32 to vector<16xi32>
    %sub3A_799 = arith.subi %add3A_793, %sub3A_798 : vector<16xi32>
    %select_n3A_800 = arith.select %ge3A_796, %sub3A_799, %add3A_793 : vector<16xi1>, vector<16xi32>
    %swap3A_801 = arith.constant 0 : index
    %swap3A_802 = tpu.vector_load %arg9[%swap3A_801] {strides = array<i32>} : memref<200xi32, #tpu.memory_space<vmem>>, vector<16xi32>,
    %swap3A_803 = vector.shape_cast %swap3A_802 : vector<16xi32> to vector<16xi32>
    %swap3A_804 = vector.shape_cast %select_n3A_800 : vector<16xi32> to vector<16xi32>
    tpu.vector_store %arg9[%swap3A_801], %swap3A_804 {strides = array<i32>} : memref<200xi32, #tpu.memory_space<vmem>>, vector<16xi32>,
    %get3A_805 = arith.constant 3 : i32
    %get3A_806 = arith.index_cast %get3A_805 : i32 to index
    %get3A_807 = arith.constant 16 : index
    %get3A_808 = tpu.vector_load %arg5[%get3A_806, %get3A_807] {strides = array<i32>} : memref<128x200xi32, #tpu.memory_space<vmem>>, vector<1x16xi32>,
    %get3A_809 = vector.shape_cast %get3A_808 : vector<1x16xi32> to vector<16xi32>
    %and3A_810 = arith.constant 8191 : i32
    %and3A_811 = vector.broadcast %and3A_810 : i32 to vector<16xi32>
    %and3A_812 = arith.andi %get3A_809, %and3A_811 : vector<16xi32>
    %add3A_813 = arith.addi %get3A_809, %and3A_812 : vector<16xi32>
    %ge3A_814 = arith.constant 4096 : i32
    %ge3A_815 = vector.broadcast %ge3A_814 : i32 to vector<16xi32>
    %ge3A_816 = arith.cmpi sge, %and3A_812, %ge3A_815 : vector<16xi32>
    %sub3A_817 = arith.constant 8191 : i32
    %sub3A_818 = vector.broadcast %sub3A_817 : i32 to vector<16xi32>
    %sub3A_819 = arith.subi %add3A_813, %sub3A_818 : vector<16xi32>
    %select_n3A_820 = arith.select %ge3A_816, %sub3A_819, %add3A_813 : vector<16xi1>, vector<16xi32>
    %swap3A_821 = arith.constant 16 : index
    %swap3A_822 = tpu.vector_load %arg9[%swap3A_821] {strides = array<i32>} : memref<200xi32, #tpu.memory_space<vmem>>, vector<16xi32>,
    %swap3A_823 = vector.shape_cast %swap3A_822 : vector<16xi32> to vector<16xi32>
    %swap3A_824 = vector.shape_cast %select_n3A_820 : vector<16xi32> to vector<16xi32>
    tpu.vector_store %arg9[%swap3A_821], %swap3A_824 {strides = array<i32>} : memref<200xi32, #tpu.memory_space<vmem>>, vector<16xi32>,
    %get3A_825 = arith.constant 3 : i32
    %get3A_826 = arith.index_cast %get3A_825 : i32 to index
    %get3A_827 = arith.constant 32 : index
    %get3A_828 = tpu.vector_load %arg5[%get3A_826, %get3A_827] {strides = array<i32>} : memref<128x200xi32, #tpu.memory_space<vmem>>, vector<1x16xi32>,
    %get3A_829 = vector.shape_cast %get3A_828 : vector<1x16xi32> to vector<16xi32>
    %and3A_830 = arith.constant 8191 : i32
    %and3A_831 = vector.broadcast %and3A_830 : i32 to vector<16xi32>
    %and3A_832 = arith.andi %get3A_829, %and3A_831 : vector<16xi32>
    %add3A_833 = arith.addi %get3A_829, %and3A_832 : vector<16xi32>
    %ge3A_834 = arith.constant 4096 : i32
    %ge3A_835 = vector.broadcast %ge3A_834 : i32 to vector<16xi32>
    %ge3A_836 = arith.cmpi sge, %and3A_832, %ge3A_835 : vector<16xi32>
    %sub3A_837 = arith.constant 8191 : i32
    %sub3A_838 = vector.broadcast %sub3A_837 : i32 to vector<16xi32>
    %sub3A_839 = arith.subi %add3A_833, %sub3A_838 : vector<16xi32>
    %select_n3A_840 = arith.select %ge3A_836, %sub3A_839, %add3A_833 : vector<16xi1>, vector<16xi32>
    %swap3A_841 = arith.constant 32 : index
    %swap3A_842 = tpu.vector_load %arg9[%swap3A_841] {strides = array<i32>} : memref<200xi32, #tpu.memory_space<vmem>>, vector<16xi32>,
    %swap3A_843 = vector.shape_cast %swap3A_842 : vector<16xi32> to vector<16xi32>
    %swap3A_844 = vector.shape_cast %select_n3A_840 : vector<16xi32> to vector<16xi32>
    tpu.vector_store %arg9[%swap3A_841], %swap3A_844 {strides = array<i32>} : memref<200xi32, #tpu.memory_space<vmem>>, vector<16xi32>,
    %get3A_845 = arith.constant 3 : i32
    %get3A_846 = arith.index_cast %get3A_845 : i32 to index
    %get3A_847 = arith.constant 48 : index
    %get3A_848 = tpu.vector_load %arg5[%get3A_846, %get3A_847] {strides = array<i32>} : memref<128x200xi32, #tpu.memory_space<vmem>>, vector<1x16xi32>,
    %get3A_849 = vector.shape_cast %get3A_848 : vector<1x16xi32> to vector<16xi32>
    %and3A_850 = arith.constant 8191 : i32
    %and3A_851 = vector.broadcast %and3A_850 : i32 to vector<16xi32>
    %and3A_852 = arith.andi %get3A_849, %and3A_851 : vector<16xi32>
    %add3A_853 = arith.addi %get3A_849, %and3A_852 : vector<16xi32>
    %ge3A_854 = arith.constant 4096 : i32
    %ge3A_855 = vector.broadcast %ge3A_854 : i32 to vector<16xi32>
    %ge3A_856 = arith.cmpi sge, %and3A_852, %ge3A_855 : vector<16xi32>
    %sub3A_857 = arith.constant 8191 : i32
    %sub3A_858 = vector.broadcast %sub3A_857 : i32 to vector<16xi32>
    %sub3A_859 = arith.subi %add3A_853, %sub3A_858 : vector<16xi32>
    %select_n3A_860 = arith.select %ge3A_856, %sub3A_859, %add3A_853 : vector<16xi1>, vector<16xi32>
    %swap3A_861 = arith.constant 48 : index
    %swap3A_862 = tpu.vector_load %arg9[%swap3A_861] {strides = array<i32>} : memref<200xi32, #tpu.memory_space<vmem>>, vector<16xi32>,
    %swap3A_863 = vector.shape_cast %swap3A_862 : vector<16xi32> to vector<16xi32>
    %swap3A_864 = vector.shape_cast %select_n3A_860 : vector<16xi32> to vector<16xi32>
    tpu.vector_store %arg9[%swap3A_861], %swap3A_864 {strides = array<i32>} : memref<200xi32, #tpu.memory_space<vmem>>, vector<16xi32>,
    %get3A_865 = arith.constant 3 : i32
    %get3A_866 = arith.index_cast %get3A_865 : i32 to index
    %get3A_867 = arith.constant 64 : index
    %get3A_868 = tpu.vector_load %arg5[%get3A_866, %get3A_867] {strides = array<i32>} : memref<128x200xi32, #tpu.memory_space<vmem>>, vector<1x16xi32>,
    %get3A_869 = vector.shape_cast %get3A_868 : vector<1x16xi32> to vector<16xi32>
    %and3A_870 = arith.constant 8191 : i32
    %and3A_871 = vector.broadcast %and3A_870 : i32 to vector<16xi32>
    %and3A_872 = arith.andi %get3A_869, %and3A_871 : vector<16xi32>
    %add3A_873 = arith.addi %get3A_869, %and3A_872 : vector<16xi32>
    %ge3A_874 = arith.constant 4096 : i32
    %ge3A_875 = vector.broadcast %ge3A_874 : i32 to vector<16xi32>
    %ge3A_876 = arith.cmpi sge, %and3A_872, %ge3A_875 : vector<16xi32>
    %sub3A_877 = arith.constant 8191 : i32
    %sub3A_878 = vector.broadcast %sub3A_877 : i32 to vector<16xi32>
    %sub3A_879 = arith.subi %add3A_873, %sub3A_878 : vector<16xi32>
    %select_n3A_880 = arith.select %ge3A_876, %sub3A_879, %add3A_873 : vector<16xi1>, vector<16xi32>
    %swap3A_881 = arith.constant 64 : index
    %swap3A_882 = tpu.vector_load %arg9[%swap3A_881] {strides = array<i32>} : memref<200xi32, #tpu.memory_space<vmem>>, vector<16xi32>,
    %swap3A_883 = vector.shape_cast %swap3A_882 : vector<16xi32> to vector<16xi32>
    %swap3A_884 = vector.shape_cast %select_n3A_880 : vector<16xi32> to vector<16xi32>
    tpu.vector_store %arg9[%swap3A_881], %swap3A_884 {strides = array<i32>} : memref<200xi32, #tpu.memory_space<vmem>>, vector<16xi32>,
    %get3A_885 = arith.constant 3 : i32
    %get3A_886 = arith.index_cast %get3A_885 : i32 to index
    %get3A_887 = arith.constant 80 : index
    %get3A_888 = tpu.vector_load %arg5[%get3A_886, %get3A_887] {strides = array<i32>} : memref<128x200xi32, #tpu.memory_space<vmem>>, vector<1x16xi32>,
    %get3A_889 = vector.shape_cast %get3A_888 : vector<1x16xi32> to vector<16xi32>
    %and3A_890 = arith.constant 8191 : i32
    %and3A_891 = vector.broadcast %and3A_890 : i32 to vector<16xi32>
    %and3A_892 = arith.andi %get3A_889, %and3A_891 : vector<16xi32>
    %add3A_893 = arith.addi %get3A_889, %and3A_892 : vector<16xi32>
    %ge3A_894 = arith.constant 4096 : i32
    %ge3A_895 = vector.broadcast %ge3A_894 : i32 to vector<16xi32>
    %ge3A_896 = arith.cmpi sge, %and3A_892, %ge3A_895 : vector<16xi32>
    %sub3A_897 = arith.constant 8191 : i32
    %sub3A_898 = vector.broadcast %sub3A_897 : i32 to vector<16xi32>
    %sub3A_899 = arith.subi %add3A_893, %sub3A_898 : vector<16xi32>
    %select_n3A_900 = arith.select %ge3A_896, %sub3A_899, %add3A_893 : vector<16xi1>, vector<16xi32>
    %swap3A_901 = arith.constant 80 : index
    %swap3A_902 = tpu.vector_load %arg9[%swap3A_901] {strides = array<i32>} : memref<200xi32, #tpu.memory_space<vmem>>, vector<16xi32>,
    %swap3A_903 = vector.shape_cast %swap3A_902 : vector<16xi32> to vector<16xi32>
    %swap3A_904 = vector.shape_cast %select_n3A_900 : vector<16xi32> to vector<16xi32>
    tpu.vector_store %arg9[%swap3A_901], %swap3A_904 {strides = array<i32>} : memref<200xi32, #tpu.memory_space<vmem>>, vector<16xi32>,
    %get3A_905 = arith.constant 3 : i32
    %get3A_906 = arith.index_cast %get3A_905 : i32 to index
    %get3A_907 = arith.constant 96 : index
    %get3A_908 = tpu.vector_load %arg5[%get3A_906, %get3A_907] {strides = array<i32>} : memref<128x200xi32, #tpu.memory_space<vmem>>, vector<1x16xi32>,
    %get3A_909 = vector.shape_cast %get3A_908 : vector<1x16xi32> to vector<16xi32>
    %and3A_910 = arith.constant 8191 : i32
    %and3A_911 = vector.broadcast %and3A_910 : i32 to vector<16xi32>
    %and3A_912 = arith.andi %get3A_909, %and3A_911 : vector<16xi32>
    %add3A_913 = arith.addi %get3A_909, %and3A_912 : vector<16xi32>
    %ge3A_914 = arith.constant 4096 : i32
    %ge3A_915 = vector.broadcast %ge3A_914 : i32 to vector<16xi32>
    %ge3A_916 = arith.cmpi sge, %and3A_912, %ge3A_915 : vector<16xi32>
    %sub3A_917 = arith.constant 8191 : i32
    %sub3A_918 = vector.broadcast %sub3A_917 : i32 to vector<16xi32>
    %sub3A_919 = arith.subi %add3A_913, %sub3A_918 : vector<16xi32>
    %select_n3A_920 = arith.select %ge3A_916, %sub3A_919, %add3A_913 : vector<16xi1>, vector<16xi32>
    %swap3A_921 = arith.constant 96 : index
    %swap3A_922 = tpu.vector_load %arg9[%swap3A_921] {strides = array<i32>} : memref<200xi32, #tpu.memory_space<vmem>>, vector<16xi32>,
    %swap3A_923 = vector.shape_cast %swap3A_922 : vector<16xi32> to vector<16xi32>
    %swap3A_924 = vector.shape_cast %select_n3A_920 : vector<16xi32> to vector<16xi32>
    tpu.vector_store %arg9[%swap3A_921], %swap3A_924 {strides = array<i32>} : memref<200xi32, #tpu.memory_space<vmem>>, vector<16xi32>,
    %get3A_925 = arith.constant 3 : i32
    %get3A_926 = arith.index_cast %get3A_925 : i32 to index
    %get3A_927 = arith.constant 112 : index
    %get3A_928 = tpu.vector_load %arg5[%get3A_926, %get3A_927] {strides = array<i32>} : memref<128x200xi32, #tpu.memory_space<vmem>>, vector<1x16xi32>,
    %get3A_929 = vector.shape_cast %get3A_928 : vector<1x16xi32> to vector<16xi32>
    %and3A_930 = arith.constant 8191 : i32
    %and3A_931 = vector.broadcast %and3A_930 : i32 to vector<16xi32>
    %and3A_932 = arith.andi %get3A_929, %and3A_931 : vector<16xi32>
    %add3A_933 = arith.addi %get3A_929, %and3A_932 : vector<16xi32>
    %ge3A_934 = arith.constant 4096 : i32
    %ge3A_935 = vector.broadcast %ge3A_934 : i32 to vector<16xi32>
    %ge3A_936 = arith.cmpi sge, %and3A_932, %ge3A_935 : vector<16xi32>
    %sub3A_937 = arith.constant 8191 : i32
    %sub3A_938 = vector.broadcast %sub3A_937 : i32 to vector<16xi32>
    %sub3A_939 = arith.subi %add3A_933, %sub3A_938 : vector<16xi32>
    %select_n3A_940 = arith.select %ge3A_936, %sub3A_939, %add3A_933 : vector<16xi1>, vector<16xi32>
    %swap3A_941 = arith.constant 112 : index
    %swap3A_942 = tpu.vector_load %arg9[%swap3A_941] {strides = array<i32>} : memref<200xi32, #tpu.memory_space<vmem>>, vector<16xi32>,
    %swap3A_943 = vector.shape_cast %swap3A_942 : vector<16xi32> to vector<16xi32>
    %swap3A_944 = vector.shape_cast %select_n3A_940 : vector<16xi32> to vector<16xi32>
    tpu.vector_store %arg9[%swap3A_941], %swap3A_944 {strides = array<i32>} : memref<200xi32, #tpu.memory_space<vmem>>, vector<16xi32>,
    %get3A_945 = arith.constant 3 : i32
    %get3A_946 = arith.index_cast %get3A_945 : i32 to index
    %get3A_947 = arith.constant 128 : index
    %get3A_948 = tpu.vector_load %arg5[%get3A_946, %get3A_947] {strides = array<i32>} : memref<128x200xi32, #tpu.memory_space<vmem>>, vector<1x16xi32>,
    %get3A_949 = vector.shape_cast %get3A_948 : vector<1x16xi32> to vector<16xi32>
    %and3A_950 = arith.constant 8191 : i32
    %and3A_951 = vector.broadcast %and3A_950 : i32 to vector<16xi32>
    %and3A_952 = arith.andi %get3A_949, %and3A_951 : vector<16xi32>
    %add3A_953 = arith.addi %get3A_949, %and3A_952 : vector<16xi32>
    %ge3A_954 = arith.constant 4096 : i32
    %ge3A_955 = vector.broadcast %ge3A_954 : i32 to vector<16xi32>
    %ge3A_956 = arith.cmpi sge, %and3A_952, %ge3A_955 : vector<16xi32>
    %sub3A_957 = arith.constant 8191 : i32
    %sub3A_958 = vector.broadcast %sub3A_957 : i32 to vector<16xi32>
    %sub3A_959 = arith.subi %add3A_953, %sub3A_958 : vector<16xi32>
    %select_n3A_960 = arith.select %ge3A_956, %sub3A_959, %add3A_953 : vector<16xi1>, vector<16xi32>
    %swap3A_961 = arith.constant 128 : index
    %swap3A_962 = tpu.vector_load %arg9[%swap3A_961] {strides = array<i32>} : memref<200xi32, #tpu.memory_space<vmem>>, vector<16xi32>,
    %swap3A_963 = vector.shape_cast %swap3A_962 : vector<16xi32> to vector<16xi32>
    %swap3A_964 = vector.shape_cast %select_n3A_960 : vector<16xi32> to vector<16xi32>
    tpu.vector_store %arg9[%swap3A_961], %swap3A_964 {strides = array<i32>} : memref<200xi32, #tpu.memory_space<vmem>>, vector<16xi32>,
    %get3A_965 = arith.constant 3 : i32
    %get3A_966 = arith.index_cast %get3A_965 : i32 to index
    %get3A_967 = arith.constant 144 : index
    %get3A_968 = tpu.vector_load %arg5[%get3A_966, %get3A_967] {strides = array<i32>} : memref<128x200xi32, #tpu.memory_space<vmem>>, vector<1x16xi32>,
    %get3A_969 = vector.shape_cast %get3A_968 : vector<1x16xi32> to vector<16xi32>
    %and3A_970 = arith.constant 8191 : i32
    %and3A_971 = vector.broadcast %and3A_970 : i32 to vector<16xi32>
    %and3A_972 = arith.andi %get3A_969, %and3A_971 : vector<16xi32>
    %add3A_973 = arith.addi %get3A_969, %and3A_972 : vector<16xi32>
    %ge3A_974 = arith.constant 4096 : i32
    %ge3A_975 = vector.broadcast %ge3A_974 : i32 to vector<16xi32>
    %ge3A_976 = arith.cmpi sge, %and3A_972, %ge3A_975 : vector<16xi32>
    %sub3A_977 = arith.constant 8191 : i32
    %sub3A_978 = vector.broadcast %sub3A_977 : i32 to vector<16xi32>
    %sub3A_979 = arith.subi %add3A_973, %sub3A_978 : vector<16xi32>
    %select_n3A_980 = arith.select %ge3A_976, %sub3A_979, %add3A_973 : vector<16xi1>, vector<16xi32>
    %swap3A_981 = arith.constant 144 : index
    %swap3A_982 = tpu.vector_load %arg9[%swap3A_981] {strides = array<i32>} : memref<200xi32, #tpu.memory_space<vmem>>, vector<16xi32>,
    %swap3A_983 = vector.shape_cast %swap3A_982 : vector<16xi32> to vector<16xi32>
    %swap3A_984 = vector.shape_cast %select_n3A_980 : vector<16xi32> to vector<16xi32>
    tpu.vector_store %arg9[%swap3A_981], %swap3A_984 {strides = array<i32>} : memref<200xi32, #tpu.memory_space<vmem>>, vector<16xi32>,
    %get3A_985 = arith.constant 3 : i32
    %get3A_986 = arith.index_cast %get3A_985 : i32 to index
    %get3A_987 = arith.constant 160 : index
    %get3A_988 = tpu.vector_load %arg5[%get3A_986, %get3A_987] {strides = array<i32>} : memref<128x200xi32, #tpu.memory_space<vmem>>, vector<1x16xi32>,
    %get3A_989 = vector.shape_cast %get3A_988 : vector<1x16xi32> to vector<16xi32>
    %and3A_990 = arith.constant 8191 : i32
    %and3A_991 = vector.broadcast %and3A_990 : i32 to vector<16xi32>
    %and3A_992 = arith.andi %get3A_989, %and3A_991 : vector<16xi32>
    %add3A_993 = arith.addi %get3A_989, %and3A_992 : vector<16xi32>
    %ge3A_994 = arith.constant 4096 : i32
    %ge3A_995 = vector.broadcast %ge3A_994 : i32 to vector<16xi32>
    %ge3A_996 = arith.cmpi sge, %and3A_992, %ge3A_995 : vector<16xi32>
    %sub3A_997 = arith.constant 8191 : i32
    %sub3A_998 = vector.broadcast %sub3A_997 : i32 to vector<16xi32>
    %sub3A_999 = arith.subi %add3A_993, %sub3A_998 : vector<16xi32>
    %select_n3A_1000 = arith.select %ge3A_996, %sub3A_999, %add3A_993 : vector<16xi1>, vector<16xi32>
    %swap3A_1001 = arith.constant 160 : index
    %swap3A_1002 = tpu.vector_load %arg9[%swap3A_1001] {strides = array<i32>} : memref<200xi32, #tpu.memory_space<vmem>>, vector<16xi32>,
    %swap3A_1003 = vector.shape_cast %swap3A_1002 : vector<16xi32> to vector<16xi32>
    %swap3A_1004 = vector.shape_cast %select_n3A_1000 : vector<16xi32> to vector<16xi32>
    tpu.vector_store %arg9[%swap3A_1001], %swap3A_1004 {strides = array<i32>} : memref<200xi32, #tpu.memory_space<vmem>>, vector<16xi32>,
    %get3A_1005 = arith.constant 3 : i32
    %get3A_1006 = arith.index_cast %get3A_1005 : i32 to index
    %get3A_1007 = arith.constant 176 : index
    %get3A_1008 = tpu.vector_load %arg5[%get3A_1006, %get3A_1007] {strides = array<i32>} : memref<128x200xi32, #tpu.memory_space<vmem>>, vector<1x16xi32>,
    %get3A_1009 = vector.shape_cast %get3A_1008 : vector<1x16xi32> to vector<16xi32>
    %and3A_1010 = arith.constant 8191 : i32
    %and3A_1011 = vector.broadcast %and3A_1010 : i32 to vector<16xi32>
    %and3A_1012 = arith.andi %get3A_1009, %and3A_1011 : vector<16xi32>
    %add3A_1013 = arith.addi %get3A_1009, %and3A_1012 : vector<16xi32>
    %ge3A_1014 = arith.constant 4096 : i32
    %ge3A_1015 = vector.broadcast %ge3A_1014 : i32 to vector<16xi32>
    %ge3A_1016 = arith.cmpi sge, %and3A_1012, %ge3A_1015 : vector<16xi32>
    %sub3A_1017 = arith.constant 8191 : i32
    %sub3A_1018 = vector.broadcast %sub3A_1017 : i32 to vector<16xi32>
    %sub3A_1019 = arith.subi %add3A_1013, %sub3A_1018 : vector<16xi32>
    %select_n3A_1020 = arith.select %ge3A_1016, %sub3A_1019, %add3A_1013 : vector<16xi1>, vector<16xi32>
    %swap3A_1021 = arith.constant 176 : index
    %swap3A_1022 = tpu.vector_load %arg9[%swap3A_1021] {strides = array<i32>} : memref<200xi32, #tpu.memory_space<vmem>>, vector<16xi32>,
    %swap3A_1023 = vector.shape_cast %swap3A_1022 : vector<16xi32> to vector<16xi32>
    %swap3A_1024 = vector.shape_cast %select_n3A_1020 : vector<16xi32> to vector<16xi32>
    tpu.vector_store %arg9[%swap3A_1021], %swap3A_1024 {strides = array<i32>} : memref<200xi32, #tpu.memory_space<vmem>>, vector<16xi32>,
    %get3A_1025 = arith.constant 3 : i32
    %get3A_1026 = arith.index_cast %get3A_1025 : i32 to index
    %get3A_1027 = arith.constant 184 : index
    %get3A_1028 = tpu.vector_load %arg5[%get3A_1026, %get3A_1027] {strides = array<i32>} : memref<128x200xi32, #tpu.memory_space<vmem>>, vector<1x16xi32>,
    %get3A_1029 = vector.shape_cast %get3A_1028 : vector<1x16xi32> to vector<16xi32>
    %and3A_1030 = arith.constant 8191 : i32
    %and3A_1031 = vector.broadcast %and3A_1030 : i32 to vector<16xi32>
    %and3A_1032 = arith.andi %get3A_1029, %and3A_1031 : vector<16xi32>
    %add3A_1033 = arith.addi %get3A_1029, %and3A_1032 : vector<16xi32>
    %ge3A_1034 = arith.constant 4096 : i32
    %ge3A_1035 = vector.broadcast %ge3A_1034 : i32 to vector<16xi32>
    %ge3A_1036 = arith.cmpi sge, %and3A_1032, %ge3A_1035 : vector<16xi32>
    %sub3A_1037 = arith.constant 8191 : i32
    %sub3A_1038 = vector.broadcast %sub3A_1037 : i32 to vector<16xi32>
    %sub3A_1039 = arith.subi %add3A_1033, %sub3A_1038 : vector<16xi32>
    %select_n3A_1040 = arith.select %ge3A_1036, %sub3A_1039, %add3A_1033 : vector<16xi1>, vector<16xi32>
    %swap3A_1041 = arith.constant 184 : index
    %swap3A_1042 = tpu.vector_load %arg9[%swap3A_1041] {strides = array<i32>} : memref<200xi32, #tpu.memory_space<vmem>>, vector<16xi32>,
    %swap3A_1043 = vector.shape_cast %swap3A_1042 : vector<16xi32> to vector<16xi32>
    %swap3A_1044 = vector.shape_cast %select_n3A_1040 : vector<16xi32> to vector<16xi32>
    tpu.vector_store %arg9[%swap3A_1041], %swap3A_1044 {strides = array<i32>} : memref<200xi32, #tpu.memory_space<vmem>>, vector<16xi32>,
    %dma_start3A_1045 = arith.constant 0 : i32
    %dma_start3A_1046 = arith.constant 0 : i32
    %dma_start3A_1047 = tpu.memref_slice %arg3[%dma_start3A_1045, %dma_start3A_1046] : memref<1007616x64xf32, #tpu.memory_space<hbm>> -> memref<1007616x64xf32, #tpu.memory_space<hbm>>
    tpu.enqueue_indirect_dma source(%dma_start3A_1047 : memref<1007616x64xf32, #tpu.memory_space<hbm>>) target(%arg17 : memref<200x64xf32, #tpu.memory_space<vmem>>) offsets(%arg9 : memref<200xi32, #tpu.memory_space<vmem>>) semaphore(%arg25 : memref<!tpu.dma_semaphore, #tpu.memory_space<semaphore_mem>>)
    %scan3A = arith.constant 0 : i32
    %scan3A_1048 = arith.constant 16 : i32
    %scan3A_1049 = arith.addi %scan3A, %scan3A_1048 : i32
    %scan3A_1050 = arith.constant 1 : i32
    scf.for %scan3A_1099 = %scan3A to %scan3A_1049 step %scan3A_1050  : i32 {
      %mul3A_1100 = arith.constant 8 : i32
      %mul3A_1101 = arith.muli %scan3A_1099, %mul3A_1100 : i32
      %add3A_1102 = arith.constant 0 : i32
      %add3A_1103 = arith.addi %mul3A_1101, %add3A_1102 : i32
      %dma_wait3A_1104 = arith.constant 0 : i32
      %dma_wait3A_1105 = arith.constant 0 : i32
      %dma_wait3A_1106 = tpu.memref_slice %arg3[%dma_wait3A_1104, %dma_wait3A_1105] : memref<1007616x64xf32, #tpu.memory_space<hbm>> -> memref<1007616x64xf32, #tpu.memory_space<hbm>>
      tpu.wait_indirect_dma semaphore(%arg22 : memref<!tpu.dma_semaphore, #tpu.memory_space<semaphore_mem>>) src(%dma_wait3A_1106 : memref<1007616x64xf32, #tpu.memory_space<hbm>>) dst(%arg14 : memref<200x64xf32, #tpu.memory_space<vmem>>)
      %add3A_1107 = arith.addi %mul3A_2, %add3A_1103 : i32
      %mul3A_1108 = arith.constant 200 : i32
      %mul3A_1109 = arith.muli %add3A_1107, %mul3A_1108 : i32
      %dma_start3A_1110 = arith.constant 0 : i32
      %dma_start3A_1111 = tpu.memref_slice %arg4[%mul3A_1109, %dma_start3A_1110] : memref<819200x128xf32, #tpu.memory_space<hbm>> -> memref<200x64xf32, #tpu.memory_space<hbm>>
      %dma_start3A_1112 = arith.constant 0 : i32
      %dma_start3A_1113 = tpu.memref_slice %arg4[%mul3A_1109, %dma_start3A_1112] : memref<819200x128xf32, #tpu.memory_space<hbm>> -> memref<200x64xf32, #tpu.memory_space<hbm>>
      tpu.enqueue_dma source(%arg14 : memref<200x64xf32, #tpu.memory_space<vmem>>) target(%dma_start3A_1113 : memref<200x64xf32, #tpu.memory_space<hbm>>) target_semaphore(%arg30 : memref<!tpu.dma_semaphore, #tpu.memory_space<semaphore_mem>>)
      %add3A_1114 = arith.constant 4 : i32
      %add3A_1115 = arith.addi %add3A_1103, %add3A_1114 : i32
      %lt3A = arith.constant 128 : i32
      %lt3A_1116 = arith.cmpi slt, %add3A_1115, %lt3A : i32
      %convert_element_type3A = arith.extui %lt3A_1116 : i1 to i32
      %cond3A = arith.constant 0 : i32
      %cond3A_1117 = arith.cmpi ne, %convert_element_type3A, %cond3A : i32
      scf.if %cond3A_1117 {
        %sub3A_1265 = arith.constant 4 : i32
        %sub3A_1266 = arith.subi %add3A_1103, %sub3A_1265 : i32
        %ge3A_1267 = arith.constant 0 : i32
        %ge3A_1268 = arith.cmpi sge, %sub3A_1266, %ge3A_1267 : i32
        %convert_element_type3A_1269 = arith.extui %ge3A_1268 : i1 to i32
        %cond3A_1270 = arith.constant 0 : i32
        %cond3A_1271 = arith.cmpi ne, %convert_element_type3A_1269, %cond3A_1270 : i32
        scf.if %cond3A_1271 {
          %dma_wait3A_1524 = arith.constant 0 : i32
          %dma_wait3A_1525 = arith.constant 0 : i32
          %dma_wait3A_1526 = tpu.memref_slice %arg4[%dma_wait3A_1524, %dma_wait3A_1525] : memref<819200x128xf32, #tpu.memory_space<hbm>> -> memref<200x64xf32, #tpu.memory_space<hbm>>
          %dma_wait3A_1527 = arith.constant 0 : i32
          %dma_wait3A_1528 = arith.constant 0 : i32
          %dma_wait3A_1529 = tpu.memref_slice %arg4[%dma_wait3A_1527, %dma_wait3A_1528] : memref<819200x128xf32, #tpu.memory_space<hbm>> -> memref<200x64xf32, #tpu.memory_space<hbm>>
          tpu.wait_dma2 semaphore(%arg34 : memref<!tpu.dma_semaphore, #tpu.memory_space<semaphore_mem>>) src(%arg18 : memref<200x64xf32, #tpu.memory_space<vmem>>) dst(%dma_wait3A_1529 : memref<200x64xf32, #tpu.memory_space<hbm>>)
        } else {
        }
        %add3A_1272 = arith.constant 4 : i32
        %add3A_1273 = arith.addi %add3A_1103, %add3A_1272 : i32
        %get3A_1274 = arith.index_cast %add3A_1273 : i32 to index
        %get3A_1275 = arith.constant 0 : index
        %get3A_1276 = tpu.vector_load %arg5[%get3A_1274, %get3A_1275] {strides = array<i32>} : memref<128x200xi32, #tpu.memory_space<vmem>>, vector<1x16xi32>,
        %get3A_1277 = vector.shape_cast %get3A_1276 : vector<1x16xi32> to vector<16xi32>
        %and3A_1278 = arith.constant 8191 : i32
        %and3A_1279 = vector.broadcast %and3A_1278 : i32 to vector<16xi32>
        %and3A_1280 = arith.andi %get3A_1277, %and3A_1279 : vector<16xi32>
        %add3A_1281 = arith.addi %get3A_1277, %and3A_1280 : vector<16xi32>
        %ge3A_1282 = arith.constant 4096 : i32
        %ge3A_1283 = vector.broadcast %ge3A_1282 : i32 to vector<16xi32>
        %ge3A_1284 = arith.cmpi sge, %and3A_1280, %ge3A_1283 : vector<16xi32>
        %sub3A_1285 = arith.constant 8191 : i32
        %sub3A_1286 = vector.broadcast %sub3A_1285 : i32 to vector<16xi32>
        %sub3A_1287 = arith.subi %add3A_1281, %sub3A_1286 : vector<16xi32>
        %select_n3A_1288 = arith.select %ge3A_1284, %sub3A_1287, %add3A_1281 : vector<16xi1>, vector<16xi32>
        %swap3A_1289 = arith.constant 0 : index
        %swap3A_1290 = tpu.vector_load %arg10[%swap3A_1289] {strides = array<i32>} : memref<200xi32, #tpu.memory_space<vmem>>, vector<16xi32>,
        %swap3A_1291 = vector.shape_cast %swap3A_1290 : vector<16xi32> to vector<16xi32>
        %swap3A_1292 = vector.shape_cast %select_n3A_1288 : vector<16xi32> to vector<16xi32>
        tpu.vector_store %arg10[%swap3A_1289], %swap3A_1292 {strides = array<i32>} : memref<200xi32, #tpu.memory_space<vmem>>, vector<16xi32>,
        %get3A_1293 = arith.index_cast %add3A_1273 : i32 to index
        %get3A_1294 = arith.constant 16 : index
        %get3A_1295 = tpu.vector_load %arg5[%get3A_1293, %get3A_1294] {strides = array<i32>} : memref<128x200xi32, #tpu.memory_space<vmem>>, vector<1x16xi32>,
        %get3A_1296 = vector.shape_cast %get3A_1295 : vector<1x16xi32> to vector<16xi32>
        %and3A_1297 = arith.constant 8191 : i32
        %and3A_1298 = vector.broadcast %and3A_1297 : i32 to vector<16xi32>
        %and3A_1299 = arith.andi %get3A_1296, %and3A_1298 : vector<16xi32>
        %add3A_1300 = arith.addi %get3A_1296, %and3A_1299 : vector<16xi32>
        %ge3A_1301 = arith.constant 4096 : i32
        %ge3A_1302 = vector.broadcast %ge3A_1301 : i32 to vector<16xi32>
        %ge3A_1303 = arith.cmpi sge, %and3A_1299, %ge3A_1302 : vector<16xi32>
        %sub3A_1304 = arith.constant 8191 : i32
        %sub3A_1305 = vector.broadcast %sub3A_1304 : i32 to vector<16xi32>
        %sub3A_1306 = arith.subi %add3A_1300, %sub3A_1305 : vector<16xi32>
        %select_n3A_1307 = arith.select %ge3A_1303, %sub3A_1306, %add3A_1300 : vector<16xi1>, vector<16xi32>
        %swap3A_1308 = arith.constant 16 : index
        %swap3A_1309 = tpu.vector_load %arg10[%swap3A_1308] {strides = array<i32>} : memref<200xi32, #tpu.memory_space<vmem>>, vector<16xi32>,
        %swap3A_1310 = vector.shape_cast %swap3A_1309 : vector<16xi32> to vector<16xi32>
        %swap3A_1311 = vector.shape_cast %select_n3A_1307 : vector<16xi32> to vector<16xi32>
        tpu.vector_store %arg10[%swap3A_1308], %swap3A_1311 {strides = array<i32>} : memref<200xi32, #tpu.memory_space<vmem>>, vector<16xi32>,
        %get3A_1312 = arith.index_cast %add3A_1273 : i32 to index
        %get3A_1313 = arith.constant 32 : index
        %get3A_1314 = tpu.vector_load %arg5[%get3A_1312, %get3A_1313] {strides = array<i32>} : memref<128x200xi32, #tpu.memory_space<vmem>>, vector<1x16xi32>,
        %get3A_1315 = vector.shape_cast %get3A_1314 : vector<1x16xi32> to vector<16xi32>
        %and3A_1316 = arith.constant 8191 : i32
        %and3A_1317 = vector.broadcast %and3A_1316 : i32 to vector<16xi32>
        %and3A_1318 = arith.andi %get3A_1315, %and3A_1317 : vector<16xi32>
        %add3A_1319 = arith.addi %get3A_1315, %and3A_1318 : vector<16xi32>
        %ge3A_1320 = arith.constant 4096 : i32
        %ge3A_1321 = vector.broadcast %ge3A_1320 : i32 to vector<16xi32>
        %ge3A_1322 = arith.cmpi sge, %and3A_1318, %ge3A_1321 : vector<16xi32>
        %sub3A_1323 = arith.constant 8191 : i32
        %sub3A_1324 = vector.broadcast %sub3A_1323 : i32 to vector<16xi32>
        %sub3A_1325 = arith.subi %add3A_1319, %sub3A_1324 : vector<16xi32>
        %select_n3A_1326 = arith.select %ge3A_1322, %sub3A_1325, %add3A_1319 : vector<16xi1>, vector<16xi32>
        %swap3A_1327 = arith.constant 32 : index
        %swap3A_1328 = tpu.vector_load %arg10[%swap3A_1327] {strides = array<i32>} : memref<200xi32, #tpu.memory_space<vmem>>, vector<16xi32>,
        %swap3A_1329 = vector.shape_cast %swap3A_1328 : vector<16xi32> to vector<16xi32>
        %swap3A_1330 = vector.shape_cast %select_n3A_1326 : vector<16xi32> to vector<16xi32>
        tpu.vector_store %arg10[%swap3A_1327], %swap3A_1330 {strides = array<i32>} : memref<200xi32, #tpu.memory_space<vmem>>, vector<16xi32>,
        %get3A_1331 = arith.index_cast %add3A_1273 : i32 to index
        %get3A_1332 = arith.constant 48 : index
        %get3A_1333 = tpu.vector_load %arg5[%get3A_1331, %get3A_1332] {strides = array<i32>} : memref<128x200xi32, #tpu.memory_space<vmem>>, vector<1x16xi32>,
        %get3A_1334 = vector.shape_cast %get3A_1333 : vector<1x16xi32> to vector<16xi32>
        %and3A_1335 = arith.constant 8191 : i32
        %and3A_1336 = vector.broadcast %and3A_1335 : i32 to vector<16xi32>
        %and3A_1337 = arith.andi %get3A_1334, %and3A_1336 : vector<16xi32>
        %add3A_1338 = arith.addi %get3A_1334, %and3A_1337 : vector<16xi32>
        %ge3A_1339 = arith.constant 4096 : i32
        %ge3A_1340 = vector.broadcast %ge3A_1339 : i32 to vector<16xi32>
        %ge3A_1341 = arith.cmpi sge, %and3A_1337, %ge3A_1340 : vector<16xi32>
        %sub3A_1342 = arith.constant 8191 : i32
        %sub3A_1343 = vector.broadcast %sub3A_1342 : i32 to vector<16xi32>
        %sub3A_1344 = arith.subi %add3A_1338, %sub3A_1343 : vector<16xi32>
        %select_n3A_1345 = arith.select %ge3A_1341, %sub3A_1344, %add3A_1338 : vector<16xi1>, vector<16xi32>
        %swap3A_1346 = arith.constant 48 : index
        %swap3A_1347 = tpu.vector_load %arg10[%swap3A_1346] {strides = array<i32>} : memref<200xi32, #tpu.memory_space<vmem>>, vector<16xi32>,
        %swap3A_1348 = vector.shape_cast %swap3A_1347 : vector<16xi32> to vector<16xi32>
        %swap3A_1349 = vector.shape_cast %select_n3A_1345 : vector<16xi32> to vector<16xi32>
        tpu.vector_store %arg10[%swap3A_1346], %swap3A_1349 {strides = array<i32>} : memref<200xi32, #tpu.memory_space<vmem>>, vector<16xi32>,
        %get3A_1350 = arith.index_cast %add3A_1273 : i32 to index
        %get3A_1351 = arith.constant 64 : index
        %get3A_1352 = tpu.vector_load %arg5[%get3A_1350, %get3A_1351] {strides = array<i32>} : memref<128x200xi32, #tpu.memory_space<vmem>>, vector<1x16xi32>,
        %get3A_1353 = vector.shape_cast %get3A_1352 : vector<1x16xi32> to vector<16xi32>
        %and3A_1354 = arith.constant 8191 : i32
        %and3A_1355 = vector.broadcast %and3A_1354 : i32 to vector<16xi32>
        %and3A_1356 = arith.andi %get3A_1353, %and3A_1355 : vector<16xi32>
        %add3A_1357 = arith.addi %get3A_1353, %and3A_1356 : vector<16xi32>
        %ge3A_1358 = arith.constant 4096 : i32
        %ge3A_1359 = vector.broadcast %ge3A_1358 : i32 to vector<16xi32>
        %ge3A_1360 = arith.cmpi sge, %and3A_1356, %ge3A_1359 : vector<16xi32>
        %sub3A_1361 = arith.constant 8191 : i32
        %sub3A_1362 = vector.broadcast %sub3A_1361 : i32 to vector<16xi32>
        %sub3A_1363 = arith.subi %add3A_1357, %sub3A_1362 : vector<16xi32>
        %select_n3A_1364 = arith.select %ge3A_1360, %sub3A_1363, %add3A_1357 : vector<16xi1>, vector<16xi32>
        %swap3A_1365 = arith.constant 64 : index
        %swap3A_1366 = tpu.vector_load %arg10[%swap3A_1365] {strides = array<i32>} : memref<200xi32, #tpu.memory_space<vmem>>, vector<16xi32>,
        %swap3A_1367 = vector.shape_cast %swap3A_1366 : vector<16xi32> to vector<16xi32>
        %swap3A_1368 = vector.shape_cast %select_n3A_1364 : vector<16xi32> to vector<16xi32>
        tpu.vector_store %arg10[%swap3A_1365], %swap3A_1368 {strides = array<i32>} : memref<200xi32, #tpu.memory_space<vmem>>, vector<16xi32>,
        %get3A_1369 = arith.index_cast %add3A_1273 : i32 to index
        %get3A_1370 = arith.constant 80 : index
        %get3A_1371 = tpu.vector_load %arg5[%get3A_1369, %get3A_1370] {strides = array<i32>} : memref<128x200xi32, #tpu.memory_space<vmem>>, vector<1x16xi32>,
        %get3A_1372 = vector.shape_cast %get3A_1371 : vector<1x16xi32> to vector<16xi32>
        %and3A_1373 = arith.constant 8191 : i32
        %and3A_1374 = vector.broadcast %and3A_1373 : i32 to vector<16xi32>
        %and3A_1375 = arith.andi %get3A_1372, %and3A_1374 : vector<16xi32>
        %add3A_1376 = arith.addi %get3A_1372, %and3A_1375 : vector<16xi32>
        %ge3A_1377 = arith.constant 4096 : i32
        %ge3A_1378 = vector.broadcast %ge3A_1377 : i32 to vector<16xi32>
        %ge3A_1379 = arith.cmpi sge, %and3A_1375, %ge3A_1378 : vector<16xi32>
        %sub3A_1380 = arith.constant 8191 : i32
        %sub3A_1381 = vector.broadcast %sub3A_1380 : i32 to vector<16xi32>
        %sub3A_1382 = arith.subi %add3A_1376, %sub3A_1381 : vector<16xi32>
        %select_n3A_1383 = arith.select %ge3A_1379, %sub3A_1382, %add3A_1376 : vector<16xi1>, vector<16xi32>
        %swap3A_1384 = arith.constant 80 : index
        %swap3A_1385 = tpu.vector_load %arg10[%swap3A_1384] {strides = array<i32>} : memref<200xi32, #tpu.memory_space<vmem>>, vector<16xi32>,
        %swap3A_1386 = vector.shape_cast %swap3A_1385 : vector<16xi32> to vector<16xi32>
        %swap3A_1387 = vector.shape_cast %select_n3A_1383 : vector<16xi32> to vector<16xi32>
        tpu.vector_store %arg10[%swap3A_1384], %swap3A_1387 {strides = array<i32>} : memref<200xi32, #tpu.memory_space<vmem>>, vector<16xi32>,
        %get3A_1388 = arith.index_cast %add3A_1273 : i32 to index
        %get3A_1389 = arith.constant 96 : index
        %get3A_1390 = tpu.vector_load %arg5[%get3A_1388, %get3A_1389] {strides = array<i32>} : memref<128x200xi32, #tpu.memory_space<vmem>>, vector<1x16xi32>,
        %get3A_1391 = vector.shape_cast %get3A_1390 : vector<1x16xi32> to vector<16xi32>
        %and3A_1392 = arith.constant 8191 : i32
        %and3A_1393 = vector.broadcast %and3A_1392 : i32 to vector<16xi32>
        %and3A_1394 = arith.andi %get3A_1391, %and3A_1393 : vector<16xi32>
        %add3A_1395 = arith.addi %get3A_1391, %and3A_1394 : vector<16xi32>
        %ge3A_1396 = arith.constant 4096 : i32
        %ge3A_1397 = vector.broadcast %ge3A_1396 : i32 to vector<16xi32>
        %ge3A_1398 = arith.cmpi sge, %and3A_1394, %ge3A_1397 : vector<16xi32>
        %sub3A_1399 = arith.constant 8191 : i32
        %sub3A_1400 = vector.broadcast %sub3A_1399 : i32 to vector<16xi32>
        %sub3A_1401 = arith.subi %add3A_1395, %sub3A_1400 : vector<16xi32>
        %select_n3A_1402 = arith.select %ge3A_1398, %sub3A_1401, %add3A_1395 : vector<16xi1>, vector<16xi32>
        %swap3A_1403 = arith.constant 96 : index
        %swap3A_1404 = tpu.vector_load %arg10[%swap3A_1403] {strides = array<i32>} : memref<200xi32, #tpu.memory_space<vmem>>, vector<16xi32>,
        %swap3A_1405 = vector.shape_cast %swap3A_1404 : vector<16xi32> to vector<16xi32>
        %swap3A_1406 = vector.shape_cast %select_n3A_1402 : vector<16xi32> to vector<16xi32>
        tpu.vector_store %arg10[%swap3A_1403], %swap3A_1406 {strides = array<i32>} : memref<200xi32, #tpu.memory_space<vmem>>, vector<16xi32>,
        %get3A_1407 = arith.index_cast %add3A_1273 : i32 to index
        %get3A_1408 = arith.constant 112 : index
        %get3A_1409 = tpu.vector_load %arg5[%get3A_1407, %get3A_1408] {strides = array<i32>} : memref<128x200xi32, #tpu.memory_space<vmem>>, vector<1x16xi32>,
        %get3A_1410 = vector.shape_cast %get3A_1409 : vector<1x16xi32> to vector<16xi32>
        %and3A_1411 = arith.constant 8191 : i32
        %and3A_1412 = vector.broadcast %and3A_1411 : i32 to vector<16xi32>
        %and3A_1413 = arith.andi %get3A_1410, %and3A_1412 : vector<16xi32>
        %add3A_1414 = arith.addi %get3A_1410, %and3A_1413 : vector<16xi32>
        %ge3A_1415 = arith.constant 4096 : i32
        %ge3A_1416 = vector.broadcast %ge3A_1415 : i32 to vector<16xi32>
        %ge3A_1417 = arith.cmpi sge, %and3A_1413, %ge3A_1416 : vector<16xi32>
        %sub3A_1418 = arith.constant 8191 : i32
        %sub3A_1419 = vector.broadcast %sub3A_1418 : i32 to vector<16xi32>
        %sub3A_1420 = arith.subi %add3A_1414, %sub3A_1419 : vector<16xi32>
        %select_n3A_1421 = arith.select %ge3A_1417, %sub3A_1420, %add3A_1414 : vector<16xi1>, vector<16xi32>
        %swap3A_1422 = arith.constant 112 : index
        %swap3A_1423 = tpu.vector_load %arg10[%swap3A_1422] {strides = array<i32>} : memref<200xi32, #tpu.memory_space<vmem>>, vector<16xi32>,
        %swap3A_1424 = vector.shape_cast %swap3A_1423 : vector<16xi32> to vector<16xi32>
        %swap3A_1425 = vector.shape_cast %select_n3A_1421 : vector<16xi32> to vector<16xi32>
        tpu.vector_store %arg10[%swap3A_1422], %swap3A_1425 {strides = array<i32>} : memref<200xi32, #tpu.memory_space<vmem>>, vector<16xi32>,
        %get3A_1426 = arith.index_cast %add3A_1273 : i32 to index
        %get3A_1427 = arith.constant 128 : index
        %get3A_1428 = tpu.vector_load %arg5[%get3A_1426, %get3A_1427] {strides = array<i32>} : memref<128x200xi32, #tpu.memory_space<vmem>>, vector<1x16xi32>,
        %get3A_1429 = vector.shape_cast %get3A_1428 : vector<1x16xi32> to vector<16xi32>
        %and3A_1430 = arith.constant 8191 : i32
        %and3A_1431 = vector.broadcast %and3A_1430 : i32 to vector<16xi32>
        %and3A_1432 = arith.andi %get3A_1429, %and3A_1431 : vector<16xi32>
        %add3A_1433 = arith.addi %get3A_1429, %and3A_1432 : vector<16xi32>
        %ge3A_1434 = arith.constant 4096 : i32
        %ge3A_1435 = vector.broadcast %ge3A_1434 : i32 to vector<16xi32>
        %ge3A_1436 = arith.cmpi sge, %and3A_1432, %ge3A_1435 : vector<16xi32>
        %sub3A_1437 = arith.constant 8191 : i32
        %sub3A_1438 = vector.broadcast %sub3A_1437 : i32 to vector<16xi32>
        %sub3A_1439 = arith.subi %add3A_1433, %sub3A_1438 : vector<16xi32>
        %select_n3A_1440 = arith.select %ge3A_1436, %sub3A_1439, %add3A_1433 : vector<16xi1>, vector<16xi32>
        %swap3A_1441 = arith.constant 128 : index
        %swap3A_1442 = tpu.vector_load %arg10[%swap3A_1441] {strides = array<i32>} : memref<200xi32, #tpu.memory_space<vmem>>, vector<16xi32>,
        %swap3A_1443 = vector.shape_cast %swap3A_1442 : vector<16xi32> to vector<16xi32>
        %swap3A_1444 = vector.shape_cast %select_n3A_1440 : vector<16xi32> to vector<16xi32>
        tpu.vector_store %arg10[%swap3A_1441], %swap3A_1444 {strides = array<i32>} : memref<200xi32, #tpu.memory_space<vmem>>, vector<16xi32>,
        %get3A_1445 = arith.index_cast %add3A_1273 : i32 to index
        %get3A_1446 = arith.constant 144 : index
        %get3A_1447 = tpu.vector_load %arg5[%get3A_1445, %get3A_1446] {strides = array<i32>} : memref<128x200xi32, #tpu.memory_space<vmem>>, vector<1x16xi32>,
        %get3A_1448 = vector.shape_cast %get3A_1447 : vector<1x16xi32> to vector<16xi32>
        %and3A_1449 = arith.constant 8191 : i32
        %and3A_1450 = vector.broadcast %and3A_1449 : i32 to vector<16xi32>
        %and3A_1451 = arith.andi %get3A_1448, %and3A_1450 : vector<16xi32>
        %add3A_1452 = arith.addi %get3A_1448, %and3A_1451 : vector<16xi32>
        %ge3A_1453 = arith.constant 4096 : i32
        %ge3A_1454 = vector.broadcast %ge3A_1453 : i32 to vector<16xi32>
        %ge3A_1455 = arith.cmpi sge, %and3A_1451, %ge3A_1454 : vector<16xi32>
        %sub3A_1456 = arith.constant 8191 : i32
        %sub3A_1457 = vector.broadcast %sub3A_1456 : i32 to vector<16xi32>
        %sub3A_1458 = arith.subi %add3A_1452, %sub3A_1457 : vector<16xi32>
        %select_n3A_1459 = arith.select %ge3A_1455, %sub3A_1458, %add3A_1452 : vector<16xi1>, vector<16xi32>
        %swap3A_1460 = arith.constant 144 : index
        %swap3A_1461 = tpu.vector_load %arg10[%swap3A_1460] {strides = array<i32>} : memref<200xi32, #tpu.memory_space<vmem>>, vector<16xi32>,
        %swap3A_1462 = vector.shape_cast %swap3A_1461 : vector<16xi32> to vector<16xi32>
        %swap3A_1463 = vector.shape_cast %select_n3A_1459 : vector<16xi32> to vector<16xi32>
        tpu.vector_store %arg10[%swap3A_1460], %swap3A_1463 {strides = array<i32>} : memref<200xi32, #tpu.memory_space<vmem>>, vector<16xi32>,
        %get3A_1464 = arith.index_cast %add3A_1273 : i32 to index
        %get3A_1465 = arith.constant 160 : index
        %get3A_1466 = tpu.vector_load %arg5[%get3A_1464, %get3A_1465] {strides = array<i32>} : memref<128x200xi32, #tpu.memory_space<vmem>>, vector<1x16xi32>,
        %get3A_1467 = vector.shape_cast %get3A_1466 : vector<1x16xi32> to vector<16xi32>
        %and3A_1468 = arith.constant 8191 : i32
        %and3A_1469 = vector.broadcast %and3A_1468 : i32 to vector<16xi32>
        %and3A_1470 = arith.andi %get3A_1467, %and3A_1469 : vector<16xi32>
        %add3A_1471 = arith.addi %get3A_1467, %and3A_1470 : vector<16xi32>
        %ge3A_1472 = arith.constant 4096 : i32
        %ge3A_1473 = vector.broadcast %ge3A_1472 : i32 to vector<16xi32>
        %ge3A_1474 = arith.cmpi sge, %and3A_1470, %ge3A_1473 : vector<16xi32>
        %sub3A_1475 = arith.constant 8191 : i32
        %sub3A_1476 = vector.broadcast %sub3A_1475 : i32 to vector<16xi32>
        %sub3A_1477 = arith.subi %add3A_1471, %sub3A_1476 : vector<16xi32>
        %select_n3A_1478 = arith.select %ge3A_1474, %sub3A_1477, %add3A_1471 : vector<16xi1>, vector<16xi32>
        %swap3A_1479 = arith.constant 160 : index
        %swap3A_1480 = tpu.vector_load %arg10[%swap3A_1479] {strides = array<i32>} : memref<200xi32, #tpu.memory_space<vmem>>, vector<16xi32>,
        %swap3A_1481 = vector.shape_cast %swap3A_1480 : vector<16xi32> to vector<16xi32>
        %swap3A_1482 = vector.shape_cast %select_n3A_1478 : vector<16xi32> to vector<16xi32>
        tpu.vector_store %arg10[%swap3A_1479], %swap3A_1482 {strides = array<i32>} : memref<200xi32, #tpu.memory_space<vmem>>, vector<16xi32>,
        %get3A_1483 = arith.index_cast %add3A_1273 : i32 to index
        %get3A_1484 = arith.constant 176 : index
        %get3A_1485 = tpu.vector_load %arg5[%get3A_1483, %get3A_1484] {strides = array<i32>} : memref<128x200xi32, #tpu.memory_space<vmem>>, vector<1x16xi32>,
        %get3A_1486 = vector.shape_cast %get3A_1485 : vector<1x16xi32> to vector<16xi32>
        %and3A_1487 = arith.constant 8191 : i32
        %and3A_1488 = vector.broadcast %and3A_1487 : i32 to vector<16xi32>
        %and3A_1489 = arith.andi %get3A_1486, %and3A_1488 : vector<16xi32>
        %add3A_1490 = arith.addi %get3A_1486, %and3A_1489 : vector<16xi32>
        %ge3A_1491 = arith.constant 4096 : i32
        %ge3A_1492 = vector.broadcast %ge3A_1491 : i32 to vector<16xi32>
        %ge3A_1493 = arith.cmpi sge, %and3A_1489, %ge3A_1492 : vector<16xi32>
        %sub3A_1494 = arith.constant 8191 : i32
        %sub3A_1495 = vector.broadcast %sub3A_1494 : i32 to vector<16xi32>
        %sub3A_1496 = arith.subi %add3A_1490, %sub3A_1495 : vector<16xi32>
        %select_n3A_1497 = arith.select %ge3A_1493, %sub3A_1496, %add3A_1490 : vector<16xi1>, vector<16xi32>
        %swap3A_1498 = arith.constant 176 : index
        %swap3A_1499 = tpu.vector_load %arg10[%swap3A_1498] {strides = array<i32>} : memref<200xi32, #tpu.memory_space<vmem>>, vector<16xi32>,
        %swap3A_1500 = vector.shape_cast %swap3A_1499 : vector<16xi32> to vector<16xi32>
        %swap3A_1501 = vector.shape_cast %select_n3A_1497 : vector<16xi32> to vector<16xi32>
        tpu.vector_store %arg10[%swap3A_1498], %swap3A_1501 {strides = array<i32>} : memref<200xi32, #tpu.memory_space<vmem>>, vector<16xi32>,
        %get3A_1502 = arith.index_cast %add3A_1273 : i32 to index
        %get3A_1503 = arith.constant 184 : index
        %get3A_1504 = tpu.vector_load %arg5[%get3A_1502, %get3A_1503] {strides = array<i32>} : memref<128x200xi32, #tpu.memory_space<vmem>>, vector<1x16xi32>,
        %get3A_1505 = vector.shape_cast %get3A_1504 : vector<1x16xi32> to vector<16xi32>
        %and3A_1506 = arith.constant 8191 : i32
        %and3A_1507 = vector.broadcast %and3A_1506 : i32 to vector<16xi32>
        %and3A_1508 = arith.andi %get3A_1505, %and3A_1507 : vector<16xi32>
        %add3A_1509 = arith.addi %get3A_1505, %and3A_1508 : vector<16xi32>
        %ge3A_1510 = arith.constant 4096 : i32
        %ge3A_1511 = vector.broadcast %ge3A_1510 : i32 to vector<16xi32>
        %ge3A_1512 = arith.cmpi sge, %and3A_1508, %ge3A_1511 : vector<16xi32>
        %sub3A_1513 = arith.constant 8191 : i32
        %sub3A_1514 = vector.broadcast %sub3A_1513 : i32 to vector<16xi32>
        %sub3A_1515 = arith.subi %add3A_1509, %sub3A_1514 : vector<16xi32>
        %select_n3A_1516 = arith.select %ge3A_1512, %sub3A_1515, %add3A_1509 : vector<16xi1>, vector<16xi32>
        %swap3A_1517 = arith.constant 184 : index
        %swap3A_1518 = tpu.vector_load %arg10[%swap3A_1517] {strides = array<i32>} : memref<200xi32, #tpu.memory_space<vmem>>, vector<16xi32>,
        %swap3A_1519 = vector.shape_cast %swap3A_1518 : vector<16xi32> to vector<16xi32>
        %swap3A_1520 = vector.shape_cast %select_n3A_1516 : vector<16xi32> to vector<16xi32>
        tpu.vector_store %arg10[%swap3A_1517], %swap3A_1520 {strides = array<i32>} : memref<200xi32, #tpu.memory_space<vmem>>, vector<16xi32>,
        %dma_start3A_1521 = arith.constant 0 : i32
        %dma_start3A_1522 = arith.constant 0 : i32
        %dma_start3A_1523 = tpu.memref_slice %arg3[%dma_start3A_1521, %dma_start3A_1522] : memref<1007616x64xf32, #tpu.memory_space<hbm>> -> memref<1007616x64xf32, #tpu.memory_space<hbm>>
        tpu.enqueue_indirect_dma source(%dma_start3A_1523 : memref<1007616x64xf32, #tpu.memory_space<hbm>>) target(%arg18 : memref<200x64xf32, #tpu.memory_space<vmem>>) offsets(%arg10 : memref<200xi32, #tpu.memory_space<vmem>>) semaphore(%arg26 : memref<!tpu.dma_semaphore, #tpu.memory_space<semaphore_mem>>)
      } else {
      }
      %mul3A_1118 = arith.constant 8 : i32
      %mul3A_1119 = arith.muli %scan3A_1099, %mul3A_1118 : i32
      %add3A_1120 = arith.constant 1 : i32
      %add3A_1121 = arith.addi %mul3A_1119, %add3A_1120 : i32
      %dma_wait3A_1122 = arith.constant 0 : i32
      %dma_wait3A_1123 = arith.constant 0 : i32
      %dma_wait3A_1124 = tpu.memref_slice %arg3[%dma_wait3A_1122, %dma_wait3A_1123] : memref<1007616x64xf32, #tpu.memory_space<hbm>> -> memref<1007616x64xf32, #tpu.memory_space<hbm>>
      tpu.wait_indirect_dma semaphore(%arg23 : memref<!tpu.dma_semaphore, #tpu.memory_space<semaphore_mem>>) src(%dma_wait3A_1124 : memref<1007616x64xf32, #tpu.memory_space<hbm>>) dst(%arg15 : memref<200x64xf32, #tpu.memory_space<vmem>>)
      %add3A_1125 = arith.addi %mul3A_2, %add3A_1121 : i32
      %mul3A_1126 = arith.constant 200 : i32
      %mul3A_1127 = arith.muli %add3A_1125, %mul3A_1126 : i32
      %dma_start3A_1128 = arith.constant 0 : i32
      %dma_start3A_1129 = tpu.memref_slice %arg4[%mul3A_1127, %dma_start3A_1128] : memref<819200x128xf32, #tpu.memory_space<hbm>> -> memref<200x64xf32, #tpu.memory_space<hbm>>
      %dma_start3A_1130 = arith.constant 0 : i32
      %dma_start3A_1131 = tpu.memref_slice %arg4[%mul3A_1127, %dma_start3A_1130] : memref<819200x128xf32, #tpu.memory_space<hbm>> -> memref<200x64xf32, #tpu.memory_space<hbm>>
      tpu.enqueue_dma source(%arg15 : memref<200x64xf32, #tpu.memory_space<vmem>>) target(%dma_start3A_1131 : memref<200x64xf32, #tpu.memory_space<hbm>>) target_semaphore(%arg31 : memref<!tpu.dma_semaphore, #tpu.memory_space<semaphore_mem>>)
      %add3A_1132 = arith.constant 4 : i32
      %add3A_1133 = arith.addi %add3A_1121, %add3A_1132 : i32
      %lt3A_1134 = arith.constant 128 : i32
      %lt3A_1135 = arith.cmpi slt, %add3A_1133, %lt3A_1134 : i32
      %convert_element_type3A_1136 = arith.extui %lt3A_1135 : i1 to i32
      %cond3A_1137 = arith.constant 0 : i32
      %cond3A_1138 = arith.cmpi ne, %convert_element_type3A_1136, %cond3A_1137 : i32
      scf.if %cond3A_1138 {
        %sub3A_1265 = arith.constant 4 : i32
        %sub3A_1266 = arith.subi %add3A_1121, %sub3A_1265 : i32
        %ge3A_1267 = arith.constant 0 : i32
        %ge3A_1268 = arith.cmpi sge, %sub3A_1266, %ge3A_1267 : i32
        %convert_element_type3A_1269 = arith.extui %ge3A_1268 : i1 to i32
        %cond3A_1270 = arith.constant 0 : i32
        %cond3A_1271 = arith.cmpi ne, %convert_element_type3A_1269, %cond3A_1270 : i32
        scf.if %cond3A_1271 {
          %dma_wait3A_1524 = arith.constant 0 : i32
          %dma_wait3A_1525 = arith.constant 0 : i32
          %dma_wait3A_1526 = tpu.memref_slice %arg4[%dma_wait3A_1524, %dma_wait3A_1525] : memref<819200x128xf32, #tpu.memory_space<hbm>> -> memref<200x64xf32, #tpu.memory_space<hbm>>
          %dma_wait3A_1527 = arith.constant 0 : i32
          %dma_wait3A_1528 = arith.constant 0 : i32
          %dma_wait3A_1529 = tpu.memref_slice %arg4[%dma_wait3A_1527, %dma_wait3A_1528] : memref<819200x128xf32, #tpu.memory_space<hbm>> -> memref<200x64xf32, #tpu.memory_space<hbm>>
          tpu.wait_dma2 semaphore(%arg35 : memref<!tpu.dma_semaphore, #tpu.memory_space<semaphore_mem>>) src(%arg19 : memref<200x64xf32, #tpu.memory_space<vmem>>) dst(%dma_wait3A_1529 : memref<200x64xf32, #tpu.memory_space<hbm>>)
        } else {
        }
        %add3A_1272 = arith.constant 4 : i32
        %add3A_1273 = arith.addi %add3A_1121, %add3A_1272 : i32
        %get3A_1274 = arith.index_cast %add3A_1273 : i32 to index
        %get3A_1275 = arith.constant 0 : index
        %get3A_1276 = tpu.vector_load %arg5[%get3A_1274, %get3A_1275] {strides = array<i32>} : memref<128x200xi32, #tpu.memory_space<vmem>>, vector<1x16xi32>,
        %get3A_1277 = vector.shape_cast %get3A_1276 : vector<1x16xi32> to vector<16xi32>
        %and3A_1278 = arith.constant 8191 : i32
        %and3A_1279 = vector.broadcast %and3A_1278 : i32 to vector<16xi32>
        %and3A_1280 = arith.andi %get3A_1277, %and3A_1279 : vector<16xi32>
        %add3A_1281 = arith.addi %get3A_1277, %and3A_1280 : vector<16xi32>
        %ge3A_1282 = arith.constant 4096 : i32
        %ge3A_1283 = vector.broadcast %ge3A_1282 : i32 to vector<16xi32>
        %ge3A_1284 = arith.cmpi sge, %and3A_1280, %ge3A_1283 : vector<16xi32>
        %sub3A_1285 = arith.constant 8191 : i32
        %sub3A_1286 = vector.broadcast %sub3A_1285 : i32 to vector<16xi32>
        %sub3A_1287 = arith.subi %add3A_1281, %sub3A_1286 : vector<16xi32>
        %select_n3A_1288 = arith.select %ge3A_1284, %sub3A_1287, %add3A_1281 : vector<16xi1>, vector<16xi32>
        %swap3A_1289 = arith.constant 0 : index
        %swap3A_1290 = tpu.vector_load %arg11[%swap3A_1289] {strides = array<i32>} : memref<200xi32, #tpu.memory_space<vmem>>, vector<16xi32>,
        %swap3A_1291 = vector.shape_cast %swap3A_1290 : vector<16xi32> to vector<16xi32>
        %swap3A_1292 = vector.shape_cast %select_n3A_1288 : vector<16xi32> to vector<16xi32>
        tpu.vector_store %arg11[%swap3A_1289], %swap3A_1292 {strides = array<i32>} : memref<200xi32, #tpu.memory_space<vmem>>, vector<16xi32>,
        %get3A_1293 = arith.index_cast %add3A_1273 : i32 to index
        %get3A_1294 = arith.constant 16 : index
        %get3A_1295 = tpu.vector_load %arg5[%get3A_1293, %get3A_1294] {strides = array<i32>} : memref<128x200xi32, #tpu.memory_space<vmem>>, vector<1x16xi32>,
        %get3A_1296 = vector.shape_cast %get3A_1295 : vector<1x16xi32> to vector<16xi32>
        %and3A_1297 = arith.constant 8191 : i32
        %and3A_1298 = vector.broadcast %and3A_1297 : i32 to vector<16xi32>
        %and3A_1299 = arith.andi %get3A_1296, %and3A_1298 : vector<16xi32>
        %add3A_1300 = arith.addi %get3A_1296, %and3A_1299 : vector<16xi32>
        %ge3A_1301 = arith.constant 4096 : i32
        %ge3A_1302 = vector.broadcast %ge3A_1301 : i32 to vector<16xi32>
        %ge3A_1303 = arith.cmpi sge, %and3A_1299, %ge3A_1302 : vector<16xi32>
        %sub3A_1304 = arith.constant 8191 : i32
        %sub3A_1305 = vector.broadcast %sub3A_1304 : i32 to vector<16xi32>
        %sub3A_1306 = arith.subi %add3A_1300, %sub3A_1305 : vector<16xi32>
        %select_n3A_1307 = arith.select %ge3A_1303, %sub3A_1306, %add3A_1300 : vector<16xi1>, vector<16xi32>
        %swap3A_1308 = arith.constant 16 : index
        %swap3A_1309 = tpu.vector_load %arg11[%swap3A_1308] {strides = array<i32>} : memref<200xi32, #tpu.memory_space<vmem>>, vector<16xi32>,
        %swap3A_1310 = vector.shape_cast %swap3A_1309 : vector<16xi32> to vector<16xi32>
        %swap3A_1311 = vector.shape_cast %select_n3A_1307 : vector<16xi32> to vector<16xi32>
        tpu.vector_store %arg11[%swap3A_1308], %swap3A_1311 {strides = array<i32>} : memref<200xi32, #tpu.memory_space<vmem>>, vector<16xi32>,
        %get3A_1312 = arith.index_cast %add3A_1273 : i32 to index
        %get3A_1313 = arith.constant 32 : index
        %get3A_1314 = tpu.vector_load %arg5[%get3A_1312, %get3A_1313] {strides = array<i32>} : memref<128x200xi32, #tpu.memory_space<vmem>>, vector<1x16xi32>,
        %get3A_1315 = vector.shape_cast %get3A_1314 : vector<1x16xi32> to vector<16xi32>
        %and3A_1316 = arith.constant 8191 : i32
        %and3A_1317 = vector.broadcast %and3A_1316 : i32 to vector<16xi32>
        %and3A_1318 = arith.andi %get3A_1315, %and3A_1317 : vector<16xi32>
        %add3A_1319 = arith.addi %get3A_1315, %and3A_1318 : vector<16xi32>
        %ge3A_1320 = arith.constant 4096 : i32
        %ge3A_1321 = vector.broadcast %ge3A_1320 : i32 to vector<16xi32>
        %ge3A_1322 = arith.cmpi sge, %and3A_1318, %ge3A_1321 : vector<16xi32>
        %sub3A_1323 = arith.constant 8191 : i32
        %sub3A_1324 = vector.broadcast %sub3A_1323 : i32 to vector<16xi32>
        %sub3A_1325 = arith.subi %add3A_1319, %sub3A_1324 : vector<16xi32>
        %select_n3A_1326 = arith.select %ge3A_1322, %sub3A_1325, %add3A_1319 : vector<16xi1>, vector<16xi32>
        %swap3A_1327 = arith.constant 32 : index
        %swap3A_1328 = tpu.vector_load %arg11[%swap3A_1327] {strides = array<i32>} : memref<200xi32, #tpu.memory_space<vmem>>, vector<16xi32>,
        %swap3A_1329 = vector.shape_cast %swap3A_1328 : vector<16xi32> to vector<16xi32>
        %swap3A_1330 = vector.shape_cast %select_n3A_1326 : vector<16xi32> to vector<16xi32>
        tpu.vector_store %arg11[%swap3A_1327], %swap3A_1330 {strides = array<i32>} : memref<200xi32, #tpu.memory_space<vmem>>, vector<16xi32>,
        %get3A_1331 = arith.index_cast %add3A_1273 : i32 to index
        %get3A_1332 = arith.constant 48 : index
        %get3A_1333 = tpu.vector_load %arg5[%get3A_1331, %get3A_1332] {strides = array<i32>} : memref<128x200xi32, #tpu.memory_space<vmem>>, vector<1x16xi32>,
        %get3A_1334 = vector.shape_cast %get3A_1333 : vector<1x16xi32> to vector<16xi32>
        %and3A_1335 = arith.constant 8191 : i32
        %and3A_1336 = vector.broadcast %and3A_1335 : i32 to vector<16xi32>
        %and3A_1337 = arith.andi %get3A_1334, %and3A_1336 : vector<16xi32>
        %add3A_1338 = arith.addi %get3A_1334, %and3A_1337 : vector<16xi32>
        %ge3A_1339 = arith.constant 4096 : i32
        %ge3A_1340 = vector.broadcast %ge3A_1339 : i32 to vector<16xi32>
        %ge3A_1341 = arith.cmpi sge, %and3A_1337, %ge3A_1340 : vector<16xi32>
        %sub3A_1342 = arith.constant 8191 : i32
        %sub3A_1343 = vector.broadcast %sub3A_1342 : i32 to vector<16xi32>
        %sub3A_1344 = arith.subi %add3A_1338, %sub3A_1343 : vector<16xi32>
        %select_n3A_1345 = arith.select %ge3A_1341, %sub3A_1344, %add3A_1338 : vector<16xi1>, vector<16xi32>
        %swap3A_1346 = arith.constant 48 : index
        %swap3A_1347 = tpu.vector_load %arg11[%swap3A_1346] {strides = array<i32>} : memref<200xi32, #tpu.memory_space<vmem>>, vector<16xi32>,
        %swap3A_1348 = vector.shape_cast %swap3A_1347 : vector<16xi32> to vector<16xi32>
        %swap3A_1349 = vector.shape_cast %select_n3A_1345 : vector<16xi32> to vector<16xi32>
        tpu.vector_store %arg11[%swap3A_1346], %swap3A_1349 {strides = array<i32>} : memref<200xi32, #tpu.memory_space<vmem>>, vector<16xi32>,
        %get3A_1350 = arith.index_cast %add3A_1273 : i32 to index
        %get3A_1351 = arith.constant 64 : index
        %get3A_1352 = tpu.vector_load %arg5[%get3A_1350, %get3A_1351] {strides = array<i32>} : memref<128x200xi32, #tpu.memory_space<vmem>>, vector<1x16xi32>,
        %get3A_1353 = vector.shape_cast %get3A_1352 : vector<1x16xi32> to vector<16xi32>
        %and3A_1354 = arith.constant 8191 : i32
        %and3A_1355 = vector.broadcast %and3A_1354 : i32 to vector<16xi32>
        %and3A_1356 = arith.andi %get3A_1353, %and3A_1355 : vector<16xi32>
        %add3A_1357 = arith.addi %get3A_1353, %and3A_1356 : vector<16xi32>
        %ge3A_1358 = arith.constant 4096 : i32
        %ge3A_1359 = vector.broadcast %ge3A_1358 : i32 to vector<16xi32>
        %ge3A_1360 = arith.cmpi sge, %and3A_1356, %ge3A_1359 : vector<16xi32>
        %sub3A_1361 = arith.constant 8191 : i32
        %sub3A_1362 = vector.broadcast %sub3A_1361 : i32 to vector<16xi32>
        %sub3A_1363 = arith.subi %add3A_1357, %sub3A_1362 : vector<16xi32>
        %select_n3A_1364 = arith.select %ge3A_1360, %sub3A_1363, %add3A_1357 : vector<16xi1>, vector<16xi32>
        %swap3A_1365 = arith.constant 64 : index
        %swap3A_1366 = tpu.vector_load %arg11[%swap3A_1365] {strides = array<i32>} : memref<200xi32, #tpu.memory_space<vmem>>, vector<16xi32>,
        %swap3A_1367 = vector.shape_cast %swap3A_1366 : vector<16xi32> to vector<16xi32>
        %swap3A_1368 = vector.shape_cast %select_n3A_1364 : vector<16xi32> to vector<16xi32>
        tpu.vector_store %arg11[%swap3A_1365], %swap3A_1368 {strides = array<i32>} : memref<200xi32, #tpu.memory_space<vmem>>, vector<16xi32>,
        %get3A_1369 = arith.index_cast %add3A_1273 : i32 to index
        %get3A_1370 = arith.constant 80 : index
        %get3A_1371 = tpu.vector_load %arg5[%get3A_1369, %get3A_1370] {strides = array<i32>} : memref<128x200xi32, #tpu.memory_space<vmem>>, vector<1x16xi32>,
        %get3A_1372 = vector.shape_cast %get3A_1371 : vector<1x16xi32> to vector<16xi32>
        %and3A_1373 = arith.constant 8191 : i32
        %and3A_1374 = vector.broadcast %and3A_1373 : i32 to vector<16xi32>
        %and3A_1375 = arith.andi %get3A_1372, %and3A_1374 : vector<16xi32>
        %add3A_1376 = arith.addi %get3A_1372, %and3A_1375 : vector<16xi32>
        %ge3A_1377 = arith.constant 4096 : i32
        %ge3A_1378 = vector.broadcast %ge3A_1377 : i32 to vector<16xi32>
        %ge3A_1379 = arith.cmpi sge, %and3A_1375, %ge3A_1378 : vector<16xi32>
        %sub3A_1380 = arith.constant 8191 : i32
        %sub3A_1381 = vector.broadcast %sub3A_1380 : i32 to vector<16xi32>
        %sub3A_1382 = arith.subi %add3A_1376, %sub3A_1381 : vector<16xi32>
        %select_n3A_1383 = arith.select %ge3A_1379, %sub3A_1382, %add3A_1376 : vector<16xi1>, vector<16xi32>
        %swap3A_1384 = arith.constant 80 : index
        %swap3A_1385 = tpu.vector_load %arg11[%swap3A_1384] {strides = array<i32>} : memref<200xi32, #tpu.memory_space<vmem>>, vector<16xi32>,
        %swap3A_1386 = vector.shape_cast %swap3A_1385 : vector<16xi32> to vector<16xi32>
        %swap3A_1387 = vector.shape_cast %select_n3A_1383 : vector<16xi32> to vector<16xi32>
        tpu.vector_store %arg11[%swap3A_1384], %swap3A_1387 {strides = array<i32>} : memref<200xi32, #tpu.memory_space<vmem>>, vector<16xi32>,
        %get3A_1388 = arith.index_cast %add3A_1273 : i32 to index
        %get3A_1389 = arith.constant 96 : index
        %get3A_1390 = tpu.vector_load %arg5[%get3A_1388, %get3A_1389] {strides = array<i32>} : memref<128x200xi32, #tpu.memory_space<vmem>>, vector<1x16xi32>,
        %get3A_1391 = vector.shape_cast %get3A_1390 : vector<1x16xi32> to vector<16xi32>
        %and3A_1392 = arith.constant 8191 : i32
        %and3A_1393 = vector.broadcast %and3A_1392 : i32 to vector<16xi32>
        %and3A_1394 = arith.andi %get3A_1391, %and3A_1393 : vector<16xi32>
        %add3A_1395 = arith.addi %get3A_1391, %and3A_1394 : vector<16xi32>
        %ge3A_1396 = arith.constant 4096 : i32
        %ge3A_1397 = vector.broadcast %ge3A_1396 : i32 to vector<16xi32>
        %ge3A_1398 = arith.cmpi sge, %and3A_1394, %ge3A_1397 : vector<16xi32>
        %sub3A_1399 = arith.constant 8191 : i32
        %sub3A_1400 = vector.broadcast %sub3A_1399 : i32 to vector<16xi32>
        %sub3A_1401 = arith.subi %add3A_1395, %sub3A_1400 : vector<16xi32>
        %select_n3A_1402 = arith.select %ge3A_1398, %sub3A_1401, %add3A_1395 : vector<16xi1>, vector<16xi32>
        %swap3A_1403 = arith.constant 96 : index
        %swap3A_1404 = tpu.vector_load %arg11[%swap3A_1403] {strides = array<i32>} : memref<200xi32, #tpu.memory_space<vmem>>, vector<16xi32>,
        %swap3A_1405 = vector.shape_cast %swap3A_1404 : vector<16xi32> to vector<16xi32>
        %swap3A_1406 = vector.shape_cast %select_n3A_1402 : vector<16xi32> to vector<16xi32>
        tpu.vector_store %arg11[%swap3A_1403], %swap3A_1406 {strides = array<i32>} : memref<200xi32, #tpu.memory_space<vmem>>, vector<16xi32>,
        %get3A_1407 = arith.index_cast %add3A_1273 : i32 to index
        %get3A_1408 = arith.constant 112 : index
        %get3A_1409 = tpu.vector_load %arg5[%get3A_1407, %get3A_1408] {strides = array<i32>} : memref<128x200xi32, #tpu.memory_space<vmem>>, vector<1x16xi32>,
        %get3A_1410 = vector.shape_cast %get3A_1409 : vector<1x16xi32> to vector<16xi32>
        %and3A_1411 = arith.constant 8191 : i32
        %and3A_1412 = vector.broadcast %and3A_1411 : i32 to vector<16xi32>
        %and3A_1413 = arith.andi %get3A_1410, %and3A_1412 : vector<16xi32>
        %add3A_1414 = arith.addi %get3A_1410, %and3A_1413 : vector<16xi32>
        %ge3A_1415 = arith.constant 4096 : i32
        %ge3A_1416 = vector.broadcast %ge3A_1415 : i32 to vector<16xi32>
        %ge3A_1417 = arith.cmpi sge, %and3A_1413, %ge3A_1416 : vector<16xi32>
        %sub3A_1418 = arith.constant 8191 : i32
        %sub3A_1419 = vector.broadcast %sub3A_1418 : i32 to vector<16xi32>
        %sub3A_1420 = arith.subi %add3A_1414, %sub3A_1419 : vector<16xi32>
        %select_n3A_1421 = arith.select %ge3A_1417, %sub3A_1420, %add3A_1414 : vector<16xi1>, vector<16xi32>
        %swap3A_1422 = arith.constant 112 : index
        %swap3A_1423 = tpu.vector_load %arg11[%swap3A_1422] {strides = array<i32>} : memref<200xi32, #tpu.memory_space<vmem>>, vector<16xi32>,
        %swap3A_1424 = vector.shape_cast %swap3A_1423 : vector<16xi32> to vector<16xi32>
        %swap3A_1425 = vector.shape_cast %select_n3A_1421 : vector<16xi32> to vector<16xi32>
        tpu.vector_store %arg11[%swap3A_1422], %swap3A_1425 {strides = array<i32>} : memref<200xi32, #tpu.memory_space<vmem>>, vector<16xi32>,
        %get3A_1426 = arith.index_cast %add3A_1273 : i32 to index
        %get3A_1427 = arith.constant 128 : index
        %get3A_1428 = tpu.vector_load %arg5[%get3A_1426, %get3A_1427] {strides = array<i32>} : memref<128x200xi32, #tpu.memory_space<vmem>>, vector<1x16xi32>,
        %get3A_1429 = vector.shape_cast %get3A_1428 : vector<1x16xi32> to vector<16xi32>
        %and3A_1430 = arith.constant 8191 : i32
        %and3A_1431 = vector.broadcast %and3A_1430 : i32 to vector<16xi32>
        %and3A_1432 = arith.andi %get3A_1429, %and3A_1431 : vector<16xi32>
        %add3A_1433 = arith.addi %get3A_1429, %and3A_1432 : vector<16xi32>
        %ge3A_1434 = arith.constant 4096 : i32
        %ge3A_1435 = vector.broadcast %ge3A_1434 : i32 to vector<16xi32>
        %ge3A_1436 = arith.cmpi sge, %and3A_1432, %ge3A_1435 : vector<16xi32>
        %sub3A_1437 = arith.constant 8191 : i32
        %sub3A_1438 = vector.broadcast %sub3A_1437 : i32 to vector<16xi32>
        %sub3A_1439 = arith.subi %add3A_1433, %sub3A_1438 : vector<16xi32>
        %select_n3A_1440 = arith.select %ge3A_1436, %sub3A_1439, %add3A_1433 : vector<16xi1>, vector<16xi32>
        %swap3A_1441 = arith.constant 128 : index
        %swap3A_1442 = tpu.vector_load %arg11[%swap3A_1441] {strides = array<i32>} : memref<200xi32, #tpu.memory_space<vmem>>, vector<16xi32>,
        %swap3A_1443 = vector.shape_cast %swap3A_1442 : vector<16xi32> to vector<16xi32>
        %swap3A_1444 = vector.shape_cast %select_n3A_1440 : vector<16xi32> to vector<16xi32>
        tpu.vector_store %arg11[%swap3A_1441], %swap3A_1444 {strides = array<i32>} : memref<200xi32, #tpu.memory_space<vmem>>, vector<16xi32>,
        %get3A_1445 = arith.index_cast %add3A_1273 : i32 to index
        %get3A_1446 = arith.constant 144 : index
        %get3A_1447 = tpu.vector_load %arg5[%get3A_1445, %get3A_1446] {strides = array<i32>} : memref<128x200xi32, #tpu.memory_space<vmem>>, vector<1x16xi32>,
        %get3A_1448 = vector.shape_cast %get3A_1447 : vector<1x16xi32> to vector<16xi32>
        %and3A_1449 = arith.constant 8191 : i32
        %and3A_1450 = vector.broadcast %and3A_1449 : i32 to vector<16xi32>
        %and3A_1451 = arith.andi %get3A_1448, %and3A_1450 : vector<16xi32>
        %add3A_1452 = arith.addi %get3A_1448, %and3A_1451 : vector<16xi32>
        %ge3A_1453 = arith.constant 4096 : i32
        %ge3A_1454 = vector.broadcast %ge3A_1453 : i32 to vector<16xi32>
        %ge3A_1455 = arith.cmpi sge, %and3A_1451, %ge3A_1454 : vector<16xi32>
        %sub3A_1456 = arith.constant 8191 : i32
        %sub3A_1457 = vector.broadcast %sub3A_1456 : i32 to vector<16xi32>
        %sub3A_1458 = arith.subi %add3A_1452, %sub3A_1457 : vector<16xi32>
        %select_n3A_1459 = arith.select %ge3A_1455, %sub3A_1458, %add3A_1452 : vector<16xi1>, vector<16xi32>
        %swap3A_1460 = arith.constant 144 : index
        %swap3A_1461 = tpu.vector_load %arg11[%swap3A_1460] {strides = array<i32>} : memref<200xi32, #tpu.memory_space<vmem>>, vector<16xi32>,
        %swap3A_1462 = vector.shape_cast %swap3A_1461 : vector<16xi32> to vector<16xi32>
        %swap3A_1463 = vector.shape_cast %select_n3A_1459 : vector<16xi32> to vector<16xi32>
        tpu.vector_store %arg11[%swap3A_1460], %swap3A_1463 {strides = array<i32>} : memref<200xi32, #tpu.memory_space<vmem>>, vector<16xi32>,
        %get3A_1464 = arith.index_cast %add3A_1273 : i32 to index
        %get3A_1465 = arith.constant 160 : index
        %get3A_1466 = tpu.vector_load %arg5[%get3A_1464, %get3A_1465] {strides = array<i32>} : memref<128x200xi32, #tpu.memory_space<vmem>>, vector<1x16xi32>,
        %get3A_1467 = vector.shape_cast %get3A_1466 : vector<1x16xi32> to vector<16xi32>
        %and3A_1468 = arith.constant 8191 : i32
        %and3A_1469 = vector.broadcast %and3A_1468 : i32 to vector<16xi32>
        %and3A_1470 = arith.andi %get3A_1467, %and3A_1469 : vector<16xi32>
        %add3A_1471 = arith.addi %get3A_1467, %and3A_1470 : vector<16xi32>
        %ge3A_1472 = arith.constant 4096 : i32
        %ge3A_1473 = vector.broadcast %ge3A_1472 : i32 to vector<16xi32>
        %ge3A_1474 = arith.cmpi sge, %and3A_1470, %ge3A_1473 : vector<16xi32>
        %sub3A_1475 = arith.constant 8191 : i32
        %sub3A_1476 = vector.broadcast %sub3A_1475 : i32 to vector<16xi32>
        %sub3A_1477 = arith.subi %add3A_1471, %sub3A_1476 : vector<16xi32>
        %select_n3A_1478 = arith.select %ge3A_1474, %sub3A_1477, %add3A_1471 : vector<16xi1>, vector<16xi32>
        %swap3A_1479 = arith.constant 160 : index
        %swap3A_1480 = tpu.vector_load %arg11[%swap3A_1479] {strides = array<i32>} : memref<200xi32, #tpu.memory_space<vmem>>, vector<16xi32>,
        %swap3A_1481 = vector.shape_cast %swap3A_1480 : vector<16xi32> to vector<16xi32>
        %swap3A_1482 = vector.shape_cast %select_n3A_1478 : vector<16xi32> to vector<16xi32>
        tpu.vector_store %arg11[%swap3A_1479], %swap3A_1482 {strides = array<i32>} : memref<200xi32, #tpu.memory_space<vmem>>, vector<16xi32>,
        %get3A_1483 = arith.index_cast %add3A_1273 : i32 to index
        %get3A_1484 = arith.constant 176 : index
        %get3A_1485 = tpu.vector_load %arg5[%get3A_1483, %get3A_1484] {strides = array<i32>} : memref<128x200xi32, #tpu.memory_space<vmem>>, vector<1x16xi32>,
        %get3A_1486 = vector.shape_cast %get3A_1485 : vector<1x16xi32> to vector<16xi32>
        %and3A_1487 = arith.constant 8191 : i32
        %and3A_1488 = vector.broadcast %and3A_1487 : i32 to vector<16xi32>
        %and3A_1489 = arith.andi %get3A_1486, %and3A_1488 : vector<16xi32>
        %add3A_1490 = arith.addi %get3A_1486, %and3A_1489 : vector<16xi32>
        %ge3A_1491 = arith.constant 4096 : i32
        %ge3A_1492 = vector.broadcast %ge3A_1491 : i32 to vector<16xi32>
        %ge3A_1493 = arith.cmpi sge, %and3A_1489, %ge3A_1492 : vector<16xi32>
        %sub3A_1494 = arith.constant 8191 : i32
        %sub3A_1495 = vector.broadcast %sub3A_1494 : i32 to vector<16xi32>
        %sub3A_1496 = arith.subi %add3A_1490, %sub3A_1495 : vector<16xi32>
        %select_n3A_1497 = arith.select %ge3A_1493, %sub3A_1496, %add3A_1490 : vector<16xi1>, vector<16xi32>
        %swap3A_1498 = arith.constant 176 : index
        %swap3A_1499 = tpu.vector_load %arg11[%swap3A_1498] {strides = array<i32>} : memref<200xi32, #tpu.memory_space<vmem>>, vector<16xi32>,
        %swap3A_1500 = vector.shape_cast %swap3A_1499 : vector<16xi32> to vector<16xi32>
        %swap3A_1501 = vector.shape_cast %select_n3A_1497 : vector<16xi32> to vector<16xi32>
        tpu.vector_store %arg11[%swap3A_1498], %swap3A_1501 {strides = array<i32>} : memref<200xi32, #tpu.memory_space<vmem>>, vector<16xi32>,
        %get3A_1502 = arith.index_cast %add3A_1273 : i32 to index
        %get3A_1503 = arith.constant 184 : index
        %get3A_1504 = tpu.vector_load %arg5[%get3A_1502, %get3A_1503] {strides = array<i32>} : memref<128x200xi32, #tpu.memory_space<vmem>>, vector<1x16xi32>,
        %get3A_1505 = vector.shape_cast %get3A_1504 : vector<1x16xi32> to vector<16xi32>
        %and3A_1506 = arith.constant 8191 : i32
        %and3A_1507 = vector.broadcast %and3A_1506 : i32 to vector<16xi32>
        %and3A_1508 = arith.andi %get3A_1505, %and3A_1507 : vector<16xi32>
        %add3A_1509 = arith.addi %get3A_1505, %and3A_1508 : vector<16xi32>
        %ge3A_1510 = arith.constant 4096 : i32
        %ge3A_1511 = vector.broadcast %ge3A_1510 : i32 to vector<16xi32>
        %ge3A_1512 = arith.cmpi sge, %and3A_1508, %ge3A_1511 : vector<16xi32>
        %sub3A_1513 = arith.constant 8191 : i32
        %sub3A_1514 = vector.broadcast %sub3A_1513 : i32 to vector<16xi32>
        %sub3A_1515 = arith.subi %add3A_1509, %sub3A_1514 : vector<16xi32>
        %select_n3A_1516 = arith.select %ge3A_1512, %sub3A_1515, %add3A_1509 : vector<16xi1>, vector<16xi32>
        %swap3A_1517 = arith.constant 184 : index
        %swap3A_1518 = tpu.vector_load %arg11[%swap3A_1517] {strides = array<i32>} : memref<200xi32, #tpu.memory_space<vmem>>, vector<16xi32>,
        %swap3A_1519 = vector.shape_cast %swap3A_1518 : vector<16xi32> to vector<16xi32>
        %swap3A_1520 = vector.shape_cast %select_n3A_1516 : vector<16xi32> to vector<16xi32>
        tpu.vector_store %arg11[%swap3A_1517], %swap3A_1520 {strides = array<i32>} : memref<200xi32, #tpu.memory_space<vmem>>, vector<16xi32>,
        %dma_start3A_1521 = arith.constant 0 : i32
        %dma_start3A_1522 = arith.constant 0 : i32
        %dma_start3A_1523 = tpu.memref_slice %arg3[%dma_start3A_1521, %dma_start3A_1522] : memref<1007616x64xf32, #tpu.memory_space<hbm>> -> memref<1007616x64xf32, #tpu.memory_space<hbm>>
        tpu.enqueue_indirect_dma source(%dma_start3A_1523 : memref<1007616x64xf32, #tpu.memory_space<hbm>>) target(%arg19 : memref<200x64xf32, #tpu.memory_space<vmem>>) offsets(%arg11 : memref<200xi32, #tpu.memory_space<vmem>>) semaphore(%arg27 : memref<!tpu.dma_semaphore, #tpu.memory_space<semaphore_mem>>)
      } else {
      }
      %mul3A_1139 = arith.constant 8 : i32
      %mul3A_1140 = arith.muli %scan3A_1099, %mul3A_1139 : i32
      %add3A_1141 = arith.constant 2 : i32
      %add3A_1142 = arith.addi %mul3A_1140, %add3A_1141 : i32
      %dma_wait3A_1143 = arith.constant 0 : i32
      %dma_wait3A_1144 = arith.constant 0 : i32
      %dma_wait3A_1145 = tpu.memref_slice %arg3[%dma_wait3A_1143, %dma_wait3A_1144] : memref<1007616x64xf32, #tpu.memory_space<hbm>> -> memref<1007616x64xf32, #tpu.memory_space<hbm>>
      tpu.wait_indirect_dma semaphore(%arg24 : memref<!tpu.dma_semaphore, #tpu.memory_space<semaphore_mem>>) src(%dma_wait3A_1145 : memref<1007616x64xf32, #tpu.memory_space<hbm>>) dst(%arg16 : memref<200x64xf32, #tpu.memory_space<vmem>>)
      %add3A_1146 = arith.addi %mul3A_2, %add3A_1142 : i32
      %mul3A_1147 = arith.constant 200 : i32
      %mul3A_1148 = arith.muli %add3A_1146, %mul3A_1147 : i32
      %dma_start3A_1149 = arith.constant 0 : i32
      %dma_start3A_1150 = tpu.memref_slice %arg4[%mul3A_1148, %dma_start3A_1149] : memref<819200x128xf32, #tpu.memory_space<hbm>> -> memref<200x64xf32, #tpu.memory_space<hbm>>
      %dma_start3A_1151 = arith.constant 0 : i32
      %dma_start3A_1152 = tpu.memref_slice %arg4[%mul3A_1148, %dma_start3A_1151] : memref<819200x128xf32, #tpu.memory_space<hbm>> -> memref<200x64xf32, #tpu.memory_space<hbm>>
      tpu.enqueue_dma source(%arg16 : memref<200x64xf32, #tpu.memory_space<vmem>>) target(%dma_start3A_1152 : memref<200x64xf32, #tpu.memory_space<hbm>>) target_semaphore(%arg32 : memref<!tpu.dma_semaphore, #tpu.memory_space<semaphore_mem>>)
      %add3A_1153 = arith.constant 4 : i32
      %add3A_1154 = arith.addi %add3A_1142, %add3A_1153 : i32
      %lt3A_1155 = arith.constant 128 : i32
      %lt3A_1156 = arith.cmpi slt, %add3A_1154, %lt3A_1155 : i32
      %convert_element_type3A_1157 = arith.extui %lt3A_1156 : i1 to i32
      %cond3A_1158 = arith.constant 0 : i32
      %cond3A_1159 = arith.cmpi ne, %convert_element_type3A_1157, %cond3A_1158 : i32
      scf.if %cond3A_1159 {
        %sub3A_1265 = arith.constant 4 : i32
        %sub3A_1266 = arith.subi %add3A_1142, %sub3A_1265 : i32
        %ge3A_1267 = arith.constant 0 : i32
        %ge3A_1268 = arith.cmpi sge, %sub3A_1266, %ge3A_1267 : i32
        %convert_element_type3A_1269 = arith.extui %ge3A_1268 : i1 to i32
        %cond3A_1270 = arith.constant 0 : i32
        %cond3A_1271 = arith.cmpi ne, %convert_element_type3A_1269, %cond3A_1270 : i32
        scf.if %cond3A_1271 {
          %dma_wait3A_1524 = arith.constant 0 : i32
          %dma_wait3A_1525 = arith.constant 0 : i32
          %dma_wait3A_1526 = tpu.memref_slice %arg4[%dma_wait3A_1524, %dma_wait3A_1525] : memref<819200x128xf32, #tpu.memory_space<hbm>> -> memref<200x64xf32, #tpu.memory_space<hbm>>
          %dma_wait3A_1527 = arith.constant 0 : i32
          %dma_wait3A_1528 = arith.constant 0 : i32
          %dma_wait3A_1529 = tpu.memref_slice %arg4[%dma_wait3A_1527, %dma_wait3A_1528] : memref<819200x128xf32, #tpu.memory_space<hbm>> -> memref<200x64xf32, #tpu.memory_space<hbm>>
          tpu.wait_dma2 semaphore(%arg36 : memref<!tpu.dma_semaphore, #tpu.memory_space<semaphore_mem>>) src(%arg20 : memref<200x64xf32, #tpu.memory_space<vmem>>) dst(%dma_wait3A_1529 : memref<200x64xf32, #tpu.memory_space<hbm>>)
        } else {
        }
        %add3A_1272 = arith.constant 4 : i32
        %add3A_1273 = arith.addi %add3A_1142, %add3A_1272 : i32
        %get3A_1274 = arith.index_cast %add3A_1273 : i32 to index
        %get3A_1275 = arith.constant 0 : index
        %get3A_1276 = tpu.vector_load %arg5[%get3A_1274, %get3A_1275] {strides = array<i32>} : memref<128x200xi32, #tpu.memory_space<vmem>>, vector<1x16xi32>,
        %get3A_1277 = vector.shape_cast %get3A_1276 : vector<1x16xi32> to vector<16xi32>
        %and3A_1278 = arith.constant 8191 : i32
        %and3A_1279 = vector.broadcast %and3A_1278 : i32 to vector<16xi32>
        %and3A_1280 = arith.andi %get3A_1277, %and3A_1279 : vector<16xi32>
        %add3A_1281 = arith.addi %get3A_1277, %and3A_1280 : vector<16xi32>
        %ge3A_1282 = arith.constant 4096 : i32
        %ge3A_1283 = vector.broadcast %ge3A_1282 : i32 to vector<16xi32>
        %ge3A_1284 = arith.cmpi sge, %and3A_1280, %ge3A_1283 : vector<16xi32>
        %sub3A_1285 = arith.constant 8191 : i32
        %sub3A_1286 = vector.broadcast %sub3A_1285 : i32 to vector<16xi32>
        %sub3A_1287 = arith.subi %add3A_1281, %sub3A_1286 : vector<16xi32>
        %select_n3A_1288 = arith.select %ge3A_1284, %sub3A_1287, %add3A_1281 : vector<16xi1>, vector<16xi32>
        %swap3A_1289 = arith.constant 0 : index
        %swap3A_1290 = tpu.vector_load %arg12[%swap3A_1289] {strides = array<i32>} : memref<200xi32, #tpu.memory_space<vmem>>, vector<16xi32>,
        %swap3A_1291 = vector.shape_cast %swap3A_1290 : vector<16xi32> to vector<16xi32>
        %swap3A_1292 = vector.shape_cast %select_n3A_1288 : vector<16xi32> to vector<16xi32>
        tpu.vector_store %arg12[%swap3A_1289], %swap3A_1292 {strides = array<i32>} : memref<200xi32, #tpu.memory_space<vmem>>, vector<16xi32>,
        %get3A_1293 = arith.index_cast %add3A_1273 : i32 to index
        %get3A_1294 = arith.constant 16 : index
        %get3A_1295 = tpu.vector_load %arg5[%get3A_1293, %get3A_1294] {strides = array<i32>} : memref<128x200xi32, #tpu.memory_space<vmem>>, vector<1x16xi32>,
        %get3A_1296 = vector.shape_cast %get3A_1295 : vector<1x16xi32> to vector<16xi32>
        %and3A_1297 = arith.constant 8191 : i32
        %and3A_1298 = vector.broadcast %and3A_1297 : i32 to vector<16xi32>
        %and3A_1299 = arith.andi %get3A_1296, %and3A_1298 : vector<16xi32>
        %add3A_1300 = arith.addi %get3A_1296, %and3A_1299 : vector<16xi32>
        %ge3A_1301 = arith.constant 4096 : i32
        %ge3A_1302 = vector.broadcast %ge3A_1301 : i32 to vector<16xi32>
        %ge3A_1303 = arith.cmpi sge, %and3A_1299, %ge3A_1302 : vector<16xi32>
        %sub3A_1304 = arith.constant 8191 : i32
        %sub3A_1305 = vector.broadcast %sub3A_1304 : i32 to vector<16xi32>
        %sub3A_1306 = arith.subi %add3A_1300, %sub3A_1305 : vector<16xi32>
        %select_n3A_1307 = arith.select %ge3A_1303, %sub3A_1306, %add3A_1300 : vector<16xi1>, vector<16xi32>
        %swap3A_1308 = arith.constant 16 : index
        %swap3A_1309 = tpu.vector_load %arg12[%swap3A_1308] {strides = array<i32>} : memref<200xi32, #tpu.memory_space<vmem>>, vector<16xi32>,
        %swap3A_1310 = vector.shape_cast %swap3A_1309 : vector<16xi32> to vector<16xi32>
        %swap3A_1311 = vector.shape_cast %select_n3A_1307 : vector<16xi32> to vector<16xi32>
        tpu.vector_store %arg12[%swap3A_1308], %swap3A_1311 {strides = array<i32>} : memref<200xi32, #tpu.memory_space<vmem>>, vector<16xi32>,
        %get3A_1312 = arith.index_cast %add3A_1273 : i32 to index
        %get3A_1313 = arith.constant 32 : index
        %get3A_1314 = tpu.vector_load %arg5[%get3A_1312, %get3A_1313] {strides = array<i32>} : memref<128x200xi32, #tpu.memory_space<vmem>>, vector<1x16xi32>,
        %get3A_1315 = vector.shape_cast %get3A_1314 : vector<1x16xi32> to vector<16xi32>
        %and3A_1316 = arith.constant 8191 : i32
        %and3A_1317 = vector.broadcast %and3A_1316 : i32 to vector<16xi32>
        %and3A_1318 = arith.andi %get3A_1315, %and3A_1317 : vector<16xi32>
        %add3A_1319 = arith.addi %get3A_1315, %and3A_1318 : vector<16xi32>
        %ge3A_1320 = arith.constant 4096 : i32
        %ge3A_1321 = vector.broadcast %ge3A_1320 : i32 to vector<16xi32>
        %ge3A_1322 = arith.cmpi sge, %and3A_1318, %ge3A_1321 : vector<16xi32>
        %sub3A_1323 = arith.constant 8191 : i32
        %sub3A_1324 = vector.broadcast %sub3A_1323 : i32 to vector<16xi32>
        %sub3A_1325 = arith.subi %add3A_1319, %sub3A_1324 : vector<16xi32>
        %select_n3A_1326 = arith.select %ge3A_1322, %sub3A_1325, %add3A_1319 : vector<16xi1>, vector<16xi32>
        %swap3A_1327 = arith.constant 32 : index
        %swap3A_1328 = tpu.vector_load %arg12[%swap3A_1327] {strides = array<i32>} : memref<200xi32, #tpu.memory_space<vmem>>, vector<16xi32>,
        %swap3A_1329 = vector.shape_cast %swap3A_1328 : vector<16xi32> to vector<16xi32>
        %swap3A_1330 = vector.shape_cast %select_n3A_1326 : vector<16xi32> to vector<16xi32>
        tpu.vector_store %arg12[%swap3A_1327], %swap3A_1330 {strides = array<i32>} : memref<200xi32, #tpu.memory_space<vmem>>, vector<16xi32>,
        %get3A_1331 = arith.index_cast %add3A_1273 : i32 to index
        %get3A_1332 = arith.constant 48 : index
        %get3A_1333 = tpu.vector_load %arg5[%get3A_1331, %get3A_1332] {strides = array<i32>} : memref<128x200xi32, #tpu.memory_space<vmem>>, vector<1x16xi32>,
        %get3A_1334 = vector.shape_cast %get3A_1333 : vector<1x16xi32> to vector<16xi32>
        %and3A_1335 = arith.constant 8191 : i32
        %and3A_1336 = vector.broadcast %and3A_1335 : i32 to vector<16xi32>
        %and3A_1337 = arith.andi %get3A_1334, %and3A_1336 : vector<16xi32>
        %add3A_1338 = arith.addi %get3A_1334, %and3A_1337 : vector<16xi32>
        %ge3A_1339 = arith.constant 4096 : i32
        %ge3A_1340 = vector.broadcast %ge3A_1339 : i32 to vector<16xi32>
        %ge3A_1341 = arith.cmpi sge, %and3A_1337, %ge3A_1340 : vector<16xi32>
        %sub3A_1342 = arith.constant 8191 : i32
        %sub3A_1343 = vector.broadcast %sub3A_1342 : i32 to vector<16xi32>
        %sub3A_1344 = arith.subi %add3A_1338, %sub3A_1343 : vector<16xi32>
        %select_n3A_1345 = arith.select %ge3A_1341, %sub3A_1344, %add3A_1338 : vector<16xi1>, vector<16xi32>
        %swap3A_1346 = arith.constant 48 : index
        %swap3A_1347 = tpu.vector_load %arg12[%swap3A_1346] {strides = array<i32>} : memref<200xi32, #tpu.memory_space<vmem>>, vector<16xi32>,
        %swap3A_1348 = vector.shape_cast %swap3A_1347 : vector<16xi32> to vector<16xi32>
        %swap3A_1349 = vector.shape_cast %select_n3A_1345 : vector<16xi32> to vector<16xi32>
        tpu.vector_store %arg12[%swap3A_1346], %swap3A_1349 {strides = array<i32>} : memref<200xi32, #tpu.memory_space<vmem>>, vector<16xi32>,
        %get3A_1350 = arith.index_cast %add3A_1273 : i32 to index
        %get3A_1351 = arith.constant 64 : index
        %get3A_1352 = tpu.vector_load %arg5[%get3A_1350, %get3A_1351] {strides = array<i32>} : memref<128x200xi32, #tpu.memory_space<vmem>>, vector<1x16xi32>,
        %get3A_1353 = vector.shape_cast %get3A_1352 : vector<1x16xi32> to vector<16xi32>
        %and3A_1354 = arith.constant 8191 : i32
        %and3A_1355 = vector.broadcast %and3A_1354 : i32 to vector<16xi32>
        %and3A_1356 = arith.andi %get3A_1353, %and3A_1355 : vector<16xi32>
        %add3A_1357 = arith.addi %get3A_1353, %and3A_1356 : vector<16xi32>
        %ge3A_1358 = arith.constant 4096 : i32
        %ge3A_1359 = vector.broadcast %ge3A_1358 : i32 to vector<16xi32>
        %ge3A_1360 = arith.cmpi sge, %and3A_1356, %ge3A_1359 : vector<16xi32>
        %sub3A_1361 = arith.constant 8191 : i32
        %sub3A_1362 = vector.broadcast %sub3A_1361 : i32 to vector<16xi32>
        %sub3A_1363 = arith.subi %add3A_1357, %sub3A_1362 : vector<16xi32>
        %select_n3A_1364 = arith.select %ge3A_1360, %sub3A_1363, %add3A_1357 : vector<16xi1>, vector<16xi32>
        %swap3A_1365 = arith.constant 64 : index
        %swap3A_1366 = tpu.vector_load %arg12[%swap3A_1365] {strides = array<i32>} : memref<200xi32, #tpu.memory_space<vmem>>, vector<16xi32>,
        %swap3A_1367 = vector.shape_cast %swap3A_1366 : vector<16xi32> to vector<16xi32>
        %swap3A_1368 = vector.shape_cast %select_n3A_1364 : vector<16xi32> to vector<16xi32>
        tpu.vector_store %arg12[%swap3A_1365], %swap3A_1368 {strides = array<i32>} : memref<200xi32, #tpu.memory_space<vmem>>, vector<16xi32>,
        %get3A_1369 = arith.index_cast %add3A_1273 : i32 to index
        %get3A_1370 = arith.constant 80 : index
        %get3A_1371 = tpu.vector_load %arg5[%get3A_1369, %get3A_1370] {strides = array<i32>} : memref<128x200xi32, #tpu.memory_space<vmem>>, vector<1x16xi32>,
        %get3A_1372 = vector.shape_cast %get3A_1371 : vector<1x16xi32> to vector<16xi32>
        %and3A_1373 = arith.constant 8191 : i32
        %and3A_1374 = vector.broadcast %and3A_1373 : i32 to vector<16xi32>
        %and3A_1375 = arith.andi %get3A_1372, %and3A_1374 : vector<16xi32>
        %add3A_1376 = arith.addi %get3A_1372, %and3A_1375 : vector<16xi32>
        %ge3A_1377 = arith.constant 4096 : i32
        %ge3A_1378 = vector.broadcast %ge3A_1377 : i32 to vector<16xi32>
        %ge3A_1379 = arith.cmpi sge, %and3A_1375, %ge3A_1378 : vector<16xi32>
        %sub3A_1380 = arith.constant 8191 : i32
        %sub3A_1381 = vector.broadcast %sub3A_1380 : i32 to vector<16xi32>
        %sub3A_1382 = arith.subi %add3A_1376, %sub3A_1381 : vector<16xi32>
        %select_n3A_1383 = arith.select %ge3A_1379, %sub3A_1382, %add3A_1376 : vector<16xi1>, vector<16xi32>
        %swap3A_1384 = arith.constant 80 : index
        %swap3A_1385 = tpu.vector_load %arg12[%swap3A_1384] {strides = array<i32>} : memref<200xi32, #tpu.memory_space<vmem>>, vector<16xi32>,
        %swap3A_1386 = vector.shape_cast %swap3A_1385 : vector<16xi32> to vector<16xi32>
        %swap3A_1387 = vector.shape_cast %select_n3A_1383 : vector<16xi32> to vector<16xi32>
        tpu.vector_store %arg12[%swap3A_1384], %swap3A_1387 {strides = array<i32>} : memref<200xi32, #tpu.memory_space<vmem>>, vector<16xi32>,
        %get3A_1388 = arith.index_cast %add3A_1273 : i32 to index
        %get3A_1389 = arith.constant 96 : index
        %get3A_1390 = tpu.vector_load %arg5[%get3A_1388, %get3A_1389] {strides = array<i32>} : memref<128x200xi32, #tpu.memory_space<vmem>>, vector<1x16xi32>,
        %get3A_1391 = vector.shape_cast %get3A_1390 : vector<1x16xi32> to vector<16xi32>
        %and3A_1392 = arith.constant 8191 : i32
        %and3A_1393 = vector.broadcast %and3A_1392 : i32 to vector<16xi32>
        %and3A_1394 = arith.andi %get3A_1391, %and3A_1393 : vector<16xi32>
        %add3A_1395 = arith.addi %get3A_1391, %and3A_1394 : vector<16xi32>
        %ge3A_1396 = arith.constant 4096 : i32
        %ge3A_1397 = vector.broadcast %ge3A_1396 : i32 to vector<16xi32>
        %ge3A_1398 = arith.cmpi sge, %and3A_1394, %ge3A_1397 : vector<16xi32>
        %sub3A_1399 = arith.constant 8191 : i32
        %sub3A_1400 = vector.broadcast %sub3A_1399 : i32 to vector<16xi32>
        %sub3A_1401 = arith.subi %add3A_1395, %sub3A_1400 : vector<16xi32>
        %select_n3A_1402 = arith.select %ge3A_1398, %sub3A_1401, %add3A_1395 : vector<16xi1>, vector<16xi32>
        %swap3A_1403 = arith.constant 96 : index
        %swap3A_1404 = tpu.vector_load %arg12[%swap3A_1403] {strides = array<i32>} : memref<200xi32, #tpu.memory_space<vmem>>, vector<16xi32>,
        %swap3A_1405 = vector.shape_cast %swap3A_1404 : vector<16xi32> to vector<16xi32>
        %swap3A_1406 = vector.shape_cast %select_n3A_1402 : vector<16xi32> to vector<16xi32>
        tpu.vector_store %arg12[%swap3A_1403], %swap3A_1406 {strides = array<i32>} : memref<200xi32, #tpu.memory_space<vmem>>, vector<16xi32>,
        %get3A_1407 = arith.index_cast %add3A_1273 : i32 to index
        %get3A_1408 = arith.constant 112 : index
        %get3A_1409 = tpu.vector_load %arg5[%get3A_1407, %get3A_1408] {strides = array<i32>} : memref<128x200xi32, #tpu.memory_space<vmem>>, vector<1x16xi32>,
        %get3A_1410 = vector.shape_cast %get3A_1409 : vector<1x16xi32> to vector<16xi32>
        %and3A_1411 = arith.constant 8191 : i32
        %and3A_1412 = vector.broadcast %and3A_1411 : i32 to vector<16xi32>
        %and3A_1413 = arith.andi %get3A_1410, %and3A_1412 : vector<16xi32>
        %add3A_1414 = arith.addi %get3A_1410, %and3A_1413 : vector<16xi32>
        %ge3A_1415 = arith.constant 4096 : i32
        %ge3A_1416 = vector.broadcast %ge3A_1415 : i32 to vector<16xi32>
        %ge3A_1417 = arith.cmpi sge, %and3A_1413, %ge3A_1416 : vector<16xi32>
        %sub3A_1418 = arith.constant 8191 : i32
        %sub3A_1419 = vector.broadcast %sub3A_1418 : i32 to vector<16xi32>
        %sub3A_1420 = arith.subi %add3A_1414, %sub3A_1419 : vector<16xi32>
        %select_n3A_1421 = arith.select %ge3A_1417, %sub3A_1420, %add3A_1414 : vector<16xi1>, vector<16xi32>
        %swap3A_1422 = arith.constant 112 : index
        %swap3A_1423 = tpu.vector_load %arg12[%swap3A_1422] {strides = array<i32>} : memref<200xi32, #tpu.memory_space<vmem>>, vector<16xi32>,
        %swap3A_1424 = vector.shape_cast %swap3A_1423 : vector<16xi32> to vector<16xi32>
        %swap3A_1425 = vector.shape_cast %select_n3A_1421 : vector<16xi32> to vector<16xi32>
        tpu.vector_store %arg12[%swap3A_1422], %swap3A_1425 {strides = array<i32>} : memref<200xi32, #tpu.memory_space<vmem>>, vector<16xi32>,
        %get3A_1426 = arith.index_cast %add3A_1273 : i32 to index
        %get3A_1427 = arith.constant 128 : index
        %get3A_1428 = tpu.vector_load %arg5[%get3A_1426, %get3A_1427] {strides = array<i32>} : memref<128x200xi32, #tpu.memory_space<vmem>>, vector<1x16xi32>,
        %get3A_1429 = vector.shape_cast %get3A_1428 : vector<1x16xi32> to vector<16xi32>
        %and3A_1430 = arith.constant 8191 : i32
        %and3A_1431 = vector.broadcast %and3A_1430 : i32 to vector<16xi32>
        %and3A_1432 = arith.andi %get3A_1429, %and3A_1431 : vector<16xi32>
        %add3A_1433 = arith.addi %get3A_1429, %and3A_1432 : vector<16xi32>
        %ge3A_1434 = arith.constant 4096 : i32
        %ge3A_1435 = vector.broadcast %ge3A_1434 : i32 to vector<16xi32>
        %ge3A_1436 = arith.cmpi sge, %and3A_1432, %ge3A_1435 : vector<16xi32>
        %sub3A_1437 = arith.constant 8191 : i32
        %sub3A_1438 = vector.broadcast %sub3A_1437 : i32 to vector<16xi32>
        %sub3A_1439 = arith.subi %add3A_1433, %sub3A_1438 : vector<16xi32>
        %select_n3A_1440 = arith.select %ge3A_1436, %sub3A_1439, %add3A_1433 : vector<16xi1>, vector<16xi32>
        %swap3A_1441 = arith.constant 128 : index
        %swap3A_1442 = tpu.vector_load %arg12[%swap3A_1441] {strides = array<i32>} : memref<200xi32, #tpu.memory_space<vmem>>, vector<16xi32>,
        %swap3A_1443 = vector.shape_cast %swap3A_1442 : vector<16xi32> to vector<16xi32>
        %swap3A_1444 = vector.shape_cast %select_n3A_1440 : vector<16xi32> to vector<16xi32>
        tpu.vector_store %arg12[%swap3A_1441], %swap3A_1444 {strides = array<i32>} : memref<200xi32, #tpu.memory_space<vmem>>, vector<16xi32>,
        %get3A_1445 = arith.index_cast %add3A_1273 : i32 to index
        %get3A_1446 = arith.constant 144 : index
        %get3A_1447 = tpu.vector_load %arg5[%get3A_1445, %get3A_1446] {strides = array<i32>} : memref<128x200xi32, #tpu.memory_space<vmem>>, vector<1x16xi32>,
        %get3A_1448 = vector.shape_cast %get3A_1447 : vector<1x16xi32> to vector<16xi32>
        %and3A_1449 = arith.constant 8191 : i32
        %and3A_1450 = vector.broadcast %and3A_1449 : i32 to vector<16xi32>
        %and3A_1451 = arith.andi %get3A_1448, %and3A_1450 : vector<16xi32>
        %add3A_1452 = arith.addi %get3A_1448, %and3A_1451 : vector<16xi32>
        %ge3A_1453 = arith.constant 4096 : i32
        %ge3A_1454 = vector.broadcast %ge3A_1453 : i32 to vector<16xi32>
        %ge3A_1455 = arith.cmpi sge, %and3A_1451, %ge3A_1454 : vector<16xi32>
        %sub3A_1456 = arith.constant 8191 : i32
        %sub3A_1457 = vector.broadcast %sub3A_1456 : i32 to vector<16xi32>
        %sub3A_1458 = arith.subi %add3A_1452, %sub3A_1457 : vector<16xi32>
        %select_n3A_1459 = arith.select %ge3A_1455, %sub3A_1458, %add3A_1452 : vector<16xi1>, vector<16xi32>
        %swap3A_1460 = arith.constant 144 : index
        %swap3A_1461 = tpu.vector_load %arg12[%swap3A_1460] {strides = array<i32>} : memref<200xi32, #tpu.memory_space<vmem>>, vector<16xi32>,
        %swap3A_1462 = vector.shape_cast %swap3A_1461 : vector<16xi32> to vector<16xi32>
        %swap3A_1463 = vector.shape_cast %select_n3A_1459 : vector<16xi32> to vector<16xi32>
        tpu.vector_store %arg12[%swap3A_1460], %swap3A_1463 {strides = array<i32>} : memref<200xi32, #tpu.memory_space<vmem>>, vector<16xi32>,
        %get3A_1464 = arith.index_cast %add3A_1273 : i32 to index
        %get3A_1465 = arith.constant 160 : index
        %get3A_1466 = tpu.vector_load %arg5[%get3A_1464, %get3A_1465] {strides = array<i32>} : memref<128x200xi32, #tpu.memory_space<vmem>>, vector<1x16xi32>,
        %get3A_1467 = vector.shape_cast %get3A_1466 : vector<1x16xi32> to vector<16xi32>
        %and3A_1468 = arith.constant 8191 : i32
        %and3A_1469 = vector.broadcast %and3A_1468 : i32 to vector<16xi32>
        %and3A_1470 = arith.andi %get3A_1467, %and3A_1469 : vector<16xi32>
        %add3A_1471 = arith.addi %get3A_1467, %and3A_1470 : vector<16xi32>
        %ge3A_1472 = arith.constant 4096 : i32
        %ge3A_1473 = vector.broadcast %ge3A_1472 : i32 to vector<16xi32>
        %ge3A_1474 = arith.cmpi sge, %and3A_1470, %ge3A_1473 : vector<16xi32>
        %sub3A_1475 = arith.constant 8191 : i32
        %sub3A_1476 = vector.broadcast %sub3A_1475 : i32 to vector<16xi32>
        %sub3A_1477 = arith.subi %add3A_1471, %sub3A_1476 : vector<16xi32>
        %select_n3A_1478 = arith.select %ge3A_1474, %sub3A_1477, %add3A_1471 : vector<16xi1>, vector<16xi32>
        %swap3A_1479 = arith.constant 160 : index
        %swap3A_1480 = tpu.vector_load %arg12[%swap3A_1479] {strides = array<i32>} : memref<200xi32, #tpu.memory_space<vmem>>, vector<16xi32>,
        %swap3A_1481 = vector.shape_cast %swap3A_1480 : vector<16xi32> to vector<16xi32>
        %swap3A_1482 = vector.shape_cast %select_n3A_1478 : vector<16xi32> to vector<16xi32>
        tpu.vector_store %arg12[%swap3A_1479], %swap3A_1482 {strides = array<i32>} : memref<200xi32, #tpu.memory_space<vmem>>, vector<16xi32>,
        %get3A_1483 = arith.index_cast %add3A_1273 : i32 to index
        %get3A_1484 = arith.constant 176 : index
        %get3A_1485 = tpu.vector_load %arg5[%get3A_1483, %get3A_1484] {strides = array<i32>} : memref<128x200xi32, #tpu.memory_space<vmem>>, vector<1x16xi32>,
        %get3A_1486 = vector.shape_cast %get3A_1485 : vector<1x16xi32> to vector<16xi32>
        %and3A_1487 = arith.constant 8191 : i32
        %and3A_1488 = vector.broadcast %and3A_1487 : i32 to vector<16xi32>
        %and3A_1489 = arith.andi %get3A_1486, %and3A_1488 : vector<16xi32>
        %add3A_1490 = arith.addi %get3A_1486, %and3A_1489 : vector<16xi32>
        %ge3A_1491 = arith.constant 4096 : i32
        %ge3A_1492 = vector.broadcast %ge3A_1491 : i32 to vector<16xi32>
        %ge3A_1493 = arith.cmpi sge, %and3A_1489, %ge3A_1492 : vector<16xi32>
        %sub3A_1494 = arith.constant 8191 : i32
        %sub3A_1495 = vector.broadcast %sub3A_1494 : i32 to vector<16xi32>
        %sub3A_1496 = arith.subi %add3A_1490, %sub3A_1495 : vector<16xi32>
        %select_n3A_1497 = arith.select %ge3A_1493, %sub3A_1496, %add3A_1490 : vector<16xi1>, vector<16xi32>
        %swap3A_1498 = arith.constant 176 : index
        %swap3A_1499 = tpu.vector_load %arg12[%swap3A_1498] {strides = array<i32>} : memref<200xi32, #tpu.memory_space<vmem>>, vector<16xi32>,
        %swap3A_1500 = vector.shape_cast %swap3A_1499 : vector<16xi32> to vector<16xi32>
        %swap3A_1501 = vector.shape_cast %select_n3A_1497 : vector<16xi32> to vector<16xi32>
        tpu.vector_store %arg12[%swap3A_1498], %swap3A_1501 {strides = array<i32>} : memref<200xi32, #tpu.memory_space<vmem>>, vector<16xi32>,
        %get3A_1502 = arith.index_cast %add3A_1273 : i32 to index
        %get3A_1503 = arith.constant 184 : index
        %get3A_1504 = tpu.vector_load %arg5[%get3A_1502, %get3A_1503] {strides = array<i32>} : memref<128x200xi32, #tpu.memory_space<vmem>>, vector<1x16xi32>,
        %get3A_1505 = vector.shape_cast %get3A_1504 : vector<1x16xi32> to vector<16xi32>
        %and3A_1506 = arith.constant 8191 : i32
        %and3A_1507 = vector.broadcast %and3A_1506 : i32 to vector<16xi32>
        %and3A_1508 = arith.andi %get3A_1505, %and3A_1507 : vector<16xi32>
        %add3A_1509 = arith.addi %get3A_1505, %and3A_1508 : vector<16xi32>
        %ge3A_1510 = arith.constant 4096 : i32
        %ge3A_1511 = vector.broadcast %ge3A_1510 : i32 to vector<16xi32>
        %ge3A_1512 = arith.cmpi sge, %and3A_1508, %ge3A_1511 : vector<16xi32>
        %sub3A_1513 = arith.constant 8191 : i32
        %sub3A_1514 = vector.broadcast %sub3A_1513 : i32 to vector<16xi32>
        %sub3A_1515 = arith.subi %add3A_1509, %sub3A_1514 : vector<16xi32>
        %select_n3A_1516 = arith.select %ge3A_1512, %sub3A_1515, %add3A_1509 : vector<16xi1>, vector<16xi32>
        %swap3A_1517 = arith.constant 184 : index
        %swap3A_1518 = tpu.vector_load %arg12[%swap3A_1517] {strides = array<i32>} : memref<200xi32, #tpu.memory_space<vmem>>, vector<16xi32>,
        %swap3A_1519 = vector.shape_cast %swap3A_1518 : vector<16xi32> to vector<16xi32>
        %swap3A_1520 = vector.shape_cast %select_n3A_1516 : vector<16xi32> to vector<16xi32>
        tpu.vector_store %arg12[%swap3A_1517], %swap3A_1520 {strides = array<i32>} : memref<200xi32, #tpu.memory_space<vmem>>, vector<16xi32>,
        %dma_start3A_1521 = arith.constant 0 : i32
        %dma_start3A_1522 = arith.constant 0 : i32
        %dma_start3A_1523 = tpu.memref_slice %arg3[%dma_start3A_1521, %dma_start3A_1522] : memref<1007616x64xf32, #tpu.memory_space<hbm>> -> memref<1007616x64xf32, #tpu.memory_space<hbm>>
        tpu.enqueue_indirect_dma source(%dma_start3A_1523 : memref<1007616x64xf32, #tpu.memory_space<hbm>>) target(%arg20 : memref<200x64xf32, #tpu.memory_space<vmem>>) offsets(%arg12 : memref<200xi32, #tpu.memory_space<vmem>>) semaphore(%arg28 : memref<!tpu.dma_semaphore, #tpu.memory_space<semaphore_mem>>)
      } else {
      }
      %mul3A_1160 = arith.constant 8 : i32
      %mul3A_1161 = arith.muli %scan3A_1099, %mul3A_1160 : i32
      %add3A_1162 = arith.constant 3 : i32
      %add3A_1163 = arith.addi %mul3A_1161, %add3A_1162 : i32
      %dma_wait3A_1164 = arith.constant 0 : i32
      %dma_wait3A_1165 = arith.constant 0 : i32
      %dma_wait3A_1166 = tpu.memref_slice %arg3[%dma_wait3A_1164, %dma_wait3A_1165] : memref<1007616x64xf32, #tpu.memory_space<hbm>> -> memref<1007616x64xf32, #tpu.memory_space<hbm>>
      tpu.wait_indirect_dma semaphore(%arg25 : memref<!tpu.dma_semaphore, #tpu.memory_space<semaphore_mem>>) src(%dma_wait3A_1166 : memref<1007616x64xf32, #tpu.memory_space<hbm>>) dst(%arg17 : memref<200x64xf32, #tpu.memory_space<vmem>>)
      %add3A_1167 = arith.addi %mul3A_2, %add3A_1163 : i32
      %mul3A_1168 = arith.constant 200 : i32
      %mul3A_1169 = arith.muli %add3A_1167, %mul3A_1168 : i32
      %dma_start3A_1170 = arith.constant 0 : i32
      %dma_start3A_1171 = tpu.memref_slice %arg4[%mul3A_1169, %dma_start3A_1170] : memref<819200x128xf32, #tpu.memory_space<hbm>> -> memref<200x64xf32, #tpu.memory_space<hbm>>
      %dma_start3A_1172 = arith.constant 0 : i32
      %dma_start3A_1173 = tpu.memref_slice %arg4[%mul3A_1169, %dma_start3A_1172] : memref<819200x128xf32, #tpu.memory_space<hbm>> -> memref<200x64xf32, #tpu.memory_space<hbm>>
      tpu.enqueue_dma source(%arg17 : memref<200x64xf32, #tpu.memory_space<vmem>>) target(%dma_start3A_1173 : memref<200x64xf32, #tpu.memory_space<hbm>>) target_semaphore(%arg33 : memref<!tpu.dma_semaphore, #tpu.memory_space<semaphore_mem>>)
      %add3A_1174 = arith.constant 4 : i32
      %add3A_1175 = arith.addi %add3A_1163, %add3A_1174 : i32
      %lt3A_1176 = arith.constant 128 : i32
      %lt3A_1177 = arith.cmpi slt, %add3A_1175, %lt3A_1176 : i32
      %convert_element_type3A_1178 = arith.extui %lt3A_1177 : i1 to i32
      %cond3A_1179 = arith.constant 0 : i32
      %cond3A_1180 = arith.cmpi ne, %convert_element_type3A_1178, %cond3A_1179 : i32
      scf.if %cond3A_1180 {
        %sub3A_1265 = arith.constant 4 : i32
        %sub3A_1266 = arith.subi %add3A_1163, %sub3A_1265 : i32
        %ge3A_1267 = arith.constant 0 : i32
        %ge3A_1268 = arith.cmpi sge, %sub3A_1266, %ge3A_1267 : i32
        %convert_element_type3A_1269 = arith.extui %ge3A_1268 : i1 to i32
        %cond3A_1270 = arith.constant 0 : i32
        %cond3A_1271 = arith.cmpi ne, %convert_element_type3A_1269, %cond3A_1270 : i32
        scf.if %cond3A_1271 {
          %dma_wait3A_1524 = arith.constant 0 : i32
          %dma_wait3A_1525 = arith.constant 0 : i32
          %dma_wait3A_1526 = tpu.memref_slice %arg4[%dma_wait3A_1524, %dma_wait3A_1525] : memref<819200x128xf32, #tpu.memory_space<hbm>> -> memref<200x64xf32, #tpu.memory_space<hbm>>
          %dma_wait3A_1527 = arith.constant 0 : i32
          %dma_wait3A_1528 = arith.constant 0 : i32
          %dma_wait3A_1529 = tpu.memref_slice %arg4[%dma_wait3A_1527, %dma_wait3A_1528] : memref<819200x128xf32, #tpu.memory_space<hbm>> -> memref<200x64xf32, #tpu.memory_space<hbm>>
          tpu.wait_dma2 semaphore(%arg37 : memref<!tpu.dma_semaphore, #tpu.memory_space<semaphore_mem>>) src(%arg21 : memref<200x64xf32, #tpu.memory_space<vmem>>) dst(%dma_wait3A_1529 : memref<200x64xf32, #tpu.memory_space<hbm>>)
        } else {
        }
        %add3A_1272 = arith.constant 4 : i32
        %add3A_1273 = arith.addi %add3A_1163, %add3A_1272 : i32
        %get3A_1274 = arith.index_cast %add3A_1273 : i32 to index
        %get3A_1275 = arith.constant 0 : index
        %get3A_1276 = tpu.vector_load %arg5[%get3A_1274, %get3A_1275] {strides = array<i32>} : memref<128x200xi32, #tpu.memory_space<vmem>>, vector<1x16xi32>,
        %get3A_1277 = vector.shape_cast %get3A_1276 : vector<1x16xi32> to vector<16xi32>
        %and3A_1278 = arith.constant 8191 : i32
        %and3A_1279 = vector.broadcast %and3A_1278 : i32 to vector<16xi32>
        %and3A_1280 = arith.andi %get3A_1277, %and3A_1279 : vector<16xi32>
        %add3A_1281 = arith.addi %get3A_1277, %and3A_1280 : vector<16xi32>
        %ge3A_1282 = arith.constant 4096 : i32
        %ge3A_1283 = vector.broadcast %ge3A_1282 : i32 to vector<16xi32>
        %ge3A_1284 = arith.cmpi sge, %and3A_1280, %ge3A_1283 : vector<16xi32>
        %sub3A_1285 = arith.constant 8191 : i32
        %sub3A_1286 = vector.broadcast %sub3A_1285 : i32 to vector<16xi32>
        %sub3A_1287 = arith.subi %add3A_1281, %sub3A_1286 : vector<16xi32>
        %select_n3A_1288 = arith.select %ge3A_1284, %sub3A_1287, %add3A_1281 : vector<16xi1>, vector<16xi32>
        %swap3A_1289 = arith.constant 0 : index
        %swap3A_1290 = tpu.vector_load %arg13[%swap3A_1289] {strides = array<i32>} : memref<200xi32, #tpu.memory_space<vmem>>, vector<16xi32>,
        %swap3A_1291 = vector.shape_cast %swap3A_1290 : vector<16xi32> to vector<16xi32>
        %swap3A_1292 = vector.shape_cast %select_n3A_1288 : vector<16xi32> to vector<16xi32>
        tpu.vector_store %arg13[%swap3A_1289], %swap3A_1292 {strides = array<i32>} : memref<200xi32, #tpu.memory_space<vmem>>, vector<16xi32>,
        %get3A_1293 = arith.index_cast %add3A_1273 : i32 to index
        %get3A_1294 = arith.constant 16 : index
        %get3A_1295 = tpu.vector_load %arg5[%get3A_1293, %get3A_1294] {strides = array<i32>} : memref<128x200xi32, #tpu.memory_space<vmem>>, vector<1x16xi32>,
        %get3A_1296 = vector.shape_cast %get3A_1295 : vector<1x16xi32> to vector<16xi32>
        %and3A_1297 = arith.constant 8191 : i32
        %and3A_1298 = vector.broadcast %and3A_1297 : i32 to vector<16xi32>
        %and3A_1299 = arith.andi %get3A_1296, %and3A_1298 : vector<16xi32>
        %add3A_1300 = arith.addi %get3A_1296, %and3A_1299 : vector<16xi32>
        %ge3A_1301 = arith.constant 4096 : i32
        %ge3A_1302 = vector.broadcast %ge3A_1301 : i32 to vector<16xi32>
        %ge3A_1303 = arith.cmpi sge, %and3A_1299, %ge3A_1302 : vector<16xi32>
        %sub3A_1304 = arith.constant 8191 : i32
        %sub3A_1305 = vector.broadcast %sub3A_1304 : i32 to vector<16xi32>
        %sub3A_1306 = arith.subi %add3A_1300, %sub3A_1305 : vector<16xi32>
        %select_n3A_1307 = arith.select %ge3A_1303, %sub3A_1306, %add3A_1300 : vector<16xi1>, vector<16xi32>
        %swap3A_1308 = arith.constant 16 : index
        %swap3A_1309 = tpu.vector_load %arg13[%swap3A_1308] {strides = array<i32>} : memref<200xi32, #tpu.memory_space<vmem>>, vector<16xi32>,
        %swap3A_1310 = vector.shape_cast %swap3A_1309 : vector<16xi32> to vector<16xi32>
        %swap3A_1311 = vector.shape_cast %select_n3A_1307 : vector<16xi32> to vector<16xi32>
        tpu.vector_store %arg13[%swap3A_1308], %swap3A_1311 {strides = array<i32>} : memref<200xi32, #tpu.memory_space<vmem>>, vector<16xi32>,
        %get3A_1312 = arith.index_cast %add3A_1273 : i32 to index
        %get3A_1313 = arith.constant 32 : index
        %get3A_1314 = tpu.vector_load %arg5[%get3A_1312, %get3A_1313] {strides = array<i32>} : memref<128x200xi32, #tpu.memory_space<vmem>>, vector<1x16xi32>,
        %get3A_1315 = vector.shape_cast %get3A_1314 : vector<1x16xi32> to vector<16xi32>
        %and3A_1316 = arith.constant 8191 : i32
        %and3A_1317 = vector.broadcast %and3A_1316 : i32 to vector<16xi32>
        %and3A_1318 = arith.andi %get3A_1315, %and3A_1317 : vector<16xi32>
        %add3A_1319 = arith.addi %get3A_1315, %and3A_1318 : vector<16xi32>
        %ge3A_1320 = arith.constant 4096 : i32
        %ge3A_1321 = vector.broadcast %ge3A_1320 : i32 to vector<16xi32>
        %ge3A_1322 = arith.cmpi sge, %and3A_1318, %ge3A_1321 : vector<16xi32>
        %sub3A_1323 = arith.constant 8191 : i32
        %sub3A_1324 = vector.broadcast %sub3A_1323 : i32 to vector<16xi32>
        %sub3A_1325 = arith.subi %add3A_1319, %sub3A_1324 : vector<16xi32>
        %select_n3A_1326 = arith.select %ge3A_1322, %sub3A_1325, %add3A_1319 : vector<16xi1>, vector<16xi32>
        %swap3A_1327 = arith.constant 32 : index
        %swap3A_1328 = tpu.vector_load %arg13[%swap3A_1327] {strides = array<i32>} : memref<200xi32, #tpu.memory_space<vmem>>, vector<16xi32>,
        %swap3A_1329 = vector.shape_cast %swap3A_1328 : vector<16xi32> to vector<16xi32>
        %swap3A_1330 = vector.shape_cast %select_n3A_1326 : vector<16xi32> to vector<16xi32>
        tpu.vector_store %arg13[%swap3A_1327], %swap3A_1330 {strides = array<i32>} : memref<200xi32, #tpu.memory_space<vmem>>, vector<16xi32>,
        %get3A_1331 = arith.index_cast %add3A_1273 : i32 to index
        %get3A_1332 = arith.constant 48 : index
        %get3A_1333 = tpu.vector_load %arg5[%get3A_1331, %get3A_1332] {strides = array<i32>} : memref<128x200xi32, #tpu.memory_space<vmem>>, vector<1x16xi32>,
        %get3A_1334 = vector.shape_cast %get3A_1333 : vector<1x16xi32> to vector<16xi32>
        %and3A_1335 = arith.constant 8191 : i32
        %and3A_1336 = vector.broadcast %and3A_1335 : i32 to vector<16xi32>
        %and3A_1337 = arith.andi %get3A_1334, %and3A_1336 : vector<16xi32>
        %add3A_1338 = arith.addi %get3A_1334, %and3A_1337 : vector<16xi32>
        %ge3A_1339 = arith.constant 4096 : i32
        %ge3A_1340 = vector.broadcast %ge3A_1339 : i32 to vector<16xi32>
        %ge3A_1341 = arith.cmpi sge, %and3A_1337, %ge3A_1340 : vector<16xi32>
        %sub3A_1342 = arith.constant 8191 : i32
        %sub3A_1343 = vector.broadcast %sub3A_1342 : i32 to vector<16xi32>
        %sub3A_1344 = arith.subi %add3A_1338, %sub3A_1343 : vector<16xi32>
        %select_n3A_1345 = arith.select %ge3A_1341, %sub3A_1344, %add3A_1338 : vector<16xi1>, vector<16xi32>
        %swap3A_1346 = arith.constant 48 : index
        %swap3A_1347 = tpu.vector_load %arg13[%swap3A_1346] {strides = array<i32>} : memref<200xi32, #tpu.memory_space<vmem>>, vector<16xi32>,
        %swap3A_1348 = vector.shape_cast %swap3A_1347 : vector<16xi32> to vector<16xi32>
        %swap3A_1349 = vector.shape_cast %select_n3A_1345 : vector<16xi32> to vector<16xi32>
        tpu.vector_store %arg13[%swap3A_1346], %swap3A_1349 {strides = array<i32>} : memref<200xi32, #tpu.memory_space<vmem>>, vector<16xi32>,
        %get3A_1350 = arith.index_cast %add3A_1273 : i32 to index
        %get3A_1351 = arith.constant 64 : index
        %get3A_1352 = tpu.vector_load %arg5[%get3A_1350, %get3A_1351] {strides = array<i32>} : memref<128x200xi32, #tpu.memory_space<vmem>>, vector<1x16xi32>,
        %get3A_1353 = vector.shape_cast %get3A_1352 : vector<1x16xi32> to vector<16xi32>
        %and3A_1354 = arith.constant 8191 : i32
        %and3A_1355 = vector.broadcast %and3A_1354 : i32 to vector<16xi32>
        %and3A_1356 = arith.andi %get3A_1353, %and3A_1355 : vector<16xi32>
        %add3A_1357 = arith.addi %get3A_1353, %and3A_1356 : vector<16xi32>
        %ge3A_1358 = arith.constant 4096 : i32
        %ge3A_1359 = vector.broadcast %ge3A_1358 : i32 to vector<16xi32>
        %ge3A_1360 = arith.cmpi sge, %and3A_1356, %ge3A_1359 : vector<16xi32>
        %sub3A_1361 = arith.constant 8191 : i32
        %sub3A_1362 = vector.broadcast %sub3A_1361 : i32 to vector<16xi32>
        %sub3A_1363 = arith.subi %add3A_1357, %sub3A_1362 : vector<16xi32>
        %select_n3A_1364 = arith.select %ge3A_1360, %sub3A_1363, %add3A_1357 : vector<16xi1>, vector<16xi32>
        %swap3A_1365 = arith.constant 64 : index
        %swap3A_1366 = tpu.vector_load %arg13[%swap3A_1365] {strides = array<i32>} : memref<200xi32, #tpu.memory_space<vmem>>, vector<16xi32>,
        %swap3A_1367 = vector.shape_cast %swap3A_1366 : vector<16xi32> to vector<16xi32>
        %swap3A_1368 = vector.shape_cast %select_n3A_1364 : vector<16xi32> to vector<16xi32>
        tpu.vector_store %arg13[%swap3A_1365], %swap3A_1368 {strides = array<i32>} : memref<200xi32, #tpu.memory_space<vmem>>, vector<16xi32>,
        %get3A_1369 = arith.index_cast %add3A_1273 : i32 to index
        %get3A_1370 = arith.constant 80 : index
        %get3A_1371 = tpu.vector_load %arg5[%get3A_1369, %get3A_1370] {strides = array<i32>} : memref<128x200xi32, #tpu.memory_space<vmem>>, vector<1x16xi32>,
        %get3A_1372 = vector.shape_cast %get3A_1371 : vector<1x16xi32> to vector<16xi32>
        %and3A_1373 = arith.constant 8191 : i32
        %and3A_1374 = vector.broadcast %and3A_1373 : i32 to vector<16xi32>
        %and3A_1375 = arith.andi %get3A_1372, %and3A_1374 : vector<16xi32>
        %add3A_1376 = arith.addi %get3A_1372, %and3A_1375 : vector<16xi32>
        %ge3A_1377 = arith.constant 4096 : i32
        %ge3A_1378 = vector.broadcast %ge3A_1377 : i32 to vector<16xi32>
        %ge3A_1379 = arith.cmpi sge, %and3A_1375, %ge3A_1378 : vector<16xi32>
        %sub3A_1380 = arith.constant 8191 : i32
        %sub3A_1381 = vector.broadcast %sub3A_1380 : i32 to vector<16xi32>
        %sub3A_1382 = arith.subi %add3A_1376, %sub3A_1381 : vector<16xi32>
        %select_n3A_1383 = arith.select %ge3A_1379, %sub3A_1382, %add3A_1376 : vector<16xi1>, vector<16xi32>
        %swap3A_1384 = arith.constant 80 : index
        %swap3A_1385 = tpu.vector_load %arg13[%swap3A_1384] {strides = array<i32>} : memref<200xi32, #tpu.memory_space<vmem>>, vector<16xi32>,
        %swap3A_1386 = vector.shape_cast %swap3A_1385 : vector<16xi32> to vector<16xi32>
        %swap3A_1387 = vector.shape_cast %select_n3A_1383 : vector<16xi32> to vector<16xi32>
        tpu.vector_store %arg13[%swap3A_1384], %swap3A_1387 {strides = array<i32>} : memref<200xi32, #tpu.memory_space<vmem>>, vector<16xi32>,
        %get3A_1388 = arith.index_cast %add3A_1273 : i32 to index
        %get3A_1389 = arith.constant 96 : index
        %get3A_1390 = tpu.vector_load %arg5[%get3A_1388, %get3A_1389] {strides = array<i32>} : memref<128x200xi32, #tpu.memory_space<vmem>>, vector<1x16xi32>,
        %get3A_1391 = vector.shape_cast %get3A_1390 : vector<1x16xi32> to vector<16xi32>
        %and3A_1392 = arith.constant 8191 : i32
        %and3A_1393 = vector.broadcast %and3A_1392 : i32 to vector<16xi32>
        %and3A_1394 = arith.andi %get3A_1391, %and3A_1393 : vector<16xi32>
        %add3A_1395 = arith.addi %get3A_1391, %and3A_1394 : vector<16xi32>
        %ge3A_1396 = arith.constant 4096 : i32
        %ge3A_1397 = vector.broadcast %ge3A_1396 : i32 to vector<16xi32>
        %ge3A_1398 = arith.cmpi sge, %and3A_1394, %ge3A_1397 : vector<16xi32>
        %sub3A_1399 = arith.constant 8191 : i32
        %sub3A_1400 = vector.broadcast %sub3A_1399 : i32 to vector<16xi32>
        %sub3A_1401 = arith.subi %add3A_1395, %sub3A_1400 : vector<16xi32>
        %select_n3A_1402 = arith.select %ge3A_1398, %sub3A_1401, %add3A_1395 : vector<16xi1>, vector<16xi32>
        %swap3A_1403 = arith.constant 96 : index
        %swap3A_1404 = tpu.vector_load %arg13[%swap3A_1403] {strides = array<i32>} : memref<200xi32, #tpu.memory_space<vmem>>, vector<16xi32>,
        %swap3A_1405 = vector.shape_cast %swap3A_1404 : vector<16xi32> to vector<16xi32>
        %swap3A_1406 = vector.shape_cast %select_n3A_1402 : vector<16xi32> to vector<16xi32>
        tpu.vector_store %arg13[%swap3A_1403], %swap3A_1406 {strides = array<i32>} : memref<200xi32, #tpu.memory_space<vmem>>, vector<16xi32>,
        %get3A_1407 = arith.index_cast %add3A_1273 : i32 to index
        %get3A_1408 = arith.constant 112 : index
        %get3A_1409 = tpu.vector_load %arg5[%get3A_1407, %get3A_1408] {strides = array<i32>} : memref<128x200xi32, #tpu.memory_space<vmem>>, vector<1x16xi32>,
        %get3A_1410 = vector.shape_cast %get3A_1409 : vector<1x16xi32> to vector<16xi32>
        %and3A_1411 = arith.constant 8191 : i32
        %and3A_1412 = vector.broadcast %and3A_1411 : i32 to vector<16xi32>
        %and3A_1413 = arith.andi %get3A_1410, %and3A_1412 : vector<16xi32>
        %add3A_1414 = arith.addi %get3A_1410, %and3A_1413 : vector<16xi32>
        %ge3A_1415 = arith.constant 4096 : i32
        %ge3A_1416 = vector.broadcast %ge3A_1415 : i32 to vector<16xi32>
        %ge3A_1417 = arith.cmpi sge, %and3A_1413, %ge3A_1416 : vector<16xi32>
        %sub3A_1418 = arith.constant 8191 : i32
        %sub3A_1419 = vector.broadcast %sub3A_1418 : i32 to vector<16xi32>
        %sub3A_1420 = arith.subi %add3A_1414, %sub3A_1419 : vector<16xi32>
        %select_n3A_1421 = arith.select %ge3A_1417, %sub3A_1420, %add3A_1414 : vector<16xi1>, vector<16xi32>
        %swap3A_1422 = arith.constant 112 : index
        %swap3A_1423 = tpu.vector_load %arg13[%swap3A_1422] {strides = array<i32>} : memref<200xi32, #tpu.memory_space<vmem>>, vector<16xi32>,
        %swap3A_1424 = vector.shape_cast %swap3A_1423 : vector<16xi32> to vector<16xi32>
        %swap3A_1425 = vector.shape_cast %select_n3A_1421 : vector<16xi32> to vector<16xi32>
        tpu.vector_store %arg13[%swap3A_1422], %swap3A_1425 {strides = array<i32>} : memref<200xi32, #tpu.memory_space<vmem>>, vector<16xi32>,
        %get3A_1426 = arith.index_cast %add3A_1273 : i32 to index
        %get3A_1427 = arith.constant 128 : index
        %get3A_1428 = tpu.vector_load %arg5[%get3A_1426, %get3A_1427] {strides = array<i32>} : memref<128x200xi32, #tpu.memory_space<vmem>>, vector<1x16xi32>,
        %get3A_1429 = vector.shape_cast %get3A_1428 : vector<1x16xi32> to vector<16xi32>
        %and3A_1430 = arith.constant 8191 : i32
        %and3A_1431 = vector.broadcast %and3A_1430 : i32 to vector<16xi32>
        %and3A_1432 = arith.andi %get3A_1429, %and3A_1431 : vector<16xi32>
        %add3A_1433 = arith.addi %get3A_1429, %and3A_1432 : vector<16xi32>
        %ge3A_1434 = arith.constant 4096 : i32
        %ge3A_1435 = vector.broadcast %ge3A_1434 : i32 to vector<16xi32>
        %ge3A_1436 = arith.cmpi sge, %and3A_1432, %ge3A_1435 : vector<16xi32>
        %sub3A_1437 = arith.constant 8191 : i32
        %sub3A_1438 = vector.broadcast %sub3A_1437 : i32 to vector<16xi32>
        %sub3A_1439 = arith.subi %add3A_1433, %sub3A_1438 : vector<16xi32>
        %select_n3A_1440 = arith.select %ge3A_1436, %sub3A_1439, %add3A_1433 : vector<16xi1>, vector<16xi32>
        %swap3A_1441 = arith.constant 128 : index
        %swap3A_1442 = tpu.vector_load %arg13[%swap3A_1441] {strides = array<i32>} : memref<200xi32, #tpu.memory_space<vmem>>, vector<16xi32>,
        %swap3A_1443 = vector.shape_cast %swap3A_1442 : vector<16xi32> to vector<16xi32>
        %swap3A_1444 = vector.shape_cast %select_n3A_1440 : vector<16xi32> to vector<16xi32>
        tpu.vector_store %arg13[%swap3A_1441], %swap3A_1444 {strides = array<i32>} : memref<200xi32, #tpu.memory_space<vmem>>, vector<16xi32>,
        %get3A_1445 = arith.index_cast %add3A_1273 : i32 to index
        %get3A_1446 = arith.constant 144 : index
        %get3A_1447 = tpu.vector_load %arg5[%get3A_1445, %get3A_1446] {strides = array<i32>} : memref<128x200xi32, #tpu.memory_space<vmem>>, vector<1x16xi32>,
        %get3A_1448 = vector.shape_cast %get3A_1447 : vector<1x16xi32> to vector<16xi32>
        %and3A_1449 = arith.constant 8191 : i32
        %and3A_1450 = vector.broadcast %and3A_1449 : i32 to vector<16xi32>
        %and3A_1451 = arith.andi %get3A_1448, %and3A_1450 : vector<16xi32>
        %add3A_1452 = arith.addi %get3A_1448, %and3A_1451 : vector<16xi32>
        %ge3A_1453 = arith.constant 4096 : i32
        %ge3A_1454 = vector.broadcast %ge3A_1453 : i32 to vector<16xi32>
        %ge3A_1455 = arith.cmpi sge, %and3A_1451, %ge3A_1454 : vector<16xi32>
        %sub3A_1456 = arith.constant 8191 : i32
        %sub3A_1457 = vector.broadcast %sub3A_1456 : i32 to vector<16xi32>
        %sub3A_1458 = arith.subi %add3A_1452, %sub3A_1457 : vector<16xi32>
        %select_n3A_1459 = arith.select %ge3A_1455, %sub3A_1458, %add3A_1452 : vector<16xi1>, vector<16xi32>
        %swap3A_1460 = arith.constant 144 : index
        %swap3A_1461 = tpu.vector_load %arg13[%swap3A_1460] {strides = array<i32>} : memref<200xi32, #tpu.memory_space<vmem>>, vector<16xi32>,
        %swap3A_1462 = vector.shape_cast %swap3A_1461 : vector<16xi32> to vector<16xi32>
        %swap3A_1463 = vector.shape_cast %select_n3A_1459 : vector<16xi32> to vector<16xi32>
        tpu.vector_store %arg13[%swap3A_1460], %swap3A_1463 {strides = array<i32>} : memref<200xi32, #tpu.memory_space<vmem>>, vector<16xi32>,
        %get3A_1464 = arith.index_cast %add3A_1273 : i32 to index
        %get3A_1465 = arith.constant 160 : index
        %get3A_1466 = tpu.vector_load %arg5[%get3A_1464, %get3A_1465] {strides = array<i32>} : memref<128x200xi32, #tpu.memory_space<vmem>>, vector<1x16xi32>,
        %get3A_1467 = vector.shape_cast %get3A_1466 : vector<1x16xi32> to vector<16xi32>
        %and3A_1468 = arith.constant 8191 : i32
        %and3A_1469 = vector.broadcast %and3A_1468 : i32 to vector<16xi32>
        %and3A_1470 = arith.andi %get3A_1467, %and3A_1469 : vector<16xi32>
        %add3A_1471 = arith.addi %get3A_1467, %and3A_1470 : vector<16xi32>
        %ge3A_1472 = arith.constant 4096 : i32
        %ge3A_1473 = vector.broadcast %ge3A_1472 : i32 to vector<16xi32>
        %ge3A_1474 = arith.cmpi sge, %and3A_1470, %ge3A_1473 : vector<16xi32>
        %sub3A_1475 = arith.constant 8191 : i32
        %sub3A_1476 = vector.broadcast %sub3A_1475 : i32 to vector<16xi32>
        %sub3A_1477 = arith.subi %add3A_1471, %sub3A_1476 : vector<16xi32>
        %select_n3A_1478 = arith.select %ge3A_1474, %sub3A_1477, %add3A_1471 : vector<16xi1>, vector<16xi32>
        %swap3A_1479 = arith.constant 160 : index
        %swap3A_1480 = tpu.vector_load %arg13[%swap3A_1479] {strides = array<i32>} : memref<200xi32, #tpu.memory_space<vmem>>, vector<16xi32>,
        %swap3A_1481 = vector.shape_cast %swap3A_1480 : vector<16xi32> to vector<16xi32>
        %swap3A_1482 = vector.shape_cast %select_n3A_1478 : vector<16xi32> to vector<16xi32>
        tpu.vector_store %arg13[%swap3A_1479], %swap3A_1482 {strides = array<i32>} : memref<200xi32, #tpu.memory_space<vmem>>, vector<16xi32>,
        %get3A_1483 = arith.index_cast %add3A_1273 : i32 to index
        %get3A_1484 = arith.constant 176 : index
        %get3A_1485 = tpu.vector_load %arg5[%get3A_1483, %get3A_1484] {strides = array<i32>} : memref<128x200xi32, #tpu.memory_space<vmem>>, vector<1x16xi32>,
        %get3A_1486 = vector.shape_cast %get3A_1485 : vector<1x16xi32> to vector<16xi32>
        %and3A_1487 = arith.constant 8191 : i32
        %and3A_1488 = vector.broadcast %and3A_1487 : i32 to vector<16xi32>
        %and3A_1489 = arith.andi %get3A_1486, %and3A_1488 : vector<16xi32>
        %add3A_1490 = arith.addi %get3A_1486, %and3A_1489 : vector<16xi32>
        %ge3A_1491 = arith.constant 4096 : i32
        %ge3A_1492 = vector.broadcast %ge3A_1491 : i32 to vector<16xi32>
        %ge3A_1493 = arith.cmpi sge, %and3A_1489, %ge3A_1492 : vector<16xi32>
        %sub3A_1494 = arith.constant 8191 : i32
        %sub3A_1495 = vector.broadcast %sub3A_1494 : i32 to vector<16xi32>
        %sub3A_1496 = arith.subi %add3A_1490, %sub3A_1495 : vector<16xi32>
        %select_n3A_1497 = arith.select %ge3A_1493, %sub3A_1496, %add3A_1490 : vector<16xi1>, vector<16xi32>
        %swap3A_1498 = arith.constant 176 : index
        %swap3A_1499 = tpu.vector_load %arg13[%swap3A_1498] {strides = array<i32>} : memref<200xi32, #tpu.memory_space<vmem>>, vector<16xi32>,
        %swap3A_1500 = vector.shape_cast %swap3A_1499 : vector<16xi32> to vector<16xi32>
        %swap3A_1501 = vector.shape_cast %select_n3A_1497 : vector<16xi32> to vector<16xi32>
        tpu.vector_store %arg13[%swap3A_1498], %swap3A_1501 {strides = array<i32>} : memref<200xi32, #tpu.memory_space<vmem>>, vector<16xi32>,
        %get3A_1502 = arith.index_cast %add3A_1273 : i32 to index
        %get3A_1503 = arith.constant 184 : index
        %get3A_1504 = tpu.vector_load %arg5[%get3A_1502, %get3A_1503] {strides = array<i32>} : memref<128x200xi32, #tpu.memory_space<vmem>>, vector<1x16xi32>,
        %get3A_1505 = vector.shape_cast %get3A_1504 : vector<1x16xi32> to vector<16xi32>
        %and3A_1506 = arith.constant 8191 : i32
        %and3A_1507 = vector.broadcast %and3A_1506 : i32 to vector<16xi32>
        %and3A_1508 = arith.andi %get3A_1505, %and3A_1507 : vector<16xi32>
        %add3A_1509 = arith.addi %get3A_1505, %and3A_1508 : vector<16xi32>
        %ge3A_1510 = arith.constant 4096 : i32
        %ge3A_1511 = vector.broadcast %ge3A_1510 : i32 to vector<16xi32>
        %ge3A_1512 = arith.cmpi sge, %and3A_1508, %ge3A_1511 : vector<16xi32>
        %sub3A_1513 = arith.constant 8191 : i32
        %sub3A_1514 = vector.broadcast %sub3A_1513 : i32 to vector<16xi32>
        %sub3A_1515 = arith.subi %add3A_1509, %sub3A_1514 : vector<16xi32>
        %select_n3A_1516 = arith.select %ge3A_1512, %sub3A_1515, %add3A_1509 : vector<16xi1>, vector<16xi32>
        %swap3A_1517 = arith.constant 184 : index
        %swap3A_1518 = tpu.vector_load %arg13[%swap3A_1517] {strides = array<i32>} : memref<200xi32, #tpu.memory_space<vmem>>, vector<16xi32>,
        %swap3A_1519 = vector.shape_cast %swap3A_1518 : vector<16xi32> to vector<16xi32>
        %swap3A_1520 = vector.shape_cast %select_n3A_1516 : vector<16xi32> to vector<16xi32>
        tpu.vector_store %arg13[%swap3A_1517], %swap3A_1520 {strides = array<i32>} : memref<200xi32, #tpu.memory_space<vmem>>, vector<16xi32>,
        %dma_start3A_1521 = arith.constant 0 : i32
        %dma_start3A_1522 = arith.constant 0 : i32
        %dma_start3A_1523 = tpu.memref_slice %arg3[%dma_start3A_1521, %dma_start3A_1522] : memref<1007616x64xf32, #tpu.memory_space<hbm>> -> memref<1007616x64xf32, #tpu.memory_space<hbm>>
        tpu.enqueue_indirect_dma source(%dma_start3A_1523 : memref<1007616x64xf32, #tpu.memory_space<hbm>>) target(%arg21 : memref<200x64xf32, #tpu.memory_space<vmem>>) offsets(%arg13 : memref<200xi32, #tpu.memory_space<vmem>>) semaphore(%arg29 : memref<!tpu.dma_semaphore, #tpu.memory_space<semaphore_mem>>)
      } else {
      }
      %mul3A_1181 = arith.constant 8 : i32
      %mul3A_1182 = arith.muli %scan3A_1099, %mul3A_1181 : i32
      %add3A_1183 = arith.constant 4 : i32
      %add3A_1184 = arith.addi %mul3A_1182, %add3A_1183 : i32
      %dma_wait3A_1185 = arith.constant 0 : i32
      %dma_wait3A_1186 = arith.constant 0 : i32
      %dma_wait3A_1187 = tpu.memref_slice %arg3[%dma_wait3A_1185, %dma_wait3A_1186] : memref<1007616x64xf32, #tpu.memory_space<hbm>> -> memref<1007616x64xf32, #tpu.memory_space<hbm>>
      tpu.wait_indirect_dma semaphore(%arg26 : memref<!tpu.dma_semaphore, #tpu.memory_space<semaphore_mem>>) src(%dma_wait3A_1187 : memref<1007616x64xf32, #tpu.memory_space<hbm>>) dst(%arg18 : memref<200x64xf32, #tpu.memory_space<vmem>>)
      %add3A_1188 = arith.addi %mul3A_2, %add3A_1184 : i32
      %mul3A_1189 = arith.constant 200 : i32
      %mul3A_1190 = arith.muli %add3A_1188, %mul3A_1189 : i32
      %dma_start3A_1191 = arith.constant 0 : i32
      %dma_start3A_1192 = tpu.memref_slice %arg4[%mul3A_1190, %dma_start3A_1191] : memref<819200x128xf32, #tpu.memory_space<hbm>> -> memref<200x64xf32, #tpu.memory_space<hbm>>
      %dma_start3A_1193 = arith.constant 0 : i32
      %dma_start3A_1194 = tpu.memref_slice %arg4[%mul3A_1190, %dma_start3A_1193] : memref<819200x128xf32, #tpu.memory_space<hbm>> -> memref<200x64xf32, #tpu.memory_space<hbm>>
      tpu.enqueue_dma source(%arg18 : memref<200x64xf32, #tpu.memory_space<vmem>>) target(%dma_start3A_1194 : memref<200x64xf32, #tpu.memory_space<hbm>>) target_semaphore(%arg34 : memref<!tpu.dma_semaphore, #tpu.memory_space<semaphore_mem>>)
      %add3A_1195 = arith.constant 4 : i32
      %add3A_1196 = arith.addi %add3A_1184, %add3A_1195 : i32
      %lt3A_1197 = arith.constant 128 : i32
      %lt3A_1198 = arith.cmpi slt, %add3A_1196, %lt3A_1197 : i32
      %convert_element_type3A_1199 = arith.extui %lt3A_1198 : i1 to i32
      %cond3A_1200 = arith.constant 0 : i32
      %cond3A_1201 = arith.cmpi ne, %convert_element_type3A_1199, %cond3A_1200 : i32
      scf.if %cond3A_1201 {
        %sub3A_1265 = arith.constant 4 : i32
        %sub3A_1266 = arith.subi %add3A_1184, %sub3A_1265 : i32
        %ge3A_1267 = arith.constant 0 : i32
        %ge3A_1268 = arith.cmpi sge, %sub3A_1266, %ge3A_1267 : i32
        %convert_element_type3A_1269 = arith.extui %ge3A_1268 : i1 to i32
        %cond3A_1270 = arith.constant 0 : i32
        %cond3A_1271 = arith.cmpi ne, %convert_element_type3A_1269, %cond3A_1270 : i32
        scf.if %cond3A_1271 {
          %dma_wait3A_1524 = arith.constant 0 : i32
          %dma_wait3A_1525 = arith.constant 0 : i32
          %dma_wait3A_1526 = tpu.memref_slice %arg4[%dma_wait3A_1524, %dma_wait3A_1525] : memref<819200x128xf32, #tpu.memory_space<hbm>> -> memref<200x64xf32, #tpu.memory_space<hbm>>
          %dma_wait3A_1527 = arith.constant 0 : i32
          %dma_wait3A_1528 = arith.constant 0 : i32
          %dma_wait3A_1529 = tpu.memref_slice %arg4[%dma_wait3A_1527, %dma_wait3A_1528] : memref<819200x128xf32, #tpu.memory_space<hbm>> -> memref<200x64xf32, #tpu.memory_space<hbm>>
          tpu.wait_dma2 semaphore(%arg30 : memref<!tpu.dma_semaphore, #tpu.memory_space<semaphore_mem>>) src(%arg14 : memref<200x64xf32, #tpu.memory_space<vmem>>) dst(%dma_wait3A_1529 : memref<200x64xf32, #tpu.memory_space<hbm>>)
        } else {
        }
        %add3A_1272 = arith.constant 4 : i32
        %add3A_1273 = arith.addi %add3A_1184, %add3A_1272 : i32
        %get3A_1274 = arith.index_cast %add3A_1273 : i32 to index
        %get3A_1275 = arith.constant 0 : index
        %get3A_1276 = tpu.vector_load %arg5[%get3A_1274, %get3A_1275] {strides = array<i32>} : memref<128x200xi32, #tpu.memory_space<vmem>>, vector<1x16xi32>,
        %get3A_1277 = vector.shape_cast %get3A_1276 : vector<1x16xi32> to vector<16xi32>
        %and3A_1278 = arith.constant 8191 : i32
        %and3A_1279 = vector.broadcast %and3A_1278 : i32 to vector<16xi32>
        %and3A_1280 = arith.andi %get3A_1277, %and3A_1279 : vector<16xi32>
        %add3A_1281 = arith.addi %get3A_1277, %and3A_1280 : vector<16xi32>
        %ge3A_1282 = arith.constant 4096 : i32
        %ge3A_1283 = vector.broadcast %ge3A_1282 : i32 to vector<16xi32>
        %ge3A_1284 = arith.cmpi sge, %and3A_1280, %ge3A_1283 : vector<16xi32>
        %sub3A_1285 = arith.constant 8191 : i32
        %sub3A_1286 = vector.broadcast %sub3A_1285 : i32 to vector<16xi32>
        %sub3A_1287 = arith.subi %add3A_1281, %sub3A_1286 : vector<16xi32>
        %select_n3A_1288 = arith.select %ge3A_1284, %sub3A_1287, %add3A_1281 : vector<16xi1>, vector<16xi32>
        %swap3A_1289 = arith.constant 0 : index
        %swap3A_1290 = tpu.vector_load %arg6[%swap3A_1289] {strides = array<i32>} : memref<200xi32, #tpu.memory_space<vmem>>, vector<16xi32>,
        %swap3A_1291 = vector.shape_cast %swap3A_1290 : vector<16xi32> to vector<16xi32>
        %swap3A_1292 = vector.shape_cast %select_n3A_1288 : vector<16xi32> to vector<16xi32>
        tpu.vector_store %arg6[%swap3A_1289], %swap3A_1292 {strides = array<i32>} : memref<200xi32, #tpu.memory_space<vmem>>, vector<16xi32>,
        %get3A_1293 = arith.index_cast %add3A_1273 : i32 to index
        %get3A_1294 = arith.constant 16 : index
        %get3A_1295 = tpu.vector_load %arg5[%get3A_1293, %get3A_1294] {strides = array<i32>} : memref<128x200xi32, #tpu.memory_space<vmem>>, vector<1x16xi32>,
        %get3A_1296 = vector.shape_cast %get3A_1295 : vector<1x16xi32> to vector<16xi32>
        %and3A_1297 = arith.constant 8191 : i32
        %and3A_1298 = vector.broadcast %and3A_1297 : i32 to vector<16xi32>
        %and3A_1299 = arith.andi %get3A_1296, %and3A_1298 : vector<16xi32>
        %add3A_1300 = arith.addi %get3A_1296, %and3A_1299 : vector<16xi32>
        %ge3A_1301 = arith.constant 4096 : i32
        %ge3A_1302 = vector.broadcast %ge3A_1301 : i32 to vector<16xi32>
        %ge3A_1303 = arith.cmpi sge, %and3A_1299, %ge3A_1302 : vector<16xi32>
        %sub3A_1304 = arith.constant 8191 : i32
        %sub3A_1305 = vector.broadcast %sub3A_1304 : i32 to vector<16xi32>
        %sub3A_1306 = arith.subi %add3A_1300, %sub3A_1305 : vector<16xi32>
        %select_n3A_1307 = arith.select %ge3A_1303, %sub3A_1306, %add3A_1300 : vector<16xi1>, vector<16xi32>
        %swap3A_1308 = arith.constant 16 : index
        %swap3A_1309 = tpu.vector_load %arg6[%swap3A_1308] {strides = array<i32>} : memref<200xi32, #tpu.memory_space<vmem>>, vector<16xi32>,
        %swap3A_1310 = vector.shape_cast %swap3A_1309 : vector<16xi32> to vector<16xi32>
        %swap3A_1311 = vector.shape_cast %select_n3A_1307 : vector<16xi32> to vector<16xi32>
        tpu.vector_store %arg6[%swap3A_1308], %swap3A_1311 {strides = array<i32>} : memref<200xi32, #tpu.memory_space<vmem>>, vector<16xi32>,
        %get3A_1312 = arith.index_cast %add3A_1273 : i32 to index
        %get3A_1313 = arith.constant 32 : index
        %get3A_1314 = tpu.vector_load %arg5[%get3A_1312, %get3A_1313] {strides = array<i32>} : memref<128x200xi32, #tpu.memory_space<vmem>>, vector<1x16xi32>,
        %get3A_1315 = vector.shape_cast %get3A_1314 : vector<1x16xi32> to vector<16xi32>
        %and3A_1316 = arith.constant 8191 : i32
        %and3A_1317 = vector.broadcast %and3A_1316 : i32 to vector<16xi32>
        %and3A_1318 = arith.andi %get3A_1315, %and3A_1317 : vector<16xi32>
        %add3A_1319 = arith.addi %get3A_1315, %and3A_1318 : vector<16xi32>
        %ge3A_1320 = arith.constant 4096 : i32
        %ge3A_1321 = vector.broadcast %ge3A_1320 : i32 to vector<16xi32>
        %ge3A_1322 = arith.cmpi sge, %and3A_1318, %ge3A_1321 : vector<16xi32>
        %sub3A_1323 = arith.constant 8191 : i32
        %sub3A_1324 = vector.broadcast %sub3A_1323 : i32 to vector<16xi32>
        %sub3A_1325 = arith.subi %add3A_1319, %sub3A_1324 : vector<16xi32>
        %select_n3A_1326 = arith.select %ge3A_1322, %sub3A_1325, %add3A_1319 : vector<16xi1>, vector<16xi32>
        %swap3A_1327 = arith.constant 32 : index
        %swap3A_1328 = tpu.vector_load %arg6[%swap3A_1327] {strides = array<i32>} : memref<200xi32, #tpu.memory_space<vmem>>, vector<16xi32>,
        %swap3A_1329 = vector.shape_cast %swap3A_1328 : vector<16xi32> to vector<16xi32>
        %swap3A_1330 = vector.shape_cast %select_n3A_1326 : vector<16xi32> to vector<16xi32>
        tpu.vector_store %arg6[%swap3A_1327], %swap3A_1330 {strides = array<i32>} : memref<200xi32, #tpu.memory_space<vmem>>, vector<16xi32>,
        %get3A_1331 = arith.index_cast %add3A_1273 : i32 to index
        %get3A_1332 = arith.constant 48 : index
        %get3A_1333 = tpu.vector_load %arg5[%get3A_1331, %get3A_1332] {strides = array<i32>} : memref<128x200xi32, #tpu.memory_space<vmem>>, vector<1x16xi32>,
        %get3A_1334 = vector.shape_cast %get3A_1333 : vector<1x16xi32> to vector<16xi32>
        %and3A_1335 = arith.constant 8191 : i32
        %and3A_1336 = vector.broadcast %and3A_1335 : i32 to vector<16xi32>
        %and3A_1337 = arith.andi %get3A_1334, %and3A_1336 : vector<16xi32>
        %add3A_1338 = arith.addi %get3A_1334, %and3A_1337 : vector<16xi32>
        %ge3A_1339 = arith.constant 4096 : i32
        %ge3A_1340 = vector.broadcast %ge3A_1339 : i32 to vector<16xi32>
        %ge3A_1341 = arith.cmpi sge, %and3A_1337, %ge3A_1340 : vector<16xi32>
        %sub3A_1342 = arith.constant 8191 : i32
        %sub3A_1343 = vector.broadcast %sub3A_1342 : i32 to vector<16xi32>
        %sub3A_1344 = arith.subi %add3A_1338, %sub3A_1343 : vector<16xi32>
        %select_n3A_1345 = arith.select %ge3A_1341, %sub3A_1344, %add3A_1338 : vector<16xi1>, vector<16xi32>
        %swap3A_1346 = arith.constant 48 : index
        %swap3A_1347 = tpu.vector_load %arg6[%swap3A_1346] {strides = array<i32>} : memref<200xi32, #tpu.memory_space<vmem>>, vector<16xi32>,
        %swap3A_1348 = vector.shape_cast %swap3A_1347 : vector<16xi32> to vector<16xi32>
        %swap3A_1349 = vector.shape_cast %select_n3A_1345 : vector<16xi32> to vector<16xi32>
        tpu.vector_store %arg6[%swap3A_1346], %swap3A_1349 {strides = array<i32>} : memref<200xi32, #tpu.memory_space<vmem>>, vector<16xi32>,
        %get3A_1350 = arith.index_cast %add3A_1273 : i32 to index
        %get3A_1351 = arith.constant 64 : index
        %get3A_1352 = tpu.vector_load %arg5[%get3A_1350, %get3A_1351] {strides = array<i32>} : memref<128x200xi32, #tpu.memory_space<vmem>>, vector<1x16xi32>,
        %get3A_1353 = vector.shape_cast %get3A_1352 : vector<1x16xi32> to vector<16xi32>
        %and3A_1354 = arith.constant 8191 : i32
        %and3A_1355 = vector.broadcast %and3A_1354 : i32 to vector<16xi32>
        %and3A_1356 = arith.andi %get3A_1353, %and3A_1355 : vector<16xi32>
        %add3A_1357 = arith.addi %get3A_1353, %and3A_1356 : vector<16xi32>
        %ge3A_1358 = arith.constant 4096 : i32
        %ge3A_1359 = vector.broadcast %ge3A_1358 : i32 to vector<16xi32>
        %ge3A_1360 = arith.cmpi sge, %and3A_1356, %ge3A_1359 : vector<16xi32>
        %sub3A_1361 = arith.constant 8191 : i32
        %sub3A_1362 = vector.broadcast %sub3A_1361 : i32 to vector<16xi32>
        %sub3A_1363 = arith.subi %add3A_1357, %sub3A_1362 : vector<16xi32>
        %select_n3A_1364 = arith.select %ge3A_1360, %sub3A_1363, %add3A_1357 : vector<16xi1>, vector<16xi32>
        %swap3A_1365 = arith.constant 64 : index
        %swap3A_1366 = tpu.vector_load %arg6[%swap3A_1365] {strides = array<i32>} : memref<200xi32, #tpu.memory_space<vmem>>, vector<16xi32>,
        %swap3A_1367 = vector.shape_cast %swap3A_1366 : vector<16xi32> to vector<16xi32>
        %swap3A_1368 = vector.shape_cast %select_n3A_1364 : vector<16xi32> to vector<16xi32>
        tpu.vector_store %arg6[%swap3A_1365], %swap3A_1368 {strides = array<i32>} : memref<200xi32, #tpu.memory_space<vmem>>, vector<16xi32>,
        %get3A_1369 = arith.index_cast %add3A_1273 : i32 to index
        %get3A_1370 = arith.constant 80 : index
        %get3A_1371 = tpu.vector_load %arg5[%get3A_1369, %get3A_1370] {strides = array<i32>} : memref<128x200xi32, #tpu.memory_space<vmem>>, vector<1x16xi32>,
        %get3A_1372 = vector.shape_cast %get3A_1371 : vector<1x16xi32> to vector<16xi32>
        %and3A_1373 = arith.constant 8191 : i32
        %and3A_1374 = vector.broadcast %and3A_1373 : i32 to vector<16xi32>
        %and3A_1375 = arith.andi %get3A_1372, %and3A_1374 : vector<16xi32>
        %add3A_1376 = arith.addi %get3A_1372, %and3A_1375 : vector<16xi32>
        %ge3A_1377 = arith.constant 4096 : i32
        %ge3A_1378 = vector.broadcast %ge3A_1377 : i32 to vector<16xi32>
        %ge3A_1379 = arith.cmpi sge, %and3A_1375, %ge3A_1378 : vector<16xi32>
        %sub3A_1380 = arith.constant 8191 : i32
        %sub3A_1381 = vector.broadcast %sub3A_1380 : i32 to vector<16xi32>
        %sub3A_1382 = arith.subi %add3A_1376, %sub3A_1381 : vector<16xi32>
        %select_n3A_1383 = arith.select %ge3A_1379, %sub3A_1382, %add3A_1376 : vector<16xi1>, vector<16xi32>
        %swap3A_1384 = arith.constant 80 : index
        %swap3A_1385 = tpu.vector_load %arg6[%swap3A_1384] {strides = array<i32>} : memref<200xi32, #tpu.memory_space<vmem>>, vector<16xi32>,
        %swap3A_1386 = vector.shape_cast %swap3A_1385 : vector<16xi32> to vector<16xi32>
        %swap3A_1387 = vector.shape_cast %select_n3A_1383 : vector<16xi32> to vector<16xi32>
        tpu.vector_store %arg6[%swap3A_1384], %swap3A_1387 {strides = array<i32>} : memref<200xi32, #tpu.memory_space<vmem>>, vector<16xi32>,
        %get3A_1388 = arith.index_cast %add3A_1273 : i32 to index
        %get3A_1389 = arith.constant 96 : index
        %get3A_1390 = tpu.vector_load %arg5[%get3A_1388, %get3A_1389] {strides = array<i32>} : memref<128x200xi32, #tpu.memory_space<vmem>>, vector<1x16xi32>,
        %get3A_1391 = vector.shape_cast %get3A_1390 : vector<1x16xi32> to vector<16xi32>
        %and3A_1392 = arith.constant 8191 : i32
        %and3A_1393 = vector.broadcast %and3A_1392 : i32 to vector<16xi32>
        %and3A_1394 = arith.andi %get3A_1391, %and3A_1393 : vector<16xi32>
        %add3A_1395 = arith.addi %get3A_1391, %and3A_1394 : vector<16xi32>
        %ge3A_1396 = arith.constant 4096 : i32
        %ge3A_1397 = vector.broadcast %ge3A_1396 : i32 to vector<16xi32>
        %ge3A_1398 = arith.cmpi sge, %and3A_1394, %ge3A_1397 : vector<16xi32>
        %sub3A_1399 = arith.constant 8191 : i32
        %sub3A_1400 = vector.broadcast %sub3A_1399 : i32 to vector<16xi32>
        %sub3A_1401 = arith.subi %add3A_1395, %sub3A_1400 : vector<16xi32>
        %select_n3A_1402 = arith.select %ge3A_1398, %sub3A_1401, %add3A_1395 : vector<16xi1>, vector<16xi32>
        %swap3A_1403 = arith.constant 96 : index
        %swap3A_1404 = tpu.vector_load %arg6[%swap3A_1403] {strides = array<i32>} : memref<200xi32, #tpu.memory_space<vmem>>, vector<16xi32>,
        %swap3A_1405 = vector.shape_cast %swap3A_1404 : vector<16xi32> to vector<16xi32>
        %swap3A_1406 = vector.shape_cast %select_n3A_1402 : vector<16xi32> to vector<16xi32>
        tpu.vector_store %arg6[%swap3A_1403], %swap3A_1406 {strides = array<i32>} : memref<200xi32, #tpu.memory_space<vmem>>, vector<16xi32>,
        %get3A_1407 = arith.index_cast %add3A_1273 : i32 to index
        %get3A_1408 = arith.constant 112 : index
        %get3A_1409 = tpu.vector_load %arg5[%get3A_1407, %get3A_1408] {strides = array<i32>} : memref<128x200xi32, #tpu.memory_space<vmem>>, vector<1x16xi32>,
        %get3A_1410 = vector.shape_cast %get3A_1409 : vector<1x16xi32> to vector<16xi32>
        %and3A_1411 = arith.constant 8191 : i32
        %and3A_1412 = vector.broadcast %and3A_1411 : i32 to vector<16xi32>
        %and3A_1413 = arith.andi %get3A_1410, %and3A_1412 : vector<16xi32>
        %add3A_1414 = arith.addi %get3A_1410, %and3A_1413 : vector<16xi32>
        %ge3A_1415 = arith.constant 4096 : i32
        %ge3A_1416 = vector.broadcast %ge3A_1415 : i32 to vector<16xi32>
        %ge3A_1417 = arith.cmpi sge, %and3A_1413, %ge3A_1416 : vector<16xi32>
        %sub3A_1418 = arith.constant 8191 : i32
        %sub3A_1419 = vector.broadcast %sub3A_1418 : i32 to vector<16xi32>
        %sub3A_1420 = arith.subi %add3A_1414, %sub3A_1419 : vector<16xi32>
        %select_n3A_1421 = arith.select %ge3A_1417, %sub3A_1420, %add3A_1414 : vector<16xi1>, vector<16xi32>
        %swap3A_1422 = arith.constant 112 : index
        %swap3A_1423 = tpu.vector_load %arg6[%swap3A_1422] {strides = array<i32>} : memref<200xi32, #tpu.memory_space<vmem>>, vector<16xi32>,
        %swap3A_1424 = vector.shape_cast %swap3A_1423 : vector<16xi32> to vector<16xi32>
        %swap3A_1425 = vector.shape_cast %select_n3A_1421 : vector<16xi32> to vector<16xi32>
        tpu.vector_store %arg6[%swap3A_1422], %swap3A_1425 {strides = array<i32>} : memref<200xi32, #tpu.memory_space<vmem>>, vector<16xi32>,
        %get3A_1426 = arith.index_cast %add3A_1273 : i32 to index
        %get3A_1427 = arith.constant 128 : index
        %get3A_1428 = tpu.vector_load %arg5[%get3A_1426, %get3A_1427] {strides = array<i32>} : memref<128x200xi32, #tpu.memory_space<vmem>>, vector<1x16xi32>,
        %get3A_1429 = vector.shape_cast %get3A_1428 : vector<1x16xi32> to vector<16xi32>
        %and3A_1430 = arith.constant 8191 : i32
        %and3A_1431 = vector.broadcast %and3A_1430 : i32 to vector<16xi32>
        %and3A_1432 = arith.andi %get3A_1429, %and3A_1431 : vector<16xi32>
        %add3A_1433 = arith.addi %get3A_1429, %and3A_1432 : vector<16xi32>
        %ge3A_1434 = arith.constant 4096 : i32
        %ge3A_1435 = vector.broadcast %ge3A_1434 : i32 to vector<16xi32>
        %ge3A_1436 = arith.cmpi sge, %and3A_1432, %ge3A_1435 : vector<16xi32>
        %sub3A_1437 = arith.constant 8191 : i32
        %sub3A_1438 = vector.broadcast %sub3A_1437 : i32 to vector<16xi32>
        %sub3A_1439 = arith.subi %add3A_1433, %sub3A_1438 : vector<16xi32>
        %select_n3A_1440 = arith.select %ge3A_1436, %sub3A_1439, %add3A_1433 : vector<16xi1>, vector<16xi32>
        %swap3A_1441 = arith.constant 128 : index
        %swap3A_1442 = tpu.vector_load %arg6[%swap3A_1441] {strides = array<i32>} : memref<200xi32, #tpu.memory_space<vmem>>, vector<16xi32>,
        %swap3A_1443 = vector.shape_cast %swap3A_1442 : vector<16xi32> to vector<16xi32>
        %swap3A_1444 = vector.shape_cast %select_n3A_1440 : vector<16xi32> to vector<16xi32>
        tpu.vector_store %arg6[%swap3A_1441], %swap3A_1444 {strides = array<i32>} : memref<200xi32, #tpu.memory_space<vmem>>, vector<16xi32>,
        %get3A_1445 = arith.index_cast %add3A_1273 : i32 to index
        %get3A_1446 = arith.constant 144 : index
        %get3A_1447 = tpu.vector_load %arg5[%get3A_1445, %get3A_1446] {strides = array<i32>} : memref<128x200xi32, #tpu.memory_space<vmem>>, vector<1x16xi32>,
        %get3A_1448 = vector.shape_cast %get3A_1447 : vector<1x16xi32> to vector<16xi32>
        %and3A_1449 = arith.constant 8191 : i32
        %and3A_1450 = vector.broadcast %and3A_1449 : i32 to vector<16xi32>
        %and3A_1451 = arith.andi %get3A_1448, %and3A_1450 : vector<16xi32>
        %add3A_1452 = arith.addi %get3A_1448, %and3A_1451 : vector<16xi32>
        %ge3A_1453 = arith.constant 4096 : i32
        %ge3A_1454 = vector.broadcast %ge3A_1453 : i32 to vector<16xi32>
        %ge3A_1455 = arith.cmpi sge, %and3A_1451, %ge3A_1454 : vector<16xi32>
        %sub3A_1456 = arith.constant 8191 : i32
        %sub3A_1457 = vector.broadcast %sub3A_1456 : i32 to vector<16xi32>
        %sub3A_1458 = arith.subi %add3A_1452, %sub3A_1457 : vector<16xi32>
        %select_n3A_1459 = arith.select %ge3A_1455, %sub3A_1458, %add3A_1452 : vector<16xi1>, vector<16xi32>
        %swap3A_1460 = arith.constant 144 : index
        %swap3A_1461 = tpu.vector_load %arg6[%swap3A_1460] {strides = array<i32>} : memref<200xi32, #tpu.memory_space<vmem>>, vector<16xi32>,
        %swap3A_1462 = vector.shape_cast %swap3A_1461 : vector<16xi32> to vector<16xi32>
        %swap3A_1463 = vector.shape_cast %select_n3A_1459 : vector<16xi32> to vector<16xi32>
        tpu.vector_store %arg6[%swap3A_1460], %swap3A_1463 {strides = array<i32>} : memref<200xi32, #tpu.memory_space<vmem>>, vector<16xi32>,
        %get3A_1464 = arith.index_cast %add3A_1273 : i32 to index
        %get3A_1465 = arith.constant 160 : index
        %get3A_1466 = tpu.vector_load %arg5[%get3A_1464, %get3A_1465] {strides = array<i32>} : memref<128x200xi32, #tpu.memory_space<vmem>>, vector<1x16xi32>,
        %get3A_1467 = vector.shape_cast %get3A_1466 : vector<1x16xi32> to vector<16xi32>
        %and3A_1468 = arith.constant 8191 : i32
        %and3A_1469 = vector.broadcast %and3A_1468 : i32 to vector<16xi32>
        %and3A_1470 = arith.andi %get3A_1467, %and3A_1469 : vector<16xi32>
        %add3A_1471 = arith.addi %get3A_1467, %and3A_1470 : vector<16xi32>
        %ge3A_1472 = arith.constant 4096 : i32
        %ge3A_1473 = vector.broadcast %ge3A_1472 : i32 to vector<16xi32>
        %ge3A_1474 = arith.cmpi sge, %and3A_1470, %ge3A_1473 : vector<16xi32>
        %sub3A_1475 = arith.constant 8191 : i32
        %sub3A_1476 = vector.broadcast %sub3A_1475 : i32 to vector<16xi32>
        %sub3A_1477 = arith.subi %add3A_1471, %sub3A_1476 : vector<16xi32>
        %select_n3A_1478 = arith.select %ge3A_1474, %sub3A_1477, %add3A_1471 : vector<16xi1>, vector<16xi32>
        %swap3A_1479 = arith.constant 160 : index
        %swap3A_1480 = tpu.vector_load %arg6[%swap3A_1479] {strides = array<i32>} : memref<200xi32, #tpu.memory_space<vmem>>, vector<16xi32>,
        %swap3A_1481 = vector.shape_cast %swap3A_1480 : vector<16xi32> to vector<16xi32>
        %swap3A_1482 = vector.shape_cast %select_n3A_1478 : vector<16xi32> to vector<16xi32>
        tpu.vector_store %arg6[%swap3A_1479], %swap3A_1482 {strides = array<i32>} : memref<200xi32, #tpu.memory_space<vmem>>, vector<16xi32>,
        %get3A_1483 = arith.index_cast %add3A_1273 : i32 to index
        %get3A_1484 = arith.constant 176 : index
        %get3A_1485 = tpu.vector_load %arg5[%get3A_1483, %get3A_1484] {strides = array<i32>} : memref<128x200xi32, #tpu.memory_space<vmem>>, vector<1x16xi32>,
        %get3A_1486 = vector.shape_cast %get3A_1485 : vector<1x16xi32> to vector<16xi32>
        %and3A_1487 = arith.constant 8191 : i32
        %and3A_1488 = vector.broadcast %and3A_1487 : i32 to vector<16xi32>
        %and3A_1489 = arith.andi %get3A_1486, %and3A_1488 : vector<16xi32>
        %add3A_1490 = arith.addi %get3A_1486, %and3A_1489 : vector<16xi32>
        %ge3A_1491 = arith.constant 4096 : i32
        %ge3A_1492 = vector.broadcast %ge3A_1491 : i32 to vector<16xi32>
        %ge3A_1493 = arith.cmpi sge, %and3A_1489, %ge3A_1492 : vector<16xi32>
        %sub3A_1494 = arith.constant 8191 : i32
        %sub3A_1495 = vector.broadcast %sub3A_1494 : i32 to vector<16xi32>
        %sub3A_1496 = arith.subi %add3A_1490, %sub3A_1495 : vector<16xi32>
        %select_n3A_1497 = arith.select %ge3A_1493, %sub3A_1496, %add3A_1490 : vector<16xi1>, vector<16xi32>
        %swap3A_1498 = arith.constant 176 : index
        %swap3A_1499 = tpu.vector_load %arg6[%swap3A_1498] {strides = array<i32>} : memref<200xi32, #tpu.memory_space<vmem>>, vector<16xi32>,
        %swap3A_1500 = vector.shape_cast %swap3A_1499 : vector<16xi32> to vector<16xi32>
        %swap3A_1501 = vector.shape_cast %select_n3A_1497 : vector<16xi32> to vector<16xi32>
        tpu.vector_store %arg6[%swap3A_1498], %swap3A_1501 {strides = array<i32>} : memref<200xi32, #tpu.memory_space<vmem>>, vector<16xi32>,
        %get3A_1502 = arith.index_cast %add3A_1273 : i32 to index
        %get3A_1503 = arith.constant 184 : index
        %get3A_1504 = tpu.vector_load %arg5[%get3A_1502, %get3A_1503] {strides = array<i32>} : memref<128x200xi32, #tpu.memory_space<vmem>>, vector<1x16xi32>,
        %get3A_1505 = vector.shape_cast %get3A_1504 : vector<1x16xi32> to vector<16xi32>
        %and3A_1506 = arith.constant 8191 : i32
        %and3A_1507 = vector.broadcast %and3A_1506 : i32 to vector<16xi32>
        %and3A_1508 = arith.andi %get3A_1505, %and3A_1507 : vector<16xi32>
        %add3A_1509 = arith.addi %get3A_1505, %and3A_1508 : vector<16xi32>
        %ge3A_1510 = arith.constant 4096 : i32
        %ge3A_1511 = vector.broadcast %ge3A_1510 : i32 to vector<16xi32>
        %ge3A_1512 = arith.cmpi sge, %and3A_1508, %ge3A_1511 : vector<16xi32>
        %sub3A_1513 = arith.constant 8191 : i32
        %sub3A_1514 = vector.broadcast %sub3A_1513 : i32 to vector<16xi32>
        %sub3A_1515 = arith.subi %add3A_1509, %sub3A_1514 : vector<16xi32>
        %select_n3A_1516 = arith.select %ge3A_1512, %sub3A_1515, %add3A_1509 : vector<16xi1>, vector<16xi32>
        %swap3A_1517 = arith.constant 184 : index
        %swap3A_1518 = tpu.vector_load %arg6[%swap3A_1517] {strides = array<i32>} : memref<200xi32, #tpu.memory_space<vmem>>, vector<16xi32>,
        %swap3A_1519 = vector.shape_cast %swap3A_1518 : vector<16xi32> to vector<16xi32>
        %swap3A_1520 = vector.shape_cast %select_n3A_1516 : vector<16xi32> to vector<16xi32>
        tpu.vector_store %arg6[%swap3A_1517], %swap3A_1520 {strides = array<i32>} : memref<200xi32, #tpu.memory_space<vmem>>, vector<16xi32>,
        %dma_start3A_1521 = arith.constant 0 : i32
        %dma_start3A_1522 = arith.constant 0 : i32
        %dma_start3A_1523 = tpu.memref_slice %arg3[%dma_start3A_1521, %dma_start3A_1522] : memref<1007616x64xf32, #tpu.memory_space<hbm>> -> memref<1007616x64xf32, #tpu.memory_space<hbm>>
        tpu.enqueue_indirect_dma source(%dma_start3A_1523 : memref<1007616x64xf32, #tpu.memory_space<hbm>>) target(%arg14 : memref<200x64xf32, #tpu.memory_space<vmem>>) offsets(%arg6 : memref<200xi32, #tpu.memory_space<vmem>>) semaphore(%arg22 : memref<!tpu.dma_semaphore, #tpu.memory_space<semaphore_mem>>)
      } else {
      }
      %mul3A_1202 = arith.constant 8 : i32
      %mul3A_1203 = arith.muli %scan3A_1099, %mul3A_1202 : i32
      %add3A_1204 = arith.constant 5 : i32
      %add3A_1205 = arith.addi %mul3A_1203, %add3A_1204 : i32
      %dma_wait3A_1206 = arith.constant 0 : i32
      %dma_wait3A_1207 = arith.constant 0 : i32
      %dma_wait3A_1208 = tpu.memref_slice %arg3[%dma_wait3A_1206, %dma_wait3A_1207] : memref<1007616x64xf32, #tpu.memory_space<hbm>> -> memref<1007616x64xf32, #tpu.memory_space<hbm>>
      tpu.wait_indirect_dma semaphore(%arg27 : memref<!tpu.dma_semaphore, #tpu.memory_space<semaphore_mem>>) src(%dma_wait3A_1208 : memref<1007616x64xf32, #tpu.memory_space<hbm>>) dst(%arg19 : memref<200x64xf32, #tpu.memory_space<vmem>>)
      %add3A_1209 = arith.addi %mul3A_2, %add3A_1205 : i32
      %mul3A_1210 = arith.constant 200 : i32
      %mul3A_1211 = arith.muli %add3A_1209, %mul3A_1210 : i32
      %dma_start3A_1212 = arith.constant 0 : i32
      %dma_start3A_1213 = tpu.memref_slice %arg4[%mul3A_1211, %dma_start3A_1212] : memref<819200x128xf32, #tpu.memory_space<hbm>> -> memref<200x64xf32, #tpu.memory_space<hbm>>
      %dma_start3A_1214 = arith.constant 0 : i32
      %dma_start3A_1215 = tpu.memref_slice %arg4[%mul3A_1211, %dma_start3A_1214] : memref<819200x128xf32, #tpu.memory_space<hbm>> -> memref<200x64xf32, #tpu.memory_space<hbm>>
      tpu.enqueue_dma source(%arg19 : memref<200x64xf32, #tpu.memory_space<vmem>>) target(%dma_start3A_1215 : memref<200x64xf32, #tpu.memory_space<hbm>>) target_semaphore(%arg35 : memref<!tpu.dma_semaphore, #tpu.memory_space<semaphore_mem>>)
      %add3A_1216 = arith.constant 4 : i32
      %add3A_1217 = arith.addi %add3A_1205, %add3A_1216 : i32
      %lt3A_1218 = arith.constant 128 : i32
      %lt3A_1219 = arith.cmpi slt, %add3A_1217, %lt3A_1218 : i32
      %convert_element_type3A_1220 = arith.extui %lt3A_1219 : i1 to i32
      %cond3A_1221 = arith.constant 0 : i32
      %cond3A_1222 = arith.cmpi ne, %convert_element_type3A_1220, %cond3A_1221 : i32
      scf.if %cond3A_1222 {
        %sub3A_1265 = arith.constant 4 : i32
        %sub3A_1266 = arith.subi %add3A_1205, %sub3A_1265 : i32
        %ge3A_1267 = arith.constant 0 : i32
        %ge3A_1268 = arith.cmpi sge, %sub3A_1266, %ge3A_1267 : i32
        %convert_element_type3A_1269 = arith.extui %ge3A_1268 : i1 to i32
        %cond3A_1270 = arith.constant 0 : i32
        %cond3A_1271 = arith.cmpi ne, %convert_element_type3A_1269, %cond3A_1270 : i32
        scf.if %cond3A_1271 {
          %dma_wait3A_1524 = arith.constant 0 : i32
          %dma_wait3A_1525 = arith.constant 0 : i32
          %dma_wait3A_1526 = tpu.memref_slice %arg4[%dma_wait3A_1524, %dma_wait3A_1525] : memref<819200x128xf32, #tpu.memory_space<hbm>> -> memref<200x64xf32, #tpu.memory_space<hbm>>
          %dma_wait3A_1527 = arith.constant 0 : i32
          %dma_wait3A_1528 = arith.constant 0 : i32
          %dma_wait3A_1529 = tpu.memref_slice %arg4[%dma_wait3A_1527, %dma_wait3A_1528] : memref<819200x128xf32, #tpu.memory_space<hbm>> -> memref<200x64xf32, #tpu.memory_space<hbm>>
          tpu.wait_dma2 semaphore(%arg31 : memref<!tpu.dma_semaphore, #tpu.memory_space<semaphore_mem>>) src(%arg15 : memref<200x64xf32, #tpu.memory_space<vmem>>) dst(%dma_wait3A_1529 : memref<200x64xf32, #tpu.memory_space<hbm>>)
        } else {
        }
        %add3A_1272 = arith.constant 4 : i32
        %add3A_1273 = arith.addi %add3A_1205, %add3A_1272 : i32
        %get3A_1274 = arith.index_cast %add3A_1273 : i32 to index
        %get3A_1275 = arith.constant 0 : index
        %get3A_1276 = tpu.vector_load %arg5[%get3A_1274, %get3A_1275] {strides = array<i32>} : memref<128x200xi32, #tpu.memory_space<vmem>>, vector<1x16xi32>,
        %get3A_1277 = vector.shape_cast %get3A_1276 : vector<1x16xi32> to vector<16xi32>
        %and3A_1278 = arith.constant 8191 : i32
        %and3A_1279 = vector.broadcast %and3A_1278 : i32 to vector<16xi32>
        %and3A_1280 = arith.andi %get3A_1277, %and3A_1279 : vector<16xi32>
        %add3A_1281 = arith.addi %get3A_1277, %and3A_1280 : vector<16xi32>
        %ge3A_1282 = arith.constant 4096 : i32
        %ge3A_1283 = vector.broadcast %ge3A_1282 : i32 to vector<16xi32>
        %ge3A_1284 = arith.cmpi sge, %and3A_1280, %ge3A_1283 : vector<16xi32>
        %sub3A_1285 = arith.constant 8191 : i32
        %sub3A_1286 = vector.broadcast %sub3A_1285 : i32 to vector<16xi32>
        %sub3A_1287 = arith.subi %add3A_1281, %sub3A_1286 : vector<16xi32>
        %select_n3A_1288 = arith.select %ge3A_1284, %sub3A_1287, %add3A_1281 : vector<16xi1>, vector<16xi32>
        %swap3A_1289 = arith.constant 0 : index
        %swap3A_1290 = tpu.vector_load %arg7[%swap3A_1289] {strides = array<i32>} : memref<200xi32, #tpu.memory_space<vmem>>, vector<16xi32>,
        %swap3A_1291 = vector.shape_cast %swap3A_1290 : vector<16xi32> to vector<16xi32>
        %swap3A_1292 = vector.shape_cast %select_n3A_1288 : vector<16xi32> to vector<16xi32>
        tpu.vector_store %arg7[%swap3A_1289], %swap3A_1292 {strides = array<i32>} : memref<200xi32, #tpu.memory_space<vmem>>, vector<16xi32>,
        %get3A_1293 = arith.index_cast %add3A_1273 : i32 to index
        %get3A_1294 = arith.constant 16 : index
        %get3A_1295 = tpu.vector_load %arg5[%get3A_1293, %get3A_1294] {strides = array<i32>} : memref<128x200xi32, #tpu.memory_space<vmem>>, vector<1x16xi32>,
        %get3A_1296 = vector.shape_cast %get3A_1295 : vector<1x16xi32> to vector<16xi32>
        %and3A_1297 = arith.constant 8191 : i32
        %and3A_1298 = vector.broadcast %and3A_1297 : i32 to vector<16xi32>
        %and3A_1299 = arith.andi %get3A_1296, %and3A_1298 : vector<16xi32>
        %add3A_1300 = arith.addi %get3A_1296, %and3A_1299 : vector<16xi32>
        %ge3A_1301 = arith.constant 4096 : i32
        %ge3A_1302 = vector.broadcast %ge3A_1301 : i32 to vector<16xi32>
        %ge3A_1303 = arith.cmpi sge, %and3A_1299, %ge3A_1302 : vector<16xi32>
        %sub3A_1304 = arith.constant 8191 : i32
        %sub3A_1305 = vector.broadcast %sub3A_1304 : i32 to vector<16xi32>
        %sub3A_1306 = arith.subi %add3A_1300, %sub3A_1305 : vector<16xi32>
        %select_n3A_1307 = arith.select %ge3A_1303, %sub3A_1306, %add3A_1300 : vector<16xi1>, vector<16xi32>
        %swap3A_1308 = arith.constant 16 : index
        %swap3A_1309 = tpu.vector_load %arg7[%swap3A_1308] {strides = array<i32>} : memref<200xi32, #tpu.memory_space<vmem>>, vector<16xi32>,
        %swap3A_1310 = vector.shape_cast %swap3A_1309 : vector<16xi32> to vector<16xi32>
        %swap3A_1311 = vector.shape_cast %select_n3A_1307 : vector<16xi32> to vector<16xi32>
        tpu.vector_store %arg7[%swap3A_1308], %swap3A_1311 {strides = array<i32>} : memref<200xi32, #tpu.memory_space<vmem>>, vector<16xi32>,
        %get3A_1312 = arith.index_cast %add3A_1273 : i32 to index
        %get3A_1313 = arith.constant 32 : index
        %get3A_1314 = tpu.vector_load %arg5[%get3A_1312, %get3A_1313] {strides = array<i32>} : memref<128x200xi32, #tpu.memory_space<vmem>>, vector<1x16xi32>,
        %get3A_1315 = vector.shape_cast %get3A_1314 : vector<1x16xi32> to vector<16xi32>
        %and3A_1316 = arith.constant 8191 : i32
        %and3A_1317 = vector.broadcast %and3A_1316 : i32 to vector<16xi32>
        %and3A_1318 = arith.andi %get3A_1315, %and3A_1317 : vector<16xi32>
        %add3A_1319 = arith.addi %get3A_1315, %and3A_1318 : vector<16xi32>
        %ge3A_1320 = arith.constant 4096 : i32
        %ge3A_1321 = vector.broadcast %ge3A_1320 : i32 to vector<16xi32>
        %ge3A_1322 = arith.cmpi sge, %and3A_1318, %ge3A_1321 : vector<16xi32>
        %sub3A_1323 = arith.constant 8191 : i32
        %sub3A_1324 = vector.broadcast %sub3A_1323 : i32 to vector<16xi32>
        %sub3A_1325 = arith.subi %add3A_1319, %sub3A_1324 : vector<16xi32>
        %select_n3A_1326 = arith.select %ge3A_1322, %sub3A_1325, %add3A_1319 : vector<16xi1>, vector<16xi32>
        %swap3A_1327 = arith.constant 32 : index
        %swap3A_1328 = tpu.vector_load %arg7[%swap3A_1327] {strides = array<i32>} : memref<200xi32, #tpu.memory_space<vmem>>, vector<16xi32>,
        %swap3A_1329 = vector.shape_cast %swap3A_1328 : vector<16xi32> to vector<16xi32>
        %swap3A_1330 = vector.shape_cast %select_n3A_1326 : vector<16xi32> to vector<16xi32>
        tpu.vector_store %arg7[%swap3A_1327], %swap3A_1330 {strides = array<i32>} : memref<200xi32, #tpu.memory_space<vmem>>, vector<16xi32>,
        %get3A_1331 = arith.index_cast %add3A_1273 : i32 to index
        %get3A_1332 = arith.constant 48 : index
        %get3A_1333 = tpu.vector_load %arg5[%get3A_1331, %get3A_1332] {strides = array<i32>} : memref<128x200xi32, #tpu.memory_space<vmem>>, vector<1x16xi32>,
        %get3A_1334 = vector.shape_cast %get3A_1333 : vector<1x16xi32> to vector<16xi32>
        %and3A_1335 = arith.constant 8191 : i32
        %and3A_1336 = vector.broadcast %and3A_1335 : i32 to vector<16xi32>
        %and3A_1337 = arith.andi %get3A_1334, %and3A_1336 : vector<16xi32>
        %add3A_1338 = arith.addi %get3A_1334, %and3A_1337 : vector<16xi32>
        %ge3A_1339 = arith.constant 4096 : i32
        %ge3A_1340 = vector.broadcast %ge3A_1339 : i32 to vector<16xi32>
        %ge3A_1341 = arith.cmpi sge, %and3A_1337, %ge3A_1340 : vector<16xi32>
        %sub3A_1342 = arith.constant 8191 : i32
        %sub3A_1343 = vector.broadcast %sub3A_1342 : i32 to vector<16xi32>
        %sub3A_1344 = arith.subi %add3A_1338, %sub3A_1343 : vector<16xi32>
        %select_n3A_1345 = arith.select %ge3A_1341, %sub3A_1344, %add3A_1338 : vector<16xi1>, vector<16xi32>
        %swap3A_1346 = arith.constant 48 : index
        %swap3A_1347 = tpu.vector_load %arg7[%swap3A_1346] {strides = array<i32>} : memref<200xi32, #tpu.memory_space<vmem>>, vector<16xi32>,
        %swap3A_1348 = vector.shape_cast %swap3A_1347 : vector<16xi32> to vector<16xi32>
        %swap3A_1349 = vector.shape_cast %select_n3A_1345 : vector<16xi32> to vector<16xi32>
        tpu.vector_store %arg7[%swap3A_1346], %swap3A_1349 {strides = array<i32>} : memref<200xi32, #tpu.memory_space<vmem>>, vector<16xi32>,
        %get3A_1350 = arith.index_cast %add3A_1273 : i32 to index
        %get3A_1351 = arith.constant 64 : index
        %get3A_1352 = tpu.vector_load %arg5[%get3A_1350, %get3A_1351] {strides = array<i32>} : memref<128x200xi32, #tpu.memory_space<vmem>>, vector<1x16xi32>,
        %get3A_1353 = vector.shape_cast %get3A_1352 : vector<1x16xi32> to vector<16xi32>
        %and3A_1354 = arith.constant 8191 : i32
        %and3A_1355 = vector.broadcast %and3A_1354 : i32 to vector<16xi32>
        %and3A_1356 = arith.andi %get3A_1353, %and3A_1355 : vector<16xi32>
        %add3A_1357 = arith.addi %get3A_1353, %and3A_1356 : vector<16xi32>
        %ge3A_1358 = arith.constant 4096 : i32
        %ge3A_1359 = vector.broadcast %ge3A_1358 : i32 to vector<16xi32>
        %ge3A_1360 = arith.cmpi sge, %and3A_1356, %ge3A_1359 : vector<16xi32>
        %sub3A_1361 = arith.constant 8191 : i32
        %sub3A_1362 = vector.broadcast %sub3A_1361 : i32 to vector<16xi32>
        %sub3A_1363 = arith.subi %add3A_1357, %sub3A_1362 : vector<16xi32>
        %select_n3A_1364 = arith.select %ge3A_1360, %sub3A_1363, %add3A_1357 : vector<16xi1>, vector<16xi32>
        %swap3A_1365 = arith.constant 64 : index
        %swap3A_1366 = tpu.vector_load %arg7[%swap3A_1365] {strides = array<i32>} : memref<200xi32, #tpu.memory_space<vmem>>, vector<16xi32>,
        %swap3A_1367 = vector.shape_cast %swap3A_1366 : vector<16xi32> to vector<16xi32>
        %swap3A_1368 = vector.shape_cast %select_n3A_1364 : vector<16xi32> to vector<16xi32>
        tpu.vector_store %arg7[%swap3A_1365], %swap3A_1368 {strides = array<i32>} : memref<200xi32, #tpu.memory_space<vmem>>, vector<16xi32>,
        %get3A_1369 = arith.index_cast %add3A_1273 : i32 to index
        %get3A_1370 = arith.constant 80 : index
        %get3A_1371 = tpu.vector_load %arg5[%get3A_1369, %get3A_1370] {strides = array<i32>} : memref<128x200xi32, #tpu.memory_space<vmem>>, vector<1x16xi32>,
        %get3A_1372 = vector.shape_cast %get3A_1371 : vector<1x16xi32> to vector<16xi32>
        %and3A_1373 = arith.constant 8191 : i32
        %and3A_1374 = vector.broadcast %and3A_1373 : i32 to vector<16xi32>
        %and3A_1375 = arith.andi %get3A_1372, %and3A_1374 : vector<16xi32>
        %add3A_1376 = arith.addi %get3A_1372, %and3A_1375 : vector<16xi32>
        %ge3A_1377 = arith.constant 4096 : i32
        %ge3A_1378 = vector.broadcast %ge3A_1377 : i32 to vector<16xi32>
        %ge3A_1379 = arith.cmpi sge, %and3A_1375, %ge3A_1378 : vector<16xi32>
        %sub3A_1380 = arith.constant 8191 : i32
        %sub3A_1381 = vector.broadcast %sub3A_1380 : i32 to vector<16xi32>
        %sub3A_1382 = arith.subi %add3A_1376, %sub3A_1381 : vector<16xi32>
        %select_n3A_1383 = arith.select %ge3A_1379, %sub3A_1382, %add3A_1376 : vector<16xi1>, vector<16xi32>
        %swap3A_1384 = arith.constant 80 : index
        %swap3A_1385 = tpu.vector_load %arg7[%swap3A_1384] {strides = array<i32>} : memref<200xi32, #tpu.memory_space<vmem>>, vector<16xi32>,
        %swap3A_1386 = vector.shape_cast %swap3A_1385 : vector<16xi32> to vector<16xi32>
        %swap3A_1387 = vector.shape_cast %select_n3A_1383 : vector<16xi32> to vector<16xi32>
        tpu.vector_store %arg7[%swap3A_1384], %swap3A_1387 {strides = array<i32>} : memref<200xi32, #tpu.memory_space<vmem>>, vector<16xi32>,
        %get3A_1388 = arith.index_cast %add3A_1273 : i32 to index
        %get3A_1389 = arith.constant 96 : index
        %get3A_1390 = tpu.vector_load %arg5[%get3A_1388, %get3A_1389] {strides = array<i32>} : memref<128x200xi32, #tpu.memory_space<vmem>>, vector<1x16xi32>,
        %get3A_1391 = vector.shape_cast %get3A_1390 : vector<1x16xi32> to vector<16xi32>
        %and3A_1392 = arith.constant 8191 : i32
        %and3A_1393 = vector.broadcast %and3A_1392 : i32 to vector<16xi32>
        %and3A_1394 = arith.andi %get3A_1391, %and3A_1393 : vector<16xi32>
        %add3A_1395 = arith.addi %get3A_1391, %and3A_1394 : vector<16xi32>
        %ge3A_1396 = arith.constant 4096 : i32
        %ge3A_1397 = vector.broadcast %ge3A_1396 : i32 to vector<16xi32>
        %ge3A_1398 = arith.cmpi sge, %and3A_1394, %ge3A_1397 : vector<16xi32>
        %sub3A_1399 = arith.constant 8191 : i32
        %sub3A_1400 = vector.broadcast %sub3A_1399 : i32 to vector<16xi32>
        %sub3A_1401 = arith.subi %add3A_1395, %sub3A_1400 : vector<16xi32>
        %select_n3A_1402 = arith.select %ge3A_1398, %sub3A_1401, %add3A_1395 : vector<16xi1>, vector<16xi32>
        %swap3A_1403 = arith.constant 96 : index
        %swap3A_1404 = tpu.vector_load %arg7[%swap3A_1403] {strides = array<i32>} : memref<200xi32, #tpu.memory_space<vmem>>, vector<16xi32>,
        %swap3A_1405 = vector.shape_cast %swap3A_1404 : vector<16xi32> to vector<16xi32>
        %swap3A_1406 = vector.shape_cast %select_n3A_1402 : vector<16xi32> to vector<16xi32>
        tpu.vector_store %arg7[%swap3A_1403], %swap3A_1406 {strides = array<i32>} : memref<200xi32, #tpu.memory_space<vmem>>, vector<16xi32>,
        %get3A_1407 = arith.index_cast %add3A_1273 : i32 to index
        %get3A_1408 = arith.constant 112 : index
        %get3A_1409 = tpu.vector_load %arg5[%get3A_1407, %get3A_1408] {strides = array<i32>} : memref<128x200xi32, #tpu.memory_space<vmem>>, vector<1x16xi32>,
        %get3A_1410 = vector.shape_cast %get3A_1409 : vector<1x16xi32> to vector<16xi32>
        %and3A_1411 = arith.constant 8191 : i32
        %and3A_1412 = vector.broadcast %and3A_1411 : i32 to vector<16xi32>
        %and3A_1413 = arith.andi %get3A_1410, %and3A_1412 : vector<16xi32>
        %add3A_1414 = arith.addi %get3A_1410, %and3A_1413 : vector<16xi32>
        %ge3A_1415 = arith.constant 4096 : i32
        %ge3A_1416 = vector.broadcast %ge3A_1415 : i32 to vector<16xi32>
        %ge3A_1417 = arith.cmpi sge, %and3A_1413, %ge3A_1416 : vector<16xi32>
        %sub3A_1418 = arith.constant 8191 : i32
        %sub3A_1419 = vector.broadcast %sub3A_1418 : i32 to vector<16xi32>
        %sub3A_1420 = arith.subi %add3A_1414, %sub3A_1419 : vector<16xi32>
        %select_n3A_1421 = arith.select %ge3A_1417, %sub3A_1420, %add3A_1414 : vector<16xi1>, vector<16xi32>
        %swap3A_1422 = arith.constant 112 : index
        %swap3A_1423 = tpu.vector_load %arg7[%swap3A_1422] {strides = array<i32>} : memref<200xi32, #tpu.memory_space<vmem>>, vector<16xi32>,
        %swap3A_1424 = vector.shape_cast %swap3A_1423 : vector<16xi32> to vector<16xi32>
        %swap3A_1425 = vector.shape_cast %select_n3A_1421 : vector<16xi32> to vector<16xi32>
        tpu.vector_store %arg7[%swap3A_1422], %swap3A_1425 {strides = array<i32>} : memref<200xi32, #tpu.memory_space<vmem>>, vector<16xi32>,
        %get3A_1426 = arith.index_cast %add3A_1273 : i32 to index
        %get3A_1427 = arith.constant 128 : index
        %get3A_1428 = tpu.vector_load %arg5[%get3A_1426, %get3A_1427] {strides = array<i32>} : memref<128x200xi32, #tpu.memory_space<vmem>>, vector<1x16xi32>,
        %get3A_1429 = vector.shape_cast %get3A_1428 : vector<1x16xi32> to vector<16xi32>
        %and3A_1430 = arith.constant 8191 : i32
        %and3A_1431 = vector.broadcast %and3A_1430 : i32 to vector<16xi32>
        %and3A_1432 = arith.andi %get3A_1429, %and3A_1431 : vector<16xi32>
        %add3A_1433 = arith.addi %get3A_1429, %and3A_1432 : vector<16xi32>
        %ge3A_1434 = arith.constant 4096 : i32
        %ge3A_1435 = vector.broadcast %ge3A_1434 : i32 to vector<16xi32>
        %ge3A_1436 = arith.cmpi sge, %and3A_1432, %ge3A_1435 : vector<16xi32>
        %sub3A_1437 = arith.constant 8191 : i32
        %sub3A_1438 = vector.broadcast %sub3A_1437 : i32 to vector<16xi32>
        %sub3A_1439 = arith.subi %add3A_1433, %sub3A_1438 : vector<16xi32>
        %select_n3A_1440 = arith.select %ge3A_1436, %sub3A_1439, %add3A_1433 : vector<16xi1>, vector<16xi32>
        %swap3A_1441 = arith.constant 128 : index
        %swap3A_1442 = tpu.vector_load %arg7[%swap3A_1441] {strides = array<i32>} : memref<200xi32, #tpu.memory_space<vmem>>, vector<16xi32>,
        %swap3A_1443 = vector.shape_cast %swap3A_1442 : vector<16xi32> to vector<16xi32>
        %swap3A_1444 = vector.shape_cast %select_n3A_1440 : vector<16xi32> to vector<16xi32>
        tpu.vector_store %arg7[%swap3A_1441], %swap3A_1444 {strides = array<i32>} : memref<200xi32, #tpu.memory_space<vmem>>, vector<16xi32>,
        %get3A_1445 = arith.index_cast %add3A_1273 : i32 to index
        %get3A_1446 = arith.constant 144 : index
        %get3A_1447 = tpu.vector_load %arg5[%get3A_1445, %get3A_1446] {strides = array<i32>} : memref<128x200xi32, #tpu.memory_space<vmem>>, vector<1x16xi32>,
        %get3A_1448 = vector.shape_cast %get3A_1447 : vector<1x16xi32> to vector<16xi32>
        %and3A_1449 = arith.constant 8191 : i32
        %and3A_1450 = vector.broadcast %and3A_1449 : i32 to vector<16xi32>
        %and3A_1451 = arith.andi %get3A_1448, %and3A_1450 : vector<16xi32>
        %add3A_1452 = arith.addi %get3A_1448, %and3A_1451 : vector<16xi32>
        %ge3A_1453 = arith.constant 4096 : i32
        %ge3A_1454 = vector.broadcast %ge3A_1453 : i32 to vector<16xi32>
        %ge3A_1455 = arith.cmpi sge, %and3A_1451, %ge3A_1454 : vector<16xi32>
        %sub3A_1456 = arith.constant 8191 : i32
        %sub3A_1457 = vector.broadcast %sub3A_1456 : i32 to vector<16xi32>
        %sub3A_1458 = arith.subi %add3A_1452, %sub3A_1457 : vector<16xi32>
        %select_n3A_1459 = arith.select %ge3A_1455, %sub3A_1458, %add3A_1452 : vector<16xi1>, vector<16xi32>
        %swap3A_1460 = arith.constant 144 : index
        %swap3A_1461 = tpu.vector_load %arg7[%swap3A_1460] {strides = array<i32>} : memref<200xi32, #tpu.memory_space<vmem>>, vector<16xi32>,
        %swap3A_1462 = vector.shape_cast %swap3A_1461 : vector<16xi32> to vector<16xi32>
        %swap3A_1463 = vector.shape_cast %select_n3A_1459 : vector<16xi32> to vector<16xi32>
        tpu.vector_store %arg7[%swap3A_1460], %swap3A_1463 {strides = array<i32>} : memref<200xi32, #tpu.memory_space<vmem>>, vector<16xi32>,
        %get3A_1464 = arith.index_cast %add3A_1273 : i32 to index
        %get3A_1465 = arith.constant 160 : index
        %get3A_1466 = tpu.vector_load %arg5[%get3A_1464, %get3A_1465] {strides = array<i32>} : memref<128x200xi32, #tpu.memory_space<vmem>>, vector<1x16xi32>,
        %get3A_1467 = vector.shape_cast %get3A_1466 : vector<1x16xi32> to vector<16xi32>
        %and3A_1468 = arith.constant 8191 : i32
        %and3A_1469 = vector.broadcast %and3A_1468 : i32 to vector<16xi32>
        %and3A_1470 = arith.andi %get3A_1467, %and3A_1469 : vector<16xi32>
        %add3A_1471 = arith.addi %get3A_1467, %and3A_1470 : vector<16xi32>
        %ge3A_1472 = arith.constant 4096 : i32
        %ge3A_1473 = vector.broadcast %ge3A_1472 : i32 to vector<16xi32>
        %ge3A_1474 = arith.cmpi sge, %and3A_1470, %ge3A_1473 : vector<16xi32>
        %sub3A_1475 = arith.constant 8191 : i32
        %sub3A_1476 = vector.broadcast %sub3A_1475 : i32 to vector<16xi32>
        %sub3A_1477 = arith.subi %add3A_1471, %sub3A_1476 : vector<16xi32>
        %select_n3A_1478 = arith.select %ge3A_1474, %sub3A_1477, %add3A_1471 : vector<16xi1>, vector<16xi32>
        %swap3A_1479 = arith.constant 160 : index
        %swap3A_1480 = tpu.vector_load %arg7[%swap3A_1479] {strides = array<i32>} : memref<200xi32, #tpu.memory_space<vmem>>, vector<16xi32>,
        %swap3A_1481 = vector.shape_cast %swap3A_1480 : vector<16xi32> to vector<16xi32>
        %swap3A_1482 = vector.shape_cast %select_n3A_1478 : vector<16xi32> to vector<16xi32>
        tpu.vector_store %arg7[%swap3A_1479], %swap3A_1482 {strides = array<i32>} : memref<200xi32, #tpu.memory_space<vmem>>, vector<16xi32>,
        %get3A_1483 = arith.index_cast %add3A_1273 : i32 to index
        %get3A_1484 = arith.constant 176 : index
        %get3A_1485 = tpu.vector_load %arg5[%get3A_1483, %get3A_1484] {strides = array<i32>} : memref<128x200xi32, #tpu.memory_space<vmem>>, vector<1x16xi32>,
        %get3A_1486 = vector.shape_cast %get3A_1485 : vector<1x16xi32> to vector<16xi32>
        %and3A_1487 = arith.constant 8191 : i32
        %and3A_1488 = vector.broadcast %and3A_1487 : i32 to vector<16xi32>
        %and3A_1489 = arith.andi %get3A_1486, %and3A_1488 : vector<16xi32>
        %add3A_1490 = arith.addi %get3A_1486, %and3A_1489 : vector<16xi32>
        %ge3A_1491 = arith.constant 4096 : i32
        %ge3A_1492 = vector.broadcast %ge3A_1491 : i32 to vector<16xi32>
        %ge3A_1493 = arith.cmpi sge, %and3A_1489, %ge3A_1492 : vector<16xi32>
        %sub3A_1494 = arith.constant 8191 : i32
        %sub3A_1495 = vector.broadcast %sub3A_1494 : i32 to vector<16xi32>
        %sub3A_1496 = arith.subi %add3A_1490, %sub3A_1495 : vector<16xi32>
        %select_n3A_1497 = arith.select %ge3A_1493, %sub3A_1496, %add3A_1490 : vector<16xi1>, vector<16xi32>
        %swap3A_1498 = arith.constant 176 : index
        %swap3A_1499 = tpu.vector_load %arg7[%swap3A_1498] {strides = array<i32>} : memref<200xi32, #tpu.memory_space<vmem>>, vector<16xi32>,
        %swap3A_1500 = vector.shape_cast %swap3A_1499 : vector<16xi32> to vector<16xi32>
        %swap3A_1501 = vector.shape_cast %select_n3A_1497 : vector<16xi32> to vector<16xi32>
        tpu.vector_store %arg7[%swap3A_1498], %swap3A_1501 {strides = array<i32>} : memref<200xi32, #tpu.memory_space<vmem>>, vector<16xi32>,
        %get3A_1502 = arith.index_cast %add3A_1273 : i32 to index
        %get3A_1503 = arith.constant 184 : index
        %get3A_1504 = tpu.vector_load %arg5[%get3A_1502, %get3A_1503] {strides = array<i32>} : memref<128x200xi32, #tpu.memory_space<vmem>>, vector<1x16xi32>,
        %get3A_1505 = vector.shape_cast %get3A_1504 : vector<1x16xi32> to vector<16xi32>
        %and3A_1506 = arith.constant 8191 : i32
        %and3A_1507 = vector.broadcast %and3A_1506 : i32 to vector<16xi32>
        %and3A_1508 = arith.andi %get3A_1505, %and3A_1507 : vector<16xi32>
        %add3A_1509 = arith.addi %get3A_1505, %and3A_1508 : vector<16xi32>
        %ge3A_1510 = arith.constant 4096 : i32
        %ge3A_1511 = vector.broadcast %ge3A_1510 : i32 to vector<16xi32>
        %ge3A_1512 = arith.cmpi sge, %and3A_1508, %ge3A_1511 : vector<16xi32>
        %sub3A_1513 = arith.constant 8191 : i32
        %sub3A_1514 = vector.broadcast %sub3A_1513 : i32 to vector<16xi32>
        %sub3A_1515 = arith.subi %add3A_1509, %sub3A_1514 : vector<16xi32>
        %select_n3A_1516 = arith.select %ge3A_1512, %sub3A_1515, %add3A_1509 : vector<16xi1>, vector<16xi32>
        %swap3A_1517 = arith.constant 184 : index
        %swap3A_1518 = tpu.vector_load %arg7[%swap3A_1517] {strides = array<i32>} : memref<200xi32, #tpu.memory_space<vmem>>, vector<16xi32>,
        %swap3A_1519 = vector.shape_cast %swap3A_1518 : vector<16xi32> to vector<16xi32>
        %swap3A_1520 = vector.shape_cast %select_n3A_1516 : vector<16xi32> to vector<16xi32>
        tpu.vector_store %arg7[%swap3A_1517], %swap3A_1520 {strides = array<i32>} : memref<200xi32, #tpu.memory_space<vmem>>, vector<16xi32>,
        %dma_start3A_1521 = arith.constant 0 : i32
        %dma_start3A_1522 = arith.constant 0 : i32
        %dma_start3A_1523 = tpu.memref_slice %arg3[%dma_start3A_1521, %dma_start3A_1522] : memref<1007616x64xf32, #tpu.memory_space<hbm>> -> memref<1007616x64xf32, #tpu.memory_space<hbm>>
        tpu.enqueue_indirect_dma source(%dma_start3A_1523 : memref<1007616x64xf32, #tpu.memory_space<hbm>>) target(%arg15 : memref<200x64xf32, #tpu.memory_space<vmem>>) offsets(%arg7 : memref<200xi32, #tpu.memory_space<vmem>>) semaphore(%arg23 : memref<!tpu.dma_semaphore, #tpu.memory_space<semaphore_mem>>)
      } else {
      }
      %mul3A_1223 = arith.constant 8 : i32
      %mul3A_1224 = arith.muli %scan3A_1099, %mul3A_1223 : i32
      %add3A_1225 = arith.constant 6 : i32
      %add3A_1226 = arith.addi %mul3A_1224, %add3A_1225 : i32
      %dma_wait3A_1227 = arith.constant 0 : i32
      %dma_wait3A_1228 = arith.constant 0 : i32
      %dma_wait3A_1229 = tpu.memref_slice %arg3[%dma_wait3A_1227, %dma_wait3A_1228] : memref<1007616x64xf32, #tpu.memory_space<hbm>> -> memref<1007616x64xf32, #tpu.memory_space<hbm>>
      tpu.wait_indirect_dma semaphore(%arg28 : memref<!tpu.dma_semaphore, #tpu.memory_space<semaphore_mem>>) src(%dma_wait3A_1229 : memref<1007616x64xf32, #tpu.memory_space<hbm>>) dst(%arg20 : memref<200x64xf32, #tpu.memory_space<vmem>>)
      %add3A_1230 = arith.addi %mul3A_2, %add3A_1226 : i32
      %mul3A_1231 = arith.constant 200 : i32
      %mul3A_1232 = arith.muli %add3A_1230, %mul3A_1231 : i32
      %dma_start3A_1233 = arith.constant 0 : i32
      %dma_start3A_1234 = tpu.memref_slice %arg4[%mul3A_1232, %dma_start3A_1233] : memref<819200x128xf32, #tpu.memory_space<hbm>> -> memref<200x64xf32, #tpu.memory_space<hbm>>
      %dma_start3A_1235 = arith.constant 0 : i32
      %dma_start3A_1236 = tpu.memref_slice %arg4[%mul3A_1232, %dma_start3A_1235] : memref<819200x128xf32, #tpu.memory_space<hbm>> -> memref<200x64xf32, #tpu.memory_space<hbm>>
      tpu.enqueue_dma source(%arg20 : memref<200x64xf32, #tpu.memory_space<vmem>>) target(%dma_start3A_1236 : memref<200x64xf32, #tpu.memory_space<hbm>>) target_semaphore(%arg36 : memref<!tpu.dma_semaphore, #tpu.memory_space<semaphore_mem>>)
      %add3A_1237 = arith.constant 4 : i32
      %add3A_1238 = arith.addi %add3A_1226, %add3A_1237 : i32
      %lt3A_1239 = arith.constant 128 : i32
      %lt3A_1240 = arith.cmpi slt, %add3A_1238, %lt3A_1239 : i32
      %convert_element_type3A_1241 = arith.extui %lt3A_1240 : i1 to i32
      %cond3A_1242 = arith.constant 0 : i32
      %cond3A_1243 = arith.cmpi ne, %convert_element_type3A_1241, %cond3A_1242 : i32
      scf.if %cond3A_1243 {
        %sub3A_1265 = arith.constant 4 : i32
        %sub3A_1266 = arith.subi %add3A_1226, %sub3A_1265 : i32
        %ge3A_1267 = arith.constant 0 : i32
        %ge3A_1268 = arith.cmpi sge, %sub3A_1266, %ge3A_1267 : i32
        %convert_element_type3A_1269 = arith.extui %ge3A_1268 : i1 to i32
        %cond3A_1270 = arith.constant 0 : i32
        %cond3A_1271 = arith.cmpi ne, %convert_element_type3A_1269, %cond3A_1270 : i32
        scf.if %cond3A_1271 {
          %dma_wait3A_1524 = arith.constant 0 : i32
          %dma_wait3A_1525 = arith.constant 0 : i32
          %dma_wait3A_1526 = tpu.memref_slice %arg4[%dma_wait3A_1524, %dma_wait3A_1525] : memref<819200x128xf32, #tpu.memory_space<hbm>> -> memref<200x64xf32, #tpu.memory_space<hbm>>
          %dma_wait3A_1527 = arith.constant 0 : i32
          %dma_wait3A_1528 = arith.constant 0 : i32
          %dma_wait3A_1529 = tpu.memref_slice %arg4[%dma_wait3A_1527, %dma_wait3A_1528] : memref<819200x128xf32, #tpu.memory_space<hbm>> -> memref<200x64xf32, #tpu.memory_space<hbm>>
          tpu.wait_dma2 semaphore(%arg32 : memref<!tpu.dma_semaphore, #tpu.memory_space<semaphore_mem>>) src(%arg16 : memref<200x64xf32, #tpu.memory_space<vmem>>) dst(%dma_wait3A_1529 : memref<200x64xf32, #tpu.memory_space<hbm>>)
        } else {
        }
        %add3A_1272 = arith.constant 4 : i32
        %add3A_1273 = arith.addi %add3A_1226, %add3A_1272 : i32
        %get3A_1274 = arith.index_cast %add3A_1273 : i32 to index
        %get3A_1275 = arith.constant 0 : index
        %get3A_1276 = tpu.vector_load %arg5[%get3A_1274, %get3A_1275] {strides = array<i32>} : memref<128x200xi32, #tpu.memory_space<vmem>>, vector<1x16xi32>,
        %get3A_1277 = vector.shape_cast %get3A_1276 : vector<1x16xi32> to vector<16xi32>
        %and3A_1278 = arith.constant 8191 : i32
        %and3A_1279 = vector.broadcast %and3A_1278 : i32 to vector<16xi32>
        %and3A_1280 = arith.andi %get3A_1277, %and3A_1279 : vector<16xi32>
        %add3A_1281 = arith.addi %get3A_1277, %and3A_1280 : vector<16xi32>
        %ge3A_1282 = arith.constant 4096 : i32
        %ge3A_1283 = vector.broadcast %ge3A_1282 : i32 to vector<16xi32>
        %ge3A_1284 = arith.cmpi sge, %and3A_1280, %ge3A_1283 : vector<16xi32>
        %sub3A_1285 = arith.constant 8191 : i32
        %sub3A_1286 = vector.broadcast %sub3A_1285 : i32 to vector<16xi32>
        %sub3A_1287 = arith.subi %add3A_1281, %sub3A_1286 : vector<16xi32>
        %select_n3A_1288 = arith.select %ge3A_1284, %sub3A_1287, %add3A_1281 : vector<16xi1>, vector<16xi32>
        %swap3A_1289 = arith.constant 0 : index
        %swap3A_1290 = tpu.vector_load %arg8[%swap3A_1289] {strides = array<i32>} : memref<200xi32, #tpu.memory_space<vmem>>, vector<16xi32>,
        %swap3A_1291 = vector.shape_cast %swap3A_1290 : vector<16xi32> to vector<16xi32>
        %swap3A_1292 = vector.shape_cast %select_n3A_1288 : vector<16xi32> to vector<16xi32>
        tpu.vector_store %arg8[%swap3A_1289], %swap3A_1292 {strides = array<i32>} : memref<200xi32, #tpu.memory_space<vmem>>, vector<16xi32>,
        %get3A_1293 = arith.index_cast %add3A_1273 : i32 to index
        %get3A_1294 = arith.constant 16 : index
        %get3A_1295 = tpu.vector_load %arg5[%get3A_1293, %get3A_1294] {strides = array<i32>} : memref<128x200xi32, #tpu.memory_space<vmem>>, vector<1x16xi32>,
        %get3A_1296 = vector.shape_cast %get3A_1295 : vector<1x16xi32> to vector<16xi32>
        %and3A_1297 = arith.constant 8191 : i32
        %and3A_1298 = vector.broadcast %and3A_1297 : i32 to vector<16xi32>
        %and3A_1299 = arith.andi %get3A_1296, %and3A_1298 : vector<16xi32>
        %add3A_1300 = arith.addi %get3A_1296, %and3A_1299 : vector<16xi32>
        %ge3A_1301 = arith.constant 4096 : i32
        %ge3A_1302 = vector.broadcast %ge3A_1301 : i32 to vector<16xi32>
        %ge3A_1303 = arith.cmpi sge, %and3A_1299, %ge3A_1302 : vector<16xi32>
        %sub3A_1304 = arith.constant 8191 : i32
        %sub3A_1305 = vector.broadcast %sub3A_1304 : i32 to vector<16xi32>
        %sub3A_1306 = arith.subi %add3A_1300, %sub3A_1305 : vector<16xi32>
        %select_n3A_1307 = arith.select %ge3A_1303, %sub3A_1306, %add3A_1300 : vector<16xi1>, vector<16xi32>
        %swap3A_1308 = arith.constant 16 : index
        %swap3A_1309 = tpu.vector_load %arg8[%swap3A_1308] {strides = array<i32>} : memref<200xi32, #tpu.memory_space<vmem>>, vector<16xi32>,
        %swap3A_1310 = vector.shape_cast %swap3A_1309 : vector<16xi32> to vector<16xi32>
        %swap3A_1311 = vector.shape_cast %select_n3A_1307 : vector<16xi32> to vector<16xi32>
        tpu.vector_store %arg8[%swap3A_1308], %swap3A_1311 {strides = array<i32>} : memref<200xi32, #tpu.memory_space<vmem>>, vector<16xi32>,
        %get3A_1312 = arith.index_cast %add3A_1273 : i32 to index
        %get3A_1313 = arith.constant 32 : index
        %get3A_1314 = tpu.vector_load %arg5[%get3A_1312, %get3A_1313] {strides = array<i32>} : memref<128x200xi32, #tpu.memory_space<vmem>>, vector<1x16xi32>,
        %get3A_1315 = vector.shape_cast %get3A_1314 : vector<1x16xi32> to vector<16xi32>
        %and3A_1316 = arith.constant 8191 : i32
        %and3A_1317 = vector.broadcast %and3A_1316 : i32 to vector<16xi32>
        %and3A_1318 = arith.andi %get3A_1315, %and3A_1317 : vector<16xi32>
        %add3A_1319 = arith.addi %get3A_1315, %and3A_1318 : vector<16xi32>
        %ge3A_1320 = arith.constant 4096 : i32
        %ge3A_1321 = vector.broadcast %ge3A_1320 : i32 to vector<16xi32>
        %ge3A_1322 = arith.cmpi sge, %and3A_1318, %ge3A_1321 : vector<16xi32>
        %sub3A_1323 = arith.constant 8191 : i32
        %sub3A_1324 = vector.broadcast %sub3A_1323 : i32 to vector<16xi32>
        %sub3A_1325 = arith.subi %add3A_1319, %sub3A_1324 : vector<16xi32>
        %select_n3A_1326 = arith.select %ge3A_1322, %sub3A_1325, %add3A_1319 : vector<16xi1>, vector<16xi32>
        %swap3A_1327 = arith.constant 32 : index
        %swap3A_1328 = tpu.vector_load %arg8[%swap3A_1327] {strides = array<i32>} : memref<200xi32, #tpu.memory_space<vmem>>, vector<16xi32>,
        %swap3A_1329 = vector.shape_cast %swap3A_1328 : vector<16xi32> to vector<16xi32>
        %swap3A_1330 = vector.shape_cast %select_n3A_1326 : vector<16xi32> to vector<16xi32>
        tpu.vector_store %arg8[%swap3A_1327], %swap3A_1330 {strides = array<i32>} : memref<200xi32, #tpu.memory_space<vmem>>, vector<16xi32>,
        %get3A_1331 = arith.index_cast %add3A_1273 : i32 to index
        %get3A_1332 = arith.constant 48 : index
        %get3A_1333 = tpu.vector_load %arg5[%get3A_1331, %get3A_1332] {strides = array<i32>} : memref<128x200xi32, #tpu.memory_space<vmem>>, vector<1x16xi32>,
        %get3A_1334 = vector.shape_cast %get3A_1333 : vector<1x16xi32> to vector<16xi32>
        %and3A_1335 = arith.constant 8191 : i32
        %and3A_1336 = vector.broadcast %and3A_1335 : i32 to vector<16xi32>
        %and3A_1337 = arith.andi %get3A_1334, %and3A_1336 : vector<16xi32>
        %add3A_1338 = arith.addi %get3A_1334, %and3A_1337 : vector<16xi32>
        %ge3A_1339 = arith.constant 4096 : i32
        %ge3A_1340 = vector.broadcast %ge3A_1339 : i32 to vector<16xi32>
        %ge3A_1341 = arith.cmpi sge, %and3A_1337, %ge3A_1340 : vector<16xi32>
        %sub3A_1342 = arith.constant 8191 : i32
        %sub3A_1343 = vector.broadcast %sub3A_1342 : i32 to vector<16xi32>
        %sub3A_1344 = arith.subi %add3A_1338, %sub3A_1343 : vector<16xi32>
        %select_n3A_1345 = arith.select %ge3A_1341, %sub3A_1344, %add3A_1338 : vector<16xi1>, vector<16xi32>
        %swap3A_1346 = arith.constant 48 : index
        %swap3A_1347 = tpu.vector_load %arg8[%swap3A_1346] {strides = array<i32>} : memref<200xi32, #tpu.memory_space<vmem>>, vector<16xi32>,
        %swap3A_1348 = vector.shape_cast %swap3A_1347 : vector<16xi32> to vector<16xi32>
        %swap3A_1349 = vector.shape_cast %select_n3A_1345 : vector<16xi32> to vector<16xi32>
        tpu.vector_store %arg8[%swap3A_1346], %swap3A_1349 {strides = array<i32>} : memref<200xi32, #tpu.memory_space<vmem>>, vector<16xi32>,
        %get3A_1350 = arith.index_cast %add3A_1273 : i32 to index
        %get3A_1351 = arith.constant 64 : index
        %get3A_1352 = tpu.vector_load %arg5[%get3A_1350, %get3A_1351] {strides = array<i32>} : memref<128x200xi32, #tpu.memory_space<vmem>>, vector<1x16xi32>,
        %get3A_1353 = vector.shape_cast %get3A_1352 : vector<1x16xi32> to vector<16xi32>
        %and3A_1354 = arith.constant 8191 : i32
        %and3A_1355 = vector.broadcast %and3A_1354 : i32 to vector<16xi32>
        %and3A_1356 = arith.andi %get3A_1353, %and3A_1355 : vector<16xi32>
        %add3A_1357 = arith.addi %get3A_1353, %and3A_1356 : vector<16xi32>
        %ge3A_1358 = arith.constant 4096 : i32
        %ge3A_1359 = vector.broadcast %ge3A_1358 : i32 to vector<16xi32>
        %ge3A_1360 = arith.cmpi sge, %and3A_1356, %ge3A_1359 : vector<16xi32>
        %sub3A_1361 = arith.constant 8191 : i32
        %sub3A_1362 = vector.broadcast %sub3A_1361 : i32 to vector<16xi32>
        %sub3A_1363 = arith.subi %add3A_1357, %sub3A_1362 : vector<16xi32>
        %select_n3A_1364 = arith.select %ge3A_1360, %sub3A_1363, %add3A_1357 : vector<16xi1>, vector<16xi32>
        %swap3A_1365 = arith.constant 64 : index
        %swap3A_1366 = tpu.vector_load %arg8[%swap3A_1365] {strides = array<i32>} : memref<200xi32, #tpu.memory_space<vmem>>, vector<16xi32>,
        %swap3A_1367 = vector.shape_cast %swap3A_1366 : vector<16xi32> to vector<16xi32>
        %swap3A_1368 = vector.shape_cast %select_n3A_1364 : vector<16xi32> to vector<16xi32>
        tpu.vector_store %arg8[%swap3A_1365], %swap3A_1368 {strides = array<i32>} : memref<200xi32, #tpu.memory_space<vmem>>, vector<16xi32>,
        %get3A_1369 = arith.index_cast %add3A_1273 : i32 to index
        %get3A_1370 = arith.constant 80 : index
        %get3A_1371 = tpu.vector_load %arg5[%get3A_1369, %get3A_1370] {strides = array<i32>} : memref<128x200xi32, #tpu.memory_space<vmem>>, vector<1x16xi32>,
        %get3A_1372 = vector.shape_cast %get3A_1371 : vector<1x16xi32> to vector<16xi32>
        %and3A_1373 = arith.constant 8191 : i32
        %and3A_1374 = vector.broadcast %and3A_1373 : i32 to vector<16xi32>
        %and3A_1375 = arith.andi %get3A_1372, %and3A_1374 : vector<16xi32>
        %add3A_1376 = arith.addi %get3A_1372, %and3A_1375 : vector<16xi32>
        %ge3A_1377 = arith.constant 4096 : i32
        %ge3A_1378 = vector.broadcast %ge3A_1377 : i32 to vector<16xi32>
        %ge3A_1379 = arith.cmpi sge, %and3A_1375, %ge3A_1378 : vector<16xi32>
        %sub3A_1380 = arith.constant 8191 : i32
        %sub3A_1381 = vector.broadcast %sub3A_1380 : i32 to vector<16xi32>
        %sub3A_1382 = arith.subi %add3A_1376, %sub3A_1381 : vector<16xi32>
        %select_n3A_1383 = arith.select %ge3A_1379, %sub3A_1382, %add3A_1376 : vector<16xi1>, vector<16xi32>
        %swap3A_1384 = arith.constant 80 : index
        %swap3A_1385 = tpu.vector_load %arg8[%swap3A_1384] {strides = array<i32>} : memref<200xi32, #tpu.memory_space<vmem>>, vector<16xi32>,
        %swap3A_1386 = vector.shape_cast %swap3A_1385 : vector<16xi32> to vector<16xi32>
        %swap3A_1387 = vector.shape_cast %select_n3A_1383 : vector<16xi32> to vector<16xi32>
        tpu.vector_store %arg8[%swap3A_1384], %swap3A_1387 {strides = array<i32>} : memref<200xi32, #tpu.memory_space<vmem>>, vector<16xi32>,
        %get3A_1388 = arith.index_cast %add3A_1273 : i32 to index
        %get3A_1389 = arith.constant 96 : index
        %get3A_1390 = tpu.vector_load %arg5[%get3A_1388, %get3A_1389] {strides = array<i32>} : memref<128x200xi32, #tpu.memory_space<vmem>>, vector<1x16xi32>,
        %get3A_1391 = vector.shape_cast %get3A_1390 : vector<1x16xi32> to vector<16xi32>
        %and3A_1392 = arith.constant 8191 : i32
        %and3A_1393 = vector.broadcast %and3A_1392 : i32 to vector<16xi32>
        %and3A_1394 = arith.andi %get3A_1391, %and3A_1393 : vector<16xi32>
        %add3A_1395 = arith.addi %get3A_1391, %and3A_1394 : vector<16xi32>
        %ge3A_1396 = arith.constant 4096 : i32
        %ge3A_1397 = vector.broadcast %ge3A_1396 : i32 to vector<16xi32>
        %ge3A_1398 = arith.cmpi sge, %and3A_1394, %ge3A_1397 : vector<16xi32>
        %sub3A_1399 = arith.constant 8191 : i32
        %sub3A_1400 = vector.broadcast %sub3A_1399 : i32 to vector<16xi32>
        %sub3A_1401 = arith.subi %add3A_1395, %sub3A_1400 : vector<16xi32>
        %select_n3A_1402 = arith.select %ge3A_1398, %sub3A_1401, %add3A_1395 : vector<16xi1>, vector<16xi32>
        %swap3A_1403 = arith.constant 96 : index
        %swap3A_1404 = tpu.vector_load %arg8[%swap3A_1403] {strides = array<i32>} : memref<200xi32, #tpu.memory_space<vmem>>, vector<16xi32>,
        %swap3A_1405 = vector.shape_cast %swap3A_1404 : vector<16xi32> to vector<16xi32>
        %swap3A_1406 = vector.shape_cast %select_n3A_1402 : vector<16xi32> to vector<16xi32>
        tpu.vector_store %arg8[%swap3A_1403], %swap3A_1406 {strides = array<i32>} : memref<200xi32, #tpu.memory_space<vmem>>, vector<16xi32>,
        %get3A_1407 = arith.index_cast %add3A_1273 : i32 to index
        %get3A_1408 = arith.constant 112 : index
        %get3A_1409 = tpu.vector_load %arg5[%get3A_1407, %get3A_1408] {strides = array<i32>} : memref<128x200xi32, #tpu.memory_space<vmem>>, vector<1x16xi32>,
        %get3A_1410 = vector.shape_cast %get3A_1409 : vector<1x16xi32> to vector<16xi32>
        %and3A_1411 = arith.constant 8191 : i32
        %and3A_1412 = vector.broadcast %and3A_1411 : i32 to vector<16xi32>
        %and3A_1413 = arith.andi %get3A_1410, %and3A_1412 : vector<16xi32>
        %add3A_1414 = arith.addi %get3A_1410, %and3A_1413 : vector<16xi32>
        %ge3A_1415 = arith.constant 4096 : i32
        %ge3A_1416 = vector.broadcast %ge3A_1415 : i32 to vector<16xi32>
        %ge3A_1417 = arith.cmpi sge, %and3A_1413, %ge3A_1416 : vector<16xi32>
        %sub3A_1418 = arith.constant 8191 : i32
        %sub3A_1419 = vector.broadcast %sub3A_1418 : i32 to vector<16xi32>
        %sub3A_1420 = arith.subi %add3A_1414, %sub3A_1419 : vector<16xi32>
        %select_n3A_1421 = arith.select %ge3A_1417, %sub3A_1420, %add3A_1414 : vector<16xi1>, vector<16xi32>
        %swap3A_1422 = arith.constant 112 : index
        %swap3A_1423 = tpu.vector_load %arg8[%swap3A_1422] {strides = array<i32>} : memref<200xi32, #tpu.memory_space<vmem>>, vector<16xi32>,
        %swap3A_1424 = vector.shape_cast %swap3A_1423 : vector<16xi32> to vector<16xi32>
        %swap3A_1425 = vector.shape_cast %select_n3A_1421 : vector<16xi32> to vector<16xi32>
        tpu.vector_store %arg8[%swap3A_1422], %swap3A_1425 {strides = array<i32>} : memref<200xi32, #tpu.memory_space<vmem>>, vector<16xi32>,
        %get3A_1426 = arith.index_cast %add3A_1273 : i32 to index
        %get3A_1427 = arith.constant 128 : index
        %get3A_1428 = tpu.vector_load %arg5[%get3A_1426, %get3A_1427] {strides = array<i32>} : memref<128x200xi32, #tpu.memory_space<vmem>>, vector<1x16xi32>,
        %get3A_1429 = vector.shape_cast %get3A_1428 : vector<1x16xi32> to vector<16xi32>
        %and3A_1430 = arith.constant 8191 : i32
        %and3A_1431 = vector.broadcast %and3A_1430 : i32 to vector<16xi32>
        %and3A_1432 = arith.andi %get3A_1429, %and3A_1431 : vector<16xi32>
        %add3A_1433 = arith.addi %get3A_1429, %and3A_1432 : vector<16xi32>
        %ge3A_1434 = arith.constant 4096 : i32
        %ge3A_1435 = vector.broadcast %ge3A_1434 : i32 to vector<16xi32>
        %ge3A_1436 = arith.cmpi sge, %and3A_1432, %ge3A_1435 : vector<16xi32>
        %sub3A_1437 = arith.constant 8191 : i32
        %sub3A_1438 = vector.broadcast %sub3A_1437 : i32 to vector<16xi32>
        %sub3A_1439 = arith.subi %add3A_1433, %sub3A_1438 : vector<16xi32>
        %select_n3A_1440 = arith.select %ge3A_1436, %sub3A_1439, %add3A_1433 : vector<16xi1>, vector<16xi32>
        %swap3A_1441 = arith.constant 128 : index
        %swap3A_1442 = tpu.vector_load %arg8[%swap3A_1441] {strides = array<i32>} : memref<200xi32, #tpu.memory_space<vmem>>, vector<16xi32>,
        %swap3A_1443 = vector.shape_cast %swap3A_1442 : vector<16xi32> to vector<16xi32>
        %swap3A_1444 = vector.shape_cast %select_n3A_1440 : vector<16xi32> to vector<16xi32>
        tpu.vector_store %arg8[%swap3A_1441], %swap3A_1444 {strides = array<i32>} : memref<200xi32, #tpu.memory_space<vmem>>, vector<16xi32>,
        %get3A_1445 = arith.index_cast %add3A_1273 : i32 to index
        %get3A_1446 = arith.constant 144 : index
        %get3A_1447 = tpu.vector_load %arg5[%get3A_1445, %get3A_1446] {strides = array<i32>} : memref<128x200xi32, #tpu.memory_space<vmem>>, vector<1x16xi32>,
        %get3A_1448 = vector.shape_cast %get3A_1447 : vector<1x16xi32> to vector<16xi32>
        %and3A_1449 = arith.constant 8191 : i32
        %and3A_1450 = vector.broadcast %and3A_1449 : i32 to vector<16xi32>
        %and3A_1451 = arith.andi %get3A_1448, %and3A_1450 : vector<16xi32>
        %add3A_1452 = arith.addi %get3A_1448, %and3A_1451 : vector<16xi32>
        %ge3A_1453 = arith.constant 4096 : i32
        %ge3A_1454 = vector.broadcast %ge3A_1453 : i32 to vector<16xi32>
        %ge3A_1455 = arith.cmpi sge, %and3A_1451, %ge3A_1454 : vector<16xi32>
        %sub3A_1456 = arith.constant 8191 : i32
        %sub3A_1457 = vector.broadcast %sub3A_1456 : i32 to vector<16xi32>
        %sub3A_1458 = arith.subi %add3A_1452, %sub3A_1457 : vector<16xi32>
        %select_n3A_1459 = arith.select %ge3A_1455, %sub3A_1458, %add3A_1452 : vector<16xi1>, vector<16xi32>
        %swap3A_1460 = arith.constant 144 : index
        %swap3A_1461 = tpu.vector_load %arg8[%swap3A_1460] {strides = array<i32>} : memref<200xi32, #tpu.memory_space<vmem>>, vector<16xi32>,
        %swap3A_1462 = vector.shape_cast %swap3A_1461 : vector<16xi32> to vector<16xi32>
        %swap3A_1463 = vector.shape_cast %select_n3A_1459 : vector<16xi32> to vector<16xi32>
        tpu.vector_store %arg8[%swap3A_1460], %swap3A_1463 {strides = array<i32>} : memref<200xi32, #tpu.memory_space<vmem>>, vector<16xi32>,
        %get3A_1464 = arith.index_cast %add3A_1273 : i32 to index
        %get3A_1465 = arith.constant 160 : index
        %get3A_1466 = tpu.vector_load %arg5[%get3A_1464, %get3A_1465] {strides = array<i32>} : memref<128x200xi32, #tpu.memory_space<vmem>>, vector<1x16xi32>,
        %get3A_1467 = vector.shape_cast %get3A_1466 : vector<1x16xi32> to vector<16xi32>
        %and3A_1468 = arith.constant 8191 : i32
        %and3A_1469 = vector.broadcast %and3A_1468 : i32 to vector<16xi32>
        %and3A_1470 = arith.andi %get3A_1467, %and3A_1469 : vector<16xi32>
        %add3A_1471 = arith.addi %get3A_1467, %and3A_1470 : vector<16xi32>
        %ge3A_1472 = arith.constant 4096 : i32
        %ge3A_1473 = vector.broadcast %ge3A_1472 : i32 to vector<16xi32>
        %ge3A_1474 = arith.cmpi sge, %and3A_1470, %ge3A_1473 : vector<16xi32>
        %sub3A_1475 = arith.constant 8191 : i32
        %sub3A_1476 = vector.broadcast %sub3A_1475 : i32 to vector<16xi32>
        %sub3A_1477 = arith.subi %add3A_1471, %sub3A_1476 : vector<16xi32>
        %select_n3A_1478 = arith.select %ge3A_1474, %sub3A_1477, %add3A_1471 : vector<16xi1>, vector<16xi32>
        %swap3A_1479 = arith.constant 160 : index
        %swap3A_1480 = tpu.vector_load %arg8[%swap3A_1479] {strides = array<i32>} : memref<200xi32, #tpu.memory_space<vmem>>, vector<16xi32>,
        %swap3A_1481 = vector.shape_cast %swap3A_1480 : vector<16xi32> to vector<16xi32>
        %swap3A_1482 = vector.shape_cast %select_n3A_1478 : vector<16xi32> to vector<16xi32>
        tpu.vector_store %arg8[%swap3A_1479], %swap3A_1482 {strides = array<i32>} : memref<200xi32, #tpu.memory_space<vmem>>, vector<16xi32>,
        %get3A_1483 = arith.index_cast %add3A_1273 : i32 to index
        %get3A_1484 = arith.constant 176 : index
        %get3A_1485 = tpu.vector_load %arg5[%get3A_1483, %get3A_1484] {strides = array<i32>} : memref<128x200xi32, #tpu.memory_space<vmem>>, vector<1x16xi32>,
        %get3A_1486 = vector.shape_cast %get3A_1485 : vector<1x16xi32> to vector<16xi32>
        %and3A_1487 = arith.constant 8191 : i32
        %and3A_1488 = vector.broadcast %and3A_1487 : i32 to vector<16xi32>
        %and3A_1489 = arith.andi %get3A_1486, %and3A_1488 : vector<16xi32>
        %add3A_1490 = arith.addi %get3A_1486, %and3A_1489 : vector<16xi32>
        %ge3A_1491 = arith.constant 4096 : i32
        %ge3A_1492 = vector.broadcast %ge3A_1491 : i32 to vector<16xi32>
        %ge3A_1493 = arith.cmpi sge, %and3A_1489, %ge3A_1492 : vector<16xi32>
        %sub3A_1494 = arith.constant 8191 : i32
        %sub3A_1495 = vector.broadcast %sub3A_1494 : i32 to vector<16xi32>
        %sub3A_1496 = arith.subi %add3A_1490, %sub3A_1495 : vector<16xi32>
        %select_n3A_1497 = arith.select %ge3A_1493, %sub3A_1496, %add3A_1490 : vector<16xi1>, vector<16xi32>
        %swap3A_1498 = arith.constant 176 : index
        %swap3A_1499 = tpu.vector_load %arg8[%swap3A_1498] {strides = array<i32>} : memref<200xi32, #tpu.memory_space<vmem>>, vector<16xi32>,
        %swap3A_1500 = vector.shape_cast %swap3A_1499 : vector<16xi32> to vector<16xi32>
        %swap3A_1501 = vector.shape_cast %select_n3A_1497 : vector<16xi32> to vector<16xi32>
        tpu.vector_store %arg8[%swap3A_1498], %swap3A_1501 {strides = array<i32>} : memref<200xi32, #tpu.memory_space<vmem>>, vector<16xi32>,
        %get3A_1502 = arith.index_cast %add3A_1273 : i32 to index
        %get3A_1503 = arith.constant 184 : index
        %get3A_1504 = tpu.vector_load %arg5[%get3A_1502, %get3A_1503] {strides = array<i32>} : memref<128x200xi32, #tpu.memory_space<vmem>>, vector<1x16xi32>,
        %get3A_1505 = vector.shape_cast %get3A_1504 : vector<1x16xi32> to vector<16xi32>
        %and3A_1506 = arith.constant 8191 : i32
        %and3A_1507 = vector.broadcast %and3A_1506 : i32 to vector<16xi32>
        %and3A_1508 = arith.andi %get3A_1505, %and3A_1507 : vector<16xi32>
        %add3A_1509 = arith.addi %get3A_1505, %and3A_1508 : vector<16xi32>
        %ge3A_1510 = arith.constant 4096 : i32
        %ge3A_1511 = vector.broadcast %ge3A_1510 : i32 to vector<16xi32>
        %ge3A_1512 = arith.cmpi sge, %and3A_1508, %ge3A_1511 : vector<16xi32>
        %sub3A_1513 = arith.constant 8191 : i32
        %sub3A_1514 = vector.broadcast %sub3A_1513 : i32 to vector<16xi32>
        %sub3A_1515 = arith.subi %add3A_1509, %sub3A_1514 : vector<16xi32>
        %select_n3A_1516 = arith.select %ge3A_1512, %sub3A_1515, %add3A_1509 : vector<16xi1>, vector<16xi32>
        %swap3A_1517 = arith.constant 184 : index
        %swap3A_1518 = tpu.vector_load %arg8[%swap3A_1517] {strides = array<i32>} : memref<200xi32, #tpu.memory_space<vmem>>, vector<16xi32>,
        %swap3A_1519 = vector.shape_cast %swap3A_1518 : vector<16xi32> to vector<16xi32>
        %swap3A_1520 = vector.shape_cast %select_n3A_1516 : vector<16xi32> to vector<16xi32>
        tpu.vector_store %arg8[%swap3A_1517], %swap3A_1520 {strides = array<i32>} : memref<200xi32, #tpu.memory_space<vmem>>, vector<16xi32>,
        %dma_start3A_1521 = arith.constant 0 : i32
        %dma_start3A_1522 = arith.constant 0 : i32
        %dma_start3A_1523 = tpu.memref_slice %arg3[%dma_start3A_1521, %dma_start3A_1522] : memref<1007616x64xf32, #tpu.memory_space<hbm>> -> memref<1007616x64xf32, #tpu.memory_space<hbm>>
        tpu.enqueue_indirect_dma source(%dma_start3A_1523 : memref<1007616x64xf32, #tpu.memory_space<hbm>>) target(%arg16 : memref<200x64xf32, #tpu.memory_space<vmem>>) offsets(%arg8 : memref<200xi32, #tpu.memory_space<vmem>>) semaphore(%arg24 : memref<!tpu.dma_semaphore, #tpu.memory_space<semaphore_mem>>)
      } else {
      }
      %mul3A_1244 = arith.constant 8 : i32
      %mul3A_1245 = arith.muli %scan3A_1099, %mul3A_1244 : i32
      %add3A_1246 = arith.constant 7 : i32
      %add3A_1247 = arith.addi %mul3A_1245, %add3A_1246 : i32
      %dma_wait3A_1248 = arith.constant 0 : i32
      %dma_wait3A_1249 = arith.constant 0 : i32
      %dma_wait3A_1250 = tpu.memref_slice %arg3[%dma_wait3A_1248, %dma_wait3A_1249] : memref<1007616x64xf32, #tpu.memory_space<hbm>> -> memref<1007616x64xf32, #tpu.memory_space<hbm>>
      tpu.wait_indirect_dma semaphore(%arg29 : memref<!tpu.dma_semaphore, #tpu.memory_space<semaphore_mem>>) src(%dma_wait3A_1250 : memref<1007616x64xf32, #tpu.memory_space<hbm>>) dst(%arg21 : memref<200x64xf32, #tpu.memory_space<vmem>>)
      %add3A_1251 = arith.addi %mul3A_2, %add3A_1247 : i32
      %mul3A_1252 = arith.constant 200 : i32
      %mul3A_1253 = arith.muli %add3A_1251, %mul3A_1252 : i32
      %dma_start3A_1254 = arith.constant 0 : i32
      %dma_start3A_1255 = tpu.memref_slice %arg4[%mul3A_1253, %dma_start3A_1254] : memref<819200x128xf32, #tpu.memory_space<hbm>> -> memref<200x64xf32, #tpu.memory_space<hbm>>
      %dma_start3A_1256 = arith.constant 0 : i32
      %dma_start3A_1257 = tpu.memref_slice %arg4[%mul3A_1253, %dma_start3A_1256] : memref<819200x128xf32, #tpu.memory_space<hbm>> -> memref<200x64xf32, #tpu.memory_space<hbm>>
      tpu.enqueue_dma source(%arg21 : memref<200x64xf32, #tpu.memory_space<vmem>>) target(%dma_start3A_1257 : memref<200x64xf32, #tpu.memory_space<hbm>>) target_semaphore(%arg37 : memref<!tpu.dma_semaphore, #tpu.memory_space<semaphore_mem>>)
      %add3A_1258 = arith.constant 4 : i32
      %add3A_1259 = arith.addi %add3A_1247, %add3A_1258 : i32
      %lt3A_1260 = arith.constant 128 : i32
      %lt3A_1261 = arith.cmpi slt, %add3A_1259, %lt3A_1260 : i32
      %convert_element_type3A_1262 = arith.extui %lt3A_1261 : i1 to i32
      %cond3A_1263 = arith.constant 0 : i32
      %cond3A_1264 = arith.cmpi ne, %convert_element_type3A_1262, %cond3A_1263 : i32
      scf.if %cond3A_1264 {
        %sub3A_1265 = arith.constant 4 : i32
        %sub3A_1266 = arith.subi %add3A_1247, %sub3A_1265 : i32
        %ge3A_1267 = arith.constant 0 : i32
        %ge3A_1268 = arith.cmpi sge, %sub3A_1266, %ge3A_1267 : i32
        %convert_element_type3A_1269 = arith.extui %ge3A_1268 : i1 to i32
        %cond3A_1270 = arith.constant 0 : i32
        %cond3A_1271 = arith.cmpi ne, %convert_element_type3A_1269, %cond3A_1270 : i32
        scf.if %cond3A_1271 {
          %dma_wait3A_1524 = arith.constant 0 : i32
          %dma_wait3A_1525 = arith.constant 0 : i32
          %dma_wait3A_1526 = tpu.memref_slice %arg4[%dma_wait3A_1524, %dma_wait3A_1525] : memref<819200x128xf32, #tpu.memory_space<hbm>> -> memref<200x64xf32, #tpu.memory_space<hbm>>
          %dma_wait3A_1527 = arith.constant 0 : i32
          %dma_wait3A_1528 = arith.constant 0 : i32
          %dma_wait3A_1529 = tpu.memref_slice %arg4[%dma_wait3A_1527, %dma_wait3A_1528] : memref<819200x128xf32, #tpu.memory_space<hbm>> -> memref<200x64xf32, #tpu.memory_space<hbm>>
          tpu.wait_dma2 semaphore(%arg33 : memref<!tpu.dma_semaphore, #tpu.memory_space<semaphore_mem>>) src(%arg17 : memref<200x64xf32, #tpu.memory_space<vmem>>) dst(%dma_wait3A_1529 : memref<200x64xf32, #tpu.memory_space<hbm>>)
        } else {
        }
        %add3A_1272 = arith.constant 4 : i32
        %add3A_1273 = arith.addi %add3A_1247, %add3A_1272 : i32
        %get3A_1274 = arith.index_cast %add3A_1273 : i32 to index
        %get3A_1275 = arith.constant 0 : index
        %get3A_1276 = tpu.vector_load %arg5[%get3A_1274, %get3A_1275] {strides = array<i32>} : memref<128x200xi32, #tpu.memory_space<vmem>>, vector<1x16xi32>,
        %get3A_1277 = vector.shape_cast %get3A_1276 : vector<1x16xi32> to vector<16xi32>
        %and3A_1278 = arith.constant 8191 : i32
        %and3A_1279 = vector.broadcast %and3A_1278 : i32 to vector<16xi32>
        %and3A_1280 = arith.andi %get3A_1277, %and3A_1279 : vector<16xi32>
        %add3A_1281 = arith.addi %get3A_1277, %and3A_1280 : vector<16xi32>
        %ge3A_1282 = arith.constant 4096 : i32
        %ge3A_1283 = vector.broadcast %ge3A_1282 : i32 to vector<16xi32>
        %ge3A_1284 = arith.cmpi sge, %and3A_1280, %ge3A_1283 : vector<16xi32>
        %sub3A_1285 = arith.constant 8191 : i32
        %sub3A_1286 = vector.broadcast %sub3A_1285 : i32 to vector<16xi32>
        %sub3A_1287 = arith.subi %add3A_1281, %sub3A_1286 : vector<16xi32>
        %select_n3A_1288 = arith.select %ge3A_1284, %sub3A_1287, %add3A_1281 : vector<16xi1>, vector<16xi32>
        %swap3A_1289 = arith.constant 0 : index
        %swap3A_1290 = tpu.vector_load %arg9[%swap3A_1289] {strides = array<i32>} : memref<200xi32, #tpu.memory_space<vmem>>, vector<16xi32>,
        %swap3A_1291 = vector.shape_cast %swap3A_1290 : vector<16xi32> to vector<16xi32>
        %swap3A_1292 = vector.shape_cast %select_n3A_1288 : vector<16xi32> to vector<16xi32>
        tpu.vector_store %arg9[%swap3A_1289], %swap3A_1292 {strides = array<i32>} : memref<200xi32, #tpu.memory_space<vmem>>, vector<16xi32>,
        %get3A_1293 = arith.index_cast %add3A_1273 : i32 to index
        %get3A_1294 = arith.constant 16 : index
        %get3A_1295 = tpu.vector_load %arg5[%get3A_1293, %get3A_1294] {strides = array<i32>} : memref<128x200xi32, #tpu.memory_space<vmem>>, vector<1x16xi32>,
        %get3A_1296 = vector.shape_cast %get3A_1295 : vector<1x16xi32> to vector<16xi32>
        %and3A_1297 = arith.constant 8191 : i32
        %and3A_1298 = vector.broadcast %and3A_1297 : i32 to vector<16xi32>
        %and3A_1299 = arith.andi %get3A_1296, %and3A_1298 : vector<16xi32>
        %add3A_1300 = arith.addi %get3A_1296, %and3A_1299 : vector<16xi32>
        %ge3A_1301 = arith.constant 4096 : i32
        %ge3A_1302 = vector.broadcast %ge3A_1301 : i32 to vector<16xi32>
        %ge3A_1303 = arith.cmpi sge, %and3A_1299, %ge3A_1302 : vector<16xi32>
        %sub3A_1304 = arith.constant 8191 : i32
        %sub3A_1305 = vector.broadcast %sub3A_1304 : i32 to vector<16xi32>
        %sub3A_1306 = arith.subi %add3A_1300, %sub3A_1305 : vector<16xi32>
        %select_n3A_1307 = arith.select %ge3A_1303, %sub3A_1306, %add3A_1300 : vector<16xi1>, vector<16xi32>
        %swap3A_1308 = arith.constant 16 : index
        %swap3A_1309 = tpu.vector_load %arg9[%swap3A_1308] {strides = array<i32>} : memref<200xi32, #tpu.memory_space<vmem>>, vector<16xi32>,
        %swap3A_1310 = vector.shape_cast %swap3A_1309 : vector<16xi32> to vector<16xi32>
        %swap3A_1311 = vector.shape_cast %select_n3A_1307 : vector<16xi32> to vector<16xi32>
        tpu.vector_store %arg9[%swap3A_1308], %swap3A_1311 {strides = array<i32>} : memref<200xi32, #tpu.memory_space<vmem>>, vector<16xi32>,
        %get3A_1312 = arith.index_cast %add3A_1273 : i32 to index
        %get3A_1313 = arith.constant 32 : index
        %get3A_1314 = tpu.vector_load %arg5[%get3A_1312, %get3A_1313] {strides = array<i32>} : memref<128x200xi32, #tpu.memory_space<vmem>>, vector<1x16xi32>,
        %get3A_1315 = vector.shape_cast %get3A_1314 : vector<1x16xi32> to vector<16xi32>
        %and3A_1316 = arith.constant 8191 : i32
        %and3A_1317 = vector.broadcast %and3A_1316 : i32 to vector<16xi32>
        %and3A_1318 = arith.andi %get3A_1315, %and3A_1317 : vector<16xi32>
        %add3A_1319 = arith.addi %get3A_1315, %and3A_1318 : vector<16xi32>
        %ge3A_1320 = arith.constant 4096 : i32
        %ge3A_1321 = vector.broadcast %ge3A_1320 : i32 to vector<16xi32>
        %ge3A_1322 = arith.cmpi sge, %and3A_1318, %ge3A_1321 : vector<16xi32>
        %sub3A_1323 = arith.constant 8191 : i32
        %sub3A_1324 = vector.broadcast %sub3A_1323 : i32 to vector<16xi32>
        %sub3A_1325 = arith.subi %add3A_1319, %sub3A_1324 : vector<16xi32>
        %select_n3A_1326 = arith.select %ge3A_1322, %sub3A_1325, %add3A_1319 : vector<16xi1>, vector<16xi32>
        %swap3A_1327 = arith.constant 32 : index
        %swap3A_1328 = tpu.vector_load %arg9[%swap3A_1327] {strides = array<i32>} : memref<200xi32, #tpu.memory_space<vmem>>, vector<16xi32>,
        %swap3A_1329 = vector.shape_cast %swap3A_1328 : vector<16xi32> to vector<16xi32>
        %swap3A_1330 = vector.shape_cast %select_n3A_1326 : vector<16xi32> to vector<16xi32>
        tpu.vector_store %arg9[%swap3A_1327], %swap3A_1330 {strides = array<i32>} : memref<200xi32, #tpu.memory_space<vmem>>, vector<16xi32>,
        %get3A_1331 = arith.index_cast %add3A_1273 : i32 to index
        %get3A_1332 = arith.constant 48 : index
        %get3A_1333 = tpu.vector_load %arg5[%get3A_1331, %get3A_1332] {strides = array<i32>} : memref<128x200xi32, #tpu.memory_space<vmem>>, vector<1x16xi32>,
        %get3A_1334 = vector.shape_cast %get3A_1333 : vector<1x16xi32> to vector<16xi32>
        %and3A_1335 = arith.constant 8191 : i32
        %and3A_1336 = vector.broadcast %and3A_1335 : i32 to vector<16xi32>
        %and3A_1337 = arith.andi %get3A_1334, %and3A_1336 : vector<16xi32>
        %add3A_1338 = arith.addi %get3A_1334, %and3A_1337 : vector<16xi32>
        %ge3A_1339 = arith.constant 4096 : i32
        %ge3A_1340 = vector.broadcast %ge3A_1339 : i32 to vector<16xi32>
        %ge3A_1341 = arith.cmpi sge, %and3A_1337, %ge3A_1340 : vector<16xi32>
        %sub3A_1342 = arith.constant 8191 : i32
        %sub3A_1343 = vector.broadcast %sub3A_1342 : i32 to vector<16xi32>
        %sub3A_1344 = arith.subi %add3A_1338, %sub3A_1343 : vector<16xi32>
        %select_n3A_1345 = arith.select %ge3A_1341, %sub3A_1344, %add3A_1338 : vector<16xi1>, vector<16xi32>
        %swap3A_1346 = arith.constant 48 : index
        %swap3A_1347 = tpu.vector_load %arg9[%swap3A_1346] {strides = array<i32>} : memref<200xi32, #tpu.memory_space<vmem>>, vector<16xi32>,
        %swap3A_1348 = vector.shape_cast %swap3A_1347 : vector<16xi32> to vector<16xi32>
        %swap3A_1349 = vector.shape_cast %select_n3A_1345 : vector<16xi32> to vector<16xi32>
        tpu.vector_store %arg9[%swap3A_1346], %swap3A_1349 {strides = array<i32>} : memref<200xi32, #tpu.memory_space<vmem>>, vector<16xi32>,
        %get3A_1350 = arith.index_cast %add3A_1273 : i32 to index
        %get3A_1351 = arith.constant 64 : index
        %get3A_1352 = tpu.vector_load %arg5[%get3A_1350, %get3A_1351] {strides = array<i32>} : memref<128x200xi32, #tpu.memory_space<vmem>>, vector<1x16xi32>,
        %get3A_1353 = vector.shape_cast %get3A_1352 : vector<1x16xi32> to vector<16xi32>
        %and3A_1354 = arith.constant 8191 : i32
        %and3A_1355 = vector.broadcast %and3A_1354 : i32 to vector<16xi32>
        %and3A_1356 = arith.andi %get3A_1353, %and3A_1355 : vector<16xi32>
        %add3A_1357 = arith.addi %get3A_1353, %and3A_1356 : vector<16xi32>
        %ge3A_1358 = arith.constant 4096 : i32
        %ge3A_1359 = vector.broadcast %ge3A_1358 : i32 to vector<16xi32>
        %ge3A_1360 = arith.cmpi sge, %and3A_1356, %ge3A_1359 : vector<16xi32>
        %sub3A_1361 = arith.constant 8191 : i32
        %sub3A_1362 = vector.broadcast %sub3A_1361 : i32 to vector<16xi32>
        %sub3A_1363 = arith.subi %add3A_1357, %sub3A_1362 : vector<16xi32>
        %select_n3A_1364 = arith.select %ge3A_1360, %sub3A_1363, %add3A_1357 : vector<16xi1>, vector<16xi32>
        %swap3A_1365 = arith.constant 64 : index
        %swap3A_1366 = tpu.vector_load %arg9[%swap3A_1365] {strides = array<i32>} : memref<200xi32, #tpu.memory_space<vmem>>, vector<16xi32>,
        %swap3A_1367 = vector.shape_cast %swap3A_1366 : vector<16xi32> to vector<16xi32>
        %swap3A_1368 = vector.shape_cast %select_n3A_1364 : vector<16xi32> to vector<16xi32>
        tpu.vector_store %arg9[%swap3A_1365], %swap3A_1368 {strides = array<i32>} : memref<200xi32, #tpu.memory_space<vmem>>, vector<16xi32>,
        %get3A_1369 = arith.index_cast %add3A_1273 : i32 to index
        %get3A_1370 = arith.constant 80 : index
        %get3A_1371 = tpu.vector_load %arg5[%get3A_1369, %get3A_1370] {strides = array<i32>} : memref<128x200xi32, #tpu.memory_space<vmem>>, vector<1x16xi32>,
        %get3A_1372 = vector.shape_cast %get3A_1371 : vector<1x16xi32> to vector<16xi32>
        %and3A_1373 = arith.constant 8191 : i32
        %and3A_1374 = vector.broadcast %and3A_1373 : i32 to vector<16xi32>
        %and3A_1375 = arith.andi %get3A_1372, %and3A_1374 : vector<16xi32>
        %add3A_1376 = arith.addi %get3A_1372, %and3A_1375 : vector<16xi32>
        %ge3A_1377 = arith.constant 4096 : i32
        %ge3A_1378 = vector.broadcast %ge3A_1377 : i32 to vector<16xi32>
        %ge3A_1379 = arith.cmpi sge, %and3A_1375, %ge3A_1378 : vector<16xi32>
        %sub3A_1380 = arith.constant 8191 : i32
        %sub3A_1381 = vector.broadcast %sub3A_1380 : i32 to vector<16xi32>
        %sub3A_1382 = arith.subi %add3A_1376, %sub3A_1381 : vector<16xi32>
        %select_n3A_1383 = arith.select %ge3A_1379, %sub3A_1382, %add3A_1376 : vector<16xi1>, vector<16xi32>
        %swap3A_1384 = arith.constant 80 : index
        %swap3A_1385 = tpu.vector_load %arg9[%swap3A_1384] {strides = array<i32>} : memref<200xi32, #tpu.memory_space<vmem>>, vector<16xi32>,
        %swap3A_1386 = vector.shape_cast %swap3A_1385 : vector<16xi32> to vector<16xi32>
        %swap3A_1387 = vector.shape_cast %select_n3A_1383 : vector<16xi32> to vector<16xi32>
        tpu.vector_store %arg9[%swap3A_1384], %swap3A_1387 {strides = array<i32>} : memref<200xi32, #tpu.memory_space<vmem>>, vector<16xi32>,
        %get3A_1388 = arith.index_cast %add3A_1273 : i32 to index
        %get3A_1389 = arith.constant 96 : index
        %get3A_1390 = tpu.vector_load %arg5[%get3A_1388, %get3A_1389] {strides = array<i32>} : memref<128x200xi32, #tpu.memory_space<vmem>>, vector<1x16xi32>,
        %get3A_1391 = vector.shape_cast %get3A_1390 : vector<1x16xi32> to vector<16xi32>
        %and3A_1392 = arith.constant 8191 : i32
        %and3A_1393 = vector.broadcast %and3A_1392 : i32 to vector<16xi32>
        %and3A_1394 = arith.andi %get3A_1391, %and3A_1393 : vector<16xi32>
        %add3A_1395 = arith.addi %get3A_1391, %and3A_1394 : vector<16xi32>
        %ge3A_1396 = arith.constant 4096 : i32
        %ge3A_1397 = vector.broadcast %ge3A_1396 : i32 to vector<16xi32>
        %ge3A_1398 = arith.cmpi sge, %and3A_1394, %ge3A_1397 : vector<16xi32>
        %sub3A_1399 = arith.constant 8191 : i32
        %sub3A_1400 = vector.broadcast %sub3A_1399 : i32 to vector<16xi32>
        %sub3A_1401 = arith.subi %add3A_1395, %sub3A_1400 : vector<16xi32>
        %select_n3A_1402 = arith.select %ge3A_1398, %sub3A_1401, %add3A_1395 : vector<16xi1>, vector<16xi32>
        %swap3A_1403 = arith.constant 96 : index
        %swap3A_1404 = tpu.vector_load %arg9[%swap3A_1403] {strides = array<i32>} : memref<200xi32, #tpu.memory_space<vmem>>, vector<16xi32>,
        %swap3A_1405 = vector.shape_cast %swap3A_1404 : vector<16xi32> to vector<16xi32>
        %swap3A_1406 = vector.shape_cast %select_n3A_1402 : vector<16xi32> to vector<16xi32>
        tpu.vector_store %arg9[%swap3A_1403], %swap3A_1406 {strides = array<i32>} : memref<200xi32, #tpu.memory_space<vmem>>, vector<16xi32>,
        %get3A_1407 = arith.index_cast %add3A_1273 : i32 to index
        %get3A_1408 = arith.constant 112 : index
        %get3A_1409 = tpu.vector_load %arg5[%get3A_1407, %get3A_1408] {strides = array<i32>} : memref<128x200xi32, #tpu.memory_space<vmem>>, vector<1x16xi32>,
        %get3A_1410 = vector.shape_cast %get3A_1409 : vector<1x16xi32> to vector<16xi32>
        %and3A_1411 = arith.constant 8191 : i32
        %and3A_1412 = vector.broadcast %and3A_1411 : i32 to vector<16xi32>
        %and3A_1413 = arith.andi %get3A_1410, %and3A_1412 : vector<16xi32>
        %add3A_1414 = arith.addi %get3A_1410, %and3A_1413 : vector<16xi32>
        %ge3A_1415 = arith.constant 4096 : i32
        %ge3A_1416 = vector.broadcast %ge3A_1415 : i32 to vector<16xi32>
        %ge3A_1417 = arith.cmpi sge, %and3A_1413, %ge3A_1416 : vector<16xi32>
        %sub3A_1418 = arith.constant 8191 : i32
        %sub3A_1419 = vector.broadcast %sub3A_1418 : i32 to vector<16xi32>
        %sub3A_1420 = arith.subi %add3A_1414, %sub3A_1419 : vector<16xi32>
        %select_n3A_1421 = arith.select %ge3A_1417, %sub3A_1420, %add3A_1414 : vector<16xi1>, vector<16xi32>
        %swap3A_1422 = arith.constant 112 : index
        %swap3A_1423 = tpu.vector_load %arg9[%swap3A_1422] {strides = array<i32>} : memref<200xi32, #tpu.memory_space<vmem>>, vector<16xi32>,
        %swap3A_1424 = vector.shape_cast %swap3A_1423 : vector<16xi32> to vector<16xi32>
        %swap3A_1425 = vector.shape_cast %select_n3A_1421 : vector<16xi32> to vector<16xi32>
        tpu.vector_store %arg9[%swap3A_1422], %swap3A_1425 {strides = array<i32>} : memref<200xi32, #tpu.memory_space<vmem>>, vector<16xi32>,
        %get3A_1426 = arith.index_cast %add3A_1273 : i32 to index
        %get3A_1427 = arith.constant 128 : index
        %get3A_1428 = tpu.vector_load %arg5[%get3A_1426, %get3A_1427] {strides = array<i32>} : memref<128x200xi32, #tpu.memory_space<vmem>>, vector<1x16xi32>,
        %get3A_1429 = vector.shape_cast %get3A_1428 : vector<1x16xi32> to vector<16xi32>
        %and3A_1430 = arith.constant 8191 : i32
        %and3A_1431 = vector.broadcast %and3A_1430 : i32 to vector<16xi32>
        %and3A_1432 = arith.andi %get3A_1429, %and3A_1431 : vector<16xi32>
        %add3A_1433 = arith.addi %get3A_1429, %and3A_1432 : vector<16xi32>
        %ge3A_1434 = arith.constant 4096 : i32
        %ge3A_1435 = vector.broadcast %ge3A_1434 : i32 to vector<16xi32>
        %ge3A_1436 = arith.cmpi sge, %and3A_1432, %ge3A_1435 : vector<16xi32>
        %sub3A_1437 = arith.constant 8191 : i32
        %sub3A_1438 = vector.broadcast %sub3A_1437 : i32 to vector<16xi32>
        %sub3A_1439 = arith.subi %add3A_1433, %sub3A_1438 : vector<16xi32>
        %select_n3A_1440 = arith.select %ge3A_1436, %sub3A_1439, %add3A_1433 : vector<16xi1>, vector<16xi32>
        %swap3A_1441 = arith.constant 128 : index
        %swap3A_1442 = tpu.vector_load %arg9[%swap3A_1441] {strides = array<i32>} : memref<200xi32, #tpu.memory_space<vmem>>, vector<16xi32>,
        %swap3A_1443 = vector.shape_cast %swap3A_1442 : vector<16xi32> to vector<16xi32>
        %swap3A_1444 = vector.shape_cast %select_n3A_1440 : vector<16xi32> to vector<16xi32>
        tpu.vector_store %arg9[%swap3A_1441], %swap3A_1444 {strides = array<i32>} : memref<200xi32, #tpu.memory_space<vmem>>, vector<16xi32>,
        %get3A_1445 = arith.index_cast %add3A_1273 : i32 to index
        %get3A_1446 = arith.constant 144 : index
        %get3A_1447 = tpu.vector_load %arg5[%get3A_1445, %get3A_1446] {strides = array<i32>} : memref<128x200xi32, #tpu.memory_space<vmem>>, vector<1x16xi32>,
        %get3A_1448 = vector.shape_cast %get3A_1447 : vector<1x16xi32> to vector<16xi32>
        %and3A_1449 = arith.constant 8191 : i32
        %and3A_1450 = vector.broadcast %and3A_1449 : i32 to vector<16xi32>
        %and3A_1451 = arith.andi %get3A_1448, %and3A_1450 : vector<16xi32>
        %add3A_1452 = arith.addi %get3A_1448, %and3A_1451 : vector<16xi32>
        %ge3A_1453 = arith.constant 4096 : i32
        %ge3A_1454 = vector.broadcast %ge3A_1453 : i32 to vector<16xi32>
        %ge3A_1455 = arith.cmpi sge, %and3A_1451, %ge3A_1454 : vector<16xi32>
        %sub3A_1456 = arith.constant 8191 : i32
        %sub3A_1457 = vector.broadcast %sub3A_1456 : i32 to vector<16xi32>
        %sub3A_1458 = arith.subi %add3A_1452, %sub3A_1457 : vector<16xi32>
        %select_n3A_1459 = arith.select %ge3A_1455, %sub3A_1458, %add3A_1452 : vector<16xi1>, vector<16xi32>
        %swap3A_1460 = arith.constant 144 : index
        %swap3A_1461 = tpu.vector_load %arg9[%swap3A_1460] {strides = array<i32>} : memref<200xi32, #tpu.memory_space<vmem>>, vector<16xi32>,
        %swap3A_1462 = vector.shape_cast %swap3A_1461 : vector<16xi32> to vector<16xi32>
        %swap3A_1463 = vector.shape_cast %select_n3A_1459 : vector<16xi32> to vector<16xi32>
        tpu.vector_store %arg9[%swap3A_1460], %swap3A_1463 {strides = array<i32>} : memref<200xi32, #tpu.memory_space<vmem>>, vector<16xi32>,
        %get3A_1464 = arith.index_cast %add3A_1273 : i32 to index
        %get3A_1465 = arith.constant 160 : index
        %get3A_1466 = tpu.vector_load %arg5[%get3A_1464, %get3A_1465] {strides = array<i32>} : memref<128x200xi32, #tpu.memory_space<vmem>>, vector<1x16xi32>,
        %get3A_1467 = vector.shape_cast %get3A_1466 : vector<1x16xi32> to vector<16xi32>
        %and3A_1468 = arith.constant 8191 : i32
        %and3A_1469 = vector.broadcast %and3A_1468 : i32 to vector<16xi32>
        %and3A_1470 = arith.andi %get3A_1467, %and3A_1469 : vector<16xi32>
        %add3A_1471 = arith.addi %get3A_1467, %and3A_1470 : vector<16xi32>
        %ge3A_1472 = arith.constant 4096 : i32
        %ge3A_1473 = vector.broadcast %ge3A_1472 : i32 to vector<16xi32>
        %ge3A_1474 = arith.cmpi sge, %and3A_1470, %ge3A_1473 : vector<16xi32>
        %sub3A_1475 = arith.constant 8191 : i32
        %sub3A_1476 = vector.broadcast %sub3A_1475 : i32 to vector<16xi32>
        %sub3A_1477 = arith.subi %add3A_1471, %sub3A_1476 : vector<16xi32>
        %select_n3A_1478 = arith.select %ge3A_1474, %sub3A_1477, %add3A_1471 : vector<16xi1>, vector<16xi32>
        %swap3A_1479 = arith.constant 160 : index
        %swap3A_1480 = tpu.vector_load %arg9[%swap3A_1479] {strides = array<i32>} : memref<200xi32, #tpu.memory_space<vmem>>, vector<16xi32>,
        %swap3A_1481 = vector.shape_cast %swap3A_1480 : vector<16xi32> to vector<16xi32>
        %swap3A_1482 = vector.shape_cast %select_n3A_1478 : vector<16xi32> to vector<16xi32>
        tpu.vector_store %arg9[%swap3A_1479], %swap3A_1482 {strides = array<i32>} : memref<200xi32, #tpu.memory_space<vmem>>, vector<16xi32>,
        %get3A_1483 = arith.index_cast %add3A_1273 : i32 to index
        %get3A_1484 = arith.constant 176 : index
        %get3A_1485 = tpu.vector_load %arg5[%get3A_1483, %get3A_1484] {strides = array<i32>} : memref<128x200xi32, #tpu.memory_space<vmem>>, vector<1x16xi32>,
        %get3A_1486 = vector.shape_cast %get3A_1485 : vector<1x16xi32> to vector<16xi32>
        %and3A_1487 = arith.constant 8191 : i32
        %and3A_1488 = vector.broadcast %and3A_1487 : i32 to vector<16xi32>
        %and3A_1489 = arith.andi %get3A_1486, %and3A_1488 : vector<16xi32>
        %add3A_1490 = arith.addi %get3A_1486, %and3A_1489 : vector<16xi32>
        %ge3A_1491 = arith.constant 4096 : i32
        %ge3A_1492 = vector.broadcast %ge3A_1491 : i32 to vector<16xi32>
        %ge3A_1493 = arith.cmpi sge, %and3A_1489, %ge3A_1492 : vector<16xi32>
        %sub3A_1494 = arith.constant 8191 : i32
        %sub3A_1495 = vector.broadcast %sub3A_1494 : i32 to vector<16xi32>
        %sub3A_1496 = arith.subi %add3A_1490, %sub3A_1495 : vector<16xi32>
        %select_n3A_1497 = arith.select %ge3A_1493, %sub3A_1496, %add3A_1490 : vector<16xi1>, vector<16xi32>
        %swap3A_1498 = arith.constant 176 : index
        %swap3A_1499 = tpu.vector_load %arg9[%swap3A_1498] {strides = array<i32>} : memref<200xi32, #tpu.memory_space<vmem>>, vector<16xi32>,
        %swap3A_1500 = vector.shape_cast %swap3A_1499 : vector<16xi32> to vector<16xi32>
        %swap3A_1501 = vector.shape_cast %select_n3A_1497 : vector<16xi32> to vector<16xi32>
        tpu.vector_store %arg9[%swap3A_1498], %swap3A_1501 {strides = array<i32>} : memref<200xi32, #tpu.memory_space<vmem>>, vector<16xi32>,
        %get3A_1502 = arith.index_cast %add3A_1273 : i32 to index
        %get3A_1503 = arith.constant 184 : index
        %get3A_1504 = tpu.vector_load %arg5[%get3A_1502, %get3A_1503] {strides = array<i32>} : memref<128x200xi32, #tpu.memory_space<vmem>>, vector<1x16xi32>,
        %get3A_1505 = vector.shape_cast %get3A_1504 : vector<1x16xi32> to vector<16xi32>
        %and3A_1506 = arith.constant 8191 : i32
        %and3A_1507 = vector.broadcast %and3A_1506 : i32 to vector<16xi32>
        %and3A_1508 = arith.andi %get3A_1505, %and3A_1507 : vector<16xi32>
        %add3A_1509 = arith.addi %get3A_1505, %and3A_1508 : vector<16xi32>
        %ge3A_1510 = arith.constant 4096 : i32
        %ge3A_1511 = vector.broadcast %ge3A_1510 : i32 to vector<16xi32>
        %ge3A_1512 = arith.cmpi sge, %and3A_1508, %ge3A_1511 : vector<16xi32>
        %sub3A_1513 = arith.constant 8191 : i32
        %sub3A_1514 = vector.broadcast %sub3A_1513 : i32 to vector<16xi32>
        %sub3A_1515 = arith.subi %add3A_1509, %sub3A_1514 : vector<16xi32>
        %select_n3A_1516 = arith.select %ge3A_1512, %sub3A_1515, %add3A_1509 : vector<16xi1>, vector<16xi32>
        %swap3A_1517 = arith.constant 184 : index
        %swap3A_1518 = tpu.vector_load %arg9[%swap3A_1517] {strides = array<i32>} : memref<200xi32, #tpu.memory_space<vmem>>, vector<16xi32>,
        %swap3A_1519 = vector.shape_cast %swap3A_1518 : vector<16xi32> to vector<16xi32>
        %swap3A_1520 = vector.shape_cast %select_n3A_1516 : vector<16xi32> to vector<16xi32>
        tpu.vector_store %arg9[%swap3A_1517], %swap3A_1520 {strides = array<i32>} : memref<200xi32, #tpu.memory_space<vmem>>, vector<16xi32>,
        %dma_start3A_1521 = arith.constant 0 : i32
        %dma_start3A_1522 = arith.constant 0 : i32
        %dma_start3A_1523 = tpu.memref_slice %arg3[%dma_start3A_1521, %dma_start3A_1522] : memref<1007616x64xf32, #tpu.memory_space<hbm>> -> memref<1007616x64xf32, #tpu.memory_space<hbm>>
        tpu.enqueue_indirect_dma source(%dma_start3A_1523 : memref<1007616x64xf32, #tpu.memory_space<hbm>>) target(%arg17 : memref<200x64xf32, #tpu.memory_space<vmem>>) offsets(%arg9 : memref<200xi32, #tpu.memory_space<vmem>>) semaphore(%arg25 : memref<!tpu.dma_semaphore, #tpu.memory_space<semaphore_mem>>)
      } else {
      }
    }
    %scan3A_1051 = arith.constant 16 : i32
    %dma_wait3A = arith.constant 0 : i32
    %dma_wait3A_1052 = arith.constant 0 : i32
    %dma_wait3A_1053 = tpu.memref_slice %arg4[%dma_wait3A, %dma_wait3A_1052] : memref<819200x128xf32, #tpu.memory_space<hbm>> -> memref<200x64xf32, #tpu.memory_space<hbm>>
    %dma_wait3A_1054 = arith.constant 0 : i32
    %dma_wait3A_1055 = arith.constant 0 : i32
    %dma_wait3A_1056 = tpu.memref_slice %arg4[%dma_wait3A_1054, %dma_wait3A_1055] : memref<819200x128xf32, #tpu.memory_space<hbm>> -> memref<200x64xf32, #tpu.memory_space<hbm>>
    tpu.wait_dma2 semaphore(%arg30 : memref<!tpu.dma_semaphore, #tpu.memory_space<semaphore_mem>>) src(%arg14 : memref<200x64xf32, #tpu.memory_space<vmem>>) dst(%dma_wait3A_1056 : memref<200x64xf32, #tpu.memory_space<hbm>>)
    %dma_wait3A_1057 = arith.constant 0 : i32
    %dma_wait3A_1058 = arith.constant 0 : i32
    %dma_wait3A_1059 = tpu.memref_slice %arg4[%dma_wait3A_1057, %dma_wait3A_1058] : memref<819200x128xf32, #tpu.memory_space<hbm>> -> memref<200x64xf32, #tpu.memory_space<hbm>>
    %dma_wait3A_1060 = arith.constant 0 : i32
    %dma_wait3A_1061 = arith.constant 0 : i32
    %dma_wait3A_1062 = tpu.memref_slice %arg4[%dma_wait3A_1060, %dma_wait3A_1061] : memref<819200x128xf32, #tpu.memory_space<hbm>> -> memref<200x64xf32, #tpu.memory_space<hbm>>
    tpu.wait_dma2 semaphore(%arg31 : memref<!tpu.dma_semaphore, #tpu.memory_space<semaphore_mem>>) src(%arg15 : memref<200x64xf32, #tpu.memory_space<vmem>>) dst(%dma_wait3A_1062 : memref<200x64xf32, #tpu.memory_space<hbm>>)
    %dma_wait3A_1063 = arith.constant 0 : i32
    %dma_wait3A_1064 = arith.constant 0 : i32
    %dma_wait3A_1065 = tpu.memref_slice %arg4[%dma_wait3A_1063, %dma_wait3A_1064] : memref<819200x128xf32, #tpu.memory_space<hbm>> -> memref<200x64xf32, #tpu.memory_space<hbm>>
    %dma_wait3A_1066 = arith.constant 0 : i32
    %dma_wait3A_1067 = arith.constant 0 : i32
    %dma_wait3A_1068 = tpu.memref_slice %arg4[%dma_wait3A_1066, %dma_wait3A_1067] : memref<819200x128xf32, #tpu.memory_space<hbm>> -> memref<200x64xf32, #tpu.memory_space<hbm>>
    tpu.wait_dma2 semaphore(%arg32 : memref<!tpu.dma_semaphore, #tpu.memory_space<semaphore_mem>>) src(%arg16 : memref<200x64xf32, #tpu.memory_space<vmem>>) dst(%dma_wait3A_1068 : memref<200x64xf32, #tpu.memory_space<hbm>>)
    %dma_wait3A_1069 = arith.constant 0 : i32
    %dma_wait3A_1070 = arith.constant 0 : i32
    %dma_wait3A_1071 = tpu.memref_slice %arg4[%dma_wait3A_1069, %dma_wait3A_1070] : memref<819200x128xf32, #tpu.memory_space<hbm>> -> memref<200x64xf32, #tpu.memory_space<hbm>>
    %dma_wait3A_1072 = arith.constant 0 : i32
    %dma_wait3A_1073 = arith.constant 0 : i32
    %dma_wait3A_1074 = tpu.memref_slice %arg4[%dma_wait3A_1072, %dma_wait3A_1073] : memref<819200x128xf32, #tpu.memory_space<hbm>> -> memref<200x64xf32, #tpu.memory_space<hbm>>
    tpu.wait_dma2 semaphore(%arg33 : memref<!tpu.dma_semaphore, #tpu.memory_space<semaphore_mem>>) src(%arg17 : memref<200x64xf32, #tpu.memory_space<vmem>>) dst(%dma_wait3A_1074 : memref<200x64xf32, #tpu.memory_space<hbm>>)
    %dma_wait3A_1075 = arith.constant 0 : i32
    %dma_wait3A_1076 = arith.constant 0 : i32
    %dma_wait3A_1077 = tpu.memref_slice %arg4[%dma_wait3A_1075, %dma_wait3A_1076] : memref<819200x128xf32, #tpu.memory_space<hbm>> -> memref<200x64xf32, #tpu.memory_space<hbm>>
    %dma_wait3A_1078 = arith.constant 0 : i32
    %dma_wait3A_1079 = arith.constant 0 : i32
    %dma_wait3A_1080 = tpu.memref_slice %arg4[%dma_wait3A_1078, %dma_wait3A_1079] : memref<819200x128xf32, #tpu.memory_space<hbm>> -> memref<200x64xf32, #tpu.memory_space<hbm>>
    tpu.wait_dma2 semaphore(%arg34 : memref<!tpu.dma_semaphore, #tpu.memory_space<semaphore_mem>>) src(%arg18 : memref<200x64xf32, #tpu.memory_space<vmem>>) dst(%dma_wait3A_1080 : memref<200x64xf32, #tpu.memory_space<hbm>>)
    %dma_wait3A_1081 = arith.constant 0 : i32
    %dma_wait3A_1082 = arith.constant 0 : i32
    %dma_wait3A_1083 = tpu.memref_slice %arg4[%dma_wait3A_1081, %dma_wait3A_1082] : memref<819200x128xf32, #tpu.memory_space<hbm>> -> memref<200x64xf32, #tpu.memory_space<hbm>>
    %dma_wait3A_1084 = arith.constant 0 : i32
    %dma_wait3A_1085 = arith.constant 0 : i32
    %dma_wait3A_1086 = tpu.memref_slice %arg4[%dma_wait3A_1084, %dma_wait3A_1085] : memref<819200x128xf32, #tpu.memory_space<hbm>> -> memref<200x64xf32, #tpu.memory_space<hbm>>
    tpu.wait_dma2 semaphore(%arg35 : memref<!tpu.dma_semaphore, #tpu.memory_space<semaphore_mem>>) src(%arg19 : memref<200x64xf32, #tpu.memory_space<vmem>>) dst(%dma_wait3A_1086 : memref<200x64xf32, #tpu.memory_space<hbm>>)
    %dma_wait3A_1087 = arith.constant 0 : i32
    %dma_wait3A_1088 = arith.constant 0 : i32
    %dma_wait3A_1089 = tpu.memref_slice %arg4[%dma_wait3A_1087, %dma_wait3A_1088] : memref<819200x128xf32, #tpu.memory_space<hbm>> -> memref<200x64xf32, #tpu.memory_space<hbm>>
    %dma_wait3A_1090 = arith.constant 0 : i32
    %dma_wait3A_1091 = arith.constant 0 : i32
    %dma_wait3A_1092 = tpu.memref_slice %arg4[%dma_wait3A_1090, %dma_wait3A_1091] : memref<819200x128xf32, #tpu.memory_space<hbm>> -> memref<200x64xf32, #tpu.memory_space<hbm>>
    tpu.wait_dma2 semaphore(%arg36 : memref<!tpu.dma_semaphore, #tpu.memory_space<semaphore_mem>>) src(%arg20 : memref<200x64xf32, #tpu.memory_space<vmem>>) dst(%dma_wait3A_1092 : memref<200x64xf32, #tpu.memory_space<hbm>>)
    %dma_wait3A_1093 = arith.constant 0 : i32
    %dma_wait3A_1094 = arith.constant 0 : i32
    %dma_wait3A_1095 = tpu.memref_slice %arg4[%dma_wait3A_1093, %dma_wait3A_1094] : memref<819200x128xf32, #tpu.memory_space<hbm>> -> memref<200x64xf32, #tpu.memory_space<hbm>>
    %dma_wait3A_1096 = arith.constant 0 : i32
    %dma_wait3A_1097 = arith.constant 0 : i32
    %dma_wait3A_1098 = tpu.memref_slice %arg4[%dma_wait3A_1096, %dma_wait3A_1097] : memref<819200x128xf32, #tpu.memory_space<hbm>> -> memref<200x64xf32, #tpu.memory_space<hbm>>
    tpu.wait_dma2 semaphore(%arg37 : memref<!tpu.dma_semaphore, #tpu.memory_space<semaphore_mem>>) src(%arg21 : memref<200x64xf32, #tpu.memory_space<vmem>>) dst(%dma_wait3A_1098 : memref<200x64xf32, #tpu.memory_space<hbm>>)
    return
  }
}

module attributes {stable_mosaic.version = 14 : i64} {
  func.func @_repack_body(%arg0: i32, %arg1: memref<64x8192xf32, #tpu.memory_space<vmem>>, %arg2: memref<4096x128xf32, #tpu.memory_space<vmem>>) attributes {dimension_semantics = [#tpu.dimension_semantics<arbitrary>], iteration_bounds = array<i64: 123>, scalar_prefetch = 0 : i64, scratch_operands = 0 : i64, tpu.core_type = #tpu.core_type<tc>, window_params = [{transform_indices = @transform_0, window_bounds = array<i64: 64, 8192>}, {transform_indices = @transform_1, window_bounds = array<i64: 4096, 128>}]} {
    %get3A = arith.constant 0 : index
    %get3A_0 = arith.constant 0 : index
    %get3A_1 = vector.load %arg1[%get3A, %get3A_0] : memref<64x8192xf32, #tpu.memory_space<vmem>>, vector<64x8192xf32>
    %slice3A = vector.extract_strided_slice %get3A_1 {offsets = [0, 0], sizes = [64, 4096], strides = [1, 1]} : vector<64x8192xf32> to vector<64x4096xf32>
    %transpose3A = tpu.transpose %slice3A, [1, 0] : vector<64x4096xf32> -> vector<4096x64xf32>
    %mul3A = arith.constant 8.000000e+00 : f32
    %mul3A_2 = vector.broadcast %mul3A : f32 to vector<4096x64xf32>
    %mul3A_3 = arith.mulf %transpose3A, %mul3A_2 : vector<4096x64xf32>
    %swap3A = arith.constant 0 : index
    %swap3A_4 = arith.constant 0 : index
    %swap3A_5 = vector.load %arg2[%swap3A, %swap3A_4] : memref<4096x128xf32, #tpu.memory_space<vmem>>, vector<4096x64xf32>
    tpu.vector_store %arg2[%swap3A, %swap3A_4], %mul3A_3 {strides = array<i32>} : memref<4096x128xf32, #tpu.memory_space<vmem>>, vector<4096x64xf32>,
    %slice3A_6 = vector.extract_strided_slice %get3A_1 {offsets = [0, 4096], sizes = [64, 4096], strides = [1, 1]} : vector<64x8192xf32> to vector<64x4096xf32>
    %transpose3A_7 = tpu.transpose %slice3A_6, [1, 0] : vector<64x4096xf32> -> vector<4096x64xf32>
    %mul3A_8 = arith.constant 8.000000e+00 : f32
    %mul3A_9 = vector.broadcast %mul3A_8 : f32 to vector<4096x64xf32>
    %mul3A_10 = arith.mulf %transpose3A_7, %mul3A_9 : vector<4096x64xf32>
    %swap3A_11 = arith.constant 0 : index
    %swap3A_12 = arith.constant 64 : index
    %swap3A_13 = vector.load %arg2[%swap3A_11, %swap3A_12] : memref<4096x128xf32, #tpu.memory_space<vmem>>, vector<4096x64xf32>
    tpu.vector_store %arg2[%swap3A_11, %swap3A_12], %mul3A_10 {strides = array<i32>} : memref<4096x128xf32, #tpu.memory_space<vmem>>, vector<4096x64xf32>,
    return
  }
  func.func @transform_0(%arg0: i32) -> (i32, i32) {
    %c0_i32 = arith.constant 0 : i32
    %c0_i32_0 = arith.constant 0 : i32
    return %c0_i32, %arg0 : i32, i32
  }
  func.func @transform_1(%arg0: i32) -> (i32, i32) {
    %c0_i32 = arith.constant 0 : i32
    %c0_i32_0 = arith.constant 0 : i32
    return %arg0, %c0_i32 : i32, i32
  }
}

</mosaic_0001>

<sc_bundles>
// kernel: kernel.4.cloned.1.call-start
scs
__scs_entry_jumppad:
0x0: {  	(pc) =	sbr.rel $0x88, $3  }
0x1: {  	(tag) =	ssettag $0x0;
	lr =	simm.s32 $0x1  }
0x2: {  	[smem:$0x3F9F] =	sst lr;
	_ =	strace $0xD0000000  }
0x3: {  	_ = 	snop  }
0x4: {  	_ = 	snop  }
0x5: {  	_ = 	snop  }
0x6: {  	_ = 	snop  }
0x7: {  	_ = 	snop  }
__scs_overlays_trampoline_lowered:
0x8: {  	[smem:$0x3FAE] =	sst s0  }
0x9: {  	[smem:$0x3FAF] =	sst s1  }
0xa: {  	[smem:$0x3FB0] =	sst s2  }
0xb: {  	[smem:$0x3FB1] =	sst s3  }
0xc: {  	[smem:$0x3FB2] =	sst s4  }
0xd: {  	[smem:$0x3FB3] =	sst s5  }
0xe: {  	[smem:$0x3FB4] =	sst s6  }
0xf: {  	[smem:$0x3FB5] =	sst s7  }
0x10: {  	[smem:$0x3FB6] =	sst s8  }
0x11: {  	[smem:$0x3FB7] =	sst s9;
	s0 =	simm.s32 @!p0 $0x0  }
0x12: {  	s1 =	sld [smem:$0x3F9D];
	s0 =	simm.s32 @p0 $0x1  }
0x13: {  	[smem:$0x3FB8] =	sst s0;
	s0 =	simm.s32 @!p1 $0x0  }
0x14: {  	s2 =	sld [smem:$0x3F9C];
	s0 =	simm.s32 @p1 $0x1  }
0x15: {  	[smem:$0x3FB9] =	sst s0;
	s0 =	simm.s32 @!p2 $0x0  }
0x16: {  	s3 =	sld [smem:$0x3FDB];
	s0 =	simm.s32 @p2 $0x1  }
0x17: {  	s4 =	simm.s32 $0x1BF5;
	[smem:$0x3FBB] =	sst s0  }
0x18: {  	s0 =	sld [smem:$0x3F9E];
	_ =	swait.ge [sflag:s4], $0x0  }
0x19: {  	s7 =	sld [smem:$0x3F9F]  }
0x1a: {  	s8 =	sadd.s32 $0xFFFFE003, lr  }
0x1b: {  	s9 =	sadd.s32 $0xFFFFFEF7, lr;
	s5 =	simm.s32 $0xFFFFFFFF;
	p2 =	slt.u32 s8, $0xFFFFF086  }
0x1c: {  	p1 =	slt.u32 s9, $0xF7A;
	s5 =	simm.s32 @!p2 $0x0  }
0x1d: {  	s5 =	simm.s32 @p1 $0x1;
	p0 =	seq.s32 s7, s2  }
0x1e: {  	s7 =	smul.u32 @!p0 $0xF7A, s2;
	p2 =	seq.s32 @!p0 s5, $0x0  }
0x1f: {  	s9 =	smul.u32 $0xF7A, s1;
	s8 =	simm.s32 @!p0 $0x1BF5;
	p2 =	por !p2, p0  }
0x20: {  	[sflag:s8] =	ssyncset.s32 @!p0 $0xFFFFF086;
	s6 =	sadd.s32 @!p0 s3, s7;
	s7 =	simm.s32 @!p0 $0x108  }
0x21: {  	s3 =	sadd.s32 s3, s9;
	s6 =	sadd.s32 @!p0 $0x88, s6;
	s7 =	simm.s32 @p2 $0x1082  }
0x22: {  	[simem:s7], [sflag:s8] =	dma.local @!p0 [hbm:s6], $0xF7A  }
0x23: {  	s9 =	sor.u32 $0xD0000000, s2;
	s6 =	simm.s32 $0x108;
	_ =	swait.ge @!p0 [sflag:s8], $0x0  }
0x24: {  	s3 =	sadd.s32 $0x88, s3;
	s6 =	simm.s32 @!p1 $0x1082;
	[sflag:s4] =	ssyncset.s32 $0xFFFFF086  }
0x25: {  	[simem:s6], [sflag:s4] =	dma.local [hbm:s3], $0xF7A  }
0x26: {  	[smem:$0x3F9F] =	sst s1;
	(tag) =	ssettag s2;
	_ =	strace s9  }
0x27: {  	s1 =	sld [smem:$0x3FAF]  }
0x28: {  	s2 =	sld [smem:$0x3FB0]  }
0x29: {  	s4 =	sld [smem:$0x3FB2]  }
0x2a: {  	p0 =	seq.s32 s5, $0x0;
	s5 =	sld [smem:$0x3FB3]  }
0x2b: {  	s6 =	sld [smem:$0x3FB4]  }
0x2c: {  	s7 =	sld [smem:$0x3FB5]  }
0x2d: {  	s3 =	simm.s32 $0x108;
	s8 =	sld [smem:$0x3FB6]  }
0x2e: {  	s3 =	simm.s32 @!p0 $0x1082;
	s9 =	sld [smem:$0x3FB7]  }
0x2f: {  	lr =	sadd.s32 s0, s3;
	s0 =	sld [smem:$0x3FAE]  }
0x30: {  	s3 =	sld [smem:$0x3FB1]  }
0x31: {  	[smem:$0x3FBA] =	sst s10  }
0x32: {  	s10 =	sld [smem:$0x3FB8];
	_ =	sdelay $0x3  }
0x33: {  	p0 =	seq.s32 s10, $0x1;
	s10 =	sld [smem:$0x3FBA];
	_ =	sdelay $0x3  }
0x34: {  	[smem:$0x3FBA] =	sst s10  }
0x35: {  	s10 =	sld [smem:$0x3FB9];
	_ =	sdelay $0x3  }
0x36: {  	p1 =	seq.s32 s10, $0x1;
	s10 =	sld [smem:$0x3FBA];
	_ =	sdelay $0x3  }
0x37: {  	[smem:$0x3FBA] =	sst s10  }
0x38: {  	s10 =	sld [smem:$0x3FBB]  }
0x39: {  	_ = 	snop;
	(pc) =	sbr.ind lr, $3  }
0x3a: {  	_ = 	snop  }
0x3b: {  	_ = 	snop  }
0x3c: {  	p2 =	seq.s32 s10, $0x1;
	s10 =	sld [smem:$0x3FBA]  }
0x3d: {  	_ =	shalt  }
0x3e: {  	_ =	shalt  }
0x3f: {  	_ =	shalt  }
0x40: {  	_ =	shalt  }
0x41: {  	_ =	shalt  }
0x42: {  	_ =	shalt  }
0x43: {  	_ =	shalt  }
0x44: {  	_ =	shalt  }
0x45: {  	_ =	shalt  }
0x46: {  	_ =	shalt  }
0x47: {  	_ =	shalt  }
0x48: {  	_ =	shalt  }
0x49: {  	_ =	shalt  }
0x4a: {  	_ =	shalt  }
0x4b: {  	_ =	shalt  }
0x4c: {  	_ =	shalt  }
0x4d: {  	_ =	shalt  }
0x4e: {  	_ =	shalt  }
0x4f: {  	_ =	shalt  }
0x50: {  	_ =	shalt  }
0x51: {  	_ =	shalt  }
0x52: {  	_ =	shalt  }
0x53: {  	_ =	shalt  }
0x54: {  	_ =	shalt  }
0x55: {  	_ =	shalt  }
0x56: {  	_ =	shalt  }
0x57: {  	_ =	shalt  }
0x58: {  	_ =	shalt  }
0x59: {  	_ =	shalt  }
0x5a: {  	_ =	shalt  }
0x5b: {  	_ =	shalt  }
0x5c: {  	_ =	shalt  }
0x5d: {  	_ =	shalt  }
0x5e: {  	_ =	shalt  }
0x5f: {  	_ =	shalt  }
0x60: {  	_ =	shalt  }
0x61: {  	_ =	shalt  }
0x62: {  	_ =	shalt  }
0x63: {  	_ =	shalt  }
0x64: {  	_ =	shalt  }
0x65: {  	_ =	shalt  }
0x66: {  	_ =	shalt  }
0x67: {  	_ =	shalt  }
0x68: {  	_ =	shalt  }
0x69: {  	_ =	shalt  }
0x6a: {  	_ =	shalt  }
0x6b: {  	_ =	shalt  }
0x6c: {  	_ =	shalt  }
0x6d: {  	_ =	shalt  }
0x6e: {  	_ =	shalt  }
0x6f: {  	_ =	shalt  }
0x70: {  	_ =	shalt  }
0x71: {  	_ =	shalt  }
0x72: {  	_ =	shalt  }
0x73: {  	_ =	shalt  }
0x74: {  	_ =	shalt  }
0x75: {  	_ =	shalt  }
0x76: {  	_ =	shalt  }
0x77: {  	_ =	shalt  }
0x78: {  	_ =	shalt  }
0x79: {  	_ =	shalt  }
0x7a: {  	_ =	shalt  }
0x7b: {  	_ =	shalt  }
0x7c: {  	_ =	shalt  }
0x7d: {  	_ =	shalt  }
0x7e: {  	_ =	shalt  }
0x7f: {  	_ =	shalt  }
0x80: {  	_ =	shalt  }
0x81: {  	_ =	shalt  }
0x82: {  	_ =	shalt  }
0x83: {  	_ =	shalt  }
0x84: {  	_ =	shalt  }
0x85: {  	_ =	shalt  }
0x86: {  	_ =	shalt  }
0x87: {  	_ =	shalt  }
.Lfunc_end0:
.L_simem_size_0:
called_computation.1_lowered:
.L_overlay_start_0:
0x88: {  	s2 =	sld [smem:$0x3FD9]  }
0x89: {  	s3 =	sld [smem:$0x3FFE];
	_ =	sdelay $0x1  }
0x8a: {  	s1 =	srdreg.scid  }
0x8b: {  	s0 =	sand.u32 $0x1, s1  }
0x8c: {  	s17 =	sshll.u32 s0, $0xA;
	s2 =	sadd.s32 s3, s2  }
0x8d: {  	s2 =	sadd.s32 s2, s17  }
0x8e: {  	[smem:$0x3FC6] =	sst s2  }
0x8f: {  	_ = 	snop  }
0x90: {  	s2 =	sld [smem:$0x3FD0];
	(tm) =	ssettm $0x1  }
0x91: {  	s18 =	sld [smem:$0x3FFB];
	_ =	sdelay $0x3  }
0x92: {  	_ =	strace s18  }
0x93: {  	s3 =	sld [smem:$0x3FFC];
	_ =	sdelay $0x3  }
0x94: {  	_ =	strace s3  }
0x95: {  	s3 =	sld [smem:$0x3FFD];
	_ =	sdelay $0x3  }
0x96: {  	_ =	strace s3  }
0x97: {  	_ =	strace $0x8FFFFFFF  }
0x98: {  	s19 =	sld [smem:$0x3FDB];
	_ =	sdelay $0x1  }
0x99: {  	s4 =	simm.s32 $_scs_section_size  }
0x9a: {  	s5 =	simm.s32 $_size__tile_overlayer_lowered;
	s6 =	simm.s32 $_tile_overlayer_lowered  }
0x9b: {  	s22 =	simm.s32 $0x1BFF;
	s21 =	sshll.u32 s6, $0x1;
	s3 =	sadd.s32 s4, s19  }
0x9c: {  	s7 =	simm.s32 $0x0;
	s20 =	sshll.u32 s5, $0x1;
	s5 =	sadd.s32 s21, s3  }
0x9d: {  	[timem:s7], [sflag:s22] =	dma.local [hbm:s5], s20  }
0x9e: {  	_ =	swait.ge [sflag:s22], s20  }
0x9f: {  	s4 =	ssub.s32 $0x0, s20;
	[sflag:s22] =	ssyncset.done $0x0  }
0xa0: {  	[sflag:s22] =	ssyncadd.s32 s4;
	_ =	sdelay $0x1  }
0xa1: {  	s23 =	simm.s32 $0x1B8B  }
0xa2: {  	_ =	swait.ge [sflag:s23], $0x1  }
0xa3: {  	[sflag:s23] =	ssyncset.done $0x0  }
0xa4: {  	s25 =	simm.s32 $0x1B8E;
	s24 =	sld [smem:$0x3FFE];
	[sflag:s23] =	ssyncadd.s32 $0xFFFFFFFF  }
0xa5: {  	s26 =	simm.s32 $execute0_lowered;
	[smem:$0x3FD2] =	sst s25  }
0xa6: {  	s5 =	sshll.u32 s26, $0x1;
	_ =	strace $0x80000046;
	[dreg:$0x1] =	wrdreg $0xFFFFFFFF  }
0xa7: {  	s28 =	simm.s32 $_size_execute0_lowered;
	s3 =	sadd.s32 s3, s5;
	[dreg:$0x0] =	wrdreg $0x0  }
0xa8: {  	s5 =	sshll.u32 s28, $0x1;
	[dreg:$0x2] =	wrdreg s3  }
0xa9: {  	[dreg:$0x3] =	wrdreg s5  }
0xaa: {  	[dreg:$0x4] =	wrdreg $0xC0  }
0xab: {  	_ =	task [dreg:s7], $0x5FFFF  }
0xac: {  	[dreg:$0x1] =	wrdreg $0xFFFFFFFF  }
0xad: {  	[dreg:$0x0] =	wrdreg $0x60  }
0xae: {  	[dreg:$0x2] =	wrdreg s2  }
0xaf: {  	[dreg:$0x3] =	wrdreg s24  }
0xb0: {  	[dreg:$0x4] =	wrdreg $0x9  }
0xb1: {  	_ =	task.clear_ibuf [dreg:s7], $0x5FFFF;
	_ =	strace $0x90000046  }
0xb2: {  	s29 =	simm.s32 $0x9;
	_ =	strace $0x80000048  }
0xb3: {  	_ =	swait.ge [sflag:s29], $0x1  }
0xb4: {  	[sflag:s29] =	ssyncadd.s32 $0xFFFFFFFF  }
0xb5: {  	_ =	strace $0x90000048  }
0xb6: {  	_ =	sfence  }
0xb7: {  	s30 =	sld [smem:$0x0];
	_ =	sdelay $0x2  }
0xb8: {  	s31 =	sshll.u32 s1, $0xD;
	s1 =	sshrl.u32 s1, $0x2  }
0xb9: {  	s3 =	sand.u32 $0x4000, s31;
	s1 =	sadd.s32 s1, s30  }
0xba: {  	s0 =	sor.u32 s3, s0;
	s1 =	sshll.u32 s1, $0x11  }
0xbb: {  	s0 =	sor.u32 s1, s0  }
0xbc: {  	s0 =	sadd.s32 $0x8F2B, s0  }
0xbd: {  	[sflag:s0] =	ssyncadd.remote.s32 $0x1  }
0xbe: {  	_ =	sfence.sel $0xFFFF  }
0xbf: {  	[dreg:$0x0] =	wrdreg $0xFFFFFFFF;
	(pc) =	sbr.abs _section_cstart, $3  }
0xc0: {  	[dreg:$0x1] =	wrdreg $0xFFFFFFFF  }
0xc1: {  	_ =	task.clear_ibuf [dreg:s7], $0x2FFFF;
	_ =	strace $0x9FFFFFFF  }
0xc2: {  	(tm) =	ssettm $0x7FFFFFFF  }
0xc3: {  	_ =	shalt  }
tec
execute0_lowered:
.L_overlay_start_1:
0x0: {  	(tag) =	ssettag $0x1  }
0x1: {  	s0 =	rddreg [dreg:$0x0]  }
0x2: {  	s1 =	rddreg [dreg:$0x1]  }
0x3: {  	s2 =	srdreg.scid;
	s8 =	stileid.u32  }
0x4: {  	s5 =	simm.s32 $0x0;
	s10 =	simm.s32 $0xC8;
	s12 =	simm.s32 $0x6A40  }
0x5: {  	s14 =	simm.s32 $0x9C40;
	s16 =	simm.s32 $0xCE40;
	s18 =	simm.s32 $0x10040  }
0x6: {  	s19 =	simm.s32 $0x1;
	s20 =	simm.s32 $0x40;
	s21 =	simm.s32 $0x80  }
0x7: {  	s28 =	simm.s32 $0x3;
	s29 =	simm.s32 $0x68B0;
	s30 =	simm.s32 $0x19640  }
0x8: {  	s31 =	simm.s32 $0x4;
	s9 =	simm.s32 $0x9;
	s11 =	simm.s32 $0xA  }
0x9: {  	s13 =	simm.s32 $0xB;
	s2 =	sand.u32 $0x1, s2;
	s3 =	sshll.u32 s8, $0x8  }
0xa: {  	[smem:$0x7FF] =	sst s5;
	s23 =	smul.u32 $0xC8000, s8;
	s4 =	sshll.u32 s2, $0x7  }
0xb: {  	s22 =	ssub.s32 $0x2, s2;
	s2 =	smul.u32 $0x64000, s2;
	s4 =	sor.u32 s4, s3  }
0xc: {  	_ =	strace $0x80000047;
	s3 =	sadd.s32 $0x800, s1;
	s6 =	smul.u32 $0x19, s4  }
0xd: {  	s7 =	sshrl.u32 s22, $0x1;
	s1 =	sadd.s32 $0x7B0800, s1;
	s4 =	smul.u32 $0xC80, s4  }
0xe: {  	s5 =	ssub.s32 s22, s7;
	s25 =	sadd.s32 s23, s1;
	s23 =	simm.s32 $0x13240  }
0xf: {  	s7 =	simm.s32 $0x8;
	s22 =	simm.s32 $0x0;
	s26 =	smax.u32 s5, $0x1  }
0x10: {  	s8 =	sadd.s32 s2, s25;
	s2 =	simm.s32 $0x5;
	s5 =	simm.s32 $0xC  }
.Ltmp0:
0x11: {  	s0 =	sadd.s32 s0, s6;
	s24 =	sadd.s32 s4, s1;
	(pc) =	sbr.rel .LBB2_1-.Ltmp0, $4  }
0x12: {  	[dreg:$0x6] =	wrdreg s26;
	s26 =	simm.s32 $0x16440;
	s1 =	simm.s32 $0x1C840  }
0x13: {  	s6 =	simm.s32 $0x7;
	[dreg:$0x3] =	wrdreg s0;
	s4 =	sadd.s32 $0x61A80, s24  }
0x14: {  	s0 =	sadd.s32 $0x63380, s24;
	s24 =	simm.s32 $0x2;
	[dreg:$0x4] =	wrdreg s4  }
0x15: {  	[dreg:$0x5] =	wrdreg s0;
	s0 =	simm.s32 $0x6978;
	s4 =	simm.s32 $0x6  }
.LBB2_7:
0x16: {  	_ =	swait.ge [sflag:s7], $0x3200  }
0x17: {  	[sflag:s7] =	ssyncset.done $0x0  }
0x18: {  	s15 =	rddreg [dreg:$0x5];
	[sflag:s7] =	ssyncadd.s32 $0xFFFFCE00  }
0x19: {  	[hbm4b:s15+s20] =	stream.strided.scatter [tilespmem:s1], [sflag:$0x10], $0x3200, s21, s20, $0x38;
	[tilespmem:$0x1FA40] =	vst v63  }
0x1a: {  	_ =	swait.ge [sflag:s9], $0x3200  }
0x1b: {  	[sflag:s9] =	ssyncset.done $0x0  }
0x1c: {  	[sflag:s9] =	ssyncadd.s32 $0xFFFFCE00  }
0x1d: {  	_ =	swait.ge [sflag:s11], $0x3200  }
0x1e: {  	[sflag:s11] =	ssyncset.done $0x0  }
0x1f: {  	[sflag:s11] =	ssyncadd.s32 $0xFFFFCE00  }
0x20: {  	_ =	swait.ge [sflag:s13], $0x3200  }
0x21: {  	[sflag:s13] =	ssyncset.done $0x0  }
0x22: {  	[sflag:s13] =	ssyncadd.s32 $0xFFFFCE00  }
0x23: {  	_ =	swait.ge [sflag:s5], $0x3200  }
0x24: {  	[sflag:s5] =	ssyncset.done $0x0  }
0x25: {  	s25 =	simm.s32 $0xD;
	[sflag:s5] =	ssyncadd.s32 $0xFFFFCE00  }
0x26: {  	_ =	swait.ge [sflag:s25], $0x3200  }
0x27: {  	[sflag:s25] =	ssyncset.done $0x0  }
0x28: {  	s17 =	simm.s32 $0xE;
	[sflag:s25] =	ssyncadd.s32 $0xFFFFCE00  }
0x29: {  	_ =	swait.ge [sflag:s17], $0x3200  }
0x2a: {  	[sflag:s17] =	ssyncset.done $0x0  }
0x2b: {  	s22 =	simm.s32 $0xF;
	[sflag:s17] =	ssyncadd.s32 $0xFFFFCE00  }
0x2c: {  	_ =	swait.ge [sflag:s22], $0x3200  }
0x2d: {  	[sflag:s22] =	ssyncset.done $0x0  }
0x2e: {  	s17 =	simm.s32 $0x10;
	[sflag:s22] =	ssyncadd.s32 $0xFFFFCE00  }
0x2f: {  	_ =	swait.ge [sflag:s17], $0x3200  }
0x30: {  	s22 =	rddreg [dreg:$0x7]  }
0x31: {  	s25 =	rddreg [dreg:$0x6];
	s22 =	sadd.s32 $0x1, s22  }
0x32: {  	p0 =	sne.s32 s22, s25  }
.Ltmp1:
0x33: {  	_ = 	snop;
	(pc) =	sbr.rel @!p0 .LBB2_8-.Ltmp1, $3  }
0x34: {  	_ =	sdelay $0x1  }
0x35: {  	[sflag:s17] =	ssyncset.done $0x0  }
0x36: {  	[sflag:s17] =	ssyncadd.s32 $0xFFFFCE00  }
.LBB2_1:
0x37: {  	[dreg:$0x7] =	wrdreg s22  }
0x38: {  	s15 =	simm.s32 $0x0;
	s17 =	rddreg [dreg:$0x3];
	s22 =	simm.s32 $0x11  }
0x39: {  	[tilespmem:s15], [sflag:$0x11] =	stream.linear.gather [hbm4b:s17+s15], $0x6400, $0x38;
	[tilespmem:$0x1FA40] =	vst v63  }
0x3a: {  	_ =	swait.ge [sflag:s22], $0x6400  }
0x3b: {  	[sflag:s22] =	ssyncset.done $0x0  }
0x3c: {  	[sflag:s22] =	ssyncadd.s32 $0xFFFF9C00  }
0x3d: {  	v0 =	vld [tilespmem:$0x0]  }
0x3e: {  	v1 =	vld [tilespmem:$0x10]  }
0x3f: {  	v2 =	vld [tilespmem:$0x20]  }
0x40: {  	v4 =	vld [tilespmem:$0x30]  }
0x41: {  	v6 =	vld [tilespmem:$0x40]  }
0x42: {  	v7 =	vld [tilespmem:$0x50]  }
0x43: {  	v8 =	vld [tilespmem:$0x60]  }
0x44: {  	v10 =	vld [tilespmem:$0x70]  }
0x45: {  	v45 =	vld [tilespmem:$0x80]  }
0x46: {  	v11 =	vld [tilespmem:$0x90]  }
0x47: {  	v12 =	vld [tilespmem:$0xA0]  }
0x48: {  	v58 =	vld [tilespmem:$0xB8]  }
0x49: {  	v3 =	vand.u32 $0x1FFF, v0  }
0x4a: {  	v5 =	vand.u32 $0x1FFF, v1;
	v38 =	vand.u32 $0x1FFF, v2;
	v39 =	vand.u32 $0x1FFF, v4  }
0x4b: {  	v9 =	vand.u32 $0x1FFF, v6;
	v44 =	vand.u32 $0x1FFF, v7;
	v47 =	vand.u32 $0x1FFF, v8  }
0x4c: {  	v50 =	vand.u32 $0x1FFF, v10;
	v54 =	vand.u32 $0x1FFF, v45;
	v57 =	vand.u32 $0x1FFF, v11  }
0x4d: {  	v62 =	vand.u32 $0x1FFF, v12;
	v14 =	vand.u32 $0x1FFF, v58;
	v0 =	vadd.s32 v0, v3  }
0x4e: {  	vm0 =	vgt.u32 v3, $0xFFF;
	v1 =	vadd.s32 v1, v5;
	vm14 =	vgt.u32 v5, $0xFFF  }
0x4f: {  	v2 =	vadd.s32 v2, v38;
	vm15 =	vgt.u32 v38, $0xFFF;
	v4 =	vadd.s32 v4, v39  }
0x50: {  	vm1 =	vgt.u32 v39, $0xFFF;
	v42 =	vadd.s32 v6, v9;
	vm4 =	vgt.u32 v9, $0xFFF  }
0x51: {  	v46 =	vadd.s32 v7, v44;
	vm5 =	vgt.u32 v44, $0xFFF;
	v8 =	vadd.s32 v8, v47  }
0x52: {  	vm6 =	vgt.u32 v47, $0xFFF;
	v52 =	vadd.s32 v10, v50;
	v36 =	vadd.s32 $0xFFFFE001, v0  }
0x53: {  	vm7 =	vgt.u32 v50, $0xFFF;
	v37 =	vadd.s32 $0xFFFFE001, v1;
	v0 =	vsel vm0, v36, v0  }
0x54: {  	v56 =	vadd.s32 v45, v54;
	v40 =	vadd.s32 $0xFFFFE001, v2;
	v1 =	vsel vm14, v37, v1;
	[tilespmem:$0x6400] =	vst v0  }
0x55: {  	v55 =	vld [tilespmem:$0xB0];
	vm8 =	vgt.u32 v54, $0xFFF;
	v41 =	vadd.s32 $0xFFFFE001, v4;
	v2 =	vsel vm15, v40, v2;
	[tilespmem:$0x6410] =	vst v1  }
0x56: {  	v60 =	vadd.s32 v11, v57;
	v43 =	vadd.s32 $0xFFFFE001, v42;
	v3 =	vsel vm1, v41, v4;
	[tilespmem:$0x6420] =	vst v2  }
0x57: {  	vm9 =	vgt.u32 v57, $0xFFF;
	v48 =	vadd.s32 $0xFFFFE001, v46;
	v4 =	vsel vm4, v43, v42;
	[tilespmem:$0x6430] =	vst v3  }
0x58: {  	v9 =	vadd.s32 v12, v62;
	v59 =	vadd.s32 $0xFFFFE001, v56;
	v51 =	vsel vm5, v48, v46;
	[tilespmem:$0x6440] =	vst v4  }
0x59: {  	vm10 =	vgt.u32 v62, $0xFFF;
	v10 =	vadd.s32 $0xFFFFE001, v9;
	v63 =	vsel vm8, v59, v56;
	[tilespmem:$0x6450] =	vst v51  }
0x5a: {  	v11 =	vand.u32 $0x1FFF, v55;
	v49 =	vadd.s32 $0xFFFFE001, v8;
	v12 =	vsel vm10, v10, v9;
	[tilespmem:$0x6480] =	vst v63  }
0x5b: {  	v16 =	vadd.s32 v58, v14;
	v53 =	vadd.s32 $0xFFFFE001, v52;
	v0 =	vsel vm6, v49, v8;
	[tilespmem:$0x64A0] =	vst v12  }
0x5c: {  	v61 =	vadd.s32 $0xFFFFE001, v60;
	v13 =	vadd.s32 v55, v11;
	v2 =	vsel vm7, v53, v52;
	[tilespmem:$0x6460] =	vst v0  }
0x5d: {  	vm11 =	vgt.u32 v11, $0xFFF;
	v15 =	vadd.s32 $0xFFFFE001, v13;
	v1 =	vsel vm9, v61, v60;
	[tilespmem:$0x6470] =	vst v2  }
0x5e: {  	vm12 =	vgt.u32 v14, $0xFFF;
	v18 =	vadd.s32 $0xFFFFE001, v16;
	v17 =	vsel vm11, v15, v13;
	[tilespmem:$0x6490] =	vst v1  }
0x5f: {  	v19 =	vsel vm12, v18, v16;
	[tilespmem:$0x64B0] =	vst v17  }
0x60: {  	s25 =	simm.s32 $0x6400;
	[tilespmem:$0x64B8] =	vst v19  }
0x61: {  	[tilespmem:s12], [sflag:$0x1] =	stream.indirect.gather [hbm4b:s3+s10], $0x40, s25, s10, $0xb8;
	[tilespmem:$0x1FA40] =	vst v63  }
0x62: {  	v20 =	vld [tilespmem:$0xC8]  }
0x63: {  	v21 =	vld [tilespmem:$0xD8]  }
0x64: {  	v22 =	vld [tilespmem:$0xE8]  }
0x65: {  	v24 =	vld [tilespmem:$0xF8]  }
0x66: {  	v27 =	vld [tilespmem:$0x108]  }
0x67: {  	v30 =	vld [tilespmem:$0x118]  }
0x68: {  	v32 =	vld [tilespmem:$0x128]  }
0x69: {  	v36 =	vld [tilespmem:$0x138]  }
0x6a: {  	v40 =	vld [tilespmem:$0x148]  }
0x6b: {  	v43 =	vld [tilespmem:$0x158]  }
0x6c: {  	v47 =	vld [tilespmem:$0x168]  }
0x6d: {  	v52 =	vld [tilespmem:$0x178]  }
0x6e: {  	v55 =	vld [tilespmem:$0x180]  }
0x6f: {  	v23 =	vand.u32 $0x1FFF, v20  }
0x70: {  	v26 =	vand.u32 $0x1FFF, v21;
	v29 =	vand.u32 $0x1FFF, v22;
	v31 =	vand.u32 $0x1FFF, v24  }
0x71: {  	v35 =	vand.u32 $0x1FFF, v27;
	v39 =	vand.u32 $0x1FFF, v30;
	v42 =	vand.u32 $0x1FFF, v32  }
0x72: {  	v46 =	vand.u32 $0x1FFF, v36;
	v51 =	vand.u32 $0x1FFF, v40;
	v54 =	vand.u32 $0x1FFF, v43  }
0x73: {  	v59 =	vand.u32 $0x1FFF, v47;
	v63 =	vand.u32 $0x1FFF, v52;
	v11 =	vand.u32 $0x1FFF, v55  }
0x74: {  	v0 =	vadd.s32 v20, v23;
	vm13 =	vgt.u32 v23, $0xFFF;
	v1 =	vadd.s32 v21, v26  }
0x75: {  	vm14 =	vgt.u32 v26, $0xFFF;
	v2 =	vadd.s32 v22, v29;
	vm15 =	vgt.u32 v29, $0xFFF  }
0x76: {  	v4 =	vadd.s32 v24, v31;
	vm4 =	vgt.u32 v31, $0xFFF;
	v37 =	vadd.s32 v27, v35  }
0x77: {  	vm5 =	vgt.u32 v35, $0xFFF;
	v41 =	vadd.s32 v30, v39;
	vm6 =	vgt.u32 v39, $0xFFF  }
0x78: {  	v8 =	vadd.s32 v32, v42;
	vm7 =	vgt.u32 v42, $0xFFF;
	v25 =	vadd.s32 $0xFFFFE001, v0  }
0x79: {  	v49 =	vadd.s32 v36, v46;
	v28 =	vadd.s32 $0xFFFFE001, v1;
	v0 =	vsel vm13, v25, v0  }
0x7a: {  	vm8 =	vgt.u32 v46, $0xFFF;
	v33 =	vadd.s32 $0xFFFFE001, v2;
	v1 =	vsel vm14, v28, v1;
	[tilespmem:$0x64C8] =	vst v0  }
0x7b: {  	v53 =	vadd.s32 v40, v51;
	v34 =	vadd.s32 $0xFFFFE001, v4;
	v2 =	vsel vm15, v33, v2;
	[tilespmem:$0x64D8] =	vst v1  }
0x7c: {  	vm9 =	vgt.u32 v51, $0xFFF;
	v38 =	vadd.s32 $0xFFFFE001, v37;
	v3 =	vsel vm4, v34, v4;
	[tilespmem:$0x64E8] =	vst v2  }
0x7d: {  	v61 =	vadd.s32 v47, v59;
	v44 =	vadd.s32 $0xFFFFE001, v41;
	v4 =	vsel vm5, v38, v37;
	[tilespmem:$0x64F8] =	vst v3  }
0x7e: {  	vm11 =	vgt.u32 v59, $0xFFF;
	v56 =	vadd.s32 $0xFFFFE001, v53;
	v48 =	vsel vm6, v44, v41;
	[tilespmem:$0x6508] =	vst v4  }
0x7f: {  	v10 =	vadd.s32 v52, v63;
	v62 =	vadd.s32 $0xFFFFE001, v61;
	v60 =	vsel vm9, v56, v53;
	[tilespmem:$0x6518] =	vst v48  }
0x80: {  	vm12 =	vgt.u32 v63, $0xFFF;
	v12 =	vadd.s32 $0xFFFFE001, v10;
	v9 =	vsel vm11, v62, v61;
	[tilespmem:$0x6548] =	vst v60  }
0x81: {  	v57 =	vadd.s32 v43, v54;
	v45 =	vadd.s32 $0xFFFFE001, v8;
	v14 =	vsel vm12, v12, v10;
	[tilespmem:$0x6568] =	vst v9  }
0x82: {  	vm10 =	vgt.u32 v54, $0xFFF;
	v50 =	vadd.s32 $0xFFFFE001, v49;
	v0 =	vsel vm7, v45, v8;
	[tilespmem:$0x6578] =	vst v14  }
0x83: {  	v13 =	vadd.s32 v55, v11;
	v58 =	vadd.s32 $0xFFFFE001, v57;
	v2 =	vsel vm8, v50, v49;
	[tilespmem:$0x6528] =	vst v0  }
0x84: {  	v15 =	vadd.s32 $0xFFFFE001, v13;
	vm13 =	vgt.u32 v11, $0xFFF;
	v1 =	vsel vm10, v58, v57;
	[tilespmem:$0x6538] =	vst v2  }
0x85: {  	v16 =	vsel vm13, v15, v13;
	[tilespmem:$0x6558] =	vst v1  }
0x86: {  	s17 =	simm.s32 $0x64C8;
	[tilespmem:$0x6580] =	vst v16  }
0x87: {  	[tilespmem:s14], [sflag:$0x2] =	stream.indirect.gather [hbm4b:s3+s10], $0x40, s17, s10, $0xb8;
	[tilespmem:$0x1FA40] =	vst v63  }
0x88: {  	v17 =	vld [tilespmem:$0x190]  }
0x89: {  	v18 =	vld [tilespmem:$0x1A0]  }
0x8a: {  	v19 =	vld [tilespmem:$0x1B0]  }
0x8b: {  	v21 =	vld [tilespmem:$0x1C0]  }
0x8c: {  	v24 =	vld [tilespmem:$0x1D0]  }
0x8d: {  	v27 =	vld [tilespmem:$0x1E0]  }
0x8e: {  	v29 =	vld [tilespmem:$0x1F0]  }
0x8f: {  	v33 =	vld [tilespmem:$0x200]  }
0x90: {  	v37 =	vld [tilespmem:$0x210]  }
0x91: {  	v40 =	vld [tilespmem:$0x220]  }
0x92: {  	v44 =	vld [tilespmem:$0x230]  }
0x93: {  	v49 =	vld [tilespmem:$0x240]  }
0x94: {  	v52 =	vld [tilespmem:$0x248]  }
0x95: {  	v20 =	vand.u32 $0x1FFF, v17  }
0x96: {  	v23 =	vand.u32 $0x1FFF, v18;
	v26 =	vand.u32 $0x1FFF, v19;
	v28 =	vand.u32 $0x1FFF, v21  }
0x97: {  	v32 =	vand.u32 $0x1FFF, v24;
	v36 =	vand.u32 $0x1FFF, v27;
	v39 =	vand.u32 $0x1FFF, v29  }
0x98: {  	v43 =	vand.u32 $0x1FFF, v33;
	v48 =	vand.u32 $0x1FFF, v37;
	v51 =	vand.u32 $0x1FFF, v40  }
0x99: {  	v56 =	vand.u32 $0x1FFF, v44;
	v60 =	vand.u32 $0x1FFF, v49;
	v63 =	vand.u32 $0x1FFF, v52  }
0x9a: {  	v0 =	vadd.s32 v17, v20;
	vm14 =	vgt.u32 v20, $0xFFF;
	v1 =	vadd.s32 v18, v23  }
0x9b: {  	vm15 =	vgt.u32 v23, $0xFFF;
	v2 =	vadd.s32 v19, v26;
	vm4 =	vgt.u32 v26, $0xFFF  }
0x9c: {  	v4 =	vadd.s32 v21, v28;
	vm5 =	vgt.u32 v28, $0xFFF;
	v34 =	vadd.s32 v24, v32  }
0x9d: {  	vm6 =	vgt.u32 v32, $0xFFF;
	v38 =	vadd.s32 v27, v36;
	vm7 =	vgt.u32 v36, $0xFFF  }
0x9e: {  	v8 =	vadd.s32 v29, v39;
	vm8 =	vgt.u32 v39, $0xFFF;
	v22 =	vadd.s32 $0xFFFFE001, v0  }
0x9f: {  	v46 =	vadd.s32 v33, v43;
	v25 =	vadd.s32 $0xFFFFE001, v1;
	v0 =	vsel vm14, v22, v0  }
0xa0: {  	vm9 =	vgt.u32 v43, $0xFFF;
	v30 =	vadd.s32 $0xFFFFE001, v2;
	v1 =	vsel vm15, v25, v1;
	[tilespmem:$0x6590] =	vst v0  }
0xa1: {  	v50 =	vadd.s32 v37, v48;
	v31 =	vadd.s32 $0xFFFFE001, v4;
	v2 =	vsel vm4, v30, v2;
	[tilespmem:$0x65A0] =	vst v1  }
0xa2: {  	vm10 =	vgt.u32 v48, $0xFFF;
	v35 =	vadd.s32 $0xFFFFE001, v34;
	v3 =	vsel vm5, v31, v4;
	[tilespmem:$0x65B0] =	vst v2  }
0xa3: {  	v58 =	vadd.s32 v44, v56;
	v41 =	vadd.s32 $0xFFFFE001, v38;
	v4 =	vsel vm6, v35, v34;
	[tilespmem:$0x65C0] =	vst v3  }
0xa4: {  	vm12 =	vgt.u32 v56, $0xFFF;
	v53 =	vadd.s32 $0xFFFFE001, v50;
	v45 =	vsel vm7, v41, v38;
	[tilespmem:$0x65D0] =	vst v4  }
0xa5: {  	v62 =	vadd.s32 v49, v60;
	v59 =	vadd.s32 $0xFFFFE001, v58;
	v57 =	vsel vm10, v53, v50;
	[tilespmem:$0x65E0] =	vst v45  }
0xa6: {  	vm13 =	vgt.u32 v60, $0xFFF;
	v9 =	vadd.s32 $0xFFFFE001, v62;
	v61 =	vsel vm12, v59, v58;
	[tilespmem:$0x6610] =	vst v57  }
0xa7: {  	v54 =	vadd.s32 v40, v51;
	v42 =	vadd.s32 $0xFFFFE001, v8;
	v11 =	vsel vm13, v9, v62;
	[tilespmem:$0x6630] =	vst v61  }
0xa8: {  	vm11 =	vgt.u32 v51, $0xFFF;
	v47 =	vadd.s32 $0xFFFFE001, v46;
	v0 =	vsel vm8, v42, v8;
	[tilespmem:$0x6640] =	vst v11  }
0xa9: {  	v10 =	vadd.s32 v52, v63;
	v55 =	vadd.s32 $0xFFFFE001, v54;
	v2 =	vsel vm9, v47, v46;
	[tilespmem:$0x65F0] =	vst v0  }
0xaa: {  	v12 =	vadd.s32 $0xFFFFE001, v10;
	vm14 =	vgt.u32 v63, $0xFFF;
	v1 =	vsel vm11, v55, v54;
	[tilespmem:$0x6600] =	vst v2  }
0xab: {  	v13 =	vsel vm14, v12, v10;
	[tilespmem:$0x6620] =	vst v1  }
0xac: {  	s22 =	simm.s32 $0x6590;
	[tilespmem:$0x6648] =	vst v13  }
0xad: {  	[tilespmem:s16], [sflag:$0x3] =	stream.indirect.gather [hbm4b:s3+s10], $0x40, s22, s10, $0xb8;
	[tilespmem:$0x1FA40] =	vst v63  }
0xae: {  	v14 =	vld [tilespmem:$0x258]  }
0xaf: {  	v15 =	vld [tilespmem:$0x268]  }
0xb0: {  	v16 =	vld [tilespmem:$0x278]  }
0xb1: {  	v18 =	vld [tilespmem:$0x288]  }
0xb2: {  	v21 =	vld [tilespmem:$0x298]  }
0xb3: {  	v24 =	vld [tilespmem:$0x2A8]  }
0xb4: {  	v26 =	vld [tilespmem:$0x2B8]  }
0xb5: {  	v30 =	vld [tilespmem:$0x2C8]  }
0xb6: {  	v34 =	vld [tilespmem:$0x2D8]  }
0xb7: {  	v37 =	vld [tilespmem:$0x2E8]  }
0xb8: {  	v41 =	vld [tilespmem:$0x2F8]  }
0xb9: {  	v46 =	vld [tilespmem:$0x308]  }
0xba: {  	v49 =	vld [tilespmem:$0x310]  }
0xbb: {  	v17 =	vand.u32 $0x1FFF, v14  }
0xbc: {  	v20 =	vand.u32 $0x1FFF, v15;
	v23 =	vand.u32 $0x1FFF, v16;
	v25 =	vand.u32 $0x1FFF, v18  }
0xbd: {  	v29 =	vand.u32 $0x1FFF, v21;
	v33 =	vand.u32 $0x1FFF, v24;
	v36 =	vand.u32 $0x1FFF, v26  }
0xbe: {  	v40 =	vand.u32 $0x1FFF, v30;
	v45 =	vand.u32 $0x1FFF, v34;
	v48 =	vand.u32 $0x1FFF, v37  }
0xbf: {  	v53 =	vand.u32 $0x1FFF, v41;
	v57 =	vand.u32 $0x1FFF, v46;
	v59 =	vand.u32 $0x1FFF, v49  }
0xc0: {  	v0 =	vadd.s32 v14, v17;
	vm15 =	vgt.u32 v17, $0xFFF;
	v1 =	vadd.s32 v15, v20  }
0xc1: {  	vm4 =	vgt.u32 v20, $0xFFF;
	v2 =	vadd.s32 v16, v23;
	vm5 =	vgt.u32 v23, $0xFFF  }
0xc2: {  	v4 =	vadd.s32 v18, v25;
	vm6 =	vgt.u32 v25, $0xFFF;
	v31 =	vadd.s32 v21, v29  }
0xc3: {  	vm7 =	vgt.u32 v29, $0xFFF;
	v35 =	vadd.s32 v24, v33;
	vm8 =	vgt.u32 v33, $0xFFF  }
0xc4: {  	v8 =	vadd.s32 v26, v36;
	vm9 =	vgt.u32 v36, $0xFFF;
	v19 =	vadd.s32 $0xFFFFE001, v0  }
0xc5: {  	v43 =	vadd.s32 v30, v40;
	v22 =	vadd.s32 $0xFFFFE001, v1;
	v0 =	vsel vm15, v19, v0  }
0xc6: {  	vm10 =	vgt.u32 v40, $0xFFF;
	v27 =	vadd.s32 $0xFFFFE001, v2;
	v1 =	vsel vm4, v22, v1;
	[tilespmem:$0x6658] =	vst v0  }
0xc7: {  	v47 =	vadd.s32 v34, v45;
	v28 =	vadd.s32 $0xFFFFE001, v4;
	v2 =	vsel vm5, v27, v2;
	[tilespmem:$0x6668] =	vst v1  }
0xc8: {  	vm11 =	vgt.u32 v45, $0xFFF;
	v32 =	vadd.s32 $0xFFFFE001, v31;
	v3 =	vsel vm6, v28, v4;
	[tilespmem:$0x6678] =	vst v2  }
0xc9: {  	v51 =	vadd.s32 v37, v48;
	v38 =	vadd.s32 $0xFFFFE001, v35;
	v4 =	vsel vm7, v32, v31;
	[tilespmem:$0x6688] =	vst v3  }
0xca: {  	vm12 =	vgt.u32 v48, $0xFFF;
	v52 =	vadd.s32 $0xFFFFE001, v51;
	v42 =	vsel vm8, v38, v35;
	[tilespmem:$0x6698] =	vst v4  }
0xcb: {  	v55 =	vadd.s32 v41, v53;
	v39 =	vadd.s32 $0xFFFFE001, v8;
	v54 =	vsel vm12, v52, v51;
	[tilespmem:$0x66A8] =	vst v42  }
0xcc: {  	vm13 =	vgt.u32 v53, $0xFFF;
	v44 =	vadd.s32 $0xFFFFE001, v43;
	v0 =	vsel vm9, v39, v8;
	[tilespmem:$0x66E8] =	vst v54  }
0xcd: {  	v58 =	vadd.s32 v46, v57;
	v50 =	vadd.s32 $0xFFFFE001, v47;
	v2 =	vsel vm10, v44, v43;
	[tilespmem:$0x66B8] =	vst v0  }
0xce: {  	vm14 =	vgt.u32 v57, $0xFFF;
	v56 =	vadd.s32 $0xFFFFE001, v55;
	v3 =	vsel vm11, v50, v47;
	[tilespmem:$0x66C8] =	vst v2  }
0xcf: {  	v61 =	vadd.s32 v49, v59;
	v60 =	vadd.s32 $0xFFFFE001, v58;
	v1 =	vsel vm13, v56, v55;
	[tilespmem:$0x66D8] =	vst v3  }
0xd0: {  	v62 =	vadd.s32 $0xFFFFE001, v61;
	vm15 =	vgt.u32 v59, $0xFFF;
	[tilespmem:$0x66F8] =	vst v1;
	v0 =	vsel vm14, v60, v58  }
0xd1: {  	v63 =	vsel vm15, v62, v61;
	[tilespmem:$0x6708] =	vst v0  }
0xd2: {  	s15 =	simm.s32 $0x4B0;
	s25 =	simm.s32 $0x6658;
	s17 =	simm.s32 $0x0;
	[tilespmem:$0x6710] =	vst v63  }
0xd3: {  	[tilespmem:s18], [sflag:$0x4] =	stream.indirect.gather [hbm4b:s3+s10], $0x40, s25, s10, $0xb8;
	[tilespmem:$0x1FA40] =	vst v63  }
.LBB2_2:
0xd4: {  	_ =	swait.ge [sflag:s19], $0x3200  }
0xd5: {  	p0 =	seq.s32 s17, $0x0;
	[sflag:s19] =	ssyncset.done $0x0  }
0xd6: {  	s22 =	sadd.s32 s17, s8;
	s25 =	simm.s32 @!p0 $0xD;
	[sflag:s19] =	ssyncadd.s32 $0xFFFFCE00  }
0xd7: {  	[hbm4b:s22+s20] =	stream.strided.scatter [tilespmem:s12], [sflag:$0x9], $0x3200, s21, s20, $0x38;
	[tilespmem:$0x1FA40] =	vst v63  }
0xd8: {  	_ =	swait.ge @!p0 [sflag:s25], $0x3200  }
0xd9: {  	[sflag:s25] =	ssyncset.done @!p0 $0x0  }
0xda: {  	[sflag:s25] =	ssyncadd.s32 @!p0 $0xFFFFCE00  }
0xdb: {  	v0 =	vld [tilespmem:s15+$0xFFFFFE70];
	_ =	sdelay $0x4  }
0xdc: {  	v1 =	vand.u32 $0x1FFF, v0  }
0xdd: {  	v0 =	vadd.s32 v0, v1  }
0xde: {  	vm0 =	vgt.u32 v1, $0xFFF;
	v18 =	vadd.s32 $0xFFFFE001, v0  }
0xdf: {  	v0 =	vsel vm0, v18, v0  }
0xe0: {  	[tilespmem:$0x6720] =	vst v0  }
0xe1: {  	v0 =	vld [tilespmem:s15+$0xFFFFFE80];
	_ =	sdelay $0x4  }
0xe2: {  	v19 =	vand.u32 $0x1FFF, v0  }
0xe3: {  	v0 =	vadd.s32 v0, v19  }
0xe4: {  	vm13 =	vgt.u32 v19, $0xFFF;
	v20 =	vadd.s32 $0xFFFFE001, v0  }
0xe5: {  	v0 =	vsel vm13, v20, v0  }
0xe6: {  	[tilespmem:$0x6730] =	vst v0  }
0xe7: {  	v0 =	vld [tilespmem:s15+$0xFFFFFE90];
	_ =	sdelay $0x4  }
0xe8: {  	v21 =	vand.u32 $0x1FFF, v0  }
0xe9: {  	v0 =	vadd.s32 v0, v21  }
0xea: {  	vm14 =	vgt.u32 v21, $0xFFF;
	v22 =	vadd.s32 $0xFFFFE001, v0  }
0xeb: {  	v0 =	vsel vm14, v22, v0  }
0xec: {  	[tilespmem:$0x6740] =	vst v0  }
0xed: {  	v0 =	vld [tilespmem:s15+$0xFFFFFEA0];
	_ =	sdelay $0x4  }
0xee: {  	v23 =	vand.u32 $0x1FFF, v0  }
0xef: {  	v0 =	vadd.s32 v0, v23  }
0xf0: {  	vm15 =	vgt.u32 v23, $0xFFF;
	v24 =	vadd.s32 $0xFFFFE001, v0  }
0xf1: {  	v0 =	vsel vm15, v24, v0  }
0xf2: {  	[tilespmem:$0x6750] =	vst v0  }
0xf3: {  	v0 =	vld [tilespmem:s15+$0xFFFFFEB0];
	_ =	sdelay $0x4  }
0xf4: {  	v25 =	vand.u32 $0x1FFF, v0  }
0xf5: {  	v0 =	vadd.s32 v0, v25  }
0xf6: {  	vm4 =	vgt.u32 v25, $0xFFF;
	v26 =	vadd.s32 $0xFFFFE001, v0  }
0xf7: {  	v0 =	vsel vm4, v26, v0  }
0xf8: {  	[tilespmem:$0x6760] =	vst v0  }
0xf9: {  	v0 =	vld [tilespmem:s15+$0xFFFFFEC0];
	_ =	sdelay $0x4  }
0xfa: {  	v27 =	vand.u32 $0x1FFF, v0  }
0xfb: {  	v0 =	vadd.s32 v0, v27  }
0xfc: {  	vm5 =	vgt.u32 v27, $0xFFF;
	v28 =	vadd.s32 $0xFFFFE001, v0  }
0xfd: {  	v0 =	vsel vm5, v28, v0  }
0xfe: {  	[tilespmem:$0x6770] =	vst v0  }
0xff: {  	v0 =	vld [tilespmem:s15+$0xFFFFFED0];
	_ =	sdelay $0x4  }
0x100: {  	v29 =	vand.u32 $0x1FFF, v0  }
0x101: {  	v0 =	vadd.s32 v0, v29  }
0x102: {  	vm6 =	vgt.u32 v29, $0xFFF;
	v30 =	vadd.s32 $0xFFFFE001, v0  }
0x103: {  	v0 =	vsel vm6, v30, v0  }
0x104: {  	[tilespmem:$0x6780] =	vst v0  }
0x105: {  	v0 =	vld [tilespmem:s15+$0xFFFFFEE0];
	_ =	sdelay $0x4  }
0x106: {  	v31 =	vand.u32 $0x1FFF, v0  }
0x107: {  	v0 =	vadd.s32 v0, v31  }
0x108: {  	vm7 =	vgt.u32 v31, $0xFFF;
	v32 =	vadd.s32 $0xFFFFE001, v0  }
0x109: {  	v0 =	vsel vm7, v32, v0  }
0x10a: {  	[tilespmem:$0x6790] =	vst v0  }
0x10b: {  	v0 =	vld [tilespmem:s15+$0xFFFFFEF0];
	_ =	sdelay $0x4  }
0x10c: {  	v33 =	vand.u32 $0x1FFF, v0  }
0x10d: {  	v0 =	vadd.s32 v0, v33  }
0x10e: {  	vm8 =	vgt.u32 v33, $0xFFF;
	v34 =	vadd.s32 $0xFFFFE001, v0  }
0x10f: {  	v0 =	vsel vm8, v34, v0  }
0x110: {  	[tilespmem:$0x67A0] =	vst v0  }
0x111: {  	v0 =	vld [tilespmem:s15+$0xFFFFFF00];
	_ =	sdelay $0x4  }
0x112: {  	v35 =	vand.u32 $0x1FFF, v0  }
0x113: {  	v0 =	vadd.s32 v0, v35  }
0x114: {  	vm9 =	vgt.u32 v35, $0xFFF;
	v36 =	vadd.s32 $0xFFFFE001, v0  }
0x115: {  	v0 =	vsel vm9, v36, v0  }
0x116: {  	[tilespmem:$0x67B0] =	vst v0  }
0x117: {  	v0 =	vld [tilespmem:s15+$0xFFFFFF10];
	_ =	sdelay $0x4  }
0x118: {  	v37 =	vand.u32 $0x1FFF, v0  }
0x119: {  	v0 =	vadd.s32 v0, v37  }
0x11a: {  	vm10 =	vgt.u32 v37, $0xFFF;
	v38 =	vadd.s32 $0xFFFFE001, v0  }
0x11b: {  	v0 =	vsel vm10, v38, v0  }
0x11c: {  	[tilespmem:$0x67C0] =	vst v0  }
0x11d: {  	v0 =	vld [tilespmem:s15+$0xFFFFFF20];
	_ =	sdelay $0x4  }
0x11e: {  	v39 =	vand.u32 $0x1FFF, v0  }
0x11f: {  	v0 =	vadd.s32 v0, v39  }
0x120: {  	vm11 =	vgt.u32 v39, $0xFFF;
	v40 =	vadd.s32 $0xFFFFE001, v0  }
0x121: {  	v0 =	vsel vm11, v40, v0  }
0x122: {  	[tilespmem:$0x67D0] =	vst v0  }
0x123: {  	v0 =	vld [tilespmem:s15+$0xFFFFFF28];
	_ =	sdelay $0x4  }
0x124: {  	v41 =	vand.u32 $0x1FFF, v0  }
0x125: {  	v0 =	vadd.s32 v0, v41  }
0x126: {  	vm12 =	vgt.u32 v41, $0xFFF;
	v42 =	vadd.s32 $0xFFFFE001, v0  }
0x127: {  	v0 =	vsel vm12, v42, v0  }
0x128: {  	s25 =	simm.s32 $0x6720;
	[tilespmem:$0x67D8] =	vst v0  }
0x129: {  	[tilespmem:s23], [sflag:$0x5] =	stream.indirect.gather [hbm4b:s3+s10], $0x40, s25, s10, $0xb8;
	[tilespmem:$0x1FA40] =	vst v63  }
0x12a: {  	_ =	swait.ge [sflag:s24], $0x3200  }
0x12b: {  	[sflag:s24] =	ssyncset.done $0x0  }
0x12c: {  	s25 =	sadd.s32 $0xC80, s22;
	[sflag:s24] =	ssyncadd.s32 $0xFFFFCE00  }
0x12d: {  	[hbm4b:s25+s20] =	stream.strided.scatter [tilespmem:s14], [sflag:$0xA], $0x3200, s21, s20, $0x38;
	[tilespmem:$0x1FA40] =	vst v63  }
0x12e: {  	s25 =	simm.s32 @!p0 $0xE  }
0x12f: {  	_ =	swait.ge @!p0 [sflag:s25], $0x3200  }
0x130: {  	[sflag:s25] =	ssyncset.done @!p0 $0x0  }
0x131: {  	[sflag:s25] =	ssyncadd.s32 @!p0 $0xFFFFCE00  }
0x132: {  	v43 =	vld [tilespmem:s15+$0xFFFFFF38];
	_ =	sdelay $0x4  }
0x133: {  	v44 =	vand.u32 $0x1FFF, v43  }
0x134: {  	v0 =	vadd.s32 v43, v44  }
0x135: {  	vm13 =	vgt.u32 v44, $0xFFF;
	v45 =	vadd.s32 $0xFFFFE001, v0  }
0x136: {  	v0 =	vsel vm13, v45, v0  }
0x137: {  	[tilespmem:$0x67E8] =	vst v0  }
0x138: {  	v0 =	vld [tilespmem:s15+$0xFFFFFF48];
	_ =	sdelay $0x4  }
0x139: {  	v46 =	vand.u32 $0x1FFF, v0  }
0x13a: {  	v0 =	vadd.s32 v0, v46  }
0x13b: {  	vm14 =	vgt.u32 v46, $0xFFF;
	v47 =	vadd.s32 $0xFFFFE001, v0  }
0x13c: {  	v0 =	vsel vm14, v47, v0  }
0x13d: {  	[tilespmem:$0x67F8] =	vst v0  }
0x13e: {  	v0 =	vld [tilespmem:s15+$0xFFFFFF58];
	_ =	sdelay $0x4  }
0x13f: {  	v48 =	vand.u32 $0x1FFF, v0  }
0x140: {  	v0 =	vadd.s32 v0, v48  }
0x141: {  	vm15 =	vgt.u32 v48, $0xFFF;
	v49 =	vadd.s32 $0xFFFFE001, v0  }
0x142: {  	v0 =	vsel vm15, v49, v0  }
0x143: {  	[tilespmem:$0x6808] =	vst v0  }
0x144: {  	v0 =	vld [tilespmem:s15+$0xFFFFFF68];
	_ =	sdelay $0x4  }
0x145: {  	v50 =	vand.u32 $0x1FFF, v0  }
0x146: {  	v0 =	vadd.s32 v0, v50  }
0x147: {  	vm4 =	vgt.u32 v50, $0xFFF;
	v51 =	vadd.s32 $0xFFFFE001, v0  }
0x148: {  	v0 =	vsel vm4, v51, v0  }
0x149: {  	[tilespmem:$0x6818] =	vst v0  }
0x14a: {  	v0 =	vld [tilespmem:s15+$0xFFFFFF78];
	_ =	sdelay $0x4  }
0x14b: {  	v52 =	vand.u32 $0x1FFF, v0  }
0x14c: {  	v0 =	vadd.s32 v0, v52  }
0x14d: {  	vm5 =	vgt.u32 v52, $0xFFF;
	v53 =	vadd.s32 $0xFFFFE001, v0  }
0x14e: {  	v0 =	vsel vm5, v53, v0  }
0x14f: {  	[tilespmem:$0x6828] =	vst v0  }
0x150: {  	v0 =	vld [tilespmem:s15+$0xFFFFFF88];
	_ =	sdelay $0x4  }
0x151: {  	v54 =	vand.u32 $0x1FFF, v0  }
0x152: {  	v0 =	vadd.s32 v0, v54  }
0x153: {  	vm6 =	vgt.u32 v54, $0xFFF;
	v55 =	vadd.s32 $0xFFFFE001, v0  }
0x154: {  	v0 =	vsel vm6, v55, v0  }
0x155: {  	[tilespmem:$0x6838] =	vst v0  }
0x156: {  	v0 =	vld [tilespmem:s15+$0xFFFFFF98];
	_ =	sdelay $0x4  }
0x157: {  	v56 =	vand.u32 $0x1FFF, v0  }
0x158: {  	v0 =	vadd.s32 v0, v56  }
0x159: {  	vm7 =	vgt.u32 v56, $0xFFF;
	v57 =	vadd.s32 $0xFFFFE001, v0  }
0x15a: {  	v0 =	vsel vm7, v57, v0  }
0x15b: {  	[tilespmem:$0x6848] =	vst v0  }
0x15c: {  	v0 =	vld [tilespmem:s15+$0xFFFFFFA8];
	_ =	sdelay $0x4  }
0x15d: {  	v58 =	vand.u32 $0x1FFF, v0  }
0x15e: {  	v0 =	vadd.s32 v0, v58  }
0x15f: {  	vm8 =	vgt.u32 v58, $0xFFF;
	v59 =	vadd.s32 $0xFFFFE001, v0  }
0x160: {  	v0 =	vsel vm8, v59, v0  }
0x161: {  	[tilespmem:$0x6858] =	vst v0  }
0x162: {  	v0 =	vld [tilespmem:s15+$0xFFFFFFB8];
	_ =	sdelay $0x4  }
0x163: {  	v60 =	vand.u32 $0x1FFF, v0  }
0x164: {  	v0 =	vadd.s32 v0, v60  }
0x165: {  	vm9 =	vgt.u32 v60, $0xFFF;
	v61 =	vadd.s32 $0xFFFFE001, v0  }
0x166: {  	v0 =	vsel vm9, v61, v0  }
0x167: {  	[tilespmem:$0x6868] =	vst v0  }
0x168: {  	v0 =	vld [tilespmem:s15+$0xFFFFFFC8];
	_ =	sdelay $0x4  }
0x169: {  	v62 =	vand.u32 $0x1FFF, v0  }
0x16a: {  	v0 =	vadd.s32 v0, v62  }
0x16b: {  	vm10 =	vgt.u32 v62, $0xFFF;
	v63 =	vadd.s32 $0xFFFFE001, v0  }
0x16c: {  	v0 =	vsel vm10, v63, v0  }
0x16d: {  	[tilespmem:$0x6878] =	vst v0  }
0x16e: {  	v0 =	vld [tilespmem:s15+$0xFFFFFFD8];
	_ =	sdelay $0x4  }
0x16f: {  	v4 =	vand.u32 $0x1FFF, v0  }
0x170: {  	v0 =	vadd.s32 v0, v4  }
0x171: {  	vm11 =	vgt.u32 v4, $0xFFF;
	v5 =	vadd.s32 $0xFFFFE001, v0  }
0x172: {  	v0 =	vsel vm11, v5, v0  }
0x173: {  	[tilespmem:$0x6888] =	vst v0  }
0x174: {  	v0 =	vld [tilespmem:s15+$0xFFFFFFE8];
	_ =	sdelay $0x4  }
0x175: {  	v6 =	vand.u32 $0x1FFF, v0  }
0x176: {  	v0 =	vadd.s32 v0, v6  }
0x177: {  	vm12 =	vgt.u32 v6, $0xFFF;
	v7 =	vadd.s32 $0xFFFFE001, v0  }
0x178: {  	v0 =	vsel vm12, v7, v0  }
0x179: {  	[tilespmem:$0x6898] =	vst v0  }
0x17a: {  	v0 =	vld [tilespmem:s15+$0xFFFFFFF0];
	_ =	sdelay $0x4  }
0x17b: {  	v8 =	vand.u32 $0x1FFF, v0  }
0x17c: {  	v0 =	vadd.s32 v0, v8  }
0x17d: {  	vm13 =	vgt.u32 v8, $0xFFF;
	v9 =	vadd.s32 $0xFFFFE001, v0  }
0x17e: {  	v0 =	vsel vm13, v9, v0  }
0x17f: {  	s25 =	simm.s32 $0x67E8;
	[tilespmem:$0x68A0] =	vst v0  }
0x180: {  	[tilespmem:s26], [sflag:$0x6] =	stream.indirect.gather [hbm4b:s3+s10], $0x40, s25, s10, $0xb8;
	[tilespmem:$0x1FA40] =	vst v63  }
0x181: {  	_ =	swait.ge [sflag:s28], $0x3200  }
0x182: {  	[sflag:s28] =	ssyncset.done $0x0  }
0x183: {  	s25 =	sadd.s32 $0x1900, s22;
	[sflag:s28] =	ssyncadd.s32 $0xFFFFCE00  }
0x184: {  	[hbm4b:s25+s20] =	stream.strided.scatter [tilespmem:s16], [sflag:$0xB], $0x3200, s21, s20, $0x38;
	[tilespmem:$0x1FA40] =	vst v63  }
0x185: {  	s25 =	simm.s32 @!p0 $0xF  }
0x186: {  	_ =	swait.ge @!p0 [sflag:s25], $0x3200  }
0x187: {  	[sflag:s25] =	ssyncset.done @!p0 $0x0  }
0x188: {  	[sflag:s25] =	ssyncadd.s32 @!p0 $0xFFFFCE00  }
0x189: {  	v10 =	vld [tilespmem:s15+$0x0];
	_ =	sdelay $0x4  }
0x18a: {  	v11 =	vand.u32 $0x1FFF, v10  }
0x18b: {  	v0 =	vadd.s32 v10, v11  }
0x18c: {  	vm14 =	vgt.u32 v11, $0xFFF;
	v12 =	vadd.s32 $0xFFFFE001, v0  }
0x18d: {  	v0 =	vsel vm14, v12, v0  }
0x18e: {  	[tilespmem:$0x68B0] =	vst v0  }
0x18f: {  	v0 =	vld [tilespmem:s15+$0x10];
	_ =	sdelay $0x4  }
0x190: {  	v13 =	vand.u32 $0x1FFF, v0  }
0x191: {  	v0 =	vadd.s32 v0, v13  }
0x192: {  	vm15 =	vgt.u32 v13, $0xFFF;
	v14 =	vadd.s32 $0xFFFFE001, v0  }
0x193: {  	v0 =	vsel vm15, v14, v0  }
0x194: {  	[tilespmem:$0x68C0] =	vst v0  }
0x195: {  	v0 =	vld [tilespmem:s15+$0x20];
	_ =	sdelay $0x4  }
0x196: {  	v15 =	vand.u32 $0x1FFF, v0  }
0x197: {  	v0 =	vadd.s32 v0, v15  }
0x198: {  	vm4 =	vgt.u32 v15, $0xFFF;
	v16 =	vadd.s32 $0xFFFFE001, v0  }
0x199: {  	v0 =	vsel vm4, v16, v0  }
0x19a: {  	[tilespmem:$0x68D0] =	vst v0  }
0x19b: {  	v0 =	vld [tilespmem:s15+$0x30];
	_ =	sdelay $0x4  }
0x19c: {  	v17 =	vand.u32 $0x1FFF, v0  }
0x19d: {  	v0 =	vadd.s32 v0, v17  }
0x19e: {  	vm5 =	vgt.u32 v17, $0xFFF;
	v18 =	vadd.s32 $0xFFFFE001, v0  }
0x19f: {  	v0 =	vsel vm5, v18, v0  }
0x1a0: {  	[tilespmem:$0x68E0] =	vst v0  }
0x1a1: {  	v0 =	vld [tilespmem:s15+$0x40];
	_ =	sdelay $0x4  }
0x1a2: {  	v19 =	vand.u32 $0x1FFF, v0  }
0x1a3: {  	v0 =	vadd.s32 v0, v19  }
0x1a4: {  	vm6 =	vgt.u32 v19, $0xFFF;
	v20 =	vadd.s32 $0xFFFFE001, v0  }
0x1a5: {  	v0 =	vsel vm6, v20, v0  }
0x1a6: {  	[tilespmem:$0x68F0] =	vst v0  }
0x1a7: {  	v0 =	vld [tilespmem:s15+$0x50];
	_ =	sdelay $0x4  }
0x1a8: {  	v21 =	vand.u32 $0x1FFF, v0  }
0x1a9: {  	v0 =	vadd.s32 v0, v21  }
0x1aa: {  	vm7 =	vgt.u32 v21, $0xFFF;
	v22 =	vadd.s32 $0xFFFFE001, v0  }
0x1ab: {  	v0 =	vsel vm7, v22, v0  }
0x1ac: {  	[tilespmem:$0x6900] =	vst v0  }
0x1ad: {  	v0 =	vld [tilespmem:s15+$0x60];
	_ =	sdelay $0x4  }
0x1ae: {  	v23 =	vand.u32 $0x1FFF, v0  }
0x1af: {  	v0 =	vadd.s32 v0, v23  }
0x1b0: {  	vm8 =	vgt.u32 v23, $0xFFF;
	v24 =	vadd.s32 $0xFFFFE001, v0  }
0x1b1: {  	v0 =	vsel vm8, v24, v0  }
0x1b2: {  	[tilespmem:$0x6910] =	vst v0  }
0x1b3: {  	v0 =	vld [tilespmem:s15+$0x70];
	_ =	sdelay $0x4  }
0x1b4: {  	v25 =	vand.u32 $0x1FFF, v0  }
0x1b5: {  	v0 =	vadd.s32 v0, v25  }
0x1b6: {  	vm9 =	vgt.u32 v25, $0xFFF;
	v26 =	vadd.s32 $0xFFFFE001, v0  }
0x1b7: {  	v0 =	vsel vm9, v26, v0  }
0x1b8: {  	[tilespmem:$0x6920] =	vst v0  }
0x1b9: {  	v0 =	vld [tilespmem:s15+$0x80];
	_ =	sdelay $0x4  }
0x1ba: {  	v27 =	vand.u32 $0x1FFF, v0  }
0x1bb: {  	v0 =	vadd.s32 v0, v27  }
0x1bc: {  	vm10 =	vgt.u32 v27, $0xFFF;
	v28 =	vadd.s32 $0xFFFFE001, v0  }
0x1bd: {  	v0 =	vsel vm10, v28, v0  }
0x1be: {  	[tilespmem:$0x6930] =	vst v0  }
0x1bf: {  	v0 =	vld [tilespmem:s15+$0x90];
	_ =	sdelay $0x4  }
0x1c0: {  	v29 =	vand.u32 $0x1FFF, v0  }
0x1c1: {  	v0 =	vadd.s32 v0, v29  }
0x1c2: {  	vm11 =	vgt.u32 v29, $0xFFF;
	v30 =	vadd.s32 $0xFFFFE001, v0  }
0x1c3: {  	v0 =	vsel vm11, v30, v0  }
0x1c4: {  	[tilespmem:$0x6940] =	vst v0  }
0x1c5: {  	v0 =	vld [tilespmem:s15+$0xA0];
	_ =	sdelay $0x4  }
0x1c6: {  	v31 =	vand.u32 $0x1FFF, v0  }
0x1c7: {  	v0 =	vadd.s32 v0, v31  }
0x1c8: {  	vm12 =	vgt.u32 v31, $0xFFF;
	v32 =	vadd.s32 $0xFFFFE001, v0  }
0x1c9: {  	v0 =	vsel vm12, v32, v0  }
0x1ca: {  	[tilespmem:$0x6950] =	vst v0  }
0x1cb: {  	v0 =	vld [tilespmem:s15+$0xB0];
	_ =	sdelay $0x4  }
0x1cc: {  	v33 =	vand.u32 $0x1FFF, v0  }
0x1cd: {  	v0 =	vadd.s32 v0, v33  }
0x1ce: {  	vm13 =	vgt.u32 v33, $0xFFF;
	v34 =	vadd.s32 $0xFFFFE001, v0  }
0x1cf: {  	v0 =	vsel vm13, v34, v0  }
0x1d0: {  	[tilespmem:$0x6960] =	vst v0  }
0x1d1: {  	v0 =	vld [tilespmem:s15+$0xB8];
	_ =	sdelay $0x4  }
0x1d2: {  	v35 =	vand.u32 $0x1FFF, v0  }
0x1d3: {  	v0 =	vadd.s32 v0, v35  }
0x1d4: {  	vm14 =	vgt.u32 v35, $0xFFF;
	v36 =	vadd.s32 $0xFFFFE001, v0  }
0x1d5: {  	v0 =	vsel vm14, v36, v0  }
0x1d6: {  	[tilespmem:$0x6968] =	vst v0  }
0x1d7: {  	[tilespmem:s30], [sflag:$0x7] =	stream.indirect.gather [hbm4b:s3+s10], $0x40, s29, s10, $0xb8;
	[tilespmem:$0x1FA40] =	vst v63  }
0x1d8: {  	_ =	swait.ge [sflag:s31], $0x3200  }
0x1d9: {  	[sflag:s31] =	ssyncset.done $0x0  }
0x1da: {  	s25 =	sadd.s32 $0x2580, s22;
	[sflag:s31] =	ssyncadd.s32 $0xFFFFCE00  }
0x1db: {  	[hbm4b:s25+s20] =	stream.strided.scatter [tilespmem:s18], [sflag:$0xC], $0x3200, s21, s20, $0x38;
	[tilespmem:$0x1FA40] =	vst v63  }
0x1dc: {  	s25 =	simm.s32 @!p0 $0x10  }
0x1dd: {  	_ =	swait.ge @!p0 [sflag:s25], $0x3200  }
0x1de: {  	[sflag:s25] =	ssyncset.done @!p0 $0x0  }
0x1df: {  	[sflag:s25] =	ssyncadd.s32 @!p0 $0xFFFFCE00  }
0x1e0: {  	v37 =	vld [tilespmem:s15+$0xC8];
	_ =	sdelay $0x4  }
0x1e1: {  	v38 =	vand.u32 $0x1FFF, v37  }
0x1e2: {  	v0 =	vadd.s32 v37, v38  }
0x1e3: {  	vm15 =	vgt.u32 v38, $0xFFF;
	v39 =	vadd.s32 $0xFFFFE001, v0  }
0x1e4: {  	v0 =	vsel vm15, v39, v0  }
0x1e5: {  	[tilespmem:$0x6978] =	vst v0  }
0x1e6: {  	v0 =	vld [tilespmem:s15+$0xD8];
	_ =	sdelay $0x4  }
0x1e7: {  	v40 =	vand.u32 $0x1FFF, v0  }
0x1e8: {  	v0 =	vadd.s32 v0, v40  }
0x1e9: {  	vm4 =	vgt.u32 v40, $0xFFF;
	v41 =	vadd.s32 $0xFFFFE001, v0  }
0x1ea: {  	v0 =	vsel vm4, v41, v0  }
0x1eb: {  	[tilespmem:$0x6988] =	vst v0  }
0x1ec: {  	v0 =	vld [tilespmem:s15+$0xE8];
	_ =	sdelay $0x4  }
0x1ed: {  	v42 =	vand.u32 $0x1FFF, v0  }
0x1ee: {  	v0 =	vadd.s32 v0, v42  }
0x1ef: {  	vm5 =	vgt.u32 v42, $0xFFF;
	v43 =	vadd.s32 $0xFFFFE001, v0  }
0x1f0: {  	v0 =	vsel vm5, v43, v0  }
0x1f1: {  	[tilespmem:$0x6998] =	vst v0  }
0x1f2: {  	v0 =	vld [tilespmem:s15+$0xF8];
	_ =	sdelay $0x4  }
0x1f3: {  	v44 =	vand.u32 $0x1FFF, v0  }
0x1f4: {  	v0 =	vadd.s32 v0, v44  }
0x1f5: {  	vm6 =	vgt.u32 v44, $0xFFF;
	v45 =	vadd.s32 $0xFFFFE001, v0  }
0x1f6: {  	v0 =	vsel vm6, v45, v0  }
0x1f7: {  	[tilespmem:$0x69A8] =	vst v0  }
0x1f8: {  	v0 =	vld [tilespmem:s15+$0x108];
	_ =	sdelay $0x4  }
0x1f9: {  	v46 =	vand.u32 $0x1FFF, v0  }
0x1fa: {  	v0 =	vadd.s32 v0, v46  }
0x1fb: {  	vm7 =	vgt.u32 v46, $0xFFF;
	v47 =	vadd.s32 $0xFFFFE001, v0  }
0x1fc: {  	v0 =	vsel vm7, v47, v0  }
0x1fd: {  	[tilespmem:$0x69B8] =	vst v0  }
0x1fe: {  	v0 =	vld [tilespmem:s15+$0x118];
	_ =	sdelay $0x4  }
0x1ff: {  	v48 =	vand.u32 $0x1FFF, v0  }
0x200: {  	v0 =	vadd.s32 v0, v48  }
0x201: {  	vm8 =	vgt.u32 v48, $0xFFF;
	v49 =	vadd.s32 $0xFFFFE001, v0  }
0x202: {  	v0 =	vsel vm8, v49, v0  }
0x203: {  	[tilespmem:$0x69C8] =	vst v0  }
0x204: {  	v0 =	vld [tilespmem:s15+$0x128];
	_ =	sdelay $0x4  }
0x205: {  	v50 =	vand.u32 $0x1FFF, v0  }
0x206: {  	v0 =	vadd.s32 v0, v50  }
0x207: {  	vm9 =	vgt.u32 v50, $0xFFF;
	v51 =	vadd.s32 $0xFFFFE001, v0  }
0x208: {  	v0 =	vsel vm9, v51, v0  }
0x209: {  	[tilespmem:$0x69D8] =	vst v0  }
0x20a: {  	v0 =	vld [tilespmem:s15+$0x138];
	_ =	sdelay $0x4  }
0x20b: {  	v52 =	vand.u32 $0x1FFF, v0  }
0x20c: {  	v0 =	vadd.s32 v0, v52  }
0x20d: {  	vm10 =	vgt.u32 v52, $0xFFF;
	v53 =	vadd.s32 $0xFFFFE001, v0  }
0x20e: {  	v0 =	vsel vm10, v53, v0  }
0x20f: {  	[tilespmem:$0x69E8] =	vst v0  }
0x210: {  	v0 =	vld [tilespmem:s15+$0x148];
	_ =	sdelay $0x4  }
0x211: {  	v54 =	vand.u32 $0x1FFF, v0  }
0x212: {  	v0 =	vadd.s32 v0, v54  }
0x213: {  	vm11 =	vgt.u32 v54, $0xFFF;
	v55 =	vadd.s32 $0xFFFFE001, v0  }
0x214: {  	v0 =	vsel vm11, v55, v0  }
0x215: {  	[tilespmem:$0x69F8] =	vst v0  }
0x216: {  	v0 =	vld [tilespmem:s15+$0x158];
	_ =	sdelay $0x4  }
0x217: {  	v56 =	vand.u32 $0x1FFF, v0  }
0x218: {  	v0 =	vadd.s32 v0, v56  }
0x219: {  	vm12 =	vgt.u32 v56, $0xFFF;
	v57 =	vadd.s32 $0xFFFFE001, v0  }
0x21a: {  	v0 =	vsel vm12, v57, v0  }
0x21b: {  	[tilespmem:$0x6A08] =	vst v0  }
0x21c: {  	v0 =	vld [tilespmem:s15+$0x168];
	_ =	sdelay $0x4  }
0x21d: {  	v58 =	vand.u32 $0x1FFF, v0  }
0x21e: {  	v0 =	vadd.s32 v0, v58  }
0x21f: {  	vm13 =	vgt.u32 v58, $0xFFF;
	v59 =	vadd.s32 $0xFFFFE001, v0  }
0x220: {  	v0 =	vsel vm13, v59, v0  }
0x221: {  	[tilespmem:$0x6A18] =	vst v0  }
0x222: {  	v0 =	vld [tilespmem:s15+$0x178];
	_ =	sdelay $0x4  }
0x223: {  	v60 =	vand.u32 $0x1FFF, v0  }
0x224: {  	v0 =	vadd.s32 v0, v60  }
0x225: {  	vm14 =	vgt.u32 v60, $0xFFF;
	v61 =	vadd.s32 $0xFFFFE001, v0  }
0x226: {  	v0 =	vsel vm14, v61, v0  }
0x227: {  	[tilespmem:$0x6A28] =	vst v0  }
0x228: {  	v0 =	vld [tilespmem:s15+$0x180];
	_ =	sdelay $0x4  }
0x229: {  	v62 =	vand.u32 $0x1FFF, v0  }
0x22a: {  	v0 =	vadd.s32 v0, v62  }
0x22b: {  	vm15 =	vgt.u32 v62, $0xFFF;
	v63 =	vadd.s32 $0xFFFFE001, v0  }
0x22c: {  	v0 =	vsel vm15, v63, v0  }
0x22d: {  	p0 =	seq.s32 s17, $0x5DC00;
	[tilespmem:$0x6A30] =	vst v0  }
0x22e: {  	[tilespmem:s1], [sflag:$0x8] =	stream.indirect.gather [hbm4b:s3+s10], $0x40, s0, s10, $0xb8;
	[tilespmem:$0x1FA40] =	vst v63  }
.Ltmp2:
0x22f: {  	_ = 	snop;
	(pc) =	sbr.rel @!p0 .LBB2_3-.Ltmp2, $4  }
0x230: {  	_ =	swait.ge [sflag:s2], $0x3200  }
0x231: {  	[sflag:s2] =	ssyncset.done $0x0  }
0x232: {  	s25 =	sadd.s32 $0x3200, s22;
	[sflag:s2] =	ssyncadd.s32 $0xFFFFCE00  }
0x233: {  	[hbm4b:s25+s20] =	stream.strided.scatter [tilespmem:s23], [sflag:$0xD], $0x3200, s21, s20, $0x38;
	[tilespmem:$0x1FA40] =	vst v63  }
.Ltmp3:
0x234: {  	(pc) =	sbr.rel .LBB2_5-.Ltmp3, $4  }
0x235: {  	_ =	swait.ge [sflag:s4], $0x3200  }
0x236: {  	[sflag:s4] =	ssyncset.done $0x0  }
0x237: {  	s25 =	rddreg [dreg:$0x4];
	[sflag:s4] =	ssyncadd.s32 $0xFFFFCE00  }
0x238: {  	[hbm4b:s25+s20] =	stream.strided.scatter [tilespmem:s26], [sflag:$0xE], $0x3200, s21, s20, $0x38;
	[tilespmem:$0x1FA40] =	vst v63  }
.LBB2_3:
0x239: {  	_ =	swait.ge [sflag:s9], $0x3200  }
0x23a: {  	[sflag:s9] =	ssyncset.done $0x0  }
0x23b: {  	[sflag:s9] =	ssyncadd.s32 $0xFFFFCE00  }
0x23c: {  	v0 =	vld [tilespmem:s15+$0x190];
	_ =	sdelay $0x4  }
0x23d: {  	v1 =	vand.u32 $0x1FFF, v0  }
0x23e: {  	v0 =	vadd.s32 v0, v1  }
0x23f: {  	vm0 =	vgt.u32 v1, $0xFFF;
	v12 =	vadd.s32 $0xFFFFE001, v0  }
0x240: {  	v0 =	vsel vm0, v12, v0  }
0x241: {  	[tilespmem:$0x6400] =	vst v0  }
0x242: {  	v0 =	vld [tilespmem:s15+$0x1A0];
	_ =	sdelay $0x4  }
0x243: {  	v13 =	vand.u32 $0x1FFF, v0  }
0x244: {  	v0 =	vadd.s32 v0, v13  }
0x245: {  	vm15 =	vgt.u32 v13, $0xFFF;
	v14 =	vadd.s32 $0xFFFFE001, v0  }
0x246: {  	v0 =	vsel vm15, v14, v0  }
0x247: {  	[tilespmem:$0x6410] =	vst v0  }
0x248: {  	v0 =	vld [tilespmem:s15+$0x1B0];
	_ =	sdelay $0x4  }
0x249: {  	v15 =	vand.u32 $0x1FFF, v0  }
0x24a: {  	v0 =	vadd.s32 v0, v15  }
0x24b: {  	vm4 =	vgt.u32 v15, $0xFFF;
	v16 =	vadd.s32 $0xFFFFE001, v0  }
0x24c: {  	v0 =	vsel vm4, v16, v0  }
0x24d: {  	[tilespmem:$0x6420] =	vst v0  }
0x24e: {  	v0 =	vld [tilespmem:s15+$0x1C0];
	_ =	sdelay $0x4  }
0x24f: {  	v17 =	vand.u32 $0x1FFF, v0  }
0x250: {  	v0 =	vadd.s32 v0, v17  }
0x251: {  	vm5 =	vgt.u32 v17, $0xFFF;
	v18 =	vadd.s32 $0xFFFFE001, v0  }
0x252: {  	v0 =	vsel vm5, v18, v0  }
0x253: {  	[tilespmem:$0x6430] =	vst v0  }
0x254: {  	v0 =	vld [tilespmem:s15+$0x1D0];
	_ =	sdelay $0x4  }
0x255: {  	v19 =	vand.u32 $0x1FFF, v0  }
0x256: {  	v0 =	vadd.s32 v0, v19  }
0x257: {  	vm6 =	vgt.u32 v19, $0xFFF;
	v20 =	vadd.s32 $0xFFFFE001, v0  }
0x258: {  	v0 =	vsel vm6, v20, v0  }
0x259: {  	[tilespmem:$0x6440] =	vst v0  }
0x25a: {  	v0 =	vld [tilespmem:s15+$0x1E0];
	_ =	sdelay $0x4  }
0x25b: {  	v21 =	vand.u32 $0x1FFF, v0  }
0x25c: {  	v0 =	vadd.s32 v0, v21  }
0x25d: {  	vm7 =	vgt.u32 v21, $0xFFF;
	v22 =	vadd.s32 $0xFFFFE001, v0  }
0x25e: {  	v0 =	vsel vm7, v22, v0  }
0x25f: {  	[tilespmem:$0x6450] =	vst v0  }
0x260: {  	v0 =	vld [tilespmem:s15+$0x1F0];
	_ =	sdelay $0x4  }
0x261: {  	v23 =	vand.u32 $0x1FFF, v0  }
0x262: {  	v0 =	vadd.s32 v0, v23  }
0x263: {  	vm8 =	vgt.u32 v23, $0xFFF;
	v24 =	vadd.s32 $0xFFFFE001, v0  }
0x264: {  	v0 =	vsel vm8, v24, v0  }
0x265: {  	[tilespmem:$0x6460] =	vst v0  }
0x266: {  	v0 =	vld [tilespmem:s15+$0x200];
	_ =	sdelay $0x4  }
0x267: {  	v25 =	vand.u32 $0x1FFF, v0  }
0x268: {  	v0 =	vadd.s32 v0, v25  }
0x269: {  	vm9 =	vgt.u32 v25, $0xFFF;
	v26 =	vadd.s32 $0xFFFFE001, v0  }
0x26a: {  	v0 =	vsel vm9, v26, v0  }
0x26b: {  	[tilespmem:$0x6470] =	vst v0  }
0x26c: {  	v0 =	vld [tilespmem:s15+$0x210];
	_ =	sdelay $0x4  }
0x26d: {  	v27 =	vand.u32 $0x1FFF, v0  }
0x26e: {  	v0 =	vadd.s32 v0, v27  }
0x26f: {  	vm10 =	vgt.u32 v27, $0xFFF;
	v28 =	vadd.s32 $0xFFFFE001, v0  }
0x270: {  	v0 =	vsel vm10, v28, v0  }
0x271: {  	[tilespmem:$0x6480] =	vst v0  }
0x272: {  	v0 =	vld [tilespmem:s15+$0x220];
	_ =	sdelay $0x4  }
0x273: {  	v29 =	vand.u32 $0x1FFF, v0  }
0x274: {  	v0 =	vadd.s32 v0, v29  }
0x275: {  	vm11 =	vgt.u32 v29, $0xFFF;
	v30 =	vadd.s32 $0xFFFFE001, v0  }
0x276: {  	v0 =	vsel vm11, v30, v0  }
0x277: {  	[tilespmem:$0x6490] =	vst v0  }
0x278: {  	v0 =	vld [tilespmem:s15+$0x230];
	_ =	sdelay $0x4  }
0x279: {  	v31 =	vand.u32 $0x1FFF, v0  }
0x27a: {  	v0 =	vadd.s32 v0, v31  }
0x27b: {  	vm12 =	vgt.u32 v31, $0xFFF;
	v32 =	vadd.s32 $0xFFFFE001, v0  }
0x27c: {  	v0 =	vsel vm12, v32, v0  }
0x27d: {  	[tilespmem:$0x64A0] =	vst v0  }
0x27e: {  	v0 =	vld [tilespmem:s15+$0x240];
	_ =	sdelay $0x4  }
0x27f: {  	v33 =	vand.u32 $0x1FFF, v0  }
0x280: {  	v0 =	vadd.s32 v0, v33  }
0x281: {  	vm13 =	vgt.u32 v33, $0xFFF;
	v34 =	vadd.s32 $0xFFFFE001, v0  }
0x282: {  	v0 =	vsel vm13, v34, v0  }
0x283: {  	[tilespmem:$0x64B0] =	vst v0  }
0x284: {  	v0 =	vld [tilespmem:s15+$0x248];
	_ =	sdelay $0x4  }
0x285: {  	v35 =	vand.u32 $0x1FFF, v0  }
0x286: {  	v0 =	vadd.s32 v0, v35  }
0x287: {  	vm14 =	vgt.u32 v35, $0xFFF;
	v36 =	vadd.s32 $0xFFFFE001, v0  }
0x288: {  	v0 =	vsel vm14, v36, v0  }
0x289: {  	s25 =	simm.s32 $0x6400;
	[tilespmem:$0x64B8] =	vst v0  }
0x28a: {  	[tilespmem:s12], [sflag:$0x1] =	stream.indirect.gather [hbm4b:s3+s10], $0x40, s25, s10, $0xb8;
	[tilespmem:$0x1FA40] =	vst v63  }
0x28b: {  	_ =	swait.ge [sflag:s4], $0x3200  }
0x28c: {  	[sflag:s4] =	ssyncset.done $0x0  }
0x28d: {  	s25 =	sadd.s32 $0x3E80, s22;
	[sflag:s4] =	ssyncadd.s32 $0xFFFFCE00  }
0x28e: {  	[hbm4b:s25+s20] =	stream.strided.scatter [tilespmem:s26], [sflag:$0xE], $0x3200, s21, s20, $0x38;
	[tilespmem:$0x1FA40] =	vst v63  }
0x28f: {  	_ =	swait.ge [sflag:s11], $0x3200  }
0x290: {  	[sflag:s11] =	ssyncset.done $0x0  }
0x291: {  	[sflag:s11] =	ssyncadd.s32 $0xFFFFCE00  }
0x292: {  	v37 =	vld [tilespmem:s15+$0x258];
	_ =	sdelay $0x4  }
0x293: {  	v38 =	vand.u32 $0x1FFF, v37  }
0x294: {  	v0 =	vadd.s32 v37, v38  }
0x295: {  	vm15 =	vgt.u32 v38, $0xFFF;
	v39 =	vadd.s32 $0xFFFFE001, v0  }
0x296: {  	v0 =	vsel vm15, v39, v0  }
0x297: {  	[tilespmem:$0x64C8] =	vst v0  }
0x298: {  	v0 =	vld [tilespmem:s15+$0x268];
	_ =	sdelay $0x4  }
0x299: {  	v40 =	vand.u32 $0x1FFF, v0  }
0x29a: {  	v0 =	vadd.s32 v0, v40  }
0x29b: {  	vm4 =	vgt.u32 v40, $0xFFF;
	v41 =	vadd.s32 $0xFFFFE001, v0  }
0x29c: {  	v0 =	vsel vm4, v41, v0  }
0x29d: {  	[tilespmem:$0x64D8] =	vst v0  }
0x29e: {  	v0 =	vld [tilespmem:s15+$0x278];
	_ =	sdelay $0x4  }
0x29f: {  	v42 =	vand.u32 $0x1FFF, v0  }
0x2a0: {  	v0 =	vadd.s32 v0, v42  }
0x2a1: {  	vm5 =	vgt.u32 v42, $0xFFF;
	v43 =	vadd.s32 $0xFFFFE001, v0  }
0x2a2: {  	v0 =	vsel vm5, v43, v0  }
0x2a3: {  	[tilespmem:$0x64E8] =	vst v0  }
0x2a4: {  	v0 =	vld [tilespmem:s15+$0x288];
	_ =	sdelay $0x4  }
0x2a5: {  	v44 =	vand.u32 $0x1FFF, v0  }
0x2a6: {  	v0 =	vadd.s32 v0, v44  }
0x2a7: {  	vm6 =	vgt.u32 v44, $0xFFF;
	v45 =	vadd.s32 $0xFFFFE001, v0  }
0x2a8: {  	v0 =	vsel vm6, v45, v0  }
0x2a9: {  	[tilespmem:$0x64F8] =	vst v0  }
0x2aa: {  	v0 =	vld [tilespmem:s15+$0x298];
	_ =	sdelay $0x4  }
0x2ab: {  	v46 =	vand.u32 $0x1FFF, v0  }
0x2ac: {  	v0 =	vadd.s32 v0, v46  }
0x2ad: {  	vm7 =	vgt.u32 v46, $0xFFF;
	v47 =	vadd.s32 $0xFFFFE001, v0  }
0x2ae: {  	v0 =	vsel vm7, v47, v0  }
0x2af: {  	[tilespmem:$0x6508] =	vst v0  }
0x2b0: {  	v0 =	vld [tilespmem:s15+$0x2A8];
	_ =	sdelay $0x4  }
0x2b1: {  	v48 =	vand.u32 $0x1FFF, v0  }
0x2b2: {  	v0 =	vadd.s32 v0, v48  }
0x2b3: {  	vm8 =	vgt.u32 v48, $0xFFF;
	v49 =	vadd.s32 $0xFFFFE001, v0  }
0x2b4: {  	v0 =	vsel vm8, v49, v0  }
0x2b5: {  	[tilespmem:$0x6518] =	vst v0  }
0x2b6: {  	v0 =	vld [tilespmem:s15+$0x2B8];
	_ =	sdelay $0x4  }
0x2b7: {  	v50 =	vand.u32 $0x1FFF, v0  }
0x2b8: {  	v0 =	vadd.s32 v0, v50  }
0x2b9: {  	vm9 =	vgt.u32 v50, $0xFFF;
	v51 =	vadd.s32 $0xFFFFE001, v0  }
0x2ba: {  	v0 =	vsel vm9, v51, v0  }
0x2bb: {  	[tilespmem:$0x6528] =	vst v0  }
0x2bc: {  	v0 =	vld [tilespmem:s15+$0x2C8];
	_ =	sdelay $0x4  }
0x2bd: {  	v52 =	vand.u32 $0x1FFF, v0  }
0x2be: {  	v0 =	vadd.s32 v0, v52  }
0x2bf: {  	vm10 =	vgt.u32 v52, $0xFFF;
	v53 =	vadd.s32 $0xFFFFE001, v0  }
0x2c0: {  	v0 =	vsel vm10, v53, v0  }
0x2c1: {  	[tilespmem:$0x6538] =	vst v0  }
0x2c2: {  	v0 =	vld [tilespmem:s15+$0x2D8];
	_ =	sdelay $0x4  }
0x2c3: {  	v54 =	vand.u32 $0x1FFF, v0  }
0x2c4: {  	v0 =	vadd.s32 v0, v54  }
0x2c5: {  	vm11 =	vgt.u32 v54, $0xFFF;
	v55 =	vadd.s32 $0xFFFFE001, v0  }
0x2c6: {  	v0 =	vsel vm11, v55, v0  }
0x2c7: {  	[tilespmem:$0x6548] =	vst v0  }
0x2c8: {  	v0 =	vld [tilespmem:s15+$0x2E8];
	_ =	sdelay $0x4  }
0x2c9: {  	v56 =	vand.u32 $0x1FFF, v0  }
0x2ca: {  	v0 =	vadd.s32 v0, v56  }
0x2cb: {  	vm12 =	vgt.u32 v56, $0xFFF;
	v57 =	vadd.s32 $0xFFFFE001, v0  }
0x2cc: {  	v0 =	vsel vm12, v57, v0  }
0x2cd: {  	[tilespmem:$0x6558] =	vst v0  }
0x2ce: {  	v0 =	vld [tilespmem:s15+$0x2F8];
	_ =	sdelay $0x4  }
0x2cf: {  	v58 =	vand.u32 $0x1FFF, v0  }
0x2d0: {  	v0 =	vadd.s32 v0, v58  }
0x2d1: {  	vm13 =	vgt.u32 v58, $0xFFF;
	v59 =	vadd.s32 $0xFFFFE001, v0  }
0x2d2: {  	v0 =	vsel vm13, v59, v0  }
0x2d3: {  	[tilespmem:$0x6568] =	vst v0  }
0x2d4: {  	v0 =	vld [tilespmem:s15+$0x308];
	_ =	sdelay $0x4  }
0x2d5: {  	v60 =	vand.u32 $0x1FFF, v0  }
0x2d6: {  	v0 =	vadd.s32 v0, v60  }
0x2d7: {  	vm14 =	vgt.u32 v60, $0xFFF;
	v61 =	vadd.s32 $0xFFFFE001, v0  }
0x2d8: {  	v0 =	vsel vm14, v61, v0  }
0x2d9: {  	[tilespmem:$0x6578] =	vst v0  }
0x2da: {  	v0 =	vld [tilespmem:s15+$0x310];
	_ =	sdelay $0x4  }
0x2db: {  	v62 =	vand.u32 $0x1FFF, v0  }
0x2dc: {  	v0 =	vadd.s32 v0, v62  }
0x2dd: {  	vm15 =	vgt.u32 v62, $0xFFF;
	v63 =	vadd.s32 $0xFFFFE001, v0  }
0x2de: {  	v0 =	vsel vm15, v63, v0  }
0x2df: {  	s25 =	simm.s32 $0x64C8;
	[tilespmem:$0x6580] =	vst v0  }
0x2e0: {  	[tilespmem:s14], [sflag:$0x2] =	stream.indirect.gather [hbm4b:s3+s10], $0x40, s25, s10, $0xb8;
	[tilespmem:$0x1FA40] =	vst v63  }
.LBB2_5:
.Ltmp4:
0x2e1: {  	(pc) =	sbr.rel @p0 .LBB2_7-.Ltmp4, $4  }
0x2e2: {  	_ =	swait.ge [sflag:s6], $0x3200  }
0x2e3: {  	[sflag:s6] =	ssyncset.done $0x0  }
0x2e4: {  	s25 =	sadd.s32 $0x4B00, s22;
	[sflag:s6] =	ssyncadd.s32 $0xFFFFCE00  }
0x2e5: {  	[hbm4b:s25+s20] =	stream.strided.scatter [tilespmem:s30], [sflag:$0xF], $0x3200, s21, s20, $0x38;
	[tilespmem:$0x1FA40] =	vst v63  }
0x2e6: {  	_ =	swait.ge [sflag:s13], $0x3200  }
0x2e7: {  	[sflag:s13] =	ssyncset.done $0x0  }
0x2e8: {  	[sflag:s13] =	ssyncadd.s32 $0xFFFFCE00  }
0x2e9: {  	v0 =	vld [tilespmem:s15+$0x320];
	_ =	sdelay $0x4  }
0x2ea: {  	v1 =	vand.u32 $0x1FFF, v0  }
0x2eb: {  	v0 =	vadd.s32 v0, v1  }
0x2ec: {  	vm0 =	vgt.u32 v1, $0xFFF;
	v12 =	vadd.s32 $0xFFFFE001, v0  }
0x2ed: {  	v0 =	vsel vm0, v12, v0  }
0x2ee: {  	[tilespmem:$0x6590] =	vst v0  }
0x2ef: {  	v0 =	vld [tilespmem:s15+$0x330];
	_ =	sdelay $0x4  }
0x2f0: {  	v13 =	vand.u32 $0x1FFF, v0  }
0x2f1: {  	v0 =	vadd.s32 v0, v13  }
0x2f2: {  	vm15 =	vgt.u32 v13, $0xFFF;
	v14 =	vadd.s32 $0xFFFFE001, v0  }
0x2f3: {  	v0 =	vsel vm15, v14, v0  }
0x2f4: {  	[tilespmem:$0x65A0] =	vst v0  }
0x2f5: {  	v0 =	vld [tilespmem:s15+$0x340];
	_ =	sdelay $0x4  }
0x2f6: {  	v15 =	vand.u32 $0x1FFF, v0  }
0x2f7: {  	v0 =	vadd.s32 v0, v15  }
0x2f8: {  	vm4 =	vgt.u32 v15, $0xFFF;
	v16 =	vadd.s32 $0xFFFFE001, v0  }
0x2f9: {  	v0 =	vsel vm4, v16, v0  }
0x2fa: {  	[tilespmem:$0x65B0] =	vst v0  }
0x2fb: {  	v0 =	vld [tilespmem:s15+$0x350];
	_ =	sdelay $0x4  }
0x2fc: {  	v17 =	vand.u32 $0x1FFF, v0  }
0x2fd: {  	v0 =	vadd.s32 v0, v17  }
0x2fe: {  	vm5 =	vgt.u32 v17, $0xFFF;
	v18 =	vadd.s32 $0xFFFFE001, v0  }
0x2ff: {  	v0 =	vsel vm5, v18, v0  }
0x300: {  	[tilespmem:$0x65C0] =	vst v0  }
0x301: {  	v0 =	vld [tilespmem:s15+$0x360];
	_ =	sdelay $0x4  }
0x302: {  	v19 =	vand.u32 $0x1FFF, v0  }
0x303: {  	v0 =	vadd.s32 v0, v19  }
0x304: {  	vm6 =	vgt.u32 v19, $0xFFF;
	v20 =	vadd.s32 $0xFFFFE001, v0  }
0x305: {  	v0 =	vsel vm6, v20, v0  }
0x306: {  	[tilespmem:$0x65D0] =	vst v0  }
0x307: {  	v0 =	vld [tilespmem:s15+$0x370];
	_ =	sdelay $0x4  }
0x308: {  	v21 =	vand.u32 $0x1FFF, v0  }
0x309: {  	v0 =	vadd.s32 v0, v21  }
0x30a: {  	vm7 =	vgt.u32 v21, $0xFFF;
	v22 =	vadd.s32 $0xFFFFE001, v0  }
0x30b: {  	v0 =	vsel vm7, v22, v0  }
0x30c: {  	[tilespmem:$0x65E0] =	vst v0  }
0x30d: {  	v0 =	vld [tilespmem:s15+$0x380];
	_ =	sdelay $0x4  }
0x30e: {  	v23 =	vand.u32 $0x1FFF, v0  }
0x30f: {  	v0 =	vadd.s32 v0, v23  }
0x310: {  	vm8 =	vgt.u32 v23, $0xFFF;
	v24 =	vadd.s32 $0xFFFFE001, v0  }
0x311: {  	v0 =	vsel vm8, v24, v0  }
0x312: {  	[tilespmem:$0x65F0] =	vst v0  }
0x313: {  	v0 =	vld [tilespmem:s15+$0x390];
	_ =	sdelay $0x4  }
0x314: {  	v25 =	vand.u32 $0x1FFF, v0  }
0x315: {  	v0 =	vadd.s32 v0, v25  }
0x316: {  	vm9 =	vgt.u32 v25, $0xFFF;
	v26 =	vadd.s32 $0xFFFFE001, v0  }
0x317: {  	v0 =	vsel vm9, v26, v0  }
0x318: {  	[tilespmem:$0x6600] =	vst v0  }
0x319: {  	v0 =	vld [tilespmem:s15+$0x3A0];
	_ =	sdelay $0x4  }
0x31a: {  	v27 =	vand.u32 $0x1FFF, v0  }
0x31b: {  	v0 =	vadd.s32 v0, v27  }
0x31c: {  	vm10 =	vgt.u32 v27, $0xFFF;
	v28 =	vadd.s32 $0xFFFFE001, v0  }
0x31d: {  	v0 =	vsel vm10, v28, v0  }
0x31e: {  	[tilespmem:$0x6610] =	vst v0  }
0x31f: {  	v0 =	vld [tilespmem:s15+$0x3B0];
	_ =	sdelay $0x4  }
0x320: {  	v29 =	vand.u32 $0x1FFF, v0  }
0x321: {  	v0 =	vadd.s32 v0, v29  }
0x322: {  	vm11 =	vgt.u32 v29, $0xFFF;
	v30 =	vadd.s32 $0xFFFFE001, v0  }
0x323: {  	v0 =	vsel vm11, v30, v0  }
0x324: {  	[tilespmem:$0x6620] =	vst v0  }
0x325: {  	v0 =	vld [tilespmem:s15+$0x3C0];
	_ =	sdelay $0x4  }
0x326: {  	v31 =	vand.u32 $0x1FFF, v0  }
0x327: {  	v0 =	vadd.s32 v0, v31  }
0x328: {  	vm12 =	vgt.u32 v31, $0xFFF;
	v32 =	vadd.s32 $0xFFFFE001, v0  }
0x329: {  	v0 =	vsel vm12, v32, v0  }
0x32a: {  	[tilespmem:$0x6630] =	vst v0  }
0x32b: {  	v0 =	vld [tilespmem:s15+$0x3D0];
	_ =	sdelay $0x4  }
0x32c: {  	v33 =	vand.u32 $0x1FFF, v0  }
0x32d: {  	v0 =	vadd.s32 v0, v33  }
0x32e: {  	vm13 =	vgt.u32 v33, $0xFFF;
	v34 =	vadd.s32 $0xFFFFE001, v0  }
0x32f: {  	v0 =	vsel vm13, v34, v0  }
0x330: {  	[tilespmem:$0x6640] =	vst v0  }
0x331: {  	v0 =	vld [tilespmem:s15+$0x3D8];
	_ =	sdelay $0x4  }
0x332: {  	v35 =	vand.u32 $0x1FFF, v0  }
0x333: {  	v0 =	vadd.s32 v0, v35  }
0x334: {  	vm14 =	vgt.u32 v35, $0xFFF;
	v36 =	vadd.s32 $0xFFFFE001, v0  }
0x335: {  	v0 =	vsel vm14, v36, v0  }
0x336: {  	s25 =	simm.s32 $0x6590;
	[tilespmem:$0x6648] =	vst v0  }
0x337: {  	[tilespmem:s16], [sflag:$0x3] =	stream.indirect.gather [hbm4b:s3+s10], $0x40, s25, s10, $0xb8;
	[tilespmem:$0x1FA40] =	vst v63  }
0x338: {  	_ =	swait.ge [sflag:s7], $0x3200  }
0x339: {  	[sflag:s7] =	ssyncset.done $0x0  }
0x33a: {  	s22 =	sadd.s32 $0x5780, s22;
	[sflag:s7] =	ssyncadd.s32 $0xFFFFCE00  }
0x33b: {  	[hbm4b:s22+s20] =	stream.strided.scatter [tilespmem:s1], [sflag:$0x10], $0x3200, s21, s20, $0x38;
	[tilespmem:$0x1FA40] =	vst v63  }
0x33c: {  	_ =	swait.ge [sflag:s5], $0x3200  }
0x33d: {  	[sflag:s5] =	ssyncset.done $0x0  }
0x33e: {  	[sflag:s5] =	ssyncadd.s32 $0xFFFFCE00  }
0x33f: {  	v37 =	vld [tilespmem:s15+$0x3E8];
	_ =	sdelay $0x4  }
0x340: {  	v38 =	vand.u32 $0x1FFF, v37  }
0x341: {  	v0 =	vadd.s32 v37, v38  }
0x342: {  	vm15 =	vgt.u32 v38, $0xFFF;
	v39 =	vadd.s32 $0xFFFFE001, v0  }
0x343: {  	v0 =	vsel vm15, v39, v0  }
0x344: {  	[tilespmem:$0x6658] =	vst v0  }
0x345: {  	v0 =	vld [tilespmem:s15+$0x3F8];
	_ =	sdelay $0x4  }
0x346: {  	v40 =	vand.u32 $0x1FFF, v0  }
0x347: {  	v0 =	vadd.s32 v0, v40  }
0x348: {  	vm4 =	vgt.u32 v40, $0xFFF;
	v41 =	vadd.s32 $0xFFFFE001, v0  }
0x349: {  	v0 =	vsel vm4, v41, v0  }
0x34a: {  	[tilespmem:$0x6668] =	vst v0  }
0x34b: {  	v0 =	vld [tilespmem:s15+$0x408];
	_ =	sdelay $0x4  }
0x34c: {  	v42 =	vand.u32 $0x1FFF, v0  }
0x34d: {  	v0 =	vadd.s32 v0, v42  }
0x34e: {  	vm5 =	vgt.u32 v42, $0xFFF;
	v43 =	vadd.s32 $0xFFFFE001, v0  }
0x34f: {  	v0 =	vsel vm5, v43, v0  }
0x350: {  	[tilespmem:$0x6678] =	vst v0  }
0x351: {  	v0 =	vld [tilespmem:s15+$0x418];
	_ =	sdelay $0x4  }
0x352: {  	v44 =	vand.u32 $0x1FFF, v0  }
0x353: {  	v0 =	vadd.s32 v0, v44  }
0x354: {  	vm6 =	vgt.u32 v44, $0xFFF;
	v45 =	vadd.s32 $0xFFFFE001, v0  }
0x355: {  	v0 =	vsel vm6, v45, v0  }
0x356: {  	[tilespmem:$0x6688] =	vst v0  }
0x357: {  	v0 =	vld [tilespmem:s15+$0x428];
	_ =	sdelay $0x4  }
0x358: {  	v46 =	vand.u32 $0x1FFF, v0  }
0x359: {  	v0 =	vadd.s32 v0, v46  }
0x35a: {  	vm7 =	vgt.u32 v46, $0xFFF;
	v47 =	vadd.s32 $0xFFFFE001, v0  }
0x35b: {  	v0 =	vsel vm7, v47, v0  }
0x35c: {  	[tilespmem:$0x6698] =	vst v0  }
0x35d: {  	v0 =	vld [tilespmem:s15+$0x438];
	_ =	sdelay $0x4  }
0x35e: {  	v48 =	vand.u32 $0x1FFF, v0  }
0x35f: {  	v0 =	vadd.s32 v0, v48  }
0x360: {  	vm8 =	vgt.u32 v48, $0xFFF;
	v49 =	vadd.s32 $0xFFFFE001, v0  }
0x361: {  	v0 =	vsel vm8, v49, v0  }
0x362: {  	[tilespmem:$0x66A8] =	vst v0  }
0x363: {  	v0 =	vld [tilespmem:s15+$0x448];
	_ =	sdelay $0x4  }
0x364: {  	v50 =	vand.u32 $0x1FFF, v0  }
0x365: {  	v0 =	vadd.s32 v0, v50  }
0x366: {  	vm9 =	vgt.u32 v50, $0xFFF;
	v51 =	vadd.s32 $0xFFFFE001, v0  }
0x367: {  	v0 =	vsel vm9, v51, v0  }
0x368: {  	[tilespmem:$0x66B8] =	vst v0  }
0x369: {  	v0 =	vld [tilespmem:s15+$0x458];
	_ =	sdelay $0x4  }
0x36a: {  	v52 =	vand.u32 $0x1FFF, v0  }
0x36b: {  	v0 =	vadd.s32 v0, v52  }
0x36c: {  	vm10 =	vgt.u32 v52, $0xFFF;
	v53 =	vadd.s32 $0xFFFFE001, v0  }
0x36d: {  	v0 =	vsel vm10, v53, v0  }
0x36e: {  	[tilespmem:$0x66C8] =	vst v0  }
0x36f: {  	v0 =	vld [tilespmem:s15+$0x468];
	_ =	sdelay $0x4  }
0x370: {  	v54 =	vand.u32 $0x1FFF, v0  }
0x371: {  	v0 =	vadd.s32 v0, v54  }
0x372: {  	vm11 =	vgt.u32 v54, $0xFFF;
	v55 =	vadd.s32 $0xFFFFE001, v0  }
0x373: {  	v0 =	vsel vm11, v55, v0  }
0x374: {  	[tilespmem:$0x66D8] =	vst v0  }
0x375: {  	v0 =	vld [tilespmem:s15+$0x478];
	_ =	sdelay $0x4  }
0x376: {  	v56 =	vand.u32 $0x1FFF, v0  }
0x377: {  	v0 =	vadd.s32 v0, v56  }
0x378: {  	vm12 =	vgt.u32 v56, $0xFFF;
	v57 =	vadd.s32 $0xFFFFE001, v0  }
0x379: {  	v0 =	vsel vm12, v57, v0  }
0x37a: {  	[tilespmem:$0x66E8] =	vst v0  }
0x37b: {  	v0 =	vld [tilespmem:s15+$0x488];
	_ =	sdelay $0x4  }
0x37c: {  	v58 =	vand.u32 $0x1FFF, v0  }
0x37d: {  	v0 =	vadd.s32 v0, v58  }
0x37e: {  	vm13 =	vgt.u32 v58, $0xFFF;
	v59 =	vadd.s32 $0xFFFFE001, v0  }
0x37f: {  	v0 =	vsel vm13, v59, v0  }
0x380: {  	[tilespmem:$0x66F8] =	vst v0  }
0x381: {  	v0 =	vld [tilespmem:s15+$0x498];
	_ =	sdelay $0x4  }
0x382: {  	v60 =	vand.u32 $0x1FFF, v0  }
0x383: {  	v0 =	vadd.s32 v0, v60  }
0x384: {  	vm14 =	vgt.u32 v60, $0xFFF;
	v61 =	vadd.s32 $0xFFFFE001, v0  }
0x385: {  	v0 =	vsel vm14, v61, v0  }
0x386: {  	[tilespmem:$0x6708] =	vst v0  }
0x387: {  	v0 =	vld [tilespmem:s15+$0x4A0];
	_ =	sdelay $0x4  }
0x388: {  	v62 =	vand.u32 $0x1FFF, v0  }
.Ltmp5:
0x389: {  	v0 =	vadd.s32 v0, v62;
	(pc) =	sbr.rel .LBB2_2-.Ltmp5, $4  }
0x38a: {  	vm15 =	vgt.u32 v62, $0xFFF;
	v63 =	vadd.s32 $0xFFFFE001, v0  }
0x38b: {  	v0 =	vsel vm15, v63, v0  }
0x38c: {  	s17 =	sadd.s32 $0x6400, s17;
	s25 =	simm.s32 $0x6658;
	s15 =	sadd.s32 $0x640, s15;
	[tilespmem:$0x6710] =	vst v0  }
0x38d: {  	[tilespmem:s18], [sflag:$0x4] =	stream.indirect.gather [hbm4b:s3+s10], $0x40, s25, s10, $0xb8;
	[tilespmem:$0x1FA40] =	vst v63  }
.LBB2_8:
0x38e: {  	_ =	sfence.sel $0x180000  }
0x38f: {  	[bflag:$0x0] =	sbarrier.arrive $0xFFFF  }
0x390: {  	_ =	strace $0x90000047  }
0x391: {  	s0 =	stileid.u32;
	[bflag:$0x2] =	sbarrier.arrive $0xFFFF  }
0x392: {  	p0 =	sne.s32 s0, $0x0;
	s0 =	rddreg [dreg:$0x2]  }
0x393: {  	s0 =	sadd.s32 @!p0 $0x100000, s0  }
0x394: {  	[sflag:s0] =	ssyncadd.tile.s32 @!p0 $0x1;
	_ =	shalt  }
.Lfunc_end2:
_tile_overlayer_lowered:
.L_overlay_start_2:
0x395: {  	(tag) =	ssettag $0x2  }
0x396: {  	s0 =	rddreg [dreg:$0x0];
	s2 =	stileid.u32  }
0x397: {  	s1 =	rddreg [dreg:$0x1];
	p0 =	sne.s32 s2, $0x0  }
0x398: {  	s3 =	rddreg [dreg:$0x2];
	[bflag:$0x3] =	sbarrier.arrive $0xFFFF;
	s2 =	simm.s32 @!p0 $0x1C11  }
0x399: {  	[timem:s3], [sflag:s2] =	dma.local @!p0 [hbm:s0], s1  }
0x39a: {  	s0 =	simm.s32 @!p0 $0x11  }
0x39b: {  	_ =	swait.ge @!p0 [sflag:s0], s1  }
0x39c: {  	s1 =	ssub.s32 @!p0 $0x0, s1;
	[sflag:s0] =	ssyncset.done @!p0 $0x0  }
0x39d: {  	[sflag:s0] =	ssyncadd.s32 @!p0 s1  }
0x39e: {  	[bflag:$0x3] =	sbarrier.arrive $0xFFFF  }
0x39f: {  	_ =	shalt  }

// kernel: sparse-core-data-format-call.cloned.1.call-start
scs
called_computation_lowered:
.L_overlay_start_0:
0x0: {  	s2 =	sld [smem:$0x3FD9]  }
0x1: {  	s3 =	sld [smem:$0x3FFE];
	_ =	sdelay $0x1  }
0x2: {  	s1 =	srdreg.scid  }
0x3: {  	s0 =	sand.u32 $0x1, s1  }
0x4: {  	s18 =	sshll.u32 s0, $0xA;
	s2 =	sadd.s32 s3, s2  }
0x5: {  	s2 =	sadd.s32 s2, s18  }
0x6: {  	[smem:$0x3FC6] =	sst s2  }
0x7: {  	_ = 	snop  }
0x8: {  	s2 =	sld [smem:$0x3FD0];
	(tm) =	ssettm $0x1  }
0x9: {  	s19 =	sld [smem:$0x3FFB];
	_ =	sdelay $0x3  }
0xa: {  	_ =	strace s19  }
0xb: {  	s3 =	sld [smem:$0x3FFC];
	_ =	sdelay $0x3  }
0xc: {  	_ =	strace s3  }
0xd: {  	s3 =	sld [smem:$0x3FFD];
	_ =	sdelay $0x3  }
0xe: {  	_ =	strace s3  }
0xf: {  	_ =	strace $0x8FFFFFFF  }
0x10: {  	s20 =	sld [smem:$0x3FDB];
	_ =	sdelay $0x1  }
0x11: {  	s4 =	simm.s32 $_scs_section_size  }
0x12: {  	s5 =	simm.s32 $_size__tile_overlayer_lowered;
	s6 =	simm.s32 $_tile_overlayer_lowered  }
0x13: {  	s23 =	simm.s32 $0x1BFF;
	s22 =	sshll.u32 s6, $0x1;
	s3 =	sadd.s32 s4, s20  }
0x14: {  	s7 =	simm.s32 $0x0;
	s21 =	sshll.u32 s5, $0x1;
	s5 =	sadd.s32 s22, s3  }
0x15: {  	[timem:s7], [sflag:s23] =	dma.local [hbm:s5], s21  }
0x16: {  	_ =	swait.ge [sflag:s23], s21  }
0x17: {  	s4 =	ssub.s32 $0x0, s21;
	[sflag:s23] =	ssyncset.done $0x0  }
0x18: {  	[sflag:s23] =	ssyncadd.s32 s4;
	_ =	sdelay $0x1  }
0x19: {  	s24 =	simm.s32 $0x1B8B  }
0x1a: {  	_ =	swait.ge [sflag:s24], $0x1  }
0x1b: {  	[sflag:s24] =	ssyncset.done $0x0  }
0x1c: {  	s26 =	simm.s32 $0x1B8E;
	s25 =	sld [smem:$0x3FFE];
	[sflag:s24] =	ssyncadd.s32 $0xFFFFFFFF  }
0x1d: {  	s27 =	simm.s32 $execute0_lowered;
	[smem:$0x3FD2] =	sst s26  }
0x1e: {  	s5 =	sshll.u32 s27, $0x1;
	_ =	strace $0x80000049;
	[dreg:$0x1] =	wrdreg $0xFFFFFFFF  }
0x1f: {  	s28 =	simm.s32 $_size_execute0_lowered;
	s3 =	sadd.s32 s3, s5;
	[dreg:$0x0] =	wrdreg $0x0  }
0x20: {  	s5 =	sshll.u32 s28, $0x1;
	[dreg:$0x2] =	wrdreg s3  }
0x21: {  	[dreg:$0x3] =	wrdreg s5  }
0x22: {  	[dreg:$0x4] =	wrdreg $0xC0  }
0x23: {  	_ =	task [dreg:s7], $0x5FFFF  }
0x24: {  	[dreg:$0x1] =	wrdreg $0xFFFFFFFF  }
0x25: {  	[dreg:$0x0] =	wrdreg $0x60  }
0x26: {  	[dreg:$0x2] =	wrdreg s25  }
0x27: {  	[dreg:$0x3] =	wrdreg s2  }
0x28: {  	[dreg:$0x4] =	wrdreg $0x9  }
0x29: {  	_ =	task.clear_ibuf [dreg:s7], $0x5FFFF;
	_ =	strace $0x90000049  }
0x2a: {  	s29 =	simm.s32 $0x9;
	_ =	strace $0x8000004B  }
0x2b: {  	_ =	swait.ge [sflag:s29], $0x1  }
0x2c: {  	[sflag:s29] =	ssyncadd.s32 $0xFFFFFFFF  }
0x2d: {  	_ =	strace $0x9000004B  }
0x2e: {  	_ =	sfence  }
0x2f: {  	s30 =	sld [smem:$0x0];
	_ =	sdelay $0x2  }
0x30: {  	s31 =	sshll.u32 s1, $0xD;
	s1 =	sshrl.u32 s1, $0x2  }
0x31: {  	s3 =	sand.u32 $0x4000, s31;
	s1 =	sadd.s32 s1, s30  }
0x32: {  	s0 =	sor.u32 s3, s0;
	s1 =	sshll.u32 s1, $0x11  }
0x33: {  	s0 =	sor.u32 s1, s0  }
0x34: {  	s0 =	sadd.s32 $0x8F2B, s0  }
0x35: {  	[sflag:s0] =	ssyncadd.remote.s32 $0x1  }
0x36: {  	_ =	sfence.sel $0xFFFF  }
0x37: {  	[dreg:$0x0] =	wrdreg $0xFFFFFFFF;
	(pc) =	sbr.abs _section_cstart, $3  }
0x38: {  	[dreg:$0x1] =	wrdreg $0xFFFFFFFF  }
0x39: {  	_ =	task.clear_ibuf [dreg:s7], $0x2FFFF;
	_ =	strace $0x9FFFFFFF  }
0x3a: {  	(tm) =	ssettm $0x7FFFFFFF  }
0x3b: {  	_ =	shalt  }
tec
execute0_lowered:
.L_overlay_start_1:
0x0: {  	(tag) =	ssettag $0x1  }
0x1: {  	s0 =	srdreg.scid  }
0x2: {  	s1 =	sshll.u32 s0, $0x4  }
0x3: {  	s0 =	stileid.u32;
	s1 =	sand.u32 $0x10, s1  }
0x4: {  	s1 =	sor.u32 s0, s1  }
0x5: {  	s6 =	rddreg [dreg:$0x0];
	s4 =	simm.s32 $0x1;
	s2 =	sshll.u32 s1, $0x7  }
0x6: {  	s7 =	simm.s32 $0x2;
	s12 =	simm.s32 $0x0;
	s1 =	ssub.s32 $0x1000, s2  }
0x7: {  	s8 =	simm.s32 $0x8000;
	s13 =	simm.s32 $0x0;
	s3 =	sand.u32 $0xF80, s1  }
0x8: {  	s9 =	simm.s32 $0x0;
	s5 =	sshrl.u32 s1, $0xC;
	p0 =	sne.s32 s3, $0x0  }
.Ltmp0:
0x9: {  	s1 =	rddreg [dreg:$0x2];
	s4 =	simm.s32 @!p0 $0x0;
	(pc) =	sbr.rel .LBB1_1-.Ltmp0, $4  }
0xa: {  	s11 =	simm.s32 $0x0;
	s3 =	rddreg [dreg:$0x1];
	s5 =	sadd.s32 s4, s5  }
0xb: {  	_ =	strace $0x8000004A;
	s4 =	simm.s32 $0x1;
	s5 =	smul.u32 $0xC8, s5  }
0xc: {  	s6 =	sadd.s32 $0x7B0800, s6;
	s10 =	smov.u32 s2;
	[sflag:s4] =	ssyncpa.u1 $0x0  }
0xd: {  	p0 =	por $0x0, $0x0;
	[sflag:s7] =	ssyncpa.u1 $0x0;
	s7 =	sor.u32 $0x1, s5  }
.LBB1_4:
0xe: {  	s16 =	sshll.u32 s13, $0x3;
	s17 =	sand.u32 $0x78, s13  }
0xf: {  	s30 =	sand.u32 $0x7E00, s13;
	s12 =	sshll.u32 s12, $0xF;
	s16 =	sand.u32 $0xC00, s16  }
0x10: {  	[tilespmem:s15+$0x810 ss:$0x81] =	vst.msk $0xffff, v2;
	s31 =	sand.u32 $0x7, s13;
	s16 =	sor.u32 s17, s16;
	s17 =	sadd.s32 s3, s30  }
0x11: {  	[tilespmem:s15+$0x1020 ss:$0x81] =	vst.msk $0xffff, v0;
	s13 =	sshll.u32 s31, $0x12;
	s12 =	sadd.s32 s12, s17;
	s16 =	sshrl.u32 s16, $0x3  }
0x12: {  	[tilespmem:s15+$0x0 ss:$0x81] =	vst.msk $0xffff, v1;
	s13 =	sor.u32 $0x400, s13;
	s12 =	sadd.s32 s16, s12  }
0x13: {  	[hbm4b:s12+s13] =	stream.strided.scatter [tilespmem:s14], [sflag:$0x2], $0x2000, s8, s13, $0x20;
	[tilespmem:$0x8080] =	vst v63  }
.LBB1_5:
0x14: {  	s14 =	sadd.s32 $0x1, s9  }
0x15: {  	s12 =	sadd.s32 $0x1000, s10;
	s16 =	smov.u32 s10;
	p2 =	sgt.s32 s14, $0xC7  }
0x16: {  	s16 =	smov.u32 @p2 s12  }
0x17: {  	s14 =	simm.s32 @p2 $0x0;
	p2 =	sgt.s32 s16, $0xFFF  }
0x18: {  	s16 =	smov.u32 @p2 s2;
	p2 =	sne.s32 s11, s7  }
.Ltmp1:
0x19: {  	p1 =	slt.u32 s11, $0x2;
	(pc) =	sbr.rel @!p2 .LBB1_6-.Ltmp1, $4  }
0x1a: {  	s15 =	simm.s32 @!p1 $0x2  }
0x1b: {  	s13 =	smov.u32 s10;
	p0 =	por !p0, !p0;
	_ =	swait.ge @!p1 [sflag:s15], $0x2000  }
0x1c: {  	s12 =	smov.u32 s9;
	[sflag:s15] =	ssyncset.done @!p1 $0x0;
	s9 =	smov.u32 s14  }
0x1d: {  	s11 =	sadd.s32 $0x1, s11;
	[sflag:s15] =	ssyncadd.s32 @!p1 $0xFFFFE000;
	s10 =	smov.u32 s16  }
.LBB1_1:
0x1e: {  	p1 =	sge.u32 s11, s5  }
0x1f: {  	s14 =	sand.u32 @!p1 $0x1FFFFFF, s9  }
0x20: {  	s15 =	smulhi.u32 @!p1 $0x147AE15, s14;
	_ =	sdelay $0x1  }
0x21: {  	s15 =	smul.u32 @!p1 $0xC8, s15  }
0x22: {  	s16 =	sxor.u32 @!p1 $0xFFFFFFFF, s11;
	s17 =	smul.u32 @!p1 $0xC80, s10  }
0x23: {  	s31 =	sadd.s32 $0xFFFFFFFF, s11;
	s16 =	sshll.u32 @!p1 s16, $0xD;
	s14 =	ssub.s32 @!p1 s14, s15  }
0x24: {  	s15 =	sand.u32 @!p1 $0x2000, s16;
	s16 =	sadd.s32 @!p1 s6, s17;
	s14 =	sshll.u32 @!p1 s14, $0x4  }
0x25: {  	s17 =	simm.s32 @!p1 $0x6400;
	s14 =	sadd.s32 @!p1 s14, s16;
	s16 =	simm.s32 @!p1 $0x40  }
0x26: {  	[tilespmem:s15], [sflag:$0x1] =	stream.strided.gather @!p1 [hbm4b:s14+s16], $0x2000, s17, s16, $0x38;
	[tilespmem:$0x8080] =	vst v63  }
0x27: {  	p1 =	sge.u32 s31, s5  }
.Ltmp2:
0x28: {  	_ = 	snop;
	(pc) =	sbr.rel @p1 .LBB1_5-.Ltmp2, $1  }
0x29: {  	_ =	sdelay $0x3  }
0x2a: {  	s14 =	simm.s32 $0x1  }
0x2b: {  	_ =	swait.ge [sflag:s4], $0x2000;
	s14 =	simm.s32 @!p0 $0x0  }
0x2c: {  	[sflag:s4] =	ssyncset.done $0x0;
	s15 =	sshll.u32 s14, $0xD  }
0x2d: {  	[sflag:s4] =	ssyncadd.s32 $0xFFFFE000;
	s18 =	sor.u32 $0x20, s15  }
0x2e: {  	s14 =	smul.u32 $0x8100, s14;
	v3 =	vld [tilespmem:s18+$0x10]  }
0x2f: {  	s30 =	sand.u32 $0x1, s11;
	v2 =	vld [tilespmem:s18+$0xFFFFFFF0]  }
0x30: {  	s15 =	smul.u32 $0x8100, s30;
	s14 =	sshrl.u32 s14, $0x2;
	v0 =	vld [tilespmem:s18+$0x0]  }
0x31: {  	v1 =	vld [tilespmem:s18+$0xFFFFFFE0];
	s16 =	sor.u32 $0x4000, s14  }
0x32: {  	s31 =	sshrl.u32 s15, $0x2;
	s15 =	sadd.s32 $0x0, s16  }
0x33: {  	s17 =	simm.s32 $0x4;
	s18 =	sadd.s32 $0x40, s18;
	s14 =	sor.u32 $0x4000, s31;
	[tilespmem:s15+$0x1830 ss:$0x81] =	vst.msk $0xffff, v3  }
.LBB1_3:
0x34: {  	v3 =	vld [tilespmem:s18+$0x10];
	p1 =	sne.s32 s17, $0x1FC;
	[tilespmem:s15+$0x810 ss:$0x81] =	vst.msk $0xffff, v2;
	s19 =	smov.u32 s17;
	s17 =	sadd.s32 $0x4, s17  }
.Ltmp3:
0x35: {  	v2 =	vld [tilespmem:s18+$0xFFFFFFF0];
	[tilespmem:s15+$0x1020 ss:$0x81] =	vst.msk $0xffff, v0;
	(pc) =	sbr.rel @p1 .LBB1_3-.Ltmp3, $4  }
0x36: {  	v0 =	vld [tilespmem:s18+$0x0];
	[tilespmem:s15+$0x0 ss:$0x81] =	vst.msk $0xffff, v1  }
0x37: {  	s15 =	sshra.s32 s19, $0x2;
	v1 =	vld [tilespmem:s18+$0xFFFFFFE0]  }
0x38: {  	s15 =	sadd.s32 s15, s16  }
0x39: {  	s18 =	sadd.s32 $0x40, s18;
	[tilespmem:s15+$0x1830 ss:$0x81] =	vst.msk $0xffff, v3  }
.Ltmp4:
0x3a: {  	_ = 	snop;
	(pc) =	sbr.rel .LBB1_4-.Ltmp4, $1  }
0x3b: {  	_ =	sdelay $0x3  }
.LBB1_6:
0x3c: {  	_ =	sfence.sel $0x180000  }
0x3d: {  	s2 =	simm.s32 $0x1;
	[bflag:$0x0] =	sbarrier.arrive $0xFFFF  }
0x3e: {  	s31 =	simm.s32 $0x2;
	[sflag:s2] =	ssyncpa.u1 $0x1  }
0x3f: {  	[sflag:s31] =	ssyncpa.u1 $0x1  }
0x40: {  	p0 =	sne.s32 s0, $0x0;
	_ =	strace $0x9000004A  }
0x41: {  	s0 =	sadd.s32 @!p0 $0x100000, s1;
	[bflag:$0x2] =	sbarrier.arrive $0xFFFF  }
0x42: {  	[sflag:s0] =	ssyncadd.tile.s32 @!p0 $0x1;
	_ =	shalt  }
.Lfunc_end1:
_tile_overlayer_lowered:
.L_overlay_start_2:
0x43: {  	(tag) =	ssettag $0x2  }
0x44: {  	s0 =	rddreg [dreg:$0x0];
	s2 =	stileid.u32  }
0x45: {  	s1 =	rddreg [dreg:$0x1];
	p0 =	sne.s32 s2, $0x0  }
0x46: {  	s3 =	rddreg [dreg:$0x2];
	[bflag:$0x3] =	sbarrier.arrive $0xFFFF;
	s2 =	simm.s32 @!p0 $0x1C01  }
0x47: {  	[timem:s3], [sflag:s2] =	dma.local @!p0 [hbm:s0], s1  }
0x48: {  	s0 =	simm.s32 @!p0 $0x1  }
0x49: {  	_ =	swait.ge @!p0 [sflag:s0], s1  }
0x4a: {  	s1 =	ssub.s32 @!p0 $0x0, s1;
	[sflag:s0] =	ssyncset.done @!p0 $0x0  }
0x4b: {  	[sflag:s0] =	ssyncadd.s32 @!p0 s1  }
0x4c: {  	[bflag:$0x3] =	sbarrier.arrive $0xFFFF  }
0x4d: {  	_ =	shalt  }

</sc_bundles>
